<compile_context>
chip_gen: v7x
topology: tpu7x:2x2x1
jax: 0.10.2.dev20260603
libtpu: 0.0.44.dev20260713+nightly
codegen_flags: <defaults>
</compile_context>

<pallas_src>
import functools
import math

import jax
import jax.numpy as jnp
import numpy as np
from jax import lax
from jax.experimental import pallas as pl
from jax.experimental.pallas import tpu as pltpu
from jax.experimental.pallas import tpu_sc as plsc

_ACTION_SIZES = (5, 2, 4, 3, 2, 9, 2, 32, 35, 7, 2, 21, 2, 3, 3)
_NSEG = len(_ACTION_SIZES)
_DISC = 132
_BB = 2048
_HALF_LOG_2PI = 0.5 * math.log(2.0 * math.pi)


def _np_constants():
    S = np.zeros((_DISC, _NSEG), dtype=np.float32)
    starts = np.cumsum([0] + list(_ACTION_SIZES))
    for s, (c0, c1) in enumerate(zip(starts[:-1], starts[1:])):
        S[c0:c1, s] = 1.0
    S16 = np.zeros((16, _DISC), dtype=np.float32)
    S16[:_NSEG, :] = S.T
    E_cont = np.zeros((155, 23), dtype=np.float32)
    for i in range(23):
        E_cont[132 + i, i] = 1.0
    E_agent = np.zeros((161, 6), dtype=np.float32)
    for i in range(6):
        E_agent[155 + i, i] = 1.0
    return S, S16, E_cont, E_agent, starts


_S_NP, _S16_NP, _ECONT_NP, _EAGENT_NP, _STARTS = _np_constants()



def _sc_argmax(action):
    B, ACT_W = action.shape
    NC, NS, L = 2, 16, 16
    NW = NC * NS
    rows_per_w = B // NW
    ntiles = rows_per_w // L

    @functools.partial(
        pl.kernel,
        out_type=jax.ShapeDtypeStruct((B, 16), jnp.float32),
        mesh=plsc.VectorSubcoreMesh(core_axis_name="c", subcore_axis_name="s"),
        scratch_types=[
            pltpu.VMEM((rows_per_w, ACT_W), jnp.float32),
            pltpu.VMEM((rows_per_w, 16), jnp.float32),
        ],
        compiler_params=pltpu.CompilerParams(use_tc_tiling_on_sc=False,
                                             needs_layout_passes=False),
    )
    def k(action_hbm, out_hbm, abuf, obuf):
        wid = lax.axis_index("s") * NC + lax.axis_index("c")
        base = wid * rows_per_w
        pltpu.sync_copy(action_hbm.at[pl.ds(base, rows_per_w)], abuf)
        lanes = lax.iota(jnp.int32, L)

        def process(rows):
            zero = jnp.zeros((L,), jnp.float32)
            for s in range(_NSEG):
                c0, c1 = int(_STARTS[s]), int(_STARTS[s + 1])
                m = plsc.load_gather(abuf, [rows, jnp.full((L,), c0, jnp.int32)])
                bi = zero + float(c0)
                for j in range(c0 + 1, c1):
                    v = plsc.load_gather(
                        abuf, [rows, jnp.full((L,), j, jnp.int32)])
                    better = v > m
                    m = jnp.where(better, v, m)
                    bi = jnp.where(better, zero + float(j), bi)
                plsc.store_scatter(obuf, [rows, jnp.full((L,), s, jnp.int32)], bi)
            plsc.store_scatter(obuf, [rows, jnp.full((L,), 15, jnp.int32)], zero)

        def tile_body(t, carry):
            process((2 * t) * L + lanes)
            process((2 * t + 1) * L + lanes)
            return carry

        lax.fori_loop(0, ntiles // 2, tile_body, 0)
        pltpu.sync_copy(obuf, out_hbm.at[pl.ds(base, rows_per_w)])

    return k(action)



def _policy_kernel(state_ref, cont_ref, aact_ref, idx_ref, w1t_ref, b1_ref,
                   wdt_ref, bd_ref, wcmt_ref, bcm_ref, wcst_ref, bcs_ref,
                   wa1t_ref, ba1_ref, wamt_ref, bam_ref, wast_ref, bas_ref,
                   s_ref, s16_ref, out_ref):
    f32 = jnp.float32
    bf16 = jnp.bfloat16
    x = state_ref[...]
    xb = x.astype(bf16)

    idxfull = jnp.dot(idx_ref[...], s16_ref[...], preferred_element_type=f32)
    iota = jax.lax.broadcasted_iota(jnp.int32, (idxfull.shape[0], _DISC), 1)
    oh = (iota == idxfull.astype(jnp.int32)).astype(f32)

    h = jnp.dot(xb, w1t_ref[...], preferred_element_type=f32) + b1_ref[...]
    h = jnp.where(h >= 0.0, h, 0.01 * h)
    hb = h.astype(bf16)

    logits = jnp.dot(hb, wdt_ref[...], preferred_element_type=f32) + bd_ref[...]
    mean = jnp.clip(jnp.dot(h, wcmt_ref[...], preferred_element_type=f32)
                    + bcm_ref[...], -1.0, 1.0)
    logstd = jnp.clip(jnp.dot(h, wcst_ref[...], preferred_element_type=f32)
                      + bcs_ref[...], 0.0, 1.0)

    continuous = cont_ref[...]

    gmax = jnp.max(logits, axis=1, keepdims=True)
    e = jnp.exp(logits - gmax)
    segsum = jnp.dot(e, s_ref[...], preferred_element_type=f32)
    lse = jnp.log(segsum) + gmax

    chosen = jnp.dot(logits * oh, s_ref[...], preferred_element_type=f32)
    seg_lp = chosen - lse

    cont_lp = (-(continuous - mean) ** 2 * (0.5 * jnp.exp(-2.0 * logstd))
               - logstd - _HALF_LOG_2PI)

    h2 = jnp.dot(xb, wa1t_ref[...], preferred_element_type=f32) + ba1_ref[...]
    h2 = jnp.where(h2 >= 0.0, h2, 0.01 * h2)
    m2 = jnp.clip(jnp.dot(h2, wamt_ref[...], preferred_element_type=f32)
                  + bam_ref[...], -1.0, 1.0)
    ls2 = jnp.clip(jnp.dot(h2, wast_ref[...], preferred_element_type=f32)
                   + bas_ref[...], 0.0, 1.0)
    aact = aact_ref[...]
    agent_lp = (-(aact - m2) ** 2 * (0.5 * jnp.exp(-2.0 * ls2))
                - ls2 - _HALF_LOG_2PI)

    out_ref[...] = jnp.concatenate([seg_lp, cont_lp, agent_lp], axis=1)


def _run_tc(state, action, idx16, W1, b1, Wd, bd, Wc, bc, Wa1, ba1, Wa2, ba2,
            interpret=False):
    B = state.shape[0]
    cont_in = action[:, 132:155]
    aact_in = state[:, 155:161]
    w1t = W1.T.astype(jnp.bfloat16)
    bd2 = bd[None, :]
    wdt = Wd.T.astype(jnp.bfloat16)
    wcmt = Wc[:23].T
    bcm = bc[None, :23]
    wcst = Wc[23:].T
    bcs = bc[None, 23:]
    wa1t = jnp.zeros((161, 128), jnp.bfloat16).at[:155, :].set(
        Wa1.T.astype(jnp.bfloat16))
    wamt = Wa2[:6].T
    bam = ba2[None, :6]
    wast = Wa2[6:].T
    bas = ba2[None, 6:]
    S = jnp.asarray(_S_NP)
    S16 = jnp.asarray(_S16_NP)

    grid = (B // _BB,)
    row = lambda i: (i, 0)
    rep = lambda i: (0, 0)
    full = lambda a: pl.BlockSpec(a.shape, rep)
    out = pl.pallas_call(
        _policy_kernel,
        grid=grid,
        in_specs=[
            pl.BlockSpec((_BB, 161), row),
            pl.BlockSpec((_BB, 23), row),
            pl.BlockSpec((_BB, 6), row),
            pl.BlockSpec((_BB, 16), row),
            full(w1t), full(b1[None, :]), full(wdt), full(bd2),
            full(wcmt), full(bcm), full(wcst), full(bcs),
            full(wa1t), full(ba1[None, :]),
            full(wamt), full(bam), full(wast), full(bas),
            full(S), full(S16),
        ],
        out_specs=pl.BlockSpec((_BB, 44), row),
        out_shape=jax.ShapeDtypeStruct((B, 44), jnp.float32),
        compiler_params=pltpu.CompilerParams(
            dimension_semantics=("parallel",)),
        interpret=interpret,
    )(state, cont_in, aact_in, idx16, w1t, b1[None, :], wdt, bd2, wcmt, bcm,
      wcst, bcs, wa1t, ba1[None, :], wamt, bam, wast, bas, S, S16)
    return out


@jax.jit
def _run(state, action, W1, b1, Wd, bd, Wc, bc, Wa1, ba1, Wa2, ba2):
    idx16 = _sc_argmax(action)
    return _run_tc(state, action, idx16, W1, b1, Wd, bd, Wc, bc,
                   Wa1, ba1, Wa2, ba2)


def kernel(state, action, W1, b1, Wd, bd, Wc, bc, Wa1, ba1, Wa2, ba2):
    return _run(state, action, W1, b1, Wd, bd, Wc, bc, Wa1, ba1, Wa2, ba2)

# --- scband reference (transcript-rebuilt; emitter-appended) ---
"""Pipeline reference for scband-policy-38886633898316 (READ-ONLY COPY).

The authoritative reference and input builder live on the scoring server;
editing this copy changes nothing except your own understanding.
"""

import jax, jax.numpy as jnp
import numpy as np

ACTION_SIZES = [5, 2, 4, 3, 2, 9, 2, 32, 35, 7, 2, 21, 2, 3, 3]


def setup_inputs(seed: int = 0) -> dict:
    key = jax.random.key(seed)
    ks = jax.random.split(key, 12)
    B = 16384
    state = jax.random.normal(ks[0], (B, 161), dtype=jnp.float32)
    action = jax.random.uniform(ks[1], (B, 155), dtype=jnp.float32)
    # EnvPolicy params: common Linear(161->256), action_disc Linear(256->132), action_continuous Linear(256->46)
    W1 = jax.random.normal(ks[2], (256, 161), dtype=jnp.float32) * 0.05
    b1 = jnp.zeros((256,), dtype=jnp.float32)
    Wd = jax.random.normal(ks[3], (132, 256), dtype=jnp.float32) * 0.05
    bd = jnp.zeros((132,), dtype=jnp.float32)
    Wc = jax.random.normal(ks[4], (46, 256), dtype=jnp.float32) * 0.05
    bc = jnp.zeros((46,), dtype=jnp.float32)
    # AgentPolicy params: common Linear(155->128), action Linear(128->12)
    Wa1 = jax.random.normal(ks[5], (128, 155), dtype=jnp.float32) * 0.05
    ba1 = jnp.zeros((128,), dtype=jnp.float32)
    Wa2 = jax.random.normal(ks[6], (12, 128), dtype=jnp.float32) * 0.05
    ba2 = jnp.zeros((12,), dtype=jnp.float32)
    return {"state": state, "action": action, "W1": W1, "b1": b1, "Wd": Wd, "bd": bd, "Wc": Wc, "bc": bc, "Wa1": Wa1, "ba1": ba1, "Wa2": Wa2, "ba2": ba2}


def reference(state, action, W1, b1, Wd, bd, Wc, bc, Wa1, ba1, Wa2, ba2):
    # EnvPolicy forward
    h = jax.nn.leaky_relu(state @ W1.T + b1, negative_slope=0.01)
    logits_disc = h @ Wd.T + bd
    cont = h @ Wc.T + bc
    mean = jnp.clip(cont[:, :23], -1.0, 1.0)
    logstd = jnp.clip(cont[:, 23:], 0.0, 1.0)
    disc = action[:, :132]
    continuous = action[:, 132:]
    # OneHotCategorical log_prob per action slice: log_softmax at argmax of value
    logps = []
    start = 0
    for sz in ACTION_SIZES:
        sl = logits_disc[:, start:start + sz]
        logp = jax.nn.log_softmax(sl, axis=1)
        idx = jnp.argmax(disc[:, start:start + sz], axis=1)
        logps.append(jnp.take_along_axis(logp, idx[:, None], axis=1))
        start += sz
    log_prob = jnp.concatenate(logps, axis=1)
    # continuous Normal log_prob with std = exp(clamped logstd)
    std = jnp.exp(logstd)
    cont_lp = -((continuous - mean) ** 2) / (2.0 * std ** 2) - jnp.log(std) - 0.5 * jnp.log(2.0 * jnp.pi)
    log_prob = jnp.concatenate([log_prob, cont_lp], axis=1)
    # AgentPolicy forward + Normal log_prob
    agent_state = state[:, :155]
    agent_action = state[:, 155:]
    h2 = jax.nn.leaky_relu(agent_state @ Wa1.T + ba1, negative_slope=0.01)
    a2 = h2 @ Wa2.T + ba2
    m2 = jnp.clip(a2[:, :6], -1.0, 1.0)
    s2 = jnp.exp(jnp.clip(a2[:, 6:], 0.0, 1.0))
    agent_lp = -((agent_action - m2) ** 2) / (2.0 * s2 ** 2) - jnp.log(s2) - 0.5 * jnp.log(2.0 * jnp.pi)
    return jnp.concatenate([log_prob, agent_lp], axis=1)

if __name__ == "__main__":
    import jax
    _d = setup_inputs()
    print(jax.jit(kernel)(*tuple(_d.values())))

</pallas_src>

<mosaic_0001>
#map = affine_map<(d0, d1) -> (0, 0)>
module attributes {stable_mosaic.version = 14 : i64} {
  func.func @k(%arg0: i32, %arg1: i32, %arg2: memref<16384x155xf32, #tpu.memory_space<hbm>>, %arg3: memref<16384x16xf32, #tpu.memory_space<hbm>>, %arg4: memref<512x155xf32, #tpu.memory_space<vmem>>, %arg5: memref<512x16xf32, #tpu.memory_space<vmem>>) attributes {dimension_semantics = [#tpu.dimension_semantics<core_parallel>, #tpu.dimension_semantics<subcore_parallel>], iteration_bounds = array<i64: 2, 16>, scalar_prefetch = 0 : i64, scratch_operands = 2 : i64, tpu.core_type = #tpu.core_type<sc_vector_subcore>, window_params = [{transform_indices = #map}, {transform_indices = #map}]} {
    %mul3A = arith.constant 2 : i32
    %mul3A_0 = arith.muli %arg1, %mul3A : i32
    %add3A = arith.addi %mul3A_0, %arg0 : i32
    %mul3A_1 = arith.constant 512 : i32
    %mul3A_2 = arith.muli %add3A, %mul3A_1 : i32
    "tpu.region"() ({
      %run_scoped3A = tpu.sem_alloc : memref<!tpu.dma_semaphore, #tpu.memory_space<semaphore_mem>>
      %dma_start3A = arith.constant 0 : i32
      %dma_start3A_8 = tpu.memref_slice %arg2[%mul3A_2, %dma_start3A] : memref<16384x155xf32, #tpu.memory_space<hbm>> -> memref<512x155xf32, #tpu.memory_space<hbm>>
      %dma_start3A_9 = arith.constant 0 : i32
      %dma_start3A_10 = tpu.memref_slice %arg2[%mul3A_2, %dma_start3A_9] : memref<16384x155xf32, #tpu.memory_space<hbm>> -> memref<512x155xf32, #tpu.memory_space<hbm>>
      tpu.enqueue_dma source(%dma_start3A_10 : memref<512x155xf32, #tpu.memory_space<hbm>>) target(%arg4 : memref<512x155xf32, #tpu.memory_space<vmem>>) target_semaphore(%run_scoped3A : memref<!tpu.dma_semaphore, #tpu.memory_space<semaphore_mem>>)
      %dma_wait3A = arith.constant 0 : i32
      %dma_wait3A_11 = tpu.memref_slice %arg2[%mul3A_2, %dma_wait3A] : memref<16384x155xf32, #tpu.memory_space<hbm>> -> memref<512x155xf32, #tpu.memory_space<hbm>>
      %dma_wait3A_12 = arith.constant 0 : i32
      %dma_wait3A_13 = tpu.memref_slice %arg2[%mul3A_2, %dma_wait3A_12] : memref<16384x155xf32, #tpu.memory_space<hbm>> -> memref<512x155xf32, #tpu.memory_space<hbm>>
      tpu.wait_dma2 semaphore(%run_scoped3A : memref<!tpu.dma_semaphore, #tpu.memory_space<semaphore_mem>>) src(%dma_wait3A_13 : memref<512x155xf32, #tpu.memory_space<hbm>>) dst(%arg4 : memref<512x155xf32, #tpu.memory_space<vmem>>)
      tpu.yield
    }) : () -> ()
    %iota3A = tpu.iota {dimensions = array<i32: 0>} : vector<16xi32>
    %scan3A = arith.constant 0 : i32
    %scan3A_3 = arith.constant 0 : i32
    %scan3A_4 = arith.constant 16 : i32
    %scan3A_5 = arith.addi %scan3A_3, %scan3A_4 : i32
    %scan3A_6 = arith.constant 1 : i32
    scf.for %scan3A_8 = %scan3A_3 to %scan3A_5 step %scan3A_6  : i32 {
      %mul3A_9 = arith.constant 2 : i32
      %mul3A_10 = arith.muli %mul3A_9, %scan3A_8 : i32
      %mul3A_11 = arith.constant 16 : i32
      %mul3A_12 = arith.muli %mul3A_10, %mul3A_11 : i32
      %add3A_13 = vector.broadcast %mul3A_12 : i32 to vector<16xi32>
      %add3A_14 = arith.addi %add3A_13, %iota3A : vector<16xi32>
      %broadcast_in_dim3A = arith.constant 0.000000e+00 : f32
      %broadcast_in_dim3A_15 = vector.broadcast %broadcast_in_dim3A : f32 to vector<16xf32>
      %broadcast_in_dim3A_16 = arith.constant 0 : i32
      %broadcast_in_dim3A_17 = vector.broadcast %broadcast_in_dim3A_16 : i32 to vector<16xi32>
      %gather3A = tpu.vector_load_idx %arg4[%add3A_14, %broadcast_in_dim3A_17] : memref<512x155xf32, #tpu.memory_space<vmem>>[vector<16xi32>, vector<16xi32>], vector<16xf32>,
      %add3A_18 = arith.constant 0.000000e+00 : f32
      %add3A_19 = vector.broadcast %add3A_18 : f32 to vector<16xf32>
      %add3A_20 = arith.addf %broadcast_in_dim3A_15, %add3A_19 : vector<16xf32>
      %broadcast_in_dim3A_21 = arith.constant 1 : i32
      %broadcast_in_dim3A_22 = vector.broadcast %broadcast_in_dim3A_21 : i32 to vector<16xi32>
      %gather3A_23 = tpu.vector_load_idx %arg4[%add3A_14, %broadcast_in_dim3A_22] : memref<512x155xf32, #tpu.memory_space<vmem>>[vector<16xi32>, vector<16xi32>], vector<16xf32>,
      %gt3A = arith.cmpf ogt, %gather3A_23, %gather3A : vector<16xf32>
      %select_n3A = arith.select %gt3A, %gather3A_23, %gather3A : vector<16xi1>, vector<16xf32>
      %add3A_24 = arith.constant 1.000000e+00 : f32
      %add3A_25 = vector.broadcast %add3A_24 : f32 to vector<16xf32>
      %add3A_26 = arith.addf %broadcast_in_dim3A_15, %add3A_25 : vector<16xf32>
      %select_n3A_27 = arith.select %gt3A, %add3A_26, %add3A_20 : vector<16xi1>, vector<16xf32>
      %broadcast_in_dim3A_28 = arith.constant 2 : i32
      %broadcast_in_dim3A_29 = vector.broadcast %broadcast_in_dim3A_28 : i32 to vector<16xi32>
      %gather3A_30 = tpu.vector_load_idx %arg4[%add3A_14, %broadcast_in_dim3A_29] : memref<512x155xf32, #tpu.memory_space<vmem>>[vector<16xi32>, vector<16xi32>], vector<16xf32>,
      %gt3A_31 = arith.cmpf ogt, %gather3A_30, %select_n3A : vector<16xf32>
      %select_n3A_32 = arith.select %gt3A_31, %gather3A_30, %select_n3A : vector<16xi1>, vector<16xf32>
      %add3A_33 = arith.constant 2.000000e+00 : f32
      %add3A_34 = vector.broadcast %add3A_33 : f32 to vector<16xf32>
      %add3A_35 = arith.addf %broadcast_in_dim3A_15, %add3A_34 : vector<16xf32>
      %select_n3A_36 = arith.select %gt3A_31, %add3A_35, %select_n3A_27 : vector<16xi1>, vector<16xf32>
      %broadcast_in_dim3A_37 = arith.constant 3 : i32
      %broadcast_in_dim3A_38 = vector.broadcast %broadcast_in_dim3A_37 : i32 to vector<16xi32>
      %gather3A_39 = tpu.vector_load_idx %arg4[%add3A_14, %broadcast_in_dim3A_38] : memref<512x155xf32, #tpu.memory_space<vmem>>[vector<16xi32>, vector<16xi32>], vector<16xf32>,
      %gt3A_40 = arith.cmpf ogt, %gather3A_39, %select_n3A_32 : vector<16xf32>
      %select_n3A_41 = arith.select %gt3A_40, %gather3A_39, %select_n3A_32 : vector<16xi1>, vector<16xf32>
      %add3A_42 = arith.constant 3.000000e+00 : f32
      %add3A_43 = vector.broadcast %add3A_42 : f32 to vector<16xf32>
      %add3A_44 = arith.addf %broadcast_in_dim3A_15, %add3A_43 : vector<16xf32>
      %select_n3A_45 = arith.select %gt3A_40, %add3A_44, %select_n3A_36 : vector<16xi1>, vector<16xf32>
      %broadcast_in_dim3A_46 = arith.constant 4 : i32
      %broadcast_in_dim3A_47 = vector.broadcast %broadcast_in_dim3A_46 : i32 to vector<16xi32>
      %gather3A_48 = tpu.vector_load_idx %arg4[%add3A_14, %broadcast_in_dim3A_47] : memref<512x155xf32, #tpu.memory_space<vmem>>[vector<16xi32>, vector<16xi32>], vector<16xf32>,
      %gt3A_49 = arith.cmpf ogt, %gather3A_48, %select_n3A_41 : vector<16xf32>
      %select_n3A_50 = arith.select %gt3A_49, %gather3A_48, %select_n3A_41 : vector<16xi1>, vector<16xf32>
      %add3A_51 = arith.constant 4.000000e+00 : f32
      %add3A_52 = vector.broadcast %add3A_51 : f32 to vector<16xf32>
      %add3A_53 = arith.addf %broadcast_in_dim3A_15, %add3A_52 : vector<16xf32>
      %select_n3A_54 = arith.select %gt3A_49, %add3A_53, %select_n3A_45 : vector<16xi1>, vector<16xf32>
      %broadcast_in_dim3A_55 = arith.constant 0 : i32
      %broadcast_in_dim3A_56 = vector.broadcast %broadcast_in_dim3A_55 : i32 to vector<16xi32>
      tpu.vector_store_idx %arg5[%add3A_14, %broadcast_in_dim3A_56], %select_n3A_54 : memref<512x16xf32, #tpu.memory_space<vmem>>[vector<16xi32>, vector<16xi32>], vector<16xf32>,
      %broadcast_in_dim3A_57 = arith.constant 5 : i32
      %broadcast_in_dim3A_58 = vector.broadcast %broadcast_in_dim3A_57 : i32 to vector<16xi32>
      %gather3A_59 = tpu.vector_load_idx %arg4[%add3A_14, %broadcast_in_dim3A_58] : memref<512x155xf32, #tpu.memory_space<vmem>>[vector<16xi32>, vector<16xi32>], vector<16xf32>,
      %add3A_60 = arith.constant 5.000000e+00 : f32
      %add3A_61 = vector.broadcast %add3A_60 : f32 to vector<16xf32>
      %add3A_62 = arith.addf %broadcast_in_dim3A_15, %add3A_61 : vector<16xf32>
      %broadcast_in_dim3A_63 = arith.constant 6 : i32
      %broadcast_in_dim3A_64 = vector.broadcast %broadcast_in_dim3A_63 : i32 to vector<16xi32>
      %gather3A_65 = tpu.vector_load_idx %arg4[%add3A_14, %broadcast_in_dim3A_64] : memref<512x155xf32, #tpu.memory_space<vmem>>[vector<16xi32>, vector<16xi32>], vector<16xf32>,
      %gt3A_66 = arith.cmpf ogt, %gather3A_65, %gather3A_59 : vector<16xf32>
      %select_n3A_67 = arith.select %gt3A_66, %gather3A_65, %gather3A_59 : vector<16xi1>, vector<16xf32>
      %add3A_68 = arith.constant 6.000000e+00 : f32
      %add3A_69 = vector.broadcast %add3A_68 : f32 to vector<16xf32>
      %add3A_70 = arith.addf %broadcast_in_dim3A_15, %add3A_69 : vector<16xf32>
      %select_n3A_71 = arith.select %gt3A_66, %add3A_70, %add3A_62 : vector<16xi1>, vector<16xf32>
      %broadcast_in_dim3A_72 = arith.constant 1 : i32
      %broadcast_in_dim3A_73 = vector.broadcast %broadcast_in_dim3A_72 : i32 to vector<16xi32>
      tpu.vector_store_idx %arg5[%add3A_14, %broadcast_in_dim3A_73], %select_n3A_71 : memref<512x16xf32, #tpu.memory_space<vmem>>[vector<16xi32>, vector<16xi32>], vector<16xf32>,
      %broadcast_in_dim3A_74 = arith.constant 7 : i32
      %broadcast_in_dim3A_75 = vector.broadcast %broadcast_in_dim3A_74 : i32 to vector<16xi32>
      %gather3A_76 = tpu.vector_load_idx %arg4[%add3A_14, %broadcast_in_dim3A_75] : memref<512x155xf32, #tpu.memory_space<vmem>>[vector<16xi32>, vector<16xi32>], vector<16xf32>,
      %add3A_77 = arith.constant 7.000000e+00 : f32
      %add3A_78 = vector.broadcast %add3A_77 : f32 to vector<16xf32>
      %add3A_79 = arith.addf %broadcast_in_dim3A_15, %add3A_78 : vector<16xf32>
      %broadcast_in_dim3A_80 = arith.constant 8 : i32
      %broadcast_in_dim3A_81 = vector.broadcast %broadcast_in_dim3A_80 : i32 to vector<16xi32>
      %gather3A_82 = tpu.vector_load_idx %arg4[%add3A_14, %broadcast_in_dim3A_81] : memref<512x155xf32, #tpu.memory_space<vmem>>[vector<16xi32>, vector<16xi32>], vector<16xf32>,
      %gt3A_83 = arith.cmpf ogt, %gather3A_82, %gather3A_76 : vector<16xf32>
      %select_n3A_84 = arith.select %gt3A_83, %gather3A_82, %gather3A_76 : vector<16xi1>, vector<16xf32>
      %add3A_85 = arith.constant 8.000000e+00 : f32
      %add3A_86 = vector.broadcast %add3A_85 : f32 to vector<16xf32>
      %add3A_87 = arith.addf %broadcast_in_dim3A_15, %add3A_86 : vector<16xf32>
      %select_n3A_88 = arith.select %gt3A_83, %add3A_87, %add3A_79 : vector<16xi1>, vector<16xf32>
      %broadcast_in_dim3A_89 = arith.constant 9 : i32
      %broadcast_in_dim3A_90 = vector.broadcast %broadcast_in_dim3A_89 : i32 to vector<16xi32>
      %gather3A_91 = tpu.vector_load_idx %arg4[%add3A_14, %broadcast_in_dim3A_90] : memref<512x155xf32, #tpu.memory_space<vmem>>[vector<16xi32>, vector<16xi32>], vector<16xf32>,
      %gt3A_92 = arith.cmpf ogt, %gather3A_91, %select_n3A_84 : vector<16xf32>
      %select_n3A_93 = arith.select %gt3A_92, %gather3A_91, %select_n3A_84 : vector<16xi1>, vector<16xf32>
      %add3A_94 = arith.constant 9.000000e+00 : f32
      %add3A_95 = vector.broadcast %add3A_94 : f32 to vector<16xf32>
      %add3A_96 = arith.addf %broadcast_in_dim3A_15, %add3A_95 : vector<16xf32>
      %select_n3A_97 = arith.select %gt3A_92, %add3A_96, %select_n3A_88 : vector<16xi1>, vector<16xf32>
      %broadcast_in_dim3A_98 = arith.constant 10 : i32
      %broadcast_in_dim3A_99 = vector.broadcast %broadcast_in_dim3A_98 : i32 to vector<16xi32>
      %gather3A_100 = tpu.vector_load_idx %arg4[%add3A_14, %broadcast_in_dim3A_99] : memref<512x155xf32, #tpu.memory_space<vmem>>[vector<16xi32>, vector<16xi32>], vector<16xf32>,
      %gt3A_101 = arith.cmpf ogt, %gather3A_100, %select_n3A_93 : vector<16xf32>
      %select_n3A_102 = arith.select %gt3A_101, %gather3A_100, %select_n3A_93 : vector<16xi1>, vector<16xf32>
      %add3A_103 = arith.constant 1.000000e+01 : f32
      %add3A_104 = vector.broadcast %add3A_103 : f32 to vector<16xf32>
      %add3A_105 = arith.addf %broadcast_in_dim3A_15, %add3A_104 : vector<16xf32>
      %select_n3A_106 = arith.select %gt3A_101, %add3A_105, %select_n3A_97 : vector<16xi1>, vector<16xf32>
      %broadcast_in_dim3A_107 = arith.constant 2 : i32
      %broadcast_in_dim3A_108 = vector.broadcast %broadcast_in_dim3A_107 : i32 to vector<16xi32>
      tpu.vector_store_idx %arg5[%add3A_14, %broadcast_in_dim3A_108], %select_n3A_106 : memref<512x16xf32, #tpu.memory_space<vmem>>[vector<16xi32>, vector<16xi32>], vector<16xf32>,
      %broadcast_in_dim3A_109 = arith.constant 11 : i32
      %broadcast_in_dim3A_110 = vector.broadcast %broadcast_in_dim3A_109 : i32 to vector<16xi32>
      %gather3A_111 = tpu.vector_load_idx %arg4[%add3A_14, %broadcast_in_dim3A_110] : memref<512x155xf32, #tpu.memory_space<vmem>>[vector<16xi32>, vector<16xi32>], vector<16xf32>,
      %add3A_112 = arith.constant 1.100000e+01 : f32
      %add3A_113 = vector.broadcast %add3A_112 : f32 to vector<16xf32>
      %add3A_114 = arith.addf %broadcast_in_dim3A_15, %add3A_113 : vector<16xf32>
      %broadcast_in_dim3A_115 = arith.constant 12 : i32
      %broadcast_in_dim3A_116 = vector.broadcast %broadcast_in_dim3A_115 : i32 to vector<16xi32>
      %gather3A_117 = tpu.vector_load_idx %arg4[%add3A_14, %broadcast_in_dim3A_116] : memref<512x155xf32, #tpu.memory_space<vmem>>[vector<16xi32>, vector<16xi32>], vector<16xf32>,
      %gt3A_118 = arith.cmpf ogt, %gather3A_117, %gather3A_111 : vector<16xf32>
      %select_n3A_119 = arith.select %gt3A_118, %gather3A_117, %gather3A_111 : vector<16xi1>, vector<16xf32>
      %add3A_120 = arith.constant 1.200000e+01 : f32
      %add3A_121 = vector.broadcast %add3A_120 : f32 to vector<16xf32>
      %add3A_122 = arith.addf %broadcast_in_dim3A_15, %add3A_121 : vector<16xf32>
      %select_n3A_123 = arith.select %gt3A_118, %add3A_122, %add3A_114 : vector<16xi1>, vector<16xf32>
      %broadcast_in_dim3A_124 = arith.constant 13 : i32
      %broadcast_in_dim3A_125 = vector.broadcast %broadcast_in_dim3A_124 : i32 to vector<16xi32>
      %gather3A_126 = tpu.vector_load_idx %arg4[%add3A_14, %broadcast_in_dim3A_125] : memref<512x155xf32, #tpu.memory_space<vmem>>[vector<16xi32>, vector<16xi32>], vector<16xf32>,
      %gt3A_127 = arith.cmpf ogt, %gather3A_126, %select_n3A_119 : vector<16xf32>
      %select_n3A_128 = arith.select %gt3A_127, %gather3A_126, %select_n3A_119 : vector<16xi1>, vector<16xf32>
      %add3A_129 = arith.constant 1.300000e+01 : f32
      %add3A_130 = vector.broadcast %add3A_129 : f32 to vector<16xf32>
      %add3A_131 = arith.addf %broadcast_in_dim3A_15, %add3A_130 : vector<16xf32>
      %select_n3A_132 = arith.select %gt3A_127, %add3A_131, %select_n3A_123 : vector<16xi1>, vector<16xf32>
      %broadcast_in_dim3A_133 = arith.constant 3 : i32
      %broadcast_in_dim3A_134 = vector.broadcast %broadcast_in_dim3A_133 : i32 to vector<16xi32>
      tpu.vector_store_idx %arg5[%add3A_14, %broadcast_in_dim3A_134], %select_n3A_132 : memref<512x16xf32, #tpu.memory_space<vmem>>[vector<16xi32>, vector<16xi32>], vector<16xf32>,
      %broadcast_in_dim3A_135 = arith.constant 14 : i32
      %broadcast_in_dim3A_136 = vector.broadcast %broadcast_in_dim3A_135 : i32 to vector<16xi32>
      %gather3A_137 = tpu.vector_load_idx %arg4[%add3A_14, %broadcast_in_dim3A_136] : memref<512x155xf32, #tpu.memory_space<vmem>>[vector<16xi32>, vector<16xi32>], vector<16xf32>,
      %add3A_138 = arith.constant 1.400000e+01 : f32
      %add3A_139 = vector.broadcast %add3A_138 : f32 to vector<16xf32>
      %add3A_140 = arith.addf %broadcast_in_dim3A_15, %add3A_139 : vector<16xf32>
      %broadcast_in_dim3A_141 = arith.constant 15 : i32
      %broadcast_in_dim3A_142 = vector.broadcast %broadcast_in_dim3A_141 : i32 to vector<16xi32>
      %gather3A_143 = tpu.vector_load_idx %arg4[%add3A_14, %broadcast_in_dim3A_142] : memref<512x155xf32, #tpu.memory_space<vmem>>[vector<16xi32>, vector<16xi32>], vector<16xf32>,
      %gt3A_144 = arith.cmpf ogt, %gather3A_143, %gather3A_137 : vector<16xf32>
      %select_n3A_145 = arith.select %gt3A_144, %gather3A_143, %gather3A_137 : vector<16xi1>, vector<16xf32>
      %add3A_146 = arith.constant 1.500000e+01 : f32
      %add3A_147 = vector.broadcast %add3A_146 : f32 to vector<16xf32>
      %add3A_148 = arith.addf %broadcast_in_dim3A_15, %add3A_147 : vector<16xf32>
      %select_n3A_149 = arith.select %gt3A_144, %add3A_148, %add3A_140 : vector<16xi1>, vector<16xf32>
      %broadcast_in_dim3A_150 = arith.constant 4 : i32
      %broadcast_in_dim3A_151 = vector.broadcast %broadcast_in_dim3A_150 : i32 to vector<16xi32>
      tpu.vector_store_idx %arg5[%add3A_14, %broadcast_in_dim3A_151], %select_n3A_149 : memref<512x16xf32, #tpu.memory_space<vmem>>[vector<16xi32>, vector<16xi32>], vector<16xf32>,
      %broadcast_in_dim3A_152 = arith.constant 16 : i32
      %broadcast_in_dim3A_153 = vector.broadcast %broadcast_in_dim3A_152 : i32 to vector<16xi32>
      %gather3A_154 = tpu.vector_load_idx %arg4[%add3A_14, %broadcast_in_dim3A_153] : memref<512x155xf32, #tpu.memory_space<vmem>>[vector<16xi32>, vector<16xi32>], vector<16xf32>,
      %add3A_155 = arith.constant 1.600000e+01 : f32
      %add3A_156 = vector.broadcast %add3A_155 : f32 to vector<16xf32>
      %add3A_157 = arith.addf %broadcast_in_dim3A_15, %add3A_156 : vector<16xf32>
      %broadcast_in_dim3A_158 = arith.constant 17 : i32
      %broadcast_in_dim3A_159 = vector.broadcast %broadcast_in_dim3A_158 : i32 to vector<16xi32>
      %gather3A_160 = tpu.vector_load_idx %arg4[%add3A_14, %broadcast_in_dim3A_159] : memref<512x155xf32, #tpu.memory_space<vmem>>[vector<16xi32>, vector<16xi32>], vector<16xf32>,
      %gt3A_161 = arith.cmpf ogt, %gather3A_160, %gather3A_154 : vector<16xf32>
      %select_n3A_162 = arith.select %gt3A_161, %gather3A_160, %gather3A_154 : vector<16xi1>, vector<16xf32>
      %add3A_163 = arith.constant 1.700000e+01 : f32
      %add3A_164 = vector.broadcast %add3A_163 : f32 to vector<16xf32>
      %add3A_165 = arith.addf %broadcast_in_dim3A_15, %add3A_164 : vector<16xf32>
      %select_n3A_166 = arith.select %gt3A_161, %add3A_165, %add3A_157 : vector<16xi1>, vector<16xf32>
      %broadcast_in_dim3A_167 = arith.constant 18 : i32
      %broadcast_in_dim3A_168 = vector.broadcast %broadcast_in_dim3A_167 : i32 to vector<16xi32>
      %gather3A_169 = tpu.vector_load_idx %arg4[%add3A_14, %broadcast_in_dim3A_168] : memref<512x155xf32, #tpu.memory_space<vmem>>[vector<16xi32>, vector<16xi32>], vector<16xf32>,
      %gt3A_170 = arith.cmpf ogt, %gather3A_169, %select_n3A_162 : vector<16xf32>
      %select_n3A_171 = arith.select %gt3A_170, %gather3A_169, %select_n3A_162 : vector<16xi1>, vector<16xf32>
      %add3A_172 = arith.constant 1.800000e+01 : f32
      %add3A_173 = vector.broadcast %add3A_172 : f32 to vector<16xf32>
      %add3A_174 = arith.addf %broadcast_in_dim3A_15, %add3A_173 : vector<16xf32>
      %select_n3A_175 = arith.select %gt3A_170, %add3A_174, %select_n3A_166 : vector<16xi1>, vector<16xf32>
      %broadcast_in_dim3A_176 = arith.constant 19 : i32
      %broadcast_in_dim3A_177 = vector.broadcast %broadcast_in_dim3A_176 : i32 to vector<16xi32>
      %gather3A_178 = tpu.vector_load_idx %arg4[%add3A_14, %broadcast_in_dim3A_177] : memref<512x155xf32, #tpu.memory_space<vmem>>[vector<16xi32>, vector<16xi32>], vector<16xf32>,
      %gt3A_179 = arith.cmpf ogt, %gather3A_178, %select_n3A_171 : vector<16xf32>
      %select_n3A_180 = arith.select %gt3A_179, %gather3A_178, %select_n3A_171 : vector<16xi1>, vector<16xf32>
      %add3A_181 = arith.constant 1.900000e+01 : f32
      %add3A_182 = vector.broadcast %add3A_181 : f32 to vector<16xf32>
      %add3A_183 = arith.addf %broadcast_in_dim3A_15, %add3A_182 : vector<16xf32>
      %select_n3A_184 = arith.select %gt3A_179, %add3A_183, %select_n3A_175 : vector<16xi1>, vector<16xf32>
      %broadcast_in_dim3A_185 = arith.constant 20 : i32
      %broadcast_in_dim3A_186 = vector.broadcast %broadcast_in_dim3A_185 : i32 to vector<16xi32>
      %gather3A_187 = tpu.vector_load_idx %arg4[%add3A_14, %broadcast_in_dim3A_186] : memref<512x155xf32, #tpu.memory_space<vmem>>[vector<16xi32>, vector<16xi32>], vector<16xf32>,
      %gt3A_188 = arith.cmpf ogt, %gather3A_187, %select_n3A_180 : vector<16xf32>
      %select_n3A_189 = arith.select %gt3A_188, %gather3A_187, %select_n3A_180 : vector<16xi1>, vector<16xf32>
      %add3A_190 = arith.constant 2.000000e+01 : f32
      %add3A_191 = vector.broadcast %add3A_190 : f32 to vector<16xf32>
      %add3A_192 = arith.addf %broadcast_in_dim3A_15, %add3A_191 : vector<16xf32>
      %select_n3A_193 = arith.select %gt3A_188, %add3A_192, %select_n3A_184 : vector<16xi1>, vector<16xf32>
      %broadcast_in_dim3A_194 = arith.constant 21 : i32
      %broadcast_in_dim3A_195 = vector.broadcast %broadcast_in_dim3A_194 : i32 to vector<16xi32>
      %gather3A_196 = tpu.vector_load_idx %arg4[%add3A_14, %broadcast_in_dim3A_195] : memref<512x155xf32, #tpu.memory_space<vmem>>[vector<16xi32>, vector<16xi32>], vector<16xf32>,
      %gt3A_197 = arith.cmpf ogt, %gather3A_196, %select_n3A_189 : vector<16xf32>
      %select_n3A_198 = arith.select %gt3A_197, %gather3A_196, %select_n3A_189 : vector<16xi1>, vector<16xf32>
      %add3A_199 = arith.constant 2.100000e+01 : f32
      %add3A_200 = vector.broadcast %add3A_199 : f32 to vector<16xf32>
      %add3A_201 = arith.addf %broadcast_in_dim3A_15, %add3A_200 : vector<16xf32>
      %select_n3A_202 = arith.select %gt3A_197, %add3A_201, %select_n3A_193 : vector<16xi1>, vector<16xf32>
      %broadcast_in_dim3A_203 = arith.constant 22 : i32
      %broadcast_in_dim3A_204 = vector.broadcast %broadcast_in_dim3A_203 : i32 to vector<16xi32>
      %gather3A_205 = tpu.vector_load_idx %arg4[%add3A_14, %broadcast_in_dim3A_204] : memref<512x155xf32, #tpu.memory_space<vmem>>[vector<16xi32>, vector<16xi32>], vector<16xf32>,
      %gt3A_206 = arith.cmpf ogt, %gather3A_205, %select_n3A_198 : vector<16xf32>
      %select_n3A_207 = arith.select %gt3A_206, %gather3A_205, %select_n3A_198 : vector<16xi1>, vector<16xf32>
      %add3A_208 = arith.constant 2.200000e+01 : f32
      %add3A_209 = vector.broadcast %add3A_208 : f32 to vector<16xf32>
      %add3A_210 = arith.addf %broadcast_in_dim3A_15, %add3A_209 : vector<16xf32>
      %select_n3A_211 = arith.select %gt3A_206, %add3A_210, %select_n3A_202 : vector<16xi1>, vector<16xf32>
      %broadcast_in_dim3A_212 = arith.constant 23 : i32
      %broadcast_in_dim3A_213 = vector.broadcast %broadcast_in_dim3A_212 : i32 to vector<16xi32>
      %gather3A_214 = tpu.vector_load_idx %arg4[%add3A_14, %broadcast_in_dim3A_213] : memref<512x155xf32, #tpu.memory_space<vmem>>[vector<16xi32>, vector<16xi32>], vector<16xf32>,
      %gt3A_215 = arith.cmpf ogt, %gather3A_214, %select_n3A_207 : vector<16xf32>
      %select_n3A_216 = arith.select %gt3A_215, %gather3A_214, %select_n3A_207 : vector<16xi1>, vector<16xf32>
      %add3A_217 = arith.constant 2.300000e+01 : f32
      %add3A_218 = vector.broadcast %add3A_217 : f32 to vector<16xf32>
      %add3A_219 = arith.addf %broadcast_in_dim3A_15, %add3A_218 : vector<16xf32>
      %select_n3A_220 = arith.select %gt3A_215, %add3A_219, %select_n3A_211 : vector<16xi1>, vector<16xf32>
      %broadcast_in_dim3A_221 = arith.constant 24 : i32
      %broadcast_in_dim3A_222 = vector.broadcast %broadcast_in_dim3A_221 : i32 to vector<16xi32>
      %gather3A_223 = tpu.vector_load_idx %arg4[%add3A_14, %broadcast_in_dim3A_222] : memref<512x155xf32, #tpu.memory_space<vmem>>[vector<16xi32>, vector<16xi32>], vector<16xf32>,
      %gt3A_224 = arith.cmpf ogt, %gather3A_223, %select_n3A_216 : vector<16xf32>
      %select_n3A_225 = arith.select %gt3A_224, %gather3A_223, %select_n3A_216 : vector<16xi1>, vector<16xf32>
      %add3A_226 = arith.constant 2.400000e+01 : f32
      %add3A_227 = vector.broadcast %add3A_226 : f32 to vector<16xf32>
      %add3A_228 = arith.addf %broadcast_in_dim3A_15, %add3A_227 : vector<16xf32>
      %select_n3A_229 = arith.select %gt3A_224, %add3A_228, %select_n3A_220 : vector<16xi1>, vector<16xf32>
      %broadcast_in_dim3A_230 = arith.constant 5 : i32
      %broadcast_in_dim3A_231 = vector.broadcast %broadcast_in_dim3A_230 : i32 to vector<16xi32>
      tpu.vector_store_idx %arg5[%add3A_14, %broadcast_in_dim3A_231], %select_n3A_229 : memref<512x16xf32, #tpu.memory_space<vmem>>[vector<16xi32>, vector<16xi32>], vector<16xf32>,
      %broadcast_in_dim3A_232 = arith.constant 25 : i32
      %broadcast_in_dim3A_233 = vector.broadcast %broadcast_in_dim3A_232 : i32 to vector<16xi32>
      %gather3A_234 = tpu.vector_load_idx %arg4[%add3A_14, %broadcast_in_dim3A_233] : memref<512x155xf32, #tpu.memory_space<vmem>>[vector<16xi32>, vector<16xi32>], vector<16xf32>,
      %add3A_235 = arith.constant 2.500000e+01 : f32
      %add3A_236 = vector.broadcast %add3A_235 : f32 to vector<16xf32>
      %add3A_237 = arith.addf %broadcast_in_dim3A_15, %add3A_236 : vector<16xf32>
      %broadcast_in_dim3A_238 = arith.constant 26 : i32
      %broadcast_in_dim3A_239 = vector.broadcast %broadcast_in_dim3A_238 : i32 to vector<16xi32>
      %gather3A_240 = tpu.vector_load_idx %arg4[%add3A_14, %broadcast_in_dim3A_239] : memref<512x155xf32, #tpu.memory_space<vmem>>[vector<16xi32>, vector<16xi32>], vector<16xf32>,
      %gt3A_241 = arith.cmpf ogt, %gather3A_240, %gather3A_234 : vector<16xf32>
      %select_n3A_242 = arith.select %gt3A_241, %gather3A_240, %gather3A_234 : vector<16xi1>, vector<16xf32>
      %add3A_243 = arith.constant 2.600000e+01 : f32
      %add3A_244 = vector.broadcast %add3A_243 : f32 to vector<16xf32>
      %add3A_245 = arith.addf %broadcast_in_dim3A_15, %add3A_244 : vector<16xf32>
      %select_n3A_246 = arith.select %gt3A_241, %add3A_245, %add3A_237 : vector<16xi1>, vector<16xf32>
      %broadcast_in_dim3A_247 = arith.constant 6 : i32
      %broadcast_in_dim3A_248 = vector.broadcast %broadcast_in_dim3A_247 : i32 to vector<16xi32>
      tpu.vector_store_idx %arg5[%add3A_14, %broadcast_in_dim3A_248], %select_n3A_246 : memref<512x16xf32, #tpu.memory_space<vmem>>[vector<16xi32>, vector<16xi32>], vector<16xf32>,
      %broadcast_in_dim3A_249 = arith.constant 27 : i32
      %broadcast_in_dim3A_250 = vector.broadcast %broadcast_in_dim3A_249 : i32 to vector<16xi32>
      %gather3A_251 = tpu.vector_load_idx %arg4[%add3A_14, %broadcast_in_dim3A_250] : memref<512x155xf32, #tpu.memory_space<vmem>>[vector<16xi32>, vector<16xi32>], vector<16xf32>,
      %add3A_252 = arith.constant 2.700000e+01 : f32
      %add3A_253 = vector.broadcast %add3A_252 : f32 to vector<16xf32>
      %add3A_254 = arith.addf %broadcast_in_dim3A_15, %add3A_253 : vector<16xf32>
      %broadcast_in_dim3A_255 = arith.constant 28 : i32
      %broadcast_in_dim3A_256 = vector.broadcast %broadcast_in_dim3A_255 : i32 to vector<16xi32>
      %gather3A_257 = tpu.vector_load_idx %arg4[%add3A_14, %broadcast_in_dim3A_256] : memref<512x155xf32, #tpu.memory_space<vmem>>[vector<16xi32>, vector<16xi32>], vector<16xf32>,
      %gt3A_258 = arith.cmpf ogt, %gather3A_257, %gather3A_251 : vector<16xf32>
      %select_n3A_259 = arith.select %gt3A_258, %gather3A_257, %gather3A_251 : vector<16xi1>, vector<16xf32>
      %add3A_260 = arith.constant 2.800000e+01 : f32
      %add3A_261 = vector.broadcast %add3A_260 : f32 to vector<16xf32>
      %add3A_262 = arith.addf %broadcast_in_dim3A_15, %add3A_261 : vector<16xf32>
      %select_n3A_263 = arith.select %gt3A_258, %add3A_262, %add3A_254 : vector<16xi1>, vector<16xf32>
      %broadcast_in_dim3A_264 = arith.constant 29 : i32
      %broadcast_in_dim3A_265 = vector.broadcast %broadcast_in_dim3A_264 : i32 to vector<16xi32>
      %gather3A_266 = tpu.vector_load_idx %arg4[%add3A_14, %broadcast_in_dim3A_265] : memref<512x155xf32, #tpu.memory_space<vmem>>[vector<16xi32>, vector<16xi32>], vector<16xf32>,
      %gt3A_267 = arith.cmpf ogt, %gather3A_266, %select_n3A_259 : vector<16xf32>
      %select_n3A_268 = arith.select %gt3A_267, %gather3A_266, %select_n3A_259 : vector<16xi1>, vector<16xf32>
      %add3A_269 = arith.constant 2.900000e+01 : f32
      %add3A_270 = vector.broadcast %add3A_269 : f32 to vector<16xf32>
      %add3A_271 = arith.addf %broadcast_in_dim3A_15, %add3A_270 : vector<16xf32>
      %select_n3A_272 = arith.select %gt3A_267, %add3A_271, %select_n3A_263 : vector<16xi1>, vector<16xf32>
      %broadcast_in_dim3A_273 = arith.constant 30 : i32
      %broadcast_in_dim3A_274 = vector.broadcast %broadcast_in_dim3A_273 : i32 to vector<16xi32>
      %gather3A_275 = tpu.vector_load_idx %arg4[%add3A_14, %broadcast_in_dim3A_274] : memref<512x155xf32, #tpu.memory_space<vmem>>[vector<16xi32>, vector<16xi32>], vector<16xf32>,
      %gt3A_276 = arith.cmpf ogt, %gather3A_275, %select_n3A_268 : vector<16xf32>
      %select_n3A_277 = arith.select %gt3A_276, %gather3A_275, %select_n3A_268 : vector<16xi1>, vector<16xf32>
      %add3A_278 = arith.constant 3.000000e+01 : f32
      %add3A_279 = vector.broadcast %add3A_278 : f32 to vector<16xf32>
      %add3A_280 = arith.addf %broadcast_in_dim3A_15, %add3A_279 : vector<16xf32>
      %select_n3A_281 = arith.select %gt3A_276, %add3A_280, %select_n3A_272 : vector<16xi1>, vector<16xf32>
      %broadcast_in_dim3A_282 = arith.constant 31 : i32
      %broadcast_in_dim3A_283 = vector.broadcast %broadcast_in_dim3A_282 : i32 to vector<16xi32>
      %gather3A_284 = tpu.vector_load_idx %arg4[%add3A_14, %broadcast_in_dim3A_283] : memref<512x155xf32, #tpu.memory_space<vmem>>[vector<16xi32>, vector<16xi32>], vector<16xf32>,
      %gt3A_285 = arith.cmpf ogt, %gather3A_284, %select_n3A_277 : vector<16xf32>
      %select_n3A_286 = arith.select %gt3A_285, %gather3A_284, %select_n3A_277 : vector<16xi1>, vector<16xf32>
      %add3A_287 = arith.constant 3.100000e+01 : f32
      %add3A_288 = vector.broadcast %add3A_287 : f32 to vector<16xf32>
      %add3A_289 = arith.addf %broadcast_in_dim3A_15, %add3A_288 : vector<16xf32>
      %select_n3A_290 = arith.select %gt3A_285, %add3A_289, %select_n3A_281 : vector<16xi1>, vector<16xf32>
      %broadcast_in_dim3A_291 = arith.constant 32 : i32
      %broadcast_in_dim3A_292 = vector.broadcast %broadcast_in_dim3A_291 : i32 to vector<16xi32>
      %gather3A_293 = tpu.vector_load_idx %arg4[%add3A_14, %broadcast_in_dim3A_292] : memref<512x155xf32, #tpu.memory_space<vmem>>[vector<16xi32>, vector<16xi32>], vector<16xf32>,
      %gt3A_294 = arith.cmpf ogt, %gather3A_293, %select_n3A_286 : vector<16xf32>
      %select_n3A_295 = arith.select %gt3A_294, %gather3A_293, %select_n3A_286 : vector<16xi1>, vector<16xf32>
      %add3A_296 = arith.constant 3.200000e+01 : f32
      %add3A_297 = vector.broadcast %add3A_296 : f32 to vector<16xf32>
      %add3A_298 = arith.addf %broadcast_in_dim3A_15, %add3A_297 : vector<16xf32>
      %select_n3A_299 = arith.select %gt3A_294, %add3A_298, %select_n3A_290 : vector<16xi1>, vector<16xf32>
      %broadcast_in_dim3A_300 = arith.constant 33 : i32
      %broadcast_in_dim3A_301 = vector.broadcast %broadcast_in_dim3A_300 : i32 to vector<16xi32>
      %gather3A_302 = tpu.vector_load_idx %arg4[%add3A_14, %broadcast_in_dim3A_301] : memref<512x155xf32, #tpu.memory_space<vmem>>[vector<16xi32>, vector<16xi32>], vector<16xf32>,
      %gt3A_303 = arith.cmpf ogt, %gather3A_302, %select_n3A_295 : vector<16xf32>
      %select_n3A_304 = arith.select %gt3A_303, %gather3A_302, %select_n3A_295 : vector<16xi1>, vector<16xf32>
      %add3A_305 = arith.constant 3.300000e+01 : f32
      %add3A_306 = vector.broadcast %add3A_305 : f32 to vector<16xf32>
      %add3A_307 = arith.addf %broadcast_in_dim3A_15, %add3A_306 : vector<16xf32>
      %select_n3A_308 = arith.select %gt3A_303, %add3A_307, %select_n3A_299 : vector<16xi1>, vector<16xf32>
      %broadcast_in_dim3A_309 = arith.constant 34 : i32
      %broadcast_in_dim3A_310 = vector.broadcast %broadcast_in_dim3A_309 : i32 to vector<16xi32>
      %gather3A_311 = tpu.vector_load_idx %arg4[%add3A_14, %broadcast_in_dim3A_310] : memref<512x155xf32, #tpu.memory_space<vmem>>[vector<16xi32>, vector<16xi32>], vector<16xf32>,
      %gt3A_312 = arith.cmpf ogt, %gather3A_311, %select_n3A_304 : vector<16xf32>
      %select_n3A_313 = arith.select %gt3A_312, %gather3A_311, %select_n3A_304 : vector<16xi1>, vector<16xf32>
      %add3A_314 = arith.constant 3.400000e+01 : f32
      %add3A_315 = vector.broadcast %add3A_314 : f32 to vector<16xf32>
      %add3A_316 = arith.addf %broadcast_in_dim3A_15, %add3A_315 : vector<16xf32>
      %select_n3A_317 = arith.select %gt3A_312, %add3A_316, %select_n3A_308 : vector<16xi1>, vector<16xf32>
      %broadcast_in_dim3A_318 = arith.constant 35 : i32
      %broadcast_in_dim3A_319 = vector.broadcast %broadcast_in_dim3A_318 : i32 to vector<16xi32>
      %gather3A_320 = tpu.vector_load_idx %arg4[%add3A_14, %broadcast_in_dim3A_319] : memref<512x155xf32, #tpu.memory_space<vmem>>[vector<16xi32>, vector<16xi32>], vector<16xf32>,
      %gt3A_321 = arith.cmpf ogt, %gather3A_320, %select_n3A_313 : vector<16xf32>
      %select_n3A_322 = arith.select %gt3A_321, %gather3A_320, %select_n3A_313 : vector<16xi1>, vector<16xf32>
      %add3A_323 = arith.constant 3.500000e+01 : f32
      %add3A_324 = vector.broadcast %add3A_323 : f32 to vector<16xf32>
      %add3A_325 = arith.addf %broadcast_in_dim3A_15, %add3A_324 : vector<16xf32>
      %select_n3A_326 = arith.select %gt3A_321, %add3A_325, %select_n3A_317 : vector<16xi1>, vector<16xf32>
      %broadcast_in_dim3A_327 = arith.constant 36 : i32
      %broadcast_in_dim3A_328 = vector.broadcast %broadcast_in_dim3A_327 : i32 to vector<16xi32>
      %gather3A_329 = tpu.vector_load_idx %arg4[%add3A_14, %broadcast_in_dim3A_328] : memref<512x155xf32, #tpu.memory_space<vmem>>[vector<16xi32>, vector<16xi32>], vector<16xf32>,
      %gt3A_330 = arith.cmpf ogt, %gather3A_329, %select_n3A_322 : vector<16xf32>
      %select_n3A_331 = arith.select %gt3A_330, %gather3A_329, %select_n3A_322 : vector<16xi1>, vector<16xf32>
      %add3A_332 = arith.constant 3.600000e+01 : f32
      %add3A_333 = vector.broadcast %add3A_332 : f32 to vector<16xf32>
      %add3A_334 = arith.addf %broadcast_in_dim3A_15, %add3A_333 : vector<16xf32>
      %select_n3A_335 = arith.select %gt3A_330, %add3A_334, %select_n3A_326 : vector<16xi1>, vector<16xf32>
      %broadcast_in_dim3A_336 = arith.constant 37 : i32
      %broadcast_in_dim3A_337 = vector.broadcast %broadcast_in_dim3A_336 : i32 to vector<16xi32>
      %gather3A_338 = tpu.vector_load_idx %arg4[%add3A_14, %broadcast_in_dim3A_337] : memref<512x155xf32, #tpu.memory_space<vmem>>[vector<16xi32>, vector<16xi32>], vector<16xf32>,
      %gt3A_339 = arith.cmpf ogt, %gather3A_338, %select_n3A_331 : vector<16xf32>
      %select_n3A_340 = arith.select %gt3A_339, %gather3A_338, %select_n3A_331 : vector<16xi1>, vector<16xf32>
      %add3A_341 = arith.constant 3.700000e+01 : f32
      %add3A_342 = vector.broadcast %add3A_341 : f32 to vector<16xf32>
      %add3A_343 = arith.addf %broadcast_in_dim3A_15, %add3A_342 : vector<16xf32>
      %select_n3A_344 = arith.select %gt3A_339, %add3A_343, %select_n3A_335 : vector<16xi1>, vector<16xf32>
      %broadcast_in_dim3A_345 = arith.constant 38 : i32
      %broadcast_in_dim3A_346 = vector.broadcast %broadcast_in_dim3A_345 : i32 to vector<16xi32>
      %gather3A_347 = tpu.vector_load_idx %arg4[%add3A_14, %broadcast_in_dim3A_346] : memref<512x155xf32, #tpu.memory_space<vmem>>[vector<16xi32>, vector<16xi32>], vector<16xf32>,
      %gt3A_348 = arith.cmpf ogt, %gather3A_347, %select_n3A_340 : vector<16xf32>
      %select_n3A_349 = arith.select %gt3A_348, %gather3A_347, %select_n3A_340 : vector<16xi1>, vector<16xf32>
      %add3A_350 = arith.constant 3.800000e+01 : f32
      %add3A_351 = vector.broadcast %add3A_350 : f32 to vector<16xf32>
      %add3A_352 = arith.addf %broadcast_in_dim3A_15, %add3A_351 : vector<16xf32>
      %select_n3A_353 = arith.select %gt3A_348, %add3A_352, %select_n3A_344 : vector<16xi1>, vector<16xf32>
      %broadcast_in_dim3A_354 = arith.constant 39 : i32
      %broadcast_in_dim3A_355 = vector.broadcast %broadcast_in_dim3A_354 : i32 to vector<16xi32>
      %gather3A_356 = tpu.vector_load_idx %arg4[%add3A_14, %broadcast_in_dim3A_355] : memref<512x155xf32, #tpu.memory_space<vmem>>[vector<16xi32>, vector<16xi32>], vector<16xf32>,
      %gt3A_357 = arith.cmpf ogt, %gather3A_356, %select_n3A_349 : vector<16xf32>
      %select_n3A_358 = arith.select %gt3A_357, %gather3A_356, %select_n3A_349 : vector<16xi1>, vector<16xf32>
      %add3A_359 = arith.constant 3.900000e+01 : f32
      %add3A_360 = vector.broadcast %add3A_359 : f32 to vector<16xf32>
      %add3A_361 = arith.addf %broadcast_in_dim3A_15, %add3A_360 : vector<16xf32>
      %select_n3A_362 = arith.select %gt3A_357, %add3A_361, %select_n3A_353 : vector<16xi1>, vector<16xf32>
      %broadcast_in_dim3A_363 = arith.constant 40 : i32
      %broadcast_in_dim3A_364 = vector.broadcast %broadcast_in_dim3A_363 : i32 to vector<16xi32>
      %gather3A_365 = tpu.vector_load_idx %arg4[%add3A_14, %broadcast_in_dim3A_364] : memref<512x155xf32, #tpu.memory_space<vmem>>[vector<16xi32>, vector<16xi32>], vector<16xf32>,
      %gt3A_366 = arith.cmpf ogt, %gather3A_365, %select_n3A_358 : vector<16xf32>
      %select_n3A_367 = arith.select %gt3A_366, %gather3A_365, %select_n3A_358 : vector<16xi1>, vector<16xf32>
      %add3A_368 = arith.constant 4.000000e+01 : f32
      %add3A_369 = vector.broadcast %add3A_368 : f32 to vector<16xf32>
      %add3A_370 = arith.addf %broadcast_in_dim3A_15, %add3A_369 : vector<16xf32>
      %select_n3A_371 = arith.select %gt3A_366, %add3A_370, %select_n3A_362 : vector<16xi1>, vector<16xf32>
      %broadcast_in_dim3A_372 = arith.constant 41 : i32
      %broadcast_in_dim3A_373 = vector.broadcast %broadcast_in_dim3A_372 : i32 to vector<16xi32>
      %gather3A_374 = tpu.vector_load_idx %arg4[%add3A_14, %broadcast_in_dim3A_373] : memref<512x155xf32, #tpu.memory_space<vmem>>[vector<16xi32>, vector<16xi32>], vector<16xf32>,
      %gt3A_375 = arith.cmpf ogt, %gather3A_374, %select_n3A_367 : vector<16xf32>
      %select_n3A_376 = arith.select %gt3A_375, %gather3A_374, %select_n3A_367 : vector<16xi1>, vector<16xf32>
      %add3A_377 = arith.constant 4.100000e+01 : f32
      %add3A_378 = vector.broadcast %add3A_377 : f32 to vector<16xf32>
      %add3A_379 = arith.addf %broadcast_in_dim3A_15, %add3A_378 : vector<16xf32>
      %select_n3A_380 = arith.select %gt3A_375, %add3A_379, %select_n3A_371 : vector<16xi1>, vector<16xf32>
      %broadcast_in_dim3A_381 = arith.constant 42 : i32
      %broadcast_in_dim3A_382 = vector.broadcast %broadcast_in_dim3A_381 : i32 to vector<16xi32>
      %gather3A_383 = tpu.vector_load_idx %arg4[%add3A_14, %broadcast_in_dim3A_382] : memref<512x155xf32, #tpu.memory_space<vmem>>[vector<16xi32>, vector<16xi32>], vector<16xf32>,
      %gt3A_384 = arith.cmpf ogt, %gather3A_383, %select_n3A_376 : vector<16xf32>
      %select_n3A_385 = arith.select %gt3A_384, %gather3A_383, %select_n3A_376 : vector<16xi1>, vector<16xf32>
      %add3A_386 = arith.constant 4.200000e+01 : f32
      %add3A_387 = vector.broadcast %add3A_386 : f32 to vector<16xf32>
      %add3A_388 = arith.addf %broadcast_in_dim3A_15, %add3A_387 : vector<16xf32>
      %select_n3A_389 = arith.select %gt3A_384, %add3A_388, %select_n3A_380 : vector<16xi1>, vector<16xf32>
      %broadcast_in_dim3A_390 = arith.constant 43 : i32
      %broadcast_in_dim3A_391 = vector.broadcast %broadcast_in_dim3A_390 : i32 to vector<16xi32>
      %gather3A_392 = tpu.vector_load_idx %arg4[%add3A_14, %broadcast_in_dim3A_391] : memref<512x155xf32, #tpu.memory_space<vmem>>[vector<16xi32>, vector<16xi32>], vector<16xf32>,
      %gt3A_393 = arith.cmpf ogt, %gather3A_392, %select_n3A_385 : vector<16xf32>
      %select_n3A_394 = arith.select %gt3A_393, %gather3A_392, %select_n3A_385 : vector<16xi1>, vector<16xf32>
      %add3A_395 = arith.constant 4.300000e+01 : f32
      %add3A_396 = vector.broadcast %add3A_395 : f32 to vector<16xf32>
      %add3A_397 = arith.addf %broadcast_in_dim3A_15, %add3A_396 : vector<16xf32>
      %select_n3A_398 = arith.select %gt3A_393, %add3A_397, %select_n3A_389 : vector<16xi1>, vector<16xf32>
      %broadcast_in_dim3A_399 = arith.constant 44 : i32
      %broadcast_in_dim3A_400 = vector.broadcast %broadcast_in_dim3A_399 : i32 to vector<16xi32>
      %gather3A_401 = tpu.vector_load_idx %arg4[%add3A_14, %broadcast_in_dim3A_400] : memref<512x155xf32, #tpu.memory_space<vmem>>[vector<16xi32>, vector<16xi32>], vector<16xf32>,
      %gt3A_402 = arith.cmpf ogt, %gather3A_401, %select_n3A_394 : vector<16xf32>
      %select_n3A_403 = arith.select %gt3A_402, %gather3A_401, %select_n3A_394 : vector<16xi1>, vector<16xf32>
      %add3A_404 = arith.constant 4.400000e+01 : f32
      %add3A_405 = vector.broadcast %add3A_404 : f32 to vector<16xf32>
      %add3A_406 = arith.addf %broadcast_in_dim3A_15, %add3A_405 : vector<16xf32>
      %select_n3A_407 = arith.select %gt3A_402, %add3A_406, %select_n3A_398 : vector<16xi1>, vector<16xf32>
      %broadcast_in_dim3A_408 = arith.constant 45 : i32
      %broadcast_in_dim3A_409 = vector.broadcast %broadcast_in_dim3A_408 : i32 to vector<16xi32>
      %gather3A_410 = tpu.vector_load_idx %arg4[%add3A_14, %broadcast_in_dim3A_409] : memref<512x155xf32, #tpu.memory_space<vmem>>[vector<16xi32>, vector<16xi32>], vector<16xf32>,
      %gt3A_411 = arith.cmpf ogt, %gather3A_410, %select_n3A_403 : vector<16xf32>
      %select_n3A_412 = arith.select %gt3A_411, %gather3A_410, %select_n3A_403 : vector<16xi1>, vector<16xf32>
      %add3A_413 = arith.constant 4.500000e+01 : f32
      %add3A_414 = vector.broadcast %add3A_413 : f32 to vector<16xf32>
      %add3A_415 = arith.addf %broadcast_in_dim3A_15, %add3A_414 : vector<16xf32>
      %select_n3A_416 = arith.select %gt3A_411, %add3A_415, %select_n3A_407 : vector<16xi1>, vector<16xf32>
      %broadcast_in_dim3A_417 = arith.constant 46 : i32
      %broadcast_in_dim3A_418 = vector.broadcast %broadcast_in_dim3A_417 : i32 to vector<16xi32>
      %gather3A_419 = tpu.vector_load_idx %arg4[%add3A_14, %broadcast_in_dim3A_418] : memref<512x155xf32, #tpu.memory_space<vmem>>[vector<16xi32>, vector<16xi32>], vector<16xf32>,
      %gt3A_420 = arith.cmpf ogt, %gather3A_419, %select_n3A_412 : vector<16xf32>
      %select_n3A_421 = arith.select %gt3A_420, %gather3A_419, %select_n3A_412 : vector<16xi1>, vector<16xf32>
      %add3A_422 = arith.constant 4.600000e+01 : f32
      %add3A_423 = vector.broadcast %add3A_422 : f32 to vector<16xf32>
      %add3A_424 = arith.addf %broadcast_in_dim3A_15, %add3A_423 : vector<16xf32>
      %select_n3A_425 = arith.select %gt3A_420, %add3A_424, %select_n3A_416 : vector<16xi1>, vector<16xf32>
      %broadcast_in_dim3A_426 = arith.constant 47 : i32
      %broadcast_in_dim3A_427 = vector.broadcast %broadcast_in_dim3A_426 : i32 to vector<16xi32>
      %gather3A_428 = tpu.vector_load_idx %arg4[%add3A_14, %broadcast_in_dim3A_427] : memref<512x155xf32, #tpu.memory_space<vmem>>[vector<16xi32>, vector<16xi32>], vector<16xf32>,
      %gt3A_429 = arith.cmpf ogt, %gather3A_428, %select_n3A_421 : vector<16xf32>
      %select_n3A_430 = arith.select %gt3A_429, %gather3A_428, %select_n3A_421 : vector<16xi1>, vector<16xf32>
      %add3A_431 = arith.constant 4.700000e+01 : f32
      %add3A_432 = vector.broadcast %add3A_431 : f32 to vector<16xf32>
      %add3A_433 = arith.addf %broadcast_in_dim3A_15, %add3A_432 : vector<16xf32>
      %select_n3A_434 = arith.select %gt3A_429, %add3A_433, %select_n3A_425 : vector<16xi1>, vector<16xf32>
      %broadcast_in_dim3A_435 = arith.constant 48 : i32
      %broadcast_in_dim3A_436 = vector.broadcast %broadcast_in_dim3A_435 : i32 to vector<16xi32>
      %gather3A_437 = tpu.vector_load_idx %arg4[%add3A_14, %broadcast_in_dim3A_436] : memref<512x155xf32, #tpu.memory_space<vmem>>[vector<16xi32>, vector<16xi32>], vector<16xf32>,
      %gt3A_438 = arith.cmpf ogt, %gather3A_437, %select_n3A_430 : vector<16xf32>
      %select_n3A_439 = arith.select %gt3A_438, %gather3A_437, %select_n3A_430 : vector<16xi1>, vector<16xf32>
      %add3A_440 = arith.constant 4.800000e+01 : f32
      %add3A_441 = vector.broadcast %add3A_440 : f32 to vector<16xf32>
      %add3A_442 = arith.addf %broadcast_in_dim3A_15, %add3A_441 : vector<16xf32>
      %select_n3A_443 = arith.select %gt3A_438, %add3A_442, %select_n3A_434 : vector<16xi1>, vector<16xf32>
      %broadcast_in_dim3A_444 = arith.constant 49 : i32
      %broadcast_in_dim3A_445 = vector.broadcast %broadcast_in_dim3A_444 : i32 to vector<16xi32>
      %gather3A_446 = tpu.vector_load_idx %arg4[%add3A_14, %broadcast_in_dim3A_445] : memref<512x155xf32, #tpu.memory_space<vmem>>[vector<16xi32>, vector<16xi32>], vector<16xf32>,
      %gt3A_447 = arith.cmpf ogt, %gather3A_446, %select_n3A_439 : vector<16xf32>
      %select_n3A_448 = arith.select %gt3A_447, %gather3A_446, %select_n3A_439 : vector<16xi1>, vector<16xf32>
      %add3A_449 = arith.constant 4.900000e+01 : f32
      %add3A_450 = vector.broadcast %add3A_449 : f32 to vector<16xf32>
      %add3A_451 = arith.addf %broadcast_in_dim3A_15, %add3A_450 : vector<16xf32>
      %select_n3A_452 = arith.select %gt3A_447, %add3A_451, %select_n3A_443 : vector<16xi1>, vector<16xf32>
      %broadcast_in_dim3A_453 = arith.constant 50 : i32
      %broadcast_in_dim3A_454 = vector.broadcast %broadcast_in_dim3A_453 : i32 to vector<16xi32>
      %gather3A_455 = tpu.vector_load_idx %arg4[%add3A_14, %broadcast_in_dim3A_454] : memref<512x155xf32, #tpu.memory_space<vmem>>[vector<16xi32>, vector<16xi32>], vector<16xf32>,
      %gt3A_456 = arith.cmpf ogt, %gather3A_455, %select_n3A_448 : vector<16xf32>
      %select_n3A_457 = arith.select %gt3A_456, %gather3A_455, %select_n3A_448 : vector<16xi1>, vector<16xf32>
      %add3A_458 = arith.constant 5.000000e+01 : f32
      %add3A_459 = vector.broadcast %add3A_458 : f32 to vector<16xf32>
      %add3A_460 = arith.addf %broadcast_in_dim3A_15, %add3A_459 : vector<16xf32>
      %select_n3A_461 = arith.select %gt3A_456, %add3A_460, %select_n3A_452 : vector<16xi1>, vector<16xf32>
      %broadcast_in_dim3A_462 = arith.constant 51 : i32
      %broadcast_in_dim3A_463 = vector.broadcast %broadcast_in_dim3A_462 : i32 to vector<16xi32>
      %gather3A_464 = tpu.vector_load_idx %arg4[%add3A_14, %broadcast_in_dim3A_463] : memref<512x155xf32, #tpu.memory_space<vmem>>[vector<16xi32>, vector<16xi32>], vector<16xf32>,
      %gt3A_465 = arith.cmpf ogt, %gather3A_464, %select_n3A_457 : vector<16xf32>
      %select_n3A_466 = arith.select %gt3A_465, %gather3A_464, %select_n3A_457 : vector<16xi1>, vector<16xf32>
      %add3A_467 = arith.constant 5.100000e+01 : f32
      %add3A_468 = vector.broadcast %add3A_467 : f32 to vector<16xf32>
      %add3A_469 = arith.addf %broadcast_in_dim3A_15, %add3A_468 : vector<16xf32>
      %select_n3A_470 = arith.select %gt3A_465, %add3A_469, %select_n3A_461 : vector<16xi1>, vector<16xf32>
      %broadcast_in_dim3A_471 = arith.constant 52 : i32
      %broadcast_in_dim3A_472 = vector.broadcast %broadcast_in_dim3A_471 : i32 to vector<16xi32>
      %gather3A_473 = tpu.vector_load_idx %arg4[%add3A_14, %broadcast_in_dim3A_472] : memref<512x155xf32, #tpu.memory_space<vmem>>[vector<16xi32>, vector<16xi32>], vector<16xf32>,
      %gt3A_474 = arith.cmpf ogt, %gather3A_473, %select_n3A_466 : vector<16xf32>
      %select_n3A_475 = arith.select %gt3A_474, %gather3A_473, %select_n3A_466 : vector<16xi1>, vector<16xf32>
      %add3A_476 = arith.constant 5.200000e+01 : f32
      %add3A_477 = vector.broadcast %add3A_476 : f32 to vector<16xf32>
      %add3A_478 = arith.addf %broadcast_in_dim3A_15, %add3A_477 : vector<16xf32>
      %select_n3A_479 = arith.select %gt3A_474, %add3A_478, %select_n3A_470 : vector<16xi1>, vector<16xf32>
      %broadcast_in_dim3A_480 = arith.constant 53 : i32
      %broadcast_in_dim3A_481 = vector.broadcast %broadcast_in_dim3A_480 : i32 to vector<16xi32>
      %gather3A_482 = tpu.vector_load_idx %arg4[%add3A_14, %broadcast_in_dim3A_481] : memref<512x155xf32, #tpu.memory_space<vmem>>[vector<16xi32>, vector<16xi32>], vector<16xf32>,
      %gt3A_483 = arith.cmpf ogt, %gather3A_482, %select_n3A_475 : vector<16xf32>
      %select_n3A_484 = arith.select %gt3A_483, %gather3A_482, %select_n3A_475 : vector<16xi1>, vector<16xf32>
      %add3A_485 = arith.constant 5.300000e+01 : f32
      %add3A_486 = vector.broadcast %add3A_485 : f32 to vector<16xf32>
      %add3A_487 = arith.addf %broadcast_in_dim3A_15, %add3A_486 : vector<16xf32>
      %select_n3A_488 = arith.select %gt3A_483, %add3A_487, %select_n3A_479 : vector<16xi1>, vector<16xf32>
      %broadcast_in_dim3A_489 = arith.constant 54 : i32
      %broadcast_in_dim3A_490 = vector.broadcast %broadcast_in_dim3A_489 : i32 to vector<16xi32>
      %gather3A_491 = tpu.vector_load_idx %arg4[%add3A_14, %broadcast_in_dim3A_490] : memref<512x155xf32, #tpu.memory_space<vmem>>[vector<16xi32>, vector<16xi32>], vector<16xf32>,
      %gt3A_492 = arith.cmpf ogt, %gather3A_491, %select_n3A_484 : vector<16xf32>
      %select_n3A_493 = arith.select %gt3A_492, %gather3A_491, %select_n3A_484 : vector<16xi1>, vector<16xf32>
      %add3A_494 = arith.constant 5.400000e+01 : f32
      %add3A_495 = vector.broadcast %add3A_494 : f32 to vector<16xf32>
      %add3A_496 = arith.addf %broadcast_in_dim3A_15, %add3A_495 : vector<16xf32>
      %select_n3A_497 = arith.select %gt3A_492, %add3A_496, %select_n3A_488 : vector<16xi1>, vector<16xf32>
      %broadcast_in_dim3A_498 = arith.constant 55 : i32
      %broadcast_in_dim3A_499 = vector.broadcast %broadcast_in_dim3A_498 : i32 to vector<16xi32>
      %gather3A_500 = tpu.vector_load_idx %arg4[%add3A_14, %broadcast_in_dim3A_499] : memref<512x155xf32, #tpu.memory_space<vmem>>[vector<16xi32>, vector<16xi32>], vector<16xf32>,
      %gt3A_501 = arith.cmpf ogt, %gather3A_500, %select_n3A_493 : vector<16xf32>
      %select_n3A_502 = arith.select %gt3A_501, %gather3A_500, %select_n3A_493 : vector<16xi1>, vector<16xf32>
      %add3A_503 = arith.constant 5.500000e+01 : f32
      %add3A_504 = vector.broadcast %add3A_503 : f32 to vector<16xf32>
      %add3A_505 = arith.addf %broadcast_in_dim3A_15, %add3A_504 : vector<16xf32>
      %select_n3A_506 = arith.select %gt3A_501, %add3A_505, %select_n3A_497 : vector<16xi1>, vector<16xf32>
      %broadcast_in_dim3A_507 = arith.constant 56 : i32
      %broadcast_in_dim3A_508 = vector.broadcast %broadcast_in_dim3A_507 : i32 to vector<16xi32>
      %gather3A_509 = tpu.vector_load_idx %arg4[%add3A_14, %broadcast_in_dim3A_508] : memref<512x155xf32, #tpu.memory_space<vmem>>[vector<16xi32>, vector<16xi32>], vector<16xf32>,
      %gt3A_510 = arith.cmpf ogt, %gather3A_509, %select_n3A_502 : vector<16xf32>
      %select_n3A_511 = arith.select %gt3A_510, %gather3A_509, %select_n3A_502 : vector<16xi1>, vector<16xf32>
      %add3A_512 = arith.constant 5.600000e+01 : f32
      %add3A_513 = vector.broadcast %add3A_512 : f32 to vector<16xf32>
      %add3A_514 = arith.addf %broadcast_in_dim3A_15, %add3A_513 : vector<16xf32>
      %select_n3A_515 = arith.select %gt3A_510, %add3A_514, %select_n3A_506 : vector<16xi1>, vector<16xf32>
      %broadcast_in_dim3A_516 = arith.constant 57 : i32
      %broadcast_in_dim3A_517 = vector.broadcast %broadcast_in_dim3A_516 : i32 to vector<16xi32>
      %gather3A_518 = tpu.vector_load_idx %arg4[%add3A_14, %broadcast_in_dim3A_517] : memref<512x155xf32, #tpu.memory_space<vmem>>[vector<16xi32>, vector<16xi32>], vector<16xf32>,
      %gt3A_519 = arith.cmpf ogt, %gather3A_518, %select_n3A_511 : vector<16xf32>
      %select_n3A_520 = arith.select %gt3A_519, %gather3A_518, %select_n3A_511 : vector<16xi1>, vector<16xf32>
      %add3A_521 = arith.constant 5.700000e+01 : f32
      %add3A_522 = vector.broadcast %add3A_521 : f32 to vector<16xf32>
      %add3A_523 = arith.addf %broadcast_in_dim3A_15, %add3A_522 : vector<16xf32>
      %select_n3A_524 = arith.select %gt3A_519, %add3A_523, %select_n3A_515 : vector<16xi1>, vector<16xf32>
      %broadcast_in_dim3A_525 = arith.constant 58 : i32
      %broadcast_in_dim3A_526 = vector.broadcast %broadcast_in_dim3A_525 : i32 to vector<16xi32>
      %gather3A_527 = tpu.vector_load_idx %arg4[%add3A_14, %broadcast_in_dim3A_526] : memref<512x155xf32, #tpu.memory_space<vmem>>[vector<16xi32>, vector<16xi32>], vector<16xf32>,
      %gt3A_528 = arith.cmpf ogt, %gather3A_527, %select_n3A_520 : vector<16xf32>
      %select_n3A_529 = arith.select %gt3A_528, %gather3A_527, %select_n3A_520 : vector<16xi1>, vector<16xf32>
      %add3A_530 = arith.constant 5.800000e+01 : f32
      %add3A_531 = vector.broadcast %add3A_530 : f32 to vector<16xf32>
      %add3A_532 = arith.addf %broadcast_in_dim3A_15, %add3A_531 : vector<16xf32>
      %select_n3A_533 = arith.select %gt3A_528, %add3A_532, %select_n3A_524 : vector<16xi1>, vector<16xf32>
      %broadcast_in_dim3A_534 = arith.constant 7 : i32
      %broadcast_in_dim3A_535 = vector.broadcast %broadcast_in_dim3A_534 : i32 to vector<16xi32>
      tpu.vector_store_idx %arg5[%add3A_14, %broadcast_in_dim3A_535], %select_n3A_533 : memref<512x16xf32, #tpu.memory_space<vmem>>[vector<16xi32>, vector<16xi32>], vector<16xf32>,
      %broadcast_in_dim3A_536 = arith.constant 59 : i32
      %broadcast_in_dim3A_537 = vector.broadcast %broadcast_in_dim3A_536 : i32 to vector<16xi32>
      %gather3A_538 = tpu.vector_load_idx %arg4[%add3A_14, %broadcast_in_dim3A_537] : memref<512x155xf32, #tpu.memory_space<vmem>>[vector<16xi32>, vector<16xi32>], vector<16xf32>,
      %add3A_539 = arith.constant 5.900000e+01 : f32
      %add3A_540 = vector.broadcast %add3A_539 : f32 to vector<16xf32>
      %add3A_541 = arith.addf %broadcast_in_dim3A_15, %add3A_540 : vector<16xf32>
      %broadcast_in_dim3A_542 = arith.constant 60 : i32
      %broadcast_in_dim3A_543 = vector.broadcast %broadcast_in_dim3A_542 : i32 to vector<16xi32>
      %gather3A_544 = tpu.vector_load_idx %arg4[%add3A_14, %broadcast_in_dim3A_543] : memref<512x155xf32, #tpu.memory_space<vmem>>[vector<16xi32>, vector<16xi32>], vector<16xf32>,
      %gt3A_545 = arith.cmpf ogt, %gather3A_544, %gather3A_538 : vector<16xf32>
      %select_n3A_546 = arith.select %gt3A_545, %gather3A_544, %gather3A_538 : vector<16xi1>, vector<16xf32>
      %add3A_547 = arith.constant 6.000000e+01 : f32
      %add3A_548 = vector.broadcast %add3A_547 : f32 to vector<16xf32>
      %add3A_549 = arith.addf %broadcast_in_dim3A_15, %add3A_548 : vector<16xf32>
      %select_n3A_550 = arith.select %gt3A_545, %add3A_549, %add3A_541 : vector<16xi1>, vector<16xf32>
      %broadcast_in_dim3A_551 = arith.constant 61 : i32
      %broadcast_in_dim3A_552 = vector.broadcast %broadcast_in_dim3A_551 : i32 to vector<16xi32>
      %gather3A_553 = tpu.vector_load_idx %arg4[%add3A_14, %broadcast_in_dim3A_552] : memref<512x155xf32, #tpu.memory_space<vmem>>[vector<16xi32>, vector<16xi32>], vector<16xf32>,
      %gt3A_554 = arith.cmpf ogt, %gather3A_553, %select_n3A_546 : vector<16xf32>
      %select_n3A_555 = arith.select %gt3A_554, %gather3A_553, %select_n3A_546 : vector<16xi1>, vector<16xf32>
      %add3A_556 = arith.constant 6.100000e+01 : f32
      %add3A_557 = vector.broadcast %add3A_556 : f32 to vector<16xf32>
      %add3A_558 = arith.addf %broadcast_in_dim3A_15, %add3A_557 : vector<16xf32>
      %select_n3A_559 = arith.select %gt3A_554, %add3A_558, %select_n3A_550 : vector<16xi1>, vector<16xf32>
      %broadcast_in_dim3A_560 = arith.constant 62 : i32
      %broadcast_in_dim3A_561 = vector.broadcast %broadcast_in_dim3A_560 : i32 to vector<16xi32>
      %gather3A_562 = tpu.vector_load_idx %arg4[%add3A_14, %broadcast_in_dim3A_561] : memref<512x155xf32, #tpu.memory_space<vmem>>[vector<16xi32>, vector<16xi32>], vector<16xf32>,
      %gt3A_563 = arith.cmpf ogt, %gather3A_562, %select_n3A_555 : vector<16xf32>
      %select_n3A_564 = arith.select %gt3A_563, %gather3A_562, %select_n3A_555 : vector<16xi1>, vector<16xf32>
      %add3A_565 = arith.constant 6.200000e+01 : f32
      %add3A_566 = vector.broadcast %add3A_565 : f32 to vector<16xf32>
      %add3A_567 = arith.addf %broadcast_in_dim3A_15, %add3A_566 : vector<16xf32>
      %select_n3A_568 = arith.select %gt3A_563, %add3A_567, %select_n3A_559 : vector<16xi1>, vector<16xf32>
      %broadcast_in_dim3A_569 = arith.constant 63 : i32
      %broadcast_in_dim3A_570 = vector.broadcast %broadcast_in_dim3A_569 : i32 to vector<16xi32>
      %gather3A_571 = tpu.vector_load_idx %arg4[%add3A_14, %broadcast_in_dim3A_570] : memref<512x155xf32, #tpu.memory_space<vmem>>[vector<16xi32>, vector<16xi32>], vector<16xf32>,
      %gt3A_572 = arith.cmpf ogt, %gather3A_571, %select_n3A_564 : vector<16xf32>
      %select_n3A_573 = arith.select %gt3A_572, %gather3A_571, %select_n3A_564 : vector<16xi1>, vector<16xf32>
      %add3A_574 = arith.constant 6.300000e+01 : f32
      %add3A_575 = vector.broadcast %add3A_574 : f32 to vector<16xf32>
      %add3A_576 = arith.addf %broadcast_in_dim3A_15, %add3A_575 : vector<16xf32>
      %select_n3A_577 = arith.select %gt3A_572, %add3A_576, %select_n3A_568 : vector<16xi1>, vector<16xf32>
      %broadcast_in_dim3A_578 = arith.constant 64 : i32
      %broadcast_in_dim3A_579 = vector.broadcast %broadcast_in_dim3A_578 : i32 to vector<16xi32>
      %gather3A_580 = tpu.vector_load_idx %arg4[%add3A_14, %broadcast_in_dim3A_579] : memref<512x155xf32, #tpu.memory_space<vmem>>[vector<16xi32>, vector<16xi32>], vector<16xf32>,
      %gt3A_581 = arith.cmpf ogt, %gather3A_580, %select_n3A_573 : vector<16xf32>
      %select_n3A_582 = arith.select %gt3A_581, %gather3A_580, %select_n3A_573 : vector<16xi1>, vector<16xf32>
      %add3A_583 = arith.constant 6.400000e+01 : f32
      %add3A_584 = vector.broadcast %add3A_583 : f32 to vector<16xf32>
      %add3A_585 = arith.addf %broadcast_in_dim3A_15, %add3A_584 : vector<16xf32>
      %select_n3A_586 = arith.select %gt3A_581, %add3A_585, %select_n3A_577 : vector<16xi1>, vector<16xf32>
      %broadcast_in_dim3A_587 = arith.constant 65 : i32
      %broadcast_in_dim3A_588 = vector.broadcast %broadcast_in_dim3A_587 : i32 to vector<16xi32>
      %gather3A_589 = tpu.vector_load_idx %arg4[%add3A_14, %broadcast_in_dim3A_588] : memref<512x155xf32, #tpu.memory_space<vmem>>[vector<16xi32>, vector<16xi32>], vector<16xf32>,
      %gt3A_590 = arith.cmpf ogt, %gather3A_589, %select_n3A_582 : vector<16xf32>
      %select_n3A_591 = arith.select %gt3A_590, %gather3A_589, %select_n3A_582 : vector<16xi1>, vector<16xf32>
      %add3A_592 = arith.constant 6.500000e+01 : f32
      %add3A_593 = vector.broadcast %add3A_592 : f32 to vector<16xf32>
      %add3A_594 = arith.addf %broadcast_in_dim3A_15, %add3A_593 : vector<16xf32>
      %select_n3A_595 = arith.select %gt3A_590, %add3A_594, %select_n3A_586 : vector<16xi1>, vector<16xf32>
      %broadcast_in_dim3A_596 = arith.constant 66 : i32
      %broadcast_in_dim3A_597 = vector.broadcast %broadcast_in_dim3A_596 : i32 to vector<16xi32>
      %gather3A_598 = tpu.vector_load_idx %arg4[%add3A_14, %broadcast_in_dim3A_597] : memref<512x155xf32, #tpu.memory_space<vmem>>[vector<16xi32>, vector<16xi32>], vector<16xf32>,
      %gt3A_599 = arith.cmpf ogt, %gather3A_598, %select_n3A_591 : vector<16xf32>
      %select_n3A_600 = arith.select %gt3A_599, %gather3A_598, %select_n3A_591 : vector<16xi1>, vector<16xf32>
      %add3A_601 = arith.constant 6.600000e+01 : f32
      %add3A_602 = vector.broadcast %add3A_601 : f32 to vector<16xf32>
      %add3A_603 = arith.addf %broadcast_in_dim3A_15, %add3A_602 : vector<16xf32>
      %select_n3A_604 = arith.select %gt3A_599, %add3A_603, %select_n3A_595 : vector<16xi1>, vector<16xf32>
      %broadcast_in_dim3A_605 = arith.constant 67 : i32
      %broadcast_in_dim3A_606 = vector.broadcast %broadcast_in_dim3A_605 : i32 to vector<16xi32>
      %gather3A_607 = tpu.vector_load_idx %arg4[%add3A_14, %broadcast_in_dim3A_606] : memref<512x155xf32, #tpu.memory_space<vmem>>[vector<16xi32>, vector<16xi32>], vector<16xf32>,
      %gt3A_608 = arith.cmpf ogt, %gather3A_607, %select_n3A_600 : vector<16xf32>
      %select_n3A_609 = arith.select %gt3A_608, %gather3A_607, %select_n3A_600 : vector<16xi1>, vector<16xf32>
      %add3A_610 = arith.constant 6.700000e+01 : f32
      %add3A_611 = vector.broadcast %add3A_610 : f32 to vector<16xf32>
      %add3A_612 = arith.addf %broadcast_in_dim3A_15, %add3A_611 : vector<16xf32>
      %select_n3A_613 = arith.select %gt3A_608, %add3A_612, %select_n3A_604 : vector<16xi1>, vector<16xf32>
      %broadcast_in_dim3A_614 = arith.constant 68 : i32
      %broadcast_in_dim3A_615 = vector.broadcast %broadcast_in_dim3A_614 : i32 to vector<16xi32>
      %gather3A_616 = tpu.vector_load_idx %arg4[%add3A_14, %broadcast_in_dim3A_615] : memref<512x155xf32, #tpu.memory_space<vmem>>[vector<16xi32>, vector<16xi32>], vector<16xf32>,
      %gt3A_617 = arith.cmpf ogt, %gather3A_616, %select_n3A_609 : vector<16xf32>
      %select_n3A_618 = arith.select %gt3A_617, %gather3A_616, %select_n3A_609 : vector<16xi1>, vector<16xf32>
      %add3A_619 = arith.constant 6.800000e+01 : f32
      %add3A_620 = vector.broadcast %add3A_619 : f32 to vector<16xf32>
      %add3A_621 = arith.addf %broadcast_in_dim3A_15, %add3A_620 : vector<16xf32>
      %select_n3A_622 = arith.select %gt3A_617, %add3A_621, %select_n3A_613 : vector<16xi1>, vector<16xf32>
      %broadcast_in_dim3A_623 = arith.constant 69 : i32
      %broadcast_in_dim3A_624 = vector.broadcast %broadcast_in_dim3A_623 : i32 to vector<16xi32>
      %gather3A_625 = tpu.vector_load_idx %arg4[%add3A_14, %broadcast_in_dim3A_624] : memref<512x155xf32, #tpu.memory_space<vmem>>[vector<16xi32>, vector<16xi32>], vector<16xf32>,
      %gt3A_626 = arith.cmpf ogt, %gather3A_625, %select_n3A_618 : vector<16xf32>
      %select_n3A_627 = arith.select %gt3A_626, %gather3A_625, %select_n3A_618 : vector<16xi1>, vector<16xf32>
      %add3A_628 = arith.constant 6.900000e+01 : f32
      %add3A_629 = vector.broadcast %add3A_628 : f32 to vector<16xf32>
      %add3A_630 = arith.addf %broadcast_in_dim3A_15, %add3A_629 : vector<16xf32>
      %select_n3A_631 = arith.select %gt3A_626, %add3A_630, %select_n3A_622 : vector<16xi1>, vector<16xf32>
      %broadcast_in_dim3A_632 = arith.constant 70 : i32
      %broadcast_in_dim3A_633 = vector.broadcast %broadcast_in_dim3A_632 : i32 to vector<16xi32>
      %gather3A_634 = tpu.vector_load_idx %arg4[%add3A_14, %broadcast_in_dim3A_633] : memref<512x155xf32, #tpu.memory_space<vmem>>[vector<16xi32>, vector<16xi32>], vector<16xf32>,
      %gt3A_635 = arith.cmpf ogt, %gather3A_634, %select_n3A_627 : vector<16xf32>
      %select_n3A_636 = arith.select %gt3A_635, %gather3A_634, %select_n3A_627 : vector<16xi1>, vector<16xf32>
      %add3A_637 = arith.constant 7.000000e+01 : f32
      %add3A_638 = vector.broadcast %add3A_637 : f32 to vector<16xf32>
      %add3A_639 = arith.addf %broadcast_in_dim3A_15, %add3A_638 : vector<16xf32>
      %select_n3A_640 = arith.select %gt3A_635, %add3A_639, %select_n3A_631 : vector<16xi1>, vector<16xf32>
      %broadcast_in_dim3A_641 = arith.constant 71 : i32
      %broadcast_in_dim3A_642 = vector.broadcast %broadcast_in_dim3A_641 : i32 to vector<16xi32>
      %gather3A_643 = tpu.vector_load_idx %arg4[%add3A_14, %broadcast_in_dim3A_642] : memref<512x155xf32, #tpu.memory_space<vmem>>[vector<16xi32>, vector<16xi32>], vector<16xf32>,
      %gt3A_644 = arith.cmpf ogt, %gather3A_643, %select_n3A_636 : vector<16xf32>
      %select_n3A_645 = arith.select %gt3A_644, %gather3A_643, %select_n3A_636 : vector<16xi1>, vector<16xf32>
      %add3A_646 = arith.constant 7.100000e+01 : f32
      %add3A_647 = vector.broadcast %add3A_646 : f32 to vector<16xf32>
      %add3A_648 = arith.addf %broadcast_in_dim3A_15, %add3A_647 : vector<16xf32>
      %select_n3A_649 = arith.select %gt3A_644, %add3A_648, %select_n3A_640 : vector<16xi1>, vector<16xf32>
      %broadcast_in_dim3A_650 = arith.constant 72 : i32
      %broadcast_in_dim3A_651 = vector.broadcast %broadcast_in_dim3A_650 : i32 to vector<16xi32>
      %gather3A_652 = tpu.vector_load_idx %arg4[%add3A_14, %broadcast_in_dim3A_651] : memref<512x155xf32, #tpu.memory_space<vmem>>[vector<16xi32>, vector<16xi32>], vector<16xf32>,
      %gt3A_653 = arith.cmpf ogt, %gather3A_652, %select_n3A_645 : vector<16xf32>
      %select_n3A_654 = arith.select %gt3A_653, %gather3A_652, %select_n3A_645 : vector<16xi1>, vector<16xf32>
      %add3A_655 = arith.constant 7.200000e+01 : f32
      %add3A_656 = vector.broadcast %add3A_655 : f32 to vector<16xf32>
      %add3A_657 = arith.addf %broadcast_in_dim3A_15, %add3A_656 : vector<16xf32>
      %select_n3A_658 = arith.select %gt3A_653, %add3A_657, %select_n3A_649 : vector<16xi1>, vector<16xf32>
      %broadcast_in_dim3A_659 = arith.constant 73 : i32
      %broadcast_in_dim3A_660 = vector.broadcast %broadcast_in_dim3A_659 : i32 to vector<16xi32>
      %gather3A_661 = tpu.vector_load_idx %arg4[%add3A_14, %broadcast_in_dim3A_660] : memref<512x155xf32, #tpu.memory_space<vmem>>[vector<16xi32>, vector<16xi32>], vector<16xf32>,
      %gt3A_662 = arith.cmpf ogt, %gather3A_661, %select_n3A_654 : vector<16xf32>
      %select_n3A_663 = arith.select %gt3A_662, %gather3A_661, %select_n3A_654 : vector<16xi1>, vector<16xf32>
      %add3A_664 = arith.constant 7.300000e+01 : f32
      %add3A_665 = vector.broadcast %add3A_664 : f32 to vector<16xf32>
      %add3A_666 = arith.addf %broadcast_in_dim3A_15, %add3A_665 : vector<16xf32>
      %select_n3A_667 = arith.select %gt3A_662, %add3A_666, %select_n3A_658 : vector<16xi1>, vector<16xf32>
      %broadcast_in_dim3A_668 = arith.constant 74 : i32
      %broadcast_in_dim3A_669 = vector.broadcast %broadcast_in_dim3A_668 : i32 to vector<16xi32>
      %gather3A_670 = tpu.vector_load_idx %arg4[%add3A_14, %broadcast_in_dim3A_669] : memref<512x155xf32, #tpu.memory_space<vmem>>[vector<16xi32>, vector<16xi32>], vector<16xf32>,
      %gt3A_671 = arith.cmpf ogt, %gather3A_670, %select_n3A_663 : vector<16xf32>
      %select_n3A_672 = arith.select %gt3A_671, %gather3A_670, %select_n3A_663 : vector<16xi1>, vector<16xf32>
      %add3A_673 = arith.constant 7.400000e+01 : f32
      %add3A_674 = vector.broadcast %add3A_673 : f32 to vector<16xf32>
      %add3A_675 = arith.addf %broadcast_in_dim3A_15, %add3A_674 : vector<16xf32>
      %select_n3A_676 = arith.select %gt3A_671, %add3A_675, %select_n3A_667 : vector<16xi1>, vector<16xf32>
      %broadcast_in_dim3A_677 = arith.constant 75 : i32
      %broadcast_in_dim3A_678 = vector.broadcast %broadcast_in_dim3A_677 : i32 to vector<16xi32>
      %gather3A_679 = tpu.vector_load_idx %arg4[%add3A_14, %broadcast_in_dim3A_678] : memref<512x155xf32, #tpu.memory_space<vmem>>[vector<16xi32>, vector<16xi32>], vector<16xf32>,
      %gt3A_680 = arith.cmpf ogt, %gather3A_679, %select_n3A_672 : vector<16xf32>
      %select_n3A_681 = arith.select %gt3A_680, %gather3A_679, %select_n3A_672 : vector<16xi1>, vector<16xf32>
      %add3A_682 = arith.constant 7.500000e+01 : f32
      %add3A_683 = vector.broadcast %add3A_682 : f32 to vector<16xf32>
      %add3A_684 = arith.addf %broadcast_in_dim3A_15, %add3A_683 : vector<16xf32>
      %select_n3A_685 = arith.select %gt3A_680, %add3A_684, %select_n3A_676 : vector<16xi1>, vector<16xf32>
      %broadcast_in_dim3A_686 = arith.constant 76 : i32
      %broadcast_in_dim3A_687 = vector.broadcast %broadcast_in_dim3A_686 : i32 to vector<16xi32>
      %gather3A_688 = tpu.vector_load_idx %arg4[%add3A_14, %broadcast_in_dim3A_687] : memref<512x155xf32, #tpu.memory_space<vmem>>[vector<16xi32>, vector<16xi32>], vector<16xf32>,
      %gt3A_689 = arith.cmpf ogt, %gather3A_688, %select_n3A_681 : vector<16xf32>
      %select_n3A_690 = arith.select %gt3A_689, %gather3A_688, %select_n3A_681 : vector<16xi1>, vector<16xf32>
      %add3A_691 = arith.constant 7.600000e+01 : f32
      %add3A_692 = vector.broadcast %add3A_691 : f32 to vector<16xf32>
      %add3A_693 = arith.addf %broadcast_in_dim3A_15, %add3A_692 : vector<16xf32>
      %select_n3A_694 = arith.select %gt3A_689, %add3A_693, %select_n3A_685 : vector<16xi1>, vector<16xf32>
      %broadcast_in_dim3A_695 = arith.constant 77 : i32
      %broadcast_in_dim3A_696 = vector.broadcast %broadcast_in_dim3A_695 : i32 to vector<16xi32>
      %gather3A_697 = tpu.vector_load_idx %arg4[%add3A_14, %broadcast_in_dim3A_696] : memref<512x155xf32, #tpu.memory_space<vmem>>[vector<16xi32>, vector<16xi32>], vector<16xf32>,
      %gt3A_698 = arith.cmpf ogt, %gather3A_697, %select_n3A_690 : vector<16xf32>
      %select_n3A_699 = arith.select %gt3A_698, %gather3A_697, %select_n3A_690 : vector<16xi1>, vector<16xf32>
      %add3A_700 = arith.constant 7.700000e+01 : f32
      %add3A_701 = vector.broadcast %add3A_700 : f32 to vector<16xf32>
      %add3A_702 = arith.addf %broadcast_in_dim3A_15, %add3A_701 : vector<16xf32>
      %select_n3A_703 = arith.select %gt3A_698, %add3A_702, %select_n3A_694 : vector<16xi1>, vector<16xf32>
      %broadcast_in_dim3A_704 = arith.constant 78 : i32
      %broadcast_in_dim3A_705 = vector.broadcast %broadcast_in_dim3A_704 : i32 to vector<16xi32>
      %gather3A_706 = tpu.vector_load_idx %arg4[%add3A_14, %broadcast_in_dim3A_705] : memref<512x155xf32, #tpu.memory_space<vmem>>[vector<16xi32>, vector<16xi32>], vector<16xf32>,
      %gt3A_707 = arith.cmpf ogt, %gather3A_706, %select_n3A_699 : vector<16xf32>
      %select_n3A_708 = arith.select %gt3A_707, %gather3A_706, %select_n3A_699 : vector<16xi1>, vector<16xf32>
      %add3A_709 = arith.constant 7.800000e+01 : f32
      %add3A_710 = vector.broadcast %add3A_709 : f32 to vector<16xf32>
      %add3A_711 = arith.addf %broadcast_in_dim3A_15, %add3A_710 : vector<16xf32>
      %select_n3A_712 = arith.select %gt3A_707, %add3A_711, %select_n3A_703 : vector<16xi1>, vector<16xf32>
      %broadcast_in_dim3A_713 = arith.constant 79 : i32
      %broadcast_in_dim3A_714 = vector.broadcast %broadcast_in_dim3A_713 : i32 to vector<16xi32>
      %gather3A_715 = tpu.vector_load_idx %arg4[%add3A_14, %broadcast_in_dim3A_714] : memref<512x155xf32, #tpu.memory_space<vmem>>[vector<16xi32>, vector<16xi32>], vector<16xf32>,
      %gt3A_716 = arith.cmpf ogt, %gather3A_715, %select_n3A_708 : vector<16xf32>
      %select_n3A_717 = arith.select %gt3A_716, %gather3A_715, %select_n3A_708 : vector<16xi1>, vector<16xf32>
      %add3A_718 = arith.constant 7.900000e+01 : f32
      %add3A_719 = vector.broadcast %add3A_718 : f32 to vector<16xf32>
      %add3A_720 = arith.addf %broadcast_in_dim3A_15, %add3A_719 : vector<16xf32>
      %select_n3A_721 = arith.select %gt3A_716, %add3A_720, %select_n3A_712 : vector<16xi1>, vector<16xf32>
      %broadcast_in_dim3A_722 = arith.constant 80 : i32
      %broadcast_in_dim3A_723 = vector.broadcast %broadcast_in_dim3A_722 : i32 to vector<16xi32>
      %gather3A_724 = tpu.vector_load_idx %arg4[%add3A_14, %broadcast_in_dim3A_723] : memref<512x155xf32, #tpu.memory_space<vmem>>[vector<16xi32>, vector<16xi32>], vector<16xf32>,
      %gt3A_725 = arith.cmpf ogt, %gather3A_724, %select_n3A_717 : vector<16xf32>
      %select_n3A_726 = arith.select %gt3A_725, %gather3A_724, %select_n3A_717 : vector<16xi1>, vector<16xf32>
      %add3A_727 = arith.constant 8.000000e+01 : f32
      %add3A_728 = vector.broadcast %add3A_727 : f32 to vector<16xf32>
      %add3A_729 = arith.addf %broadcast_in_dim3A_15, %add3A_728 : vector<16xf32>
      %select_n3A_730 = arith.select %gt3A_725, %add3A_729, %select_n3A_721 : vector<16xi1>, vector<16xf32>
      %broadcast_in_dim3A_731 = arith.constant 81 : i32
      %broadcast_in_dim3A_732 = vector.broadcast %broadcast_in_dim3A_731 : i32 to vector<16xi32>
      %gather3A_733 = tpu.vector_load_idx %arg4[%add3A_14, %broadcast_in_dim3A_732] : memref<512x155xf32, #tpu.memory_space<vmem>>[vector<16xi32>, vector<16xi32>], vector<16xf32>,
      %gt3A_734 = arith.cmpf ogt, %gather3A_733, %select_n3A_726 : vector<16xf32>
      %select_n3A_735 = arith.select %gt3A_734, %gather3A_733, %select_n3A_726 : vector<16xi1>, vector<16xf32>
      %add3A_736 = arith.constant 8.100000e+01 : f32
      %add3A_737 = vector.broadcast %add3A_736 : f32 to vector<16xf32>
      %add3A_738 = arith.addf %broadcast_in_dim3A_15, %add3A_737 : vector<16xf32>
      %select_n3A_739 = arith.select %gt3A_734, %add3A_738, %select_n3A_730 : vector<16xi1>, vector<16xf32>
      %broadcast_in_dim3A_740 = arith.constant 82 : i32
      %broadcast_in_dim3A_741 = vector.broadcast %broadcast_in_dim3A_740 : i32 to vector<16xi32>
      %gather3A_742 = tpu.vector_load_idx %arg4[%add3A_14, %broadcast_in_dim3A_741] : memref<512x155xf32, #tpu.memory_space<vmem>>[vector<16xi32>, vector<16xi32>], vector<16xf32>,
      %gt3A_743 = arith.cmpf ogt, %gather3A_742, %select_n3A_735 : vector<16xf32>
      %select_n3A_744 = arith.select %gt3A_743, %gather3A_742, %select_n3A_735 : vector<16xi1>, vector<16xf32>
      %add3A_745 = arith.constant 8.200000e+01 : f32
      %add3A_746 = vector.broadcast %add3A_745 : f32 to vector<16xf32>
      %add3A_747 = arith.addf %broadcast_in_dim3A_15, %add3A_746 : vector<16xf32>
      %select_n3A_748 = arith.select %gt3A_743, %add3A_747, %select_n3A_739 : vector<16xi1>, vector<16xf32>
      %broadcast_in_dim3A_749 = arith.constant 83 : i32
      %broadcast_in_dim3A_750 = vector.broadcast %broadcast_in_dim3A_749 : i32 to vector<16xi32>
      %gather3A_751 = tpu.vector_load_idx %arg4[%add3A_14, %broadcast_in_dim3A_750] : memref<512x155xf32, #tpu.memory_space<vmem>>[vector<16xi32>, vector<16xi32>], vector<16xf32>,
      %gt3A_752 = arith.cmpf ogt, %gather3A_751, %select_n3A_744 : vector<16xf32>
      %select_n3A_753 = arith.select %gt3A_752, %gather3A_751, %select_n3A_744 : vector<16xi1>, vector<16xf32>
      %add3A_754 = arith.constant 8.300000e+01 : f32
      %add3A_755 = vector.broadcast %add3A_754 : f32 to vector<16xf32>
      %add3A_756 = arith.addf %broadcast_in_dim3A_15, %add3A_755 : vector<16xf32>
      %select_n3A_757 = arith.select %gt3A_752, %add3A_756, %select_n3A_748 : vector<16xi1>, vector<16xf32>
      %broadcast_in_dim3A_758 = arith.constant 84 : i32
      %broadcast_in_dim3A_759 = vector.broadcast %broadcast_in_dim3A_758 : i32 to vector<16xi32>
      %gather3A_760 = tpu.vector_load_idx %arg4[%add3A_14, %broadcast_in_dim3A_759] : memref<512x155xf32, #tpu.memory_space<vmem>>[vector<16xi32>, vector<16xi32>], vector<16xf32>,
      %gt3A_761 = arith.cmpf ogt, %gather3A_760, %select_n3A_753 : vector<16xf32>
      %select_n3A_762 = arith.select %gt3A_761, %gather3A_760, %select_n3A_753 : vector<16xi1>, vector<16xf32>
      %add3A_763 = arith.constant 8.400000e+01 : f32
      %add3A_764 = vector.broadcast %add3A_763 : f32 to vector<16xf32>
      %add3A_765 = arith.addf %broadcast_in_dim3A_15, %add3A_764 : vector<16xf32>
      %select_n3A_766 = arith.select %gt3A_761, %add3A_765, %select_n3A_757 : vector<16xi1>, vector<16xf32>
      %broadcast_in_dim3A_767 = arith.constant 85 : i32
      %broadcast_in_dim3A_768 = vector.broadcast %broadcast_in_dim3A_767 : i32 to vector<16xi32>
      %gather3A_769 = tpu.vector_load_idx %arg4[%add3A_14, %broadcast_in_dim3A_768] : memref<512x155xf32, #tpu.memory_space<vmem>>[vector<16xi32>, vector<16xi32>], vector<16xf32>,
      %gt3A_770 = arith.cmpf ogt, %gather3A_769, %select_n3A_762 : vector<16xf32>
      %select_n3A_771 = arith.select %gt3A_770, %gather3A_769, %select_n3A_762 : vector<16xi1>, vector<16xf32>
      %add3A_772 = arith.constant 8.500000e+01 : f32
      %add3A_773 = vector.broadcast %add3A_772 : f32 to vector<16xf32>
      %add3A_774 = arith.addf %broadcast_in_dim3A_15, %add3A_773 : vector<16xf32>
      %select_n3A_775 = arith.select %gt3A_770, %add3A_774, %select_n3A_766 : vector<16xi1>, vector<16xf32>
      %broadcast_in_dim3A_776 = arith.constant 86 : i32
      %broadcast_in_dim3A_777 = vector.broadcast %broadcast_in_dim3A_776 : i32 to vector<16xi32>
      %gather3A_778 = tpu.vector_load_idx %arg4[%add3A_14, %broadcast_in_dim3A_777] : memref<512x155xf32, #tpu.memory_space<vmem>>[vector<16xi32>, vector<16xi32>], vector<16xf32>,
      %gt3A_779 = arith.cmpf ogt, %gather3A_778, %select_n3A_771 : vector<16xf32>
      %select_n3A_780 = arith.select %gt3A_779, %gather3A_778, %select_n3A_771 : vector<16xi1>, vector<16xf32>
      %add3A_781 = arith.constant 8.600000e+01 : f32
      %add3A_782 = vector.broadcast %add3A_781 : f32 to vector<16xf32>
      %add3A_783 = arith.addf %broadcast_in_dim3A_15, %add3A_782 : vector<16xf32>
      %select_n3A_784 = arith.select %gt3A_779, %add3A_783, %select_n3A_775 : vector<16xi1>, vector<16xf32>
      %broadcast_in_dim3A_785 = arith.constant 87 : i32
      %broadcast_in_dim3A_786 = vector.broadcast %broadcast_in_dim3A_785 : i32 to vector<16xi32>
      %gather3A_787 = tpu.vector_load_idx %arg4[%add3A_14, %broadcast_in_dim3A_786] : memref<512x155xf32, #tpu.memory_space<vmem>>[vector<16xi32>, vector<16xi32>], vector<16xf32>,
      %gt3A_788 = arith.cmpf ogt, %gather3A_787, %select_n3A_780 : vector<16xf32>
      %select_n3A_789 = arith.select %gt3A_788, %gather3A_787, %select_n3A_780 : vector<16xi1>, vector<16xf32>
      %add3A_790 = arith.constant 8.700000e+01 : f32
      %add3A_791 = vector.broadcast %add3A_790 : f32 to vector<16xf32>
      %add3A_792 = arith.addf %broadcast_in_dim3A_15, %add3A_791 : vector<16xf32>
      %select_n3A_793 = arith.select %gt3A_788, %add3A_792, %select_n3A_784 : vector<16xi1>, vector<16xf32>
      %broadcast_in_dim3A_794 = arith.constant 88 : i32
      %broadcast_in_dim3A_795 = vector.broadcast %broadcast_in_dim3A_794 : i32 to vector<16xi32>
      %gather3A_796 = tpu.vector_load_idx %arg4[%add3A_14, %broadcast_in_dim3A_795] : memref<512x155xf32, #tpu.memory_space<vmem>>[vector<16xi32>, vector<16xi32>], vector<16xf32>,
      %gt3A_797 = arith.cmpf ogt, %gather3A_796, %select_n3A_789 : vector<16xf32>
      %select_n3A_798 = arith.select %gt3A_797, %gather3A_796, %select_n3A_789 : vector<16xi1>, vector<16xf32>
      %add3A_799 = arith.constant 8.800000e+01 : f32
      %add3A_800 = vector.broadcast %add3A_799 : f32 to vector<16xf32>
      %add3A_801 = arith.addf %broadcast_in_dim3A_15, %add3A_800 : vector<16xf32>
      %select_n3A_802 = arith.select %gt3A_797, %add3A_801, %select_n3A_793 : vector<16xi1>, vector<16xf32>
      %broadcast_in_dim3A_803 = arith.constant 89 : i32
      %broadcast_in_dim3A_804 = vector.broadcast %broadcast_in_dim3A_803 : i32 to vector<16xi32>
      %gather3A_805 = tpu.vector_load_idx %arg4[%add3A_14, %broadcast_in_dim3A_804] : memref<512x155xf32, #tpu.memory_space<vmem>>[vector<16xi32>, vector<16xi32>], vector<16xf32>,
      %gt3A_806 = arith.cmpf ogt, %gather3A_805, %select_n3A_798 : vector<16xf32>
      %select_n3A_807 = arith.select %gt3A_806, %gather3A_805, %select_n3A_798 : vector<16xi1>, vector<16xf32>
      %add3A_808 = arith.constant 8.900000e+01 : f32
      %add3A_809 = vector.broadcast %add3A_808 : f32 to vector<16xf32>
      %add3A_810 = arith.addf %broadcast_in_dim3A_15, %add3A_809 : vector<16xf32>
      %select_n3A_811 = arith.select %gt3A_806, %add3A_810, %select_n3A_802 : vector<16xi1>, vector<16xf32>
      %broadcast_in_dim3A_812 = arith.constant 90 : i32
      %broadcast_in_dim3A_813 = vector.broadcast %broadcast_in_dim3A_812 : i32 to vector<16xi32>
      %gather3A_814 = tpu.vector_load_idx %arg4[%add3A_14, %broadcast_in_dim3A_813] : memref<512x155xf32, #tpu.memory_space<vmem>>[vector<16xi32>, vector<16xi32>], vector<16xf32>,
      %gt3A_815 = arith.cmpf ogt, %gather3A_814, %select_n3A_807 : vector<16xf32>
      %select_n3A_816 = arith.select %gt3A_815, %gather3A_814, %select_n3A_807 : vector<16xi1>, vector<16xf32>
      %add3A_817 = arith.constant 9.000000e+01 : f32
      %add3A_818 = vector.broadcast %add3A_817 : f32 to vector<16xf32>
      %add3A_819 = arith.addf %broadcast_in_dim3A_15, %add3A_818 : vector<16xf32>
      %select_n3A_820 = arith.select %gt3A_815, %add3A_819, %select_n3A_811 : vector<16xi1>, vector<16xf32>
      %broadcast_in_dim3A_821 = arith.constant 91 : i32
      %broadcast_in_dim3A_822 = vector.broadcast %broadcast_in_dim3A_821 : i32 to vector<16xi32>
      %gather3A_823 = tpu.vector_load_idx %arg4[%add3A_14, %broadcast_in_dim3A_822] : memref<512x155xf32, #tpu.memory_space<vmem>>[vector<16xi32>, vector<16xi32>], vector<16xf32>,
      %gt3A_824 = arith.cmpf ogt, %gather3A_823, %select_n3A_816 : vector<16xf32>
      %select_n3A_825 = arith.select %gt3A_824, %gather3A_823, %select_n3A_816 : vector<16xi1>, vector<16xf32>
      %add3A_826 = arith.constant 9.100000e+01 : f32
      %add3A_827 = vector.broadcast %add3A_826 : f32 to vector<16xf32>
      %add3A_828 = arith.addf %broadcast_in_dim3A_15, %add3A_827 : vector<16xf32>
      %select_n3A_829 = arith.select %gt3A_824, %add3A_828, %select_n3A_820 : vector<16xi1>, vector<16xf32>
      %broadcast_in_dim3A_830 = arith.constant 92 : i32
      %broadcast_in_dim3A_831 = vector.broadcast %broadcast_in_dim3A_830 : i32 to vector<16xi32>
      %gather3A_832 = tpu.vector_load_idx %arg4[%add3A_14, %broadcast_in_dim3A_831] : memref<512x155xf32, #tpu.memory_space<vmem>>[vector<16xi32>, vector<16xi32>], vector<16xf32>,
      %gt3A_833 = arith.cmpf ogt, %gather3A_832, %select_n3A_825 : vector<16xf32>
      %select_n3A_834 = arith.select %gt3A_833, %gather3A_832, %select_n3A_825 : vector<16xi1>, vector<16xf32>
      %add3A_835 = arith.constant 9.200000e+01 : f32
      %add3A_836 = vector.broadcast %add3A_835 : f32 to vector<16xf32>
      %add3A_837 = arith.addf %broadcast_in_dim3A_15, %add3A_836 : vector<16xf32>
      %select_n3A_838 = arith.select %gt3A_833, %add3A_837, %select_n3A_829 : vector<16xi1>, vector<16xf32>
      %broadcast_in_dim3A_839 = arith.constant 93 : i32
      %broadcast_in_dim3A_840 = vector.broadcast %broadcast_in_dim3A_839 : i32 to vector<16xi32>
      %gather3A_841 = tpu.vector_load_idx %arg4[%add3A_14, %broadcast_in_dim3A_840] : memref<512x155xf32, #tpu.memory_space<vmem>>[vector<16xi32>, vector<16xi32>], vector<16xf32>,
      %gt3A_842 = arith.cmpf ogt, %gather3A_841, %select_n3A_834 : vector<16xf32>
      %select_n3A_843 = arith.select %gt3A_842, %gather3A_841, %select_n3A_834 : vector<16xi1>, vector<16xf32>
      %add3A_844 = arith.constant 9.300000e+01 : f32
      %add3A_845 = vector.broadcast %add3A_844 : f32 to vector<16xf32>
      %add3A_846 = arith.addf %broadcast_in_dim3A_15, %add3A_845 : vector<16xf32>
      %select_n3A_847 = arith.select %gt3A_842, %add3A_846, %select_n3A_838 : vector<16xi1>, vector<16xf32>
      %broadcast_in_dim3A_848 = arith.constant 8 : i32
      %broadcast_in_dim3A_849 = vector.broadcast %broadcast_in_dim3A_848 : i32 to vector<16xi32>
      tpu.vector_store_idx %arg5[%add3A_14, %broadcast_in_dim3A_849], %select_n3A_847 : memref<512x16xf32, #tpu.memory_space<vmem>>[vector<16xi32>, vector<16xi32>], vector<16xf32>,
      %broadcast_in_dim3A_850 = arith.constant 94 : i32
      %broadcast_in_dim3A_851 = vector.broadcast %broadcast_in_dim3A_850 : i32 to vector<16xi32>
      %gather3A_852 = tpu.vector_load_idx %arg4[%add3A_14, %broadcast_in_dim3A_851] : memref<512x155xf32, #tpu.memory_space<vmem>>[vector<16xi32>, vector<16xi32>], vector<16xf32>,
      %add3A_853 = arith.constant 9.400000e+01 : f32
      %add3A_854 = vector.broadcast %add3A_853 : f32 to vector<16xf32>
      %add3A_855 = arith.addf %broadcast_in_dim3A_15, %add3A_854 : vector<16xf32>
      %broadcast_in_dim3A_856 = arith.constant 95 : i32
      %broadcast_in_dim3A_857 = vector.broadcast %broadcast_in_dim3A_856 : i32 to vector<16xi32>
      %gather3A_858 = tpu.vector_load_idx %arg4[%add3A_14, %broadcast_in_dim3A_857] : memref<512x155xf32, #tpu.memory_space<vmem>>[vector<16xi32>, vector<16xi32>], vector<16xf32>,
      %gt3A_859 = arith.cmpf ogt, %gather3A_858, %gather3A_852 : vector<16xf32>
      %select_n3A_860 = arith.select %gt3A_859, %gather3A_858, %gather3A_852 : vector<16xi1>, vector<16xf32>
      %add3A_861 = arith.constant 9.500000e+01 : f32
      %add3A_862 = vector.broadcast %add3A_861 : f32 to vector<16xf32>
      %add3A_863 = arith.addf %broadcast_in_dim3A_15, %add3A_862 : vector<16xf32>
      %select_n3A_864 = arith.select %gt3A_859, %add3A_863, %add3A_855 : vector<16xi1>, vector<16xf32>
      %broadcast_in_dim3A_865 = arith.constant 96 : i32
      %broadcast_in_dim3A_866 = vector.broadcast %broadcast_in_dim3A_865 : i32 to vector<16xi32>
      %gather3A_867 = tpu.vector_load_idx %arg4[%add3A_14, %broadcast_in_dim3A_866] : memref<512x155xf32, #tpu.memory_space<vmem>>[vector<16xi32>, vector<16xi32>], vector<16xf32>,
      %gt3A_868 = arith.cmpf ogt, %gather3A_867, %select_n3A_860 : vector<16xf32>
      %select_n3A_869 = arith.select %gt3A_868, %gather3A_867, %select_n3A_860 : vector<16xi1>, vector<16xf32>
      %add3A_870 = arith.constant 9.600000e+01 : f32
      %add3A_871 = vector.broadcast %add3A_870 : f32 to vector<16xf32>
      %add3A_872 = arith.addf %broadcast_in_dim3A_15, %add3A_871 : vector<16xf32>
      %select_n3A_873 = arith.select %gt3A_868, %add3A_872, %select_n3A_864 : vector<16xi1>, vector<16xf32>
      %broadcast_in_dim3A_874 = arith.constant 97 : i32
      %broadcast_in_dim3A_875 = vector.broadcast %broadcast_in_dim3A_874 : i32 to vector<16xi32>
      %gather3A_876 = tpu.vector_load_idx %arg4[%add3A_14, %broadcast_in_dim3A_875] : memref<512x155xf32, #tpu.memory_space<vmem>>[vector<16xi32>, vector<16xi32>], vector<16xf32>,
      %gt3A_877 = arith.cmpf ogt, %gather3A_876, %select_n3A_869 : vector<16xf32>
      %select_n3A_878 = arith.select %gt3A_877, %gather3A_876, %select_n3A_869 : vector<16xi1>, vector<16xf32>
      %add3A_879 = arith.constant 9.700000e+01 : f32
      %add3A_880 = vector.broadcast %add3A_879 : f32 to vector<16xf32>
      %add3A_881 = arith.addf %broadcast_in_dim3A_15, %add3A_880 : vector<16xf32>
      %select_n3A_882 = arith.select %gt3A_877, %add3A_881, %select_n3A_873 : vector<16xi1>, vector<16xf32>
      %broadcast_in_dim3A_883 = arith.constant 98 : i32
      %broadcast_in_dim3A_884 = vector.broadcast %broadcast_in_dim3A_883 : i32 to vector<16xi32>
      %gather3A_885 = tpu.vector_load_idx %arg4[%add3A_14, %broadcast_in_dim3A_884] : memref<512x155xf32, #tpu.memory_space<vmem>>[vector<16xi32>, vector<16xi32>], vector<16xf32>,
      %gt3A_886 = arith.cmpf ogt, %gather3A_885, %select_n3A_878 : vector<16xf32>
      %select_n3A_887 = arith.select %gt3A_886, %gather3A_885, %select_n3A_878 : vector<16xi1>, vector<16xf32>
      %add3A_888 = arith.constant 9.800000e+01 : f32
      %add3A_889 = vector.broadcast %add3A_888 : f32 to vector<16xf32>
      %add3A_890 = arith.addf %broadcast_in_dim3A_15, %add3A_889 : vector<16xf32>
      %select_n3A_891 = arith.select %gt3A_886, %add3A_890, %select_n3A_882 : vector<16xi1>, vector<16xf32>
      %broadcast_in_dim3A_892 = arith.constant 99 : i32
      %broadcast_in_dim3A_893 = vector.broadcast %broadcast_in_dim3A_892 : i32 to vector<16xi32>
      %gather3A_894 = tpu.vector_load_idx %arg4[%add3A_14, %broadcast_in_dim3A_893] : memref<512x155xf32, #tpu.memory_space<vmem>>[vector<16xi32>, vector<16xi32>], vector<16xf32>,
      %gt3A_895 = arith.cmpf ogt, %gather3A_894, %select_n3A_887 : vector<16xf32>
      %select_n3A_896 = arith.select %gt3A_895, %gather3A_894, %select_n3A_887 : vector<16xi1>, vector<16xf32>
      %add3A_897 = arith.constant 9.900000e+01 : f32
      %add3A_898 = vector.broadcast %add3A_897 : f32 to vector<16xf32>
      %add3A_899 = arith.addf %broadcast_in_dim3A_15, %add3A_898 : vector<16xf32>
      %select_n3A_900 = arith.select %gt3A_895, %add3A_899, %select_n3A_891 : vector<16xi1>, vector<16xf32>
      %broadcast_in_dim3A_901 = arith.constant 100 : i32
      %broadcast_in_dim3A_902 = vector.broadcast %broadcast_in_dim3A_901 : i32 to vector<16xi32>
      %gather3A_903 = tpu.vector_load_idx %arg4[%add3A_14, %broadcast_in_dim3A_902] : memref<512x155xf32, #tpu.memory_space<vmem>>[vector<16xi32>, vector<16xi32>], vector<16xf32>,
      %gt3A_904 = arith.cmpf ogt, %gather3A_903, %select_n3A_896 : vector<16xf32>
      %select_n3A_905 = arith.select %gt3A_904, %gather3A_903, %select_n3A_896 : vector<16xi1>, vector<16xf32>
      %add3A_906 = arith.constant 1.000000e+02 : f32
      %add3A_907 = vector.broadcast %add3A_906 : f32 to vector<16xf32>
      %add3A_908 = arith.addf %broadcast_in_dim3A_15, %add3A_907 : vector<16xf32>
      %select_n3A_909 = arith.select %gt3A_904, %add3A_908, %select_n3A_900 : vector<16xi1>, vector<16xf32>
      %broadcast_in_dim3A_910 = arith.constant 9 : i32
      %broadcast_in_dim3A_911 = vector.broadcast %broadcast_in_dim3A_910 : i32 to vector<16xi32>
      tpu.vector_store_idx %arg5[%add3A_14, %broadcast_in_dim3A_911], %select_n3A_909 : memref<512x16xf32, #tpu.memory_space<vmem>>[vector<16xi32>, vector<16xi32>], vector<16xf32>,
      %broadcast_in_dim3A_912 = arith.constant 101 : i32
      %broadcast_in_dim3A_913 = vector.broadcast %broadcast_in_dim3A_912 : i32 to vector<16xi32>
      %gather3A_914 = tpu.vector_load_idx %arg4[%add3A_14, %broadcast_in_dim3A_913] : memref<512x155xf32, #tpu.memory_space<vmem>>[vector<16xi32>, vector<16xi32>], vector<16xf32>,
      %add3A_915 = arith.constant 1.010000e+02 : f32
      %add3A_916 = vector.broadcast %add3A_915 : f32 to vector<16xf32>
      %add3A_917 = arith.addf %broadcast_in_dim3A_15, %add3A_916 : vector<16xf32>
      %broadcast_in_dim3A_918 = arith.constant 102 : i32
      %broadcast_in_dim3A_919 = vector.broadcast %broadcast_in_dim3A_918 : i32 to vector<16xi32>
      %gather3A_920 = tpu.vector_load_idx %arg4[%add3A_14, %broadcast_in_dim3A_919] : memref<512x155xf32, #tpu.memory_space<vmem>>[vector<16xi32>, vector<16xi32>], vector<16xf32>,
      %gt3A_921 = arith.cmpf ogt, %gather3A_920, %gather3A_914 : vector<16xf32>
      %select_n3A_922 = arith.select %gt3A_921, %gather3A_920, %gather3A_914 : vector<16xi1>, vector<16xf32>
      %add3A_923 = arith.constant 1.020000e+02 : f32
      %add3A_924 = vector.broadcast %add3A_923 : f32 to vector<16xf32>
      %add3A_925 = arith.addf %broadcast_in_dim3A_15, %add3A_924 : vector<16xf32>
      %select_n3A_926 = arith.select %gt3A_921, %add3A_925, %add3A_917 : vector<16xi1>, vector<16xf32>
      %broadcast_in_dim3A_927 = arith.constant 10 : i32
      %broadcast_in_dim3A_928 = vector.broadcast %broadcast_in_dim3A_927 : i32 to vector<16xi32>
      tpu.vector_store_idx %arg5[%add3A_14, %broadcast_in_dim3A_928], %select_n3A_926 : memref<512x16xf32, #tpu.memory_space<vmem>>[vector<16xi32>, vector<16xi32>], vector<16xf32>,
      %broadcast_in_dim3A_929 = arith.constant 103 : i32
      %broadcast_in_dim3A_930 = vector.broadcast %broadcast_in_dim3A_929 : i32 to vector<16xi32>
      %gather3A_931 = tpu.vector_load_idx %arg4[%add3A_14, %broadcast_in_dim3A_930] : memref<512x155xf32, #tpu.memory_space<vmem>>[vector<16xi32>, vector<16xi32>], vector<16xf32>,
      %add3A_932 = arith.constant 1.030000e+02 : f32
      %add3A_933 = vector.broadcast %add3A_932 : f32 to vector<16xf32>
      %add3A_934 = arith.addf %broadcast_in_dim3A_15, %add3A_933 : vector<16xf32>
      %broadcast_in_dim3A_935 = arith.constant 104 : i32
      %broadcast_in_dim3A_936 = vector.broadcast %broadcast_in_dim3A_935 : i32 to vector<16xi32>
      %gather3A_937 = tpu.vector_load_idx %arg4[%add3A_14, %broadcast_in_dim3A_936] : memref<512x155xf32, #tpu.memory_space<vmem>>[vector<16xi32>, vector<16xi32>], vector<16xf32>,
      %gt3A_938 = arith.cmpf ogt, %gather3A_937, %gather3A_931 : vector<16xf32>
      %select_n3A_939 = arith.select %gt3A_938, %gather3A_937, %gather3A_931 : vector<16xi1>, vector<16xf32>
      %add3A_940 = arith.constant 1.040000e+02 : f32
      %add3A_941 = vector.broadcast %add3A_940 : f32 to vector<16xf32>
      %add3A_942 = arith.addf %broadcast_in_dim3A_15, %add3A_941 : vector<16xf32>
      %select_n3A_943 = arith.select %gt3A_938, %add3A_942, %add3A_934 : vector<16xi1>, vector<16xf32>
      %broadcast_in_dim3A_944 = arith.constant 105 : i32
      %broadcast_in_dim3A_945 = vector.broadcast %broadcast_in_dim3A_944 : i32 to vector<16xi32>
      %gather3A_946 = tpu.vector_load_idx %arg4[%add3A_14, %broadcast_in_dim3A_945] : memref<512x155xf32, #tpu.memory_space<vmem>>[vector<16xi32>, vector<16xi32>], vector<16xf32>,
      %gt3A_947 = arith.cmpf ogt, %gather3A_946, %select_n3A_939 : vector<16xf32>
      %select_n3A_948 = arith.select %gt3A_947, %gather3A_946, %select_n3A_939 : vector<16xi1>, vector<16xf32>
      %add3A_949 = arith.constant 1.050000e+02 : f32
      %add3A_950 = vector.broadcast %add3A_949 : f32 to vector<16xf32>
      %add3A_951 = arith.addf %broadcast_in_dim3A_15, %add3A_950 : vector<16xf32>
      %select_n3A_952 = arith.select %gt3A_947, %add3A_951, %select_n3A_943 : vector<16xi1>, vector<16xf32>
      %broadcast_in_dim3A_953 = arith.constant 106 : i32
      %broadcast_in_dim3A_954 = vector.broadcast %broadcast_in_dim3A_953 : i32 to vector<16xi32>
      %gather3A_955 = tpu.vector_load_idx %arg4[%add3A_14, %broadcast_in_dim3A_954] : memref<512x155xf32, #tpu.memory_space<vmem>>[vector<16xi32>, vector<16xi32>], vector<16xf32>,
      %gt3A_956 = arith.cmpf ogt, %gather3A_955, %select_n3A_948 : vector<16xf32>
      %select_n3A_957 = arith.select %gt3A_956, %gather3A_955, %select_n3A_948 : vector<16xi1>, vector<16xf32>
      %add3A_958 = arith.constant 1.060000e+02 : f32
      %add3A_959 = vector.broadcast %add3A_958 : f32 to vector<16xf32>
      %add3A_960 = arith.addf %broadcast_in_dim3A_15, %add3A_959 : vector<16xf32>
      %select_n3A_961 = arith.select %gt3A_956, %add3A_960, %select_n3A_952 : vector<16xi1>, vector<16xf32>
      %broadcast_in_dim3A_962 = arith.constant 107 : i32
      %broadcast_in_dim3A_963 = vector.broadcast %broadcast_in_dim3A_962 : i32 to vector<16xi32>
      %gather3A_964 = tpu.vector_load_idx %arg4[%add3A_14, %broadcast_in_dim3A_963] : memref<512x155xf32, #tpu.memory_space<vmem>>[vector<16xi32>, vector<16xi32>], vector<16xf32>,
      %gt3A_965 = arith.cmpf ogt, %gather3A_964, %select_n3A_957 : vector<16xf32>
      %select_n3A_966 = arith.select %gt3A_965, %gather3A_964, %select_n3A_957 : vector<16xi1>, vector<16xf32>
      %add3A_967 = arith.constant 1.070000e+02 : f32
      %add3A_968 = vector.broadcast %add3A_967 : f32 to vector<16xf32>
      %add3A_969 = arith.addf %broadcast_in_dim3A_15, %add3A_968 : vector<16xf32>
      %select_n3A_970 = arith.select %gt3A_965, %add3A_969, %select_n3A_961 : vector<16xi1>, vector<16xf32>
      %broadcast_in_dim3A_971 = arith.constant 108 : i32
      %broadcast_in_dim3A_972 = vector.broadcast %broadcast_in_dim3A_971 : i32 to vector<16xi32>
      %gather3A_973 = tpu.vector_load_idx %arg4[%add3A_14, %broadcast_in_dim3A_972] : memref<512x155xf32, #tpu.memory_space<vmem>>[vector<16xi32>, vector<16xi32>], vector<16xf32>,
      %gt3A_974 = arith.cmpf ogt, %gather3A_973, %select_n3A_966 : vector<16xf32>
      %select_n3A_975 = arith.select %gt3A_974, %gather3A_973, %select_n3A_966 : vector<16xi1>, vector<16xf32>
      %add3A_976 = arith.constant 1.080000e+02 : f32
      %add3A_977 = vector.broadcast %add3A_976 : f32 to vector<16xf32>
      %add3A_978 = arith.addf %broadcast_in_dim3A_15, %add3A_977 : vector<16xf32>
      %select_n3A_979 = arith.select %gt3A_974, %add3A_978, %select_n3A_970 : vector<16xi1>, vector<16xf32>
      %broadcast_in_dim3A_980 = arith.constant 109 : i32
      %broadcast_in_dim3A_981 = vector.broadcast %broadcast_in_dim3A_980 : i32 to vector<16xi32>
      %gather3A_982 = tpu.vector_load_idx %arg4[%add3A_14, %broadcast_in_dim3A_981] : memref<512x155xf32, #tpu.memory_space<vmem>>[vector<16xi32>, vector<16xi32>], vector<16xf32>,
      %gt3A_983 = arith.cmpf ogt, %gather3A_982, %select_n3A_975 : vector<16xf32>
      %select_n3A_984 = arith.select %gt3A_983, %gather3A_982, %select_n3A_975 : vector<16xi1>, vector<16xf32>
      %add3A_985 = arith.constant 1.090000e+02 : f32
      %add3A_986 = vector.broadcast %add3A_985 : f32 to vector<16xf32>
      %add3A_987 = arith.addf %broadcast_in_dim3A_15, %add3A_986 : vector<16xf32>
      %select_n3A_988 = arith.select %gt3A_983, %add3A_987, %select_n3A_979 : vector<16xi1>, vector<16xf32>
      %broadcast_in_dim3A_989 = arith.constant 110 : i32
      %broadcast_in_dim3A_990 = vector.broadcast %broadcast_in_dim3A_989 : i32 to vector<16xi32>
      %gather3A_991 = tpu.vector_load_idx %arg4[%add3A_14, %broadcast_in_dim3A_990] : memref<512x155xf32, #tpu.memory_space<vmem>>[vector<16xi32>, vector<16xi32>], vector<16xf32>,
      %gt3A_992 = arith.cmpf ogt, %gather3A_991, %select_n3A_984 : vector<16xf32>
      %select_n3A_993 = arith.select %gt3A_992, %gather3A_991, %select_n3A_984 : vector<16xi1>, vector<16xf32>
      %add3A_994 = arith.constant 1.100000e+02 : f32
      %add3A_995 = vector.broadcast %add3A_994 : f32 to vector<16xf32>
      %add3A_996 = arith.addf %broadcast_in_dim3A_15, %add3A_995 : vector<16xf32>
      %select_n3A_997 = arith.select %gt3A_992, %add3A_996, %select_n3A_988 : vector<16xi1>, vector<16xf32>
      %broadcast_in_dim3A_998 = arith.constant 111 : i32
      %broadcast_in_dim3A_999 = vector.broadcast %broadcast_in_dim3A_998 : i32 to vector<16xi32>
      %gather3A_1000 = tpu.vector_load_idx %arg4[%add3A_14, %broadcast_in_dim3A_999] : memref<512x155xf32, #tpu.memory_space<vmem>>[vector<16xi32>, vector<16xi32>], vector<16xf32>,
      %gt3A_1001 = arith.cmpf ogt, %gather3A_1000, %select_n3A_993 : vector<16xf32>
      %select_n3A_1002 = arith.select %gt3A_1001, %gather3A_1000, %select_n3A_993 : vector<16xi1>, vector<16xf32>
      %add3A_1003 = arith.constant 1.110000e+02 : f32
      %add3A_1004 = vector.broadcast %add3A_1003 : f32 to vector<16xf32>
      %add3A_1005 = arith.addf %broadcast_in_dim3A_15, %add3A_1004 : vector<16xf32>
      %select_n3A_1006 = arith.select %gt3A_1001, %add3A_1005, %select_n3A_997 : vector<16xi1>, vector<16xf32>
      %broadcast_in_dim3A_1007 = arith.constant 112 : i32
      %broadcast_in_dim3A_1008 = vector.broadcast %broadcast_in_dim3A_1007 : i32 to vector<16xi32>
      %gather3A_1009 = tpu.vector_load_idx %arg4[%add3A_14, %broadcast_in_dim3A_1008] : memref<512x155xf32, #tpu.memory_space<vmem>>[vector<16xi32>, vector<16xi32>], vector<16xf32>,
      %gt3A_1010 = arith.cmpf ogt, %gather3A_1009, %select_n3A_1002 : vector<16xf32>
      %select_n3A_1011 = arith.select %gt3A_1010, %gather3A_1009, %select_n3A_1002 : vector<16xi1>, vector<16xf32>
      %add3A_1012 = arith.constant 1.120000e+02 : f32
      %add3A_1013 = vector.broadcast %add3A_1012 : f32 to vector<16xf32>
      %add3A_1014 = arith.addf %broadcast_in_dim3A_15, %add3A_1013 : vector<16xf32>
      %select_n3A_1015 = arith.select %gt3A_1010, %add3A_1014, %select_n3A_1006 : vector<16xi1>, vector<16xf32>
      %broadcast_in_dim3A_1016 = arith.constant 113 : i32
      %broadcast_in_dim3A_1017 = vector.broadcast %broadcast_in_dim3A_1016 : i32 to vector<16xi32>
      %gather3A_1018 = tpu.vector_load_idx %arg4[%add3A_14, %broadcast_in_dim3A_1017] : memref<512x155xf32, #tpu.memory_space<vmem>>[vector<16xi32>, vector<16xi32>], vector<16xf32>,
      %gt3A_1019 = arith.cmpf ogt, %gather3A_1018, %select_n3A_1011 : vector<16xf32>
      %select_n3A_1020 = arith.select %gt3A_1019, %gather3A_1018, %select_n3A_1011 : vector<16xi1>, vector<16xf32>
      %add3A_1021 = arith.constant 1.130000e+02 : f32
      %add3A_1022 = vector.broadcast %add3A_1021 : f32 to vector<16xf32>
      %add3A_1023 = arith.addf %broadcast_in_dim3A_15, %add3A_1022 : vector<16xf32>
      %select_n3A_1024 = arith.select %gt3A_1019, %add3A_1023, %select_n3A_1015 : vector<16xi1>, vector<16xf32>
      %broadcast_in_dim3A_1025 = arith.constant 114 : i32
      %broadcast_in_dim3A_1026 = vector.broadcast %broadcast_in_dim3A_1025 : i32 to vector<16xi32>
      %gather3A_1027 = tpu.vector_load_idx %arg4[%add3A_14, %broadcast_in_dim3A_1026] : memref<512x155xf32, #tpu.memory_space<vmem>>[vector<16xi32>, vector<16xi32>], vector<16xf32>,
      %gt3A_1028 = arith.cmpf ogt, %gather3A_1027, %select_n3A_1020 : vector<16xf32>
      %select_n3A_1029 = arith.select %gt3A_1028, %gather3A_1027, %select_n3A_1020 : vector<16xi1>, vector<16xf32>
      %add3A_1030 = arith.constant 1.140000e+02 : f32
      %add3A_1031 = vector.broadcast %add3A_1030 : f32 to vector<16xf32>
      %add3A_1032 = arith.addf %broadcast_in_dim3A_15, %add3A_1031 : vector<16xf32>
      %select_n3A_1033 = arith.select %gt3A_1028, %add3A_1032, %select_n3A_1024 : vector<16xi1>, vector<16xf32>
      %broadcast_in_dim3A_1034 = arith.constant 115 : i32
      %broadcast_in_dim3A_1035 = vector.broadcast %broadcast_in_dim3A_1034 : i32 to vector<16xi32>
      %gather3A_1036 = tpu.vector_load_idx %arg4[%add3A_14, %broadcast_in_dim3A_1035] : memref<512x155xf32, #tpu.memory_space<vmem>>[vector<16xi32>, vector<16xi32>], vector<16xf32>,
      %gt3A_1037 = arith.cmpf ogt, %gather3A_1036, %select_n3A_1029 : vector<16xf32>
      %select_n3A_1038 = arith.select %gt3A_1037, %gather3A_1036, %select_n3A_1029 : vector<16xi1>, vector<16xf32>
      %add3A_1039 = arith.constant 1.150000e+02 : f32
      %add3A_1040 = vector.broadcast %add3A_1039 : f32 to vector<16xf32>
      %add3A_1041 = arith.addf %broadcast_in_dim3A_15, %add3A_1040 : vector<16xf32>
      %select_n3A_1042 = arith.select %gt3A_1037, %add3A_1041, %select_n3A_1033 : vector<16xi1>, vector<16xf32>
      %broadcast_in_dim3A_1043 = arith.constant 116 : i32
      %broadcast_in_dim3A_1044 = vector.broadcast %broadcast_in_dim3A_1043 : i32 to vector<16xi32>
      %gather3A_1045 = tpu.vector_load_idx %arg4[%add3A_14, %broadcast_in_dim3A_1044] : memref<512x155xf32, #tpu.memory_space<vmem>>[vector<16xi32>, vector<16xi32>], vector<16xf32>,
      %gt3A_1046 = arith.cmpf ogt, %gather3A_1045, %select_n3A_1038 : vector<16xf32>
      %select_n3A_1047 = arith.select %gt3A_1046, %gather3A_1045, %select_n3A_1038 : vector<16xi1>, vector<16xf32>
      %add3A_1048 = arith.constant 1.160000e+02 : f32
      %add3A_1049 = vector.broadcast %add3A_1048 : f32 to vector<16xf32>
      %add3A_1050 = arith.addf %broadcast_in_dim3A_15, %add3A_1049 : vector<16xf32>
      %select_n3A_1051 = arith.select %gt3A_1046, %add3A_1050, %select_n3A_1042 : vector<16xi1>, vector<16xf32>
      %broadcast_in_dim3A_1052 = arith.constant 117 : i32
      %broadcast_in_dim3A_1053 = vector.broadcast %broadcast_in_dim3A_1052 : i32 to vector<16xi32>
      %gather3A_1054 = tpu.vector_load_idx %arg4[%add3A_14, %broadcast_in_dim3A_1053] : memref<512x155xf32, #tpu.memory_space<vmem>>[vector<16xi32>, vector<16xi32>], vector<16xf32>,
      %gt3A_1055 = arith.cmpf ogt, %gather3A_1054, %select_n3A_1047 : vector<16xf32>
      %select_n3A_1056 = arith.select %gt3A_1055, %gather3A_1054, %select_n3A_1047 : vector<16xi1>, vector<16xf32>
      %add3A_1057 = arith.constant 1.170000e+02 : f32
      %add3A_1058 = vector.broadcast %add3A_1057 : f32 to vector<16xf32>
      %add3A_1059 = arith.addf %broadcast_in_dim3A_15, %add3A_1058 : vector<16xf32>
      %select_n3A_1060 = arith.select %gt3A_1055, %add3A_1059, %select_n3A_1051 : vector<16xi1>, vector<16xf32>
      %broadcast_in_dim3A_1061 = arith.constant 118 : i32
      %broadcast_in_dim3A_1062 = vector.broadcast %broadcast_in_dim3A_1061 : i32 to vector<16xi32>
      %gather3A_1063 = tpu.vector_load_idx %arg4[%add3A_14, %broadcast_in_dim3A_1062] : memref<512x155xf32, #tpu.memory_space<vmem>>[vector<16xi32>, vector<16xi32>], vector<16xf32>,
      %gt3A_1064 = arith.cmpf ogt, %gather3A_1063, %select_n3A_1056 : vector<16xf32>
      %select_n3A_1065 = arith.select %gt3A_1064, %gather3A_1063, %select_n3A_1056 : vector<16xi1>, vector<16xf32>
      %add3A_1066 = arith.constant 1.180000e+02 : f32
      %add3A_1067 = vector.broadcast %add3A_1066 : f32 to vector<16xf32>
      %add3A_1068 = arith.addf %broadcast_in_dim3A_15, %add3A_1067 : vector<16xf32>
      %select_n3A_1069 = arith.select %gt3A_1064, %add3A_1068, %select_n3A_1060 : vector<16xi1>, vector<16xf32>
      %broadcast_in_dim3A_1070 = arith.constant 119 : i32
      %broadcast_in_dim3A_1071 = vector.broadcast %broadcast_in_dim3A_1070 : i32 to vector<16xi32>
      %gather3A_1072 = tpu.vector_load_idx %arg4[%add3A_14, %broadcast_in_dim3A_1071] : memref<512x155xf32, #tpu.memory_space<vmem>>[vector<16xi32>, vector<16xi32>], vector<16xf32>,
      %gt3A_1073 = arith.cmpf ogt, %gather3A_1072, %select_n3A_1065 : vector<16xf32>
      %select_n3A_1074 = arith.select %gt3A_1073, %gather3A_1072, %select_n3A_1065 : vector<16xi1>, vector<16xf32>
      %add3A_1075 = arith.constant 1.190000e+02 : f32
      %add3A_1076 = vector.broadcast %add3A_1075 : f32 to vector<16xf32>
      %add3A_1077 = arith.addf %broadcast_in_dim3A_15, %add3A_1076 : vector<16xf32>
      %select_n3A_1078 = arith.select %gt3A_1073, %add3A_1077, %select_n3A_1069 : vector<16xi1>, vector<16xf32>
      %broadcast_in_dim3A_1079 = arith.constant 120 : i32
      %broadcast_in_dim3A_1080 = vector.broadcast %broadcast_in_dim3A_1079 : i32 to vector<16xi32>
      %gather3A_1081 = tpu.vector_load_idx %arg4[%add3A_14, %broadcast_in_dim3A_1080] : memref<512x155xf32, #tpu.memory_space<vmem>>[vector<16xi32>, vector<16xi32>], vector<16xf32>,
      %gt3A_1082 = arith.cmpf ogt, %gather3A_1081, %select_n3A_1074 : vector<16xf32>
      %select_n3A_1083 = arith.select %gt3A_1082, %gather3A_1081, %select_n3A_1074 : vector<16xi1>, vector<16xf32>
      %add3A_1084 = arith.constant 1.200000e+02 : f32
      %add3A_1085 = vector.broadcast %add3A_1084 : f32 to vector<16xf32>
      %add3A_1086 = arith.addf %broadcast_in_dim3A_15, %add3A_1085 : vector<16xf32>
      %select_n3A_1087 = arith.select %gt3A_1082, %add3A_1086, %select_n3A_1078 : vector<16xi1>, vector<16xf32>
      %broadcast_in_dim3A_1088 = arith.constant 121 : i32
      %broadcast_in_dim3A_1089 = vector.broadcast %broadcast_in_dim3A_1088 : i32 to vector<16xi32>
      %gather3A_1090 = tpu.vector_load_idx %arg4[%add3A_14, %broadcast_in_dim3A_1089] : memref<512x155xf32, #tpu.memory_space<vmem>>[vector<16xi32>, vector<16xi32>], vector<16xf32>,
      %gt3A_1091 = arith.cmpf ogt, %gather3A_1090, %select_n3A_1083 : vector<16xf32>
      %select_n3A_1092 = arith.select %gt3A_1091, %gather3A_1090, %select_n3A_1083 : vector<16xi1>, vector<16xf32>
      %add3A_1093 = arith.constant 1.210000e+02 : f32
      %add3A_1094 = vector.broadcast %add3A_1093 : f32 to vector<16xf32>
      %add3A_1095 = arith.addf %broadcast_in_dim3A_15, %add3A_1094 : vector<16xf32>
      %select_n3A_1096 = arith.select %gt3A_1091, %add3A_1095, %select_n3A_1087 : vector<16xi1>, vector<16xf32>
      %broadcast_in_dim3A_1097 = arith.constant 122 : i32
      %broadcast_in_dim3A_1098 = vector.broadcast %broadcast_in_dim3A_1097 : i32 to vector<16xi32>
      %gather3A_1099 = tpu.vector_load_idx %arg4[%add3A_14, %broadcast_in_dim3A_1098] : memref<512x155xf32, #tpu.memory_space<vmem>>[vector<16xi32>, vector<16xi32>], vector<16xf32>,
      %gt3A_1100 = arith.cmpf ogt, %gather3A_1099, %select_n3A_1092 : vector<16xf32>
      %select_n3A_1101 = arith.select %gt3A_1100, %gather3A_1099, %select_n3A_1092 : vector<16xi1>, vector<16xf32>
      %add3A_1102 = arith.constant 1.220000e+02 : f32
      %add3A_1103 = vector.broadcast %add3A_1102 : f32 to vector<16xf32>
      %add3A_1104 = arith.addf %broadcast_in_dim3A_15, %add3A_1103 : vector<16xf32>
      %select_n3A_1105 = arith.select %gt3A_1100, %add3A_1104, %select_n3A_1096 : vector<16xi1>, vector<16xf32>
      %broadcast_in_dim3A_1106 = arith.constant 123 : i32
      %broadcast_in_dim3A_1107 = vector.broadcast %broadcast_in_dim3A_1106 : i32 to vector<16xi32>
      %gather3A_1108 = tpu.vector_load_idx %arg4[%add3A_14, %broadcast_in_dim3A_1107] : memref<512x155xf32, #tpu.memory_space<vmem>>[vector<16xi32>, vector<16xi32>], vector<16xf32>,
      %gt3A_1109 = arith.cmpf ogt, %gather3A_1108, %select_n3A_1101 : vector<16xf32>
      %select_n3A_1110 = arith.select %gt3A_1109, %gather3A_1108, %select_n3A_1101 : vector<16xi1>, vector<16xf32>
      %add3A_1111 = arith.constant 1.230000e+02 : f32
      %add3A_1112 = vector.broadcast %add3A_1111 : f32 to vector<16xf32>
      %add3A_1113 = arith.addf %broadcast_in_dim3A_15, %add3A_1112 : vector<16xf32>
      %select_n3A_1114 = arith.select %gt3A_1109, %add3A_1113, %select_n3A_1105 : vector<16xi1>, vector<16xf32>
      %broadcast_in_dim3A_1115 = arith.constant 11 : i32
      %broadcast_in_dim3A_1116 = vector.broadcast %broadcast_in_dim3A_1115 : i32 to vector<16xi32>
      tpu.vector_store_idx %arg5[%add3A_14, %broadcast_in_dim3A_1116], %select_n3A_1114 : memref<512x16xf32, #tpu.memory_space<vmem>>[vector<16xi32>, vector<16xi32>], vector<16xf32>,
      %broadcast_in_dim3A_1117 = arith.constant 124 : i32
      %broadcast_in_dim3A_1118 = vector.broadcast %broadcast_in_dim3A_1117 : i32 to vector<16xi32>
      %gather3A_1119 = tpu.vector_load_idx %arg4[%add3A_14, %broadcast_in_dim3A_1118] : memref<512x155xf32, #tpu.memory_space<vmem>>[vector<16xi32>, vector<16xi32>], vector<16xf32>,
      %add3A_1120 = arith.constant 1.240000e+02 : f32
      %add3A_1121 = vector.broadcast %add3A_1120 : f32 to vector<16xf32>
      %add3A_1122 = arith.addf %broadcast_in_dim3A_15, %add3A_1121 : vector<16xf32>
      %broadcast_in_dim3A_1123 = arith.constant 125 : i32
      %broadcast_in_dim3A_1124 = vector.broadcast %broadcast_in_dim3A_1123 : i32 to vector<16xi32>
      %gather3A_1125 = tpu.vector_load_idx %arg4[%add3A_14, %broadcast_in_dim3A_1124] : memref<512x155xf32, #tpu.memory_space<vmem>>[vector<16xi32>, vector<16xi32>], vector<16xf32>,
      %gt3A_1126 = arith.cmpf ogt, %gather3A_1125, %gather3A_1119 : vector<16xf32>
      %select_n3A_1127 = arith.select %gt3A_1126, %gather3A_1125, %gather3A_1119 : vector<16xi1>, vector<16xf32>
      %add3A_1128 = arith.constant 1.250000e+02 : f32
      %add3A_1129 = vector.broadcast %add3A_1128 : f32 to vector<16xf32>
      %add3A_1130 = arith.addf %broadcast_in_dim3A_15, %add3A_1129 : vector<16xf32>
      %select_n3A_1131 = arith.select %gt3A_1126, %add3A_1130, %add3A_1122 : vector<16xi1>, vector<16xf32>
      %broadcast_in_dim3A_1132 = arith.constant 12 : i32
      %broadcast_in_dim3A_1133 = vector.broadcast %broadcast_in_dim3A_1132 : i32 to vector<16xi32>
      tpu.vector_store_idx %arg5[%add3A_14, %broadcast_in_dim3A_1133], %select_n3A_1131 : memref<512x16xf32, #tpu.memory_space<vmem>>[vector<16xi32>, vector<16xi32>], vector<16xf32>,
      %broadcast_in_dim3A_1134 = arith.constant 126 : i32
      %broadcast_in_dim3A_1135 = vector.broadcast %broadcast_in_dim3A_1134 : i32 to vector<16xi32>
      %gather3A_1136 = tpu.vector_load_idx %arg4[%add3A_14, %broadcast_in_dim3A_1135] : memref<512x155xf32, #tpu.memory_space<vmem>>[vector<16xi32>, vector<16xi32>], vector<16xf32>,
      %add3A_1137 = arith.constant 1.260000e+02 : f32
      %add3A_1138 = vector.broadcast %add3A_1137 : f32 to vector<16xf32>
      %add3A_1139 = arith.addf %broadcast_in_dim3A_15, %add3A_1138 : vector<16xf32>
      %broadcast_in_dim3A_1140 = arith.constant 127 : i32
      %broadcast_in_dim3A_1141 = vector.broadcast %broadcast_in_dim3A_1140 : i32 to vector<16xi32>
      %gather3A_1142 = tpu.vector_load_idx %arg4[%add3A_14, %broadcast_in_dim3A_1141] : memref<512x155xf32, #tpu.memory_space<vmem>>[vector<16xi32>, vector<16xi32>], vector<16xf32>,
      %gt3A_1143 = arith.cmpf ogt, %gather3A_1142, %gather3A_1136 : vector<16xf32>
      %select_n3A_1144 = arith.select %gt3A_1143, %gather3A_1142, %gather3A_1136 : vector<16xi1>, vector<16xf32>
      %add3A_1145 = arith.constant 1.270000e+02 : f32
      %add3A_1146 = vector.broadcast %add3A_1145 : f32 to vector<16xf32>
      %add3A_1147 = arith.addf %broadcast_in_dim3A_15, %add3A_1146 : vector<16xf32>
      %select_n3A_1148 = arith.select %gt3A_1143, %add3A_1147, %add3A_1139 : vector<16xi1>, vector<16xf32>
      %broadcast_in_dim3A_1149 = arith.constant 128 : i32
      %broadcast_in_dim3A_1150 = vector.broadcast %broadcast_in_dim3A_1149 : i32 to vector<16xi32>
      %gather3A_1151 = tpu.vector_load_idx %arg4[%add3A_14, %broadcast_in_dim3A_1150] : memref<512x155xf32, #tpu.memory_space<vmem>>[vector<16xi32>, vector<16xi32>], vector<16xf32>,
      %gt3A_1152 = arith.cmpf ogt, %gather3A_1151, %select_n3A_1144 : vector<16xf32>
      %select_n3A_1153 = arith.select %gt3A_1152, %gather3A_1151, %select_n3A_1144 : vector<16xi1>, vector<16xf32>
      %add3A_1154 = arith.constant 1.280000e+02 : f32
      %add3A_1155 = vector.broadcast %add3A_1154 : f32 to vector<16xf32>
      %add3A_1156 = arith.addf %broadcast_in_dim3A_15, %add3A_1155 : vector<16xf32>
      %select_n3A_1157 = arith.select %gt3A_1152, %add3A_1156, %select_n3A_1148 : vector<16xi1>, vector<16xf32>
      %broadcast_in_dim3A_1158 = arith.constant 13 : i32
      %broadcast_in_dim3A_1159 = vector.broadcast %broadcast_in_dim3A_1158 : i32 to vector<16xi32>
      tpu.vector_store_idx %arg5[%add3A_14, %broadcast_in_dim3A_1159], %select_n3A_1157 : memref<512x16xf32, #tpu.memory_space<vmem>>[vector<16xi32>, vector<16xi32>], vector<16xf32>,
      %broadcast_in_dim3A_1160 = arith.constant 129 : i32
      %broadcast_in_dim3A_1161 = vector.broadcast %broadcast_in_dim3A_1160 : i32 to vector<16xi32>
      %gather3A_1162 = tpu.vector_load_idx %arg4[%add3A_14, %broadcast_in_dim3A_1161] : memref<512x155xf32, #tpu.memory_space<vmem>>[vector<16xi32>, vector<16xi32>], vector<16xf32>,
      %add3A_1163 = arith.constant 1.290000e+02 : f32
      %add3A_1164 = vector.broadcast %add3A_1163 : f32 to vector<16xf32>
      %add3A_1165 = arith.addf %broadcast_in_dim3A_15, %add3A_1164 : vector<16xf32>
      %broadcast_in_dim3A_1166 = arith.constant 130 : i32
      %broadcast_in_dim3A_1167 = vector.broadcast %broadcast_in_dim3A_1166 : i32 to vector<16xi32>
      %gather3A_1168 = tpu.vector_load_idx %arg4[%add3A_14, %broadcast_in_dim3A_1167] : memref<512x155xf32, #tpu.memory_space<vmem>>[vector<16xi32>, vector<16xi32>], vector<16xf32>,
      %gt3A_1169 = arith.cmpf ogt, %gather3A_1168, %gather3A_1162 : vector<16xf32>
      %select_n3A_1170 = arith.select %gt3A_1169, %gather3A_1168, %gather3A_1162 : vector<16xi1>, vector<16xf32>
      %add3A_1171 = arith.constant 1.300000e+02 : f32
      %add3A_1172 = vector.broadcast %add3A_1171 : f32 to vector<16xf32>
      %add3A_1173 = arith.addf %broadcast_in_dim3A_15, %add3A_1172 : vector<16xf32>
      %select_n3A_1174 = arith.select %gt3A_1169, %add3A_1173, %add3A_1165 : vector<16xi1>, vector<16xf32>
      %broadcast_in_dim3A_1175 = arith.constant 131 : i32
      %broadcast_in_dim3A_1176 = vector.broadcast %broadcast_in_dim3A_1175 : i32 to vector<16xi32>
      %gather3A_1177 = tpu.vector_load_idx %arg4[%add3A_14, %broadcast_in_dim3A_1176] : memref<512x155xf32, #tpu.memory_space<vmem>>[vector<16xi32>, vector<16xi32>], vector<16xf32>,
      %gt3A_1178 = arith.cmpf ogt, %gather3A_1177, %select_n3A_1170 : vector<16xf32>
      %select_n3A_1179 = arith.select %gt3A_1178, %gather3A_1177, %select_n3A_1170 : vector<16xi1>, vector<16xf32>
      %add3A_1180 = arith.constant 1.310000e+02 : f32
      %add3A_1181 = vector.broadcast %add3A_1180 : f32 to vector<16xf32>
      %add3A_1182 = arith.addf %broadcast_in_dim3A_15, %add3A_1181 : vector<16xf32>
      %select_n3A_1183 = arith.select %gt3A_1178, %add3A_1182, %select_n3A_1174 : vector<16xi1>, vector<16xf32>
      %broadcast_in_dim3A_1184 = arith.constant 14 : i32
      %broadcast_in_dim3A_1185 = vector.broadcast %broadcast_in_dim3A_1184 : i32 to vector<16xi32>
      tpu.vector_store_idx %arg5[%add3A_14, %broadcast_in_dim3A_1185], %select_n3A_1183 : memref<512x16xf32, #tpu.memory_space<vmem>>[vector<16xi32>, vector<16xi32>], vector<16xf32>,
      %broadcast_in_dim3A_1186 = arith.constant 15 : i32
      %broadcast_in_dim3A_1187 = vector.broadcast %broadcast_in_dim3A_1186 : i32 to vector<16xi32>
      tpu.vector_store_idx %arg5[%add3A_14, %broadcast_in_dim3A_1187], %broadcast_in_dim3A_15 : memref<512x16xf32, #tpu.memory_space<vmem>>[vector<16xi32>, vector<16xi32>], vector<16xf32>,
      %mul3A_1188 = arith.constant 2 : i32
      %mul3A_1189 = arith.muli %mul3A_1188, %scan3A_8 : i32
      %add3A_1190 = arith.constant 1 : i32
      %add3A_1191 = arith.addi %mul3A_1189, %add3A_1190 : i32
      %mul3A_1192 = arith.constant 16 : i32
      %mul3A_1193 = arith.muli %add3A_1191, %mul3A_1192 : i32
      %add3A_1194 = vector.broadcast %mul3A_1193 : i32 to vector<16xi32>
      %add3A_1195 = arith.addi %add3A_1194, %iota3A : vector<16xi32>
      %broadcast_in_dim3A_1196 = arith.constant 0.000000e+00 : f32
      %broadcast_in_dim3A_1197 = vector.broadcast %broadcast_in_dim3A_1196 : f32 to vector<16xf32>
      %broadcast_in_dim3A_1198 = arith.constant 0 : i32
      %broadcast_in_dim3A_1199 = vector.broadcast %broadcast_in_dim3A_1198 : i32 to vector<16xi32>
      %gather3A_1200 = tpu.vector_load_idx %arg4[%add3A_1195, %broadcast_in_dim3A_1199] : memref<512x155xf32, #tpu.memory_space<vmem>>[vector<16xi32>, vector<16xi32>], vector<16xf32>,
      %add3A_1201 = arith.constant 0.000000e+00 : f32
      %add3A_1202 = vector.broadcast %add3A_1201 : f32 to vector<16xf32>
      %add3A_1203 = arith.addf %broadcast_in_dim3A_1197, %add3A_1202 : vector<16xf32>
      %broadcast_in_dim3A_1204 = arith.constant 1 : i32
      %broadcast_in_dim3A_1205 = vector.broadcast %broadcast_in_dim3A_1204 : i32 to vector<16xi32>
      %gather3A_1206 = tpu.vector_load_idx %arg4[%add3A_1195, %broadcast_in_dim3A_1205] : memref<512x155xf32, #tpu.memory_space<vmem>>[vector<16xi32>, vector<16xi32>], vector<16xf32>,
      %gt3A_1207 = arith.cmpf ogt, %gather3A_1206, %gather3A_1200 : vector<16xf32>
      %select_n3A_1208 = arith.select %gt3A_1207, %gather3A_1206, %gather3A_1200 : vector<16xi1>, vector<16xf32>
      %add3A_1209 = arith.constant 1.000000e+00 : f32
      %add3A_1210 = vector.broadcast %add3A_1209 : f32 to vector<16xf32>
      %add3A_1211 = arith.addf %broadcast_in_dim3A_1197, %add3A_1210 : vector<16xf32>
      %select_n3A_1212 = arith.select %gt3A_1207, %add3A_1211, %add3A_1203 : vector<16xi1>, vector<16xf32>
      %broadcast_in_dim3A_1213 = arith.constant 2 : i32
      %broadcast_in_dim3A_1214 = vector.broadcast %broadcast_in_dim3A_1213 : i32 to vector<16xi32>
      %gather3A_1215 = tpu.vector_load_idx %arg4[%add3A_1195, %broadcast_in_dim3A_1214] : memref<512x155xf32, #tpu.memory_space<vmem>>[vector<16xi32>, vector<16xi32>], vector<16xf32>,
      %gt3A_1216 = arith.cmpf ogt, %gather3A_1215, %select_n3A_1208 : vector<16xf32>
      %select_n3A_1217 = arith.select %gt3A_1216, %gather3A_1215, %select_n3A_1208 : vector<16xi1>, vector<16xf32>
      %add3A_1218 = arith.constant 2.000000e+00 : f32
      %add3A_1219 = vector.broadcast %add3A_1218 : f32 to vector<16xf32>
      %add3A_1220 = arith.addf %broadcast_in_dim3A_1197, %add3A_1219 : vector<16xf32>
      %select_n3A_1221 = arith.select %gt3A_1216, %add3A_1220, %select_n3A_1212 : vector<16xi1>, vector<16xf32>
      %broadcast_in_dim3A_1222 = arith.constant 3 : i32
      %broadcast_in_dim3A_1223 = vector.broadcast %broadcast_in_dim3A_1222 : i32 to vector<16xi32>
      %gather3A_1224 = tpu.vector_load_idx %arg4[%add3A_1195, %broadcast_in_dim3A_1223] : memref<512x155xf32, #tpu.memory_space<vmem>>[vector<16xi32>, vector<16xi32>], vector<16xf32>,
      %gt3A_1225 = arith.cmpf ogt, %gather3A_1224, %select_n3A_1217 : vector<16xf32>
      %select_n3A_1226 = arith.select %gt3A_1225, %gather3A_1224, %select_n3A_1217 : vector<16xi1>, vector<16xf32>
      %add3A_1227 = arith.constant 3.000000e+00 : f32
      %add3A_1228 = vector.broadcast %add3A_1227 : f32 to vector<16xf32>
      %add3A_1229 = arith.addf %broadcast_in_dim3A_1197, %add3A_1228 : vector<16xf32>
      %select_n3A_1230 = arith.select %gt3A_1225, %add3A_1229, %select_n3A_1221 : vector<16xi1>, vector<16xf32>
      %broadcast_in_dim3A_1231 = arith.constant 4 : i32
      %broadcast_in_dim3A_1232 = vector.broadcast %broadcast_in_dim3A_1231 : i32 to vector<16xi32>
      %gather3A_1233 = tpu.vector_load_idx %arg4[%add3A_1195, %broadcast_in_dim3A_1232] : memref<512x155xf32, #tpu.memory_space<vmem>>[vector<16xi32>, vector<16xi32>], vector<16xf32>,
      %gt3A_1234 = arith.cmpf ogt, %gather3A_1233, %select_n3A_1226 : vector<16xf32>
      %select_n3A_1235 = arith.select %gt3A_1234, %gather3A_1233, %select_n3A_1226 : vector<16xi1>, vector<16xf32>
      %add3A_1236 = arith.constant 4.000000e+00 : f32
      %add3A_1237 = vector.broadcast %add3A_1236 : f32 to vector<16xf32>
      %add3A_1238 = arith.addf %broadcast_in_dim3A_1197, %add3A_1237 : vector<16xf32>
      %select_n3A_1239 = arith.select %gt3A_1234, %add3A_1238, %select_n3A_1230 : vector<16xi1>, vector<16xf32>
      %broadcast_in_dim3A_1240 = arith.constant 0 : i32
      %broadcast_in_dim3A_1241 = vector.broadcast %broadcast_in_dim3A_1240 : i32 to vector<16xi32>
      tpu.vector_store_idx %arg5[%add3A_1195, %broadcast_in_dim3A_1241], %select_n3A_1239 : memref<512x16xf32, #tpu.memory_space<vmem>>[vector<16xi32>, vector<16xi32>], vector<16xf32>,
      %broadcast_in_dim3A_1242 = arith.constant 5 : i32
      %broadcast_in_dim3A_1243 = vector.broadcast %broadcast_in_dim3A_1242 : i32 to vector<16xi32>
      %gather3A_1244 = tpu.vector_load_idx %arg4[%add3A_1195, %broadcast_in_dim3A_1243] : memref<512x155xf32, #tpu.memory_space<vmem>>[vector<16xi32>, vector<16xi32>], vector<16xf32>,
      %add3A_1245 = arith.constant 5.000000e+00 : f32
      %add3A_1246 = vector.broadcast %add3A_1245 : f32 to vector<16xf32>
      %add3A_1247 = arith.addf %broadcast_in_dim3A_1197, %add3A_1246 : vector<16xf32>
      %broadcast_in_dim3A_1248 = arith.constant 6 : i32
      %broadcast_in_dim3A_1249 = vector.broadcast %broadcast_in_dim3A_1248 : i32 to vector<16xi32>
      %gather3A_1250 = tpu.vector_load_idx %arg4[%add3A_1195, %broadcast_in_dim3A_1249] : memref<512x155xf32, #tpu.memory_space<vmem>>[vector<16xi32>, vector<16xi32>], vector<16xf32>,
      %gt3A_1251 = arith.cmpf ogt, %gather3A_1250, %gather3A_1244 : vector<16xf32>
      %select_n3A_1252 = arith.select %gt3A_1251, %gather3A_1250, %gather3A_1244 : vector<16xi1>, vector<16xf32>
      %add3A_1253 = arith.constant 6.000000e+00 : f32
      %add3A_1254 = vector.broadcast %add3A_1253 : f32 to vector<16xf32>
      %add3A_1255 = arith.addf %broadcast_in_dim3A_1197, %add3A_1254 : vector<16xf32>
      %select_n3A_1256 = arith.select %gt3A_1251, %add3A_1255, %add3A_1247 : vector<16xi1>, vector<16xf32>
      %broadcast_in_dim3A_1257 = arith.constant 1 : i32
      %broadcast_in_dim3A_1258 = vector.broadcast %broadcast_in_dim3A_1257 : i32 to vector<16xi32>
      tpu.vector_store_idx %arg5[%add3A_1195, %broadcast_in_dim3A_1258], %select_n3A_1256 : memref<512x16xf32, #tpu.memory_space<vmem>>[vector<16xi32>, vector<16xi32>], vector<16xf32>,
      %broadcast_in_dim3A_1259 = arith.constant 7 : i32
      %broadcast_in_dim3A_1260 = vector.broadcast %broadcast_in_dim3A_1259 : i32 to vector<16xi32>
      %gather3A_1261 = tpu.vector_load_idx %arg4[%add3A_1195, %broadcast_in_dim3A_1260] : memref<512x155xf32, #tpu.memory_space<vmem>>[vector<16xi32>, vector<16xi32>], vector<16xf32>,
      %add3A_1262 = arith.constant 7.000000e+00 : f32
      %add3A_1263 = vector.broadcast %add3A_1262 : f32 to vector<16xf32>
      %add3A_1264 = arith.addf %broadcast_in_dim3A_1197, %add3A_1263 : vector<16xf32>
      %broadcast_in_dim3A_1265 = arith.constant 8 : i32
      %broadcast_in_dim3A_1266 = vector.broadcast %broadcast_in_dim3A_1265 : i32 to vector<16xi32>
      %gather3A_1267 = tpu.vector_load_idx %arg4[%add3A_1195, %broadcast_in_dim3A_1266] : memref<512x155xf32, #tpu.memory_space<vmem>>[vector<16xi32>, vector<16xi32>], vector<16xf32>,
      %gt3A_1268 = arith.cmpf ogt, %gather3A_1267, %gather3A_1261 : vector<16xf32>
      %select_n3A_1269 = arith.select %gt3A_1268, %gather3A_1267, %gather3A_1261 : vector<16xi1>, vector<16xf32>
      %add3A_1270 = arith.constant 8.000000e+00 : f32
      %add3A_1271 = vector.broadcast %add3A_1270 : f32 to vector<16xf32>
      %add3A_1272 = arith.addf %broadcast_in_dim3A_1197, %add3A_1271 : vector<16xf32>
      %select_n3A_1273 = arith.select %gt3A_1268, %add3A_1272, %add3A_1264 : vector<16xi1>, vector<16xf32>
      %broadcast_in_dim3A_1274 = arith.constant 9 : i32
      %broadcast_in_dim3A_1275 = vector.broadcast %broadcast_in_dim3A_1274 : i32 to vector<16xi32>
      %gather3A_1276 = tpu.vector_load_idx %arg4[%add3A_1195, %broadcast_in_dim3A_1275] : memref<512x155xf32, #tpu.memory_space<vmem>>[vector<16xi32>, vector<16xi32>], vector<16xf32>,
      %gt3A_1277 = arith.cmpf ogt, %gather3A_1276, %select_n3A_1269 : vector<16xf32>
      %select_n3A_1278 = arith.select %gt3A_1277, %gather3A_1276, %select_n3A_1269 : vector<16xi1>, vector<16xf32>
      %add3A_1279 = arith.constant 9.000000e+00 : f32
      %add3A_1280 = vector.broadcast %add3A_1279 : f32 to vector<16xf32>
      %add3A_1281 = arith.addf %broadcast_in_dim3A_1197, %add3A_1280 : vector<16xf32>
      %select_n3A_1282 = arith.select %gt3A_1277, %add3A_1281, %select_n3A_1273 : vector<16xi1>, vector<16xf32>
      %broadcast_in_dim3A_1283 = arith.constant 10 : i32
      %broadcast_in_dim3A_1284 = vector.broadcast %broadcast_in_dim3A_1283 : i32 to vector<16xi32>
      %gather3A_1285 = tpu.vector_load_idx %arg4[%add3A_1195, %broadcast_in_dim3A_1284] : memref<512x155xf32, #tpu.memory_space<vmem>>[vector<16xi32>, vector<16xi32>], vector<16xf32>,
      %gt3A_1286 = arith.cmpf ogt, %gather3A_1285, %select_n3A_1278 : vector<16xf32>
      %select_n3A_1287 = arith.select %gt3A_1286, %gather3A_1285, %select_n3A_1278 : vector<16xi1>, vector<16xf32>
      %add3A_1288 = arith.constant 1.000000e+01 : f32
      %add3A_1289 = vector.broadcast %add3A_1288 : f32 to vector<16xf32>
      %add3A_1290 = arith.addf %broadcast_in_dim3A_1197, %add3A_1289 : vector<16xf32>
      %select_n3A_1291 = arith.select %gt3A_1286, %add3A_1290, %select_n3A_1282 : vector<16xi1>, vector<16xf32>
      %broadcast_in_dim3A_1292 = arith.constant 2 : i32
      %broadcast_in_dim3A_1293 = vector.broadcast %broadcast_in_dim3A_1292 : i32 to vector<16xi32>
      tpu.vector_store_idx %arg5[%add3A_1195, %broadcast_in_dim3A_1293], %select_n3A_1291 : memref<512x16xf32, #tpu.memory_space<vmem>>[vector<16xi32>, vector<16xi32>], vector<16xf32>,
      %broadcast_in_dim3A_1294 = arith.constant 11 : i32
      %broadcast_in_dim3A_1295 = vector.broadcast %broadcast_in_dim3A_1294 : i32 to vector<16xi32>
      %gather3A_1296 = tpu.vector_load_idx %arg4[%add3A_1195, %broadcast_in_dim3A_1295] : memref<512x155xf32, #tpu.memory_space<vmem>>[vector<16xi32>, vector<16xi32>], vector<16xf32>,
      %add3A_1297 = arith.constant 1.100000e+01 : f32
      %add3A_1298 = vector.broadcast %add3A_1297 : f32 to vector<16xf32>
      %add3A_1299 = arith.addf %broadcast_in_dim3A_1197, %add3A_1298 : vector<16xf32>
      %broadcast_in_dim3A_1300 = arith.constant 12 : i32
      %broadcast_in_dim3A_1301 = vector.broadcast %broadcast_in_dim3A_1300 : i32 to vector<16xi32>
      %gather3A_1302 = tpu.vector_load_idx %arg4[%add3A_1195, %broadcast_in_dim3A_1301] : memref<512x155xf32, #tpu.memory_space<vmem>>[vector<16xi32>, vector<16xi32>], vector<16xf32>,
      %gt3A_1303 = arith.cmpf ogt, %gather3A_1302, %gather3A_1296 : vector<16xf32>
      %select_n3A_1304 = arith.select %gt3A_1303, %gather3A_1302, %gather3A_1296 : vector<16xi1>, vector<16xf32>
      %add3A_1305 = arith.constant 1.200000e+01 : f32
      %add3A_1306 = vector.broadcast %add3A_1305 : f32 to vector<16xf32>
      %add3A_1307 = arith.addf %broadcast_in_dim3A_1197, %add3A_1306 : vector<16xf32>
      %select_n3A_1308 = arith.select %gt3A_1303, %add3A_1307, %add3A_1299 : vector<16xi1>, vector<16xf32>
      %broadcast_in_dim3A_1309 = arith.constant 13 : i32
      %broadcast_in_dim3A_1310 = vector.broadcast %broadcast_in_dim3A_1309 : i32 to vector<16xi32>
      %gather3A_1311 = tpu.vector_load_idx %arg4[%add3A_1195, %broadcast_in_dim3A_1310] : memref<512x155xf32, #tpu.memory_space<vmem>>[vector<16xi32>, vector<16xi32>], vector<16xf32>,
      %gt3A_1312 = arith.cmpf ogt, %gather3A_1311, %select_n3A_1304 : vector<16xf32>
      %select_n3A_1313 = arith.select %gt3A_1312, %gather3A_1311, %select_n3A_1304 : vector<16xi1>, vector<16xf32>
      %add3A_1314 = arith.constant 1.300000e+01 : f32
      %add3A_1315 = vector.broadcast %add3A_1314 : f32 to vector<16xf32>
      %add3A_1316 = arith.addf %broadcast_in_dim3A_1197, %add3A_1315 : vector<16xf32>
      %select_n3A_1317 = arith.select %gt3A_1312, %add3A_1316, %select_n3A_1308 : vector<16xi1>, vector<16xf32>
      %broadcast_in_dim3A_1318 = arith.constant 3 : i32
      %broadcast_in_dim3A_1319 = vector.broadcast %broadcast_in_dim3A_1318 : i32 to vector<16xi32>
      tpu.vector_store_idx %arg5[%add3A_1195, %broadcast_in_dim3A_1319], %select_n3A_1317 : memref<512x16xf32, #tpu.memory_space<vmem>>[vector<16xi32>, vector<16xi32>], vector<16xf32>,
      %broadcast_in_dim3A_1320 = arith.constant 14 : i32
      %broadcast_in_dim3A_1321 = vector.broadcast %broadcast_in_dim3A_1320 : i32 to vector<16xi32>
      %gather3A_1322 = tpu.vector_load_idx %arg4[%add3A_1195, %broadcast_in_dim3A_1321] : memref<512x155xf32, #tpu.memory_space<vmem>>[vector<16xi32>, vector<16xi32>], vector<16xf32>,
      %add3A_1323 = arith.constant 1.400000e+01 : f32
      %add3A_1324 = vector.broadcast %add3A_1323 : f32 to vector<16xf32>
      %add3A_1325 = arith.addf %broadcast_in_dim3A_1197, %add3A_1324 : vector<16xf32>
      %broadcast_in_dim3A_1326 = arith.constant 15 : i32
      %broadcast_in_dim3A_1327 = vector.broadcast %broadcast_in_dim3A_1326 : i32 to vector<16xi32>
      %gather3A_1328 = tpu.vector_load_idx %arg4[%add3A_1195, %broadcast_in_dim3A_1327] : memref<512x155xf32, #tpu.memory_space<vmem>>[vector<16xi32>, vector<16xi32>], vector<16xf32>,
      %gt3A_1329 = arith.cmpf ogt, %gather3A_1328, %gather3A_1322 : vector<16xf32>
      %select_n3A_1330 = arith.select %gt3A_1329, %gather3A_1328, %gather3A_1322 : vector<16xi1>, vector<16xf32>
      %add3A_1331 = arith.constant 1.500000e+01 : f32
      %add3A_1332 = vector.broadcast %add3A_1331 : f32 to vector<16xf32>
      %add3A_1333 = arith.addf %broadcast_in_dim3A_1197, %add3A_1332 : vector<16xf32>
      %select_n3A_1334 = arith.select %gt3A_1329, %add3A_1333, %add3A_1325 : vector<16xi1>, vector<16xf32>
      %broadcast_in_dim3A_1335 = arith.constant 4 : i32
      %broadcast_in_dim3A_1336 = vector.broadcast %broadcast_in_dim3A_1335 : i32 to vector<16xi32>
      tpu.vector_store_idx %arg5[%add3A_1195, %broadcast_in_dim3A_1336], %select_n3A_1334 : memref<512x16xf32, #tpu.memory_space<vmem>>[vector<16xi32>, vector<16xi32>], vector<16xf32>,
      %broadcast_in_dim3A_1337 = arith.constant 16 : i32
      %broadcast_in_dim3A_1338 = vector.broadcast %broadcast_in_dim3A_1337 : i32 to vector<16xi32>
      %gather3A_1339 = tpu.vector_load_idx %arg4[%add3A_1195, %broadcast_in_dim3A_1338] : memref<512x155xf32, #tpu.memory_space<vmem>>[vector<16xi32>, vector<16xi32>], vector<16xf32>,
      %add3A_1340 = arith.constant 1.600000e+01 : f32
      %add3A_1341 = vector.broadcast %add3A_1340 : f32 to vector<16xf32>
      %add3A_1342 = arith.addf %broadcast_in_dim3A_1197, %add3A_1341 : vector<16xf32>
      %broadcast_in_dim3A_1343 = arith.constant 17 : i32
      %broadcast_in_dim3A_1344 = vector.broadcast %broadcast_in_dim3A_1343 : i32 to vector<16xi32>
      %gather3A_1345 = tpu.vector_load_idx %arg4[%add3A_1195, %broadcast_in_dim3A_1344] : memref<512x155xf32, #tpu.memory_space<vmem>>[vector<16xi32>, vector<16xi32>], vector<16xf32>,
      %gt3A_1346 = arith.cmpf ogt, %gather3A_1345, %gather3A_1339 : vector<16xf32>
      %select_n3A_1347 = arith.select %gt3A_1346, %gather3A_1345, %gather3A_1339 : vector<16xi1>, vector<16xf32>
      %add3A_1348 = arith.constant 1.700000e+01 : f32
      %add3A_1349 = vector.broadcast %add3A_1348 : f32 to vector<16xf32>
      %add3A_1350 = arith.addf %broadcast_in_dim3A_1197, %add3A_1349 : vector<16xf32>
      %select_n3A_1351 = arith.select %gt3A_1346, %add3A_1350, %add3A_1342 : vector<16xi1>, vector<16xf32>
      %broadcast_in_dim3A_1352 = arith.constant 18 : i32
      %broadcast_in_dim3A_1353 = vector.broadcast %broadcast_in_dim3A_1352 : i32 to vector<16xi32>
      %gather3A_1354 = tpu.vector_load_idx %arg4[%add3A_1195, %broadcast_in_dim3A_1353] : memref<512x155xf32, #tpu.memory_space<vmem>>[vector<16xi32>, vector<16xi32>], vector<16xf32>,
      %gt3A_1355 = arith.cmpf ogt, %gather3A_1354, %select_n3A_1347 : vector<16xf32>
      %select_n3A_1356 = arith.select %gt3A_1355, %gather3A_1354, %select_n3A_1347 : vector<16xi1>, vector<16xf32>
      %add3A_1357 = arith.constant 1.800000e+01 : f32
      %add3A_1358 = vector.broadcast %add3A_1357 : f32 to vector<16xf32>
      %add3A_1359 = arith.addf %broadcast_in_dim3A_1197, %add3A_1358 : vector<16xf32>
      %select_n3A_1360 = arith.select %gt3A_1355, %add3A_1359, %select_n3A_1351 : vector<16xi1>, vector<16xf32>
      %broadcast_in_dim3A_1361 = arith.constant 19 : i32
      %broadcast_in_dim3A_1362 = vector.broadcast %broadcast_in_dim3A_1361 : i32 to vector<16xi32>
      %gather3A_1363 = tpu.vector_load_idx %arg4[%add3A_1195, %broadcast_in_dim3A_1362] : memref<512x155xf32, #tpu.memory_space<vmem>>[vector<16xi32>, vector<16xi32>], vector<16xf32>,
      %gt3A_1364 = arith.cmpf ogt, %gather3A_1363, %select_n3A_1356 : vector<16xf32>
      %select_n3A_1365 = arith.select %gt3A_1364, %gather3A_1363, %select_n3A_1356 : vector<16xi1>, vector<16xf32>
      %add3A_1366 = arith.constant 1.900000e+01 : f32
      %add3A_1367 = vector.broadcast %add3A_1366 : f32 to vector<16xf32>
      %add3A_1368 = arith.addf %broadcast_in_dim3A_1197, %add3A_1367 : vector<16xf32>
      %select_n3A_1369 = arith.select %gt3A_1364, %add3A_1368, %select_n3A_1360 : vector<16xi1>, vector<16xf32>
      %broadcast_in_dim3A_1370 = arith.constant 20 : i32
      %broadcast_in_dim3A_1371 = vector.broadcast %broadcast_in_dim3A_1370 : i32 to vector<16xi32>
      %gather3A_1372 = tpu.vector_load_idx %arg4[%add3A_1195, %broadcast_in_dim3A_1371] : memref<512x155xf32, #tpu.memory_space<vmem>>[vector<16xi32>, vector<16xi32>], vector<16xf32>,
      %gt3A_1373 = arith.cmpf ogt, %gather3A_1372, %select_n3A_1365 : vector<16xf32>
      %select_n3A_1374 = arith.select %gt3A_1373, %gather3A_1372, %select_n3A_1365 : vector<16xi1>, vector<16xf32>
      %add3A_1375 = arith.constant 2.000000e+01 : f32
      %add3A_1376 = vector.broadcast %add3A_1375 : f32 to vector<16xf32>
      %add3A_1377 = arith.addf %broadcast_in_dim3A_1197, %add3A_1376 : vector<16xf32>
      %select_n3A_1378 = arith.select %gt3A_1373, %add3A_1377, %select_n3A_1369 : vector<16xi1>, vector<16xf32>
      %broadcast_in_dim3A_1379 = arith.constant 21 : i32
      %broadcast_in_dim3A_1380 = vector.broadcast %broadcast_in_dim3A_1379 : i32 to vector<16xi32>
      %gather3A_1381 = tpu.vector_load_idx %arg4[%add3A_1195, %broadcast_in_dim3A_1380] : memref<512x155xf32, #tpu.memory_space<vmem>>[vector<16xi32>, vector<16xi32>], vector<16xf32>,
      %gt3A_1382 = arith.cmpf ogt, %gather3A_1381, %select_n3A_1374 : vector<16xf32>
      %select_n3A_1383 = arith.select %gt3A_1382, %gather3A_1381, %select_n3A_1374 : vector<16xi1>, vector<16xf32>
      %add3A_1384 = arith.constant 2.100000e+01 : f32
      %add3A_1385 = vector.broadcast %add3A_1384 : f32 to vector<16xf32>
      %add3A_1386 = arith.addf %broadcast_in_dim3A_1197, %add3A_1385 : vector<16xf32>
      %select_n3A_1387 = arith.select %gt3A_1382, %add3A_1386, %select_n3A_1378 : vector<16xi1>, vector<16xf32>
      %broadcast_in_dim3A_1388 = arith.constant 22 : i32
      %broadcast_in_dim3A_1389 = vector.broadcast %broadcast_in_dim3A_1388 : i32 to vector<16xi32>
      %gather3A_1390 = tpu.vector_load_idx %arg4[%add3A_1195, %broadcast_in_dim3A_1389] : memref<512x155xf32, #tpu.memory_space<vmem>>[vector<16xi32>, vector<16xi32>], vector<16xf32>,
      %gt3A_1391 = arith.cmpf ogt, %gather3A_1390, %select_n3A_1383 : vector<16xf32>
      %select_n3A_1392 = arith.select %gt3A_1391, %gather3A_1390, %select_n3A_1383 : vector<16xi1>, vector<16xf32>
      %add3A_1393 = arith.constant 2.200000e+01 : f32
      %add3A_1394 = vector.broadcast %add3A_1393 : f32 to vector<16xf32>
      %add3A_1395 = arith.addf %broadcast_in_dim3A_1197, %add3A_1394 : vector<16xf32>
      %select_n3A_1396 = arith.select %gt3A_1391, %add3A_1395, %select_n3A_1387 : vector<16xi1>, vector<16xf32>
      %broadcast_in_dim3A_1397 = arith.constant 23 : i32
      %broadcast_in_dim3A_1398 = vector.broadcast %broadcast_in_dim3A_1397 : i32 to vector<16xi32>
      %gather3A_1399 = tpu.vector_load_idx %arg4[%add3A_1195, %broadcast_in_dim3A_1398] : memref<512x155xf32, #tpu.memory_space<vmem>>[vector<16xi32>, vector<16xi32>], vector<16xf32>,
      %gt3A_1400 = arith.cmpf ogt, %gather3A_1399, %select_n3A_1392 : vector<16xf32>
      %select_n3A_1401 = arith.select %gt3A_1400, %gather3A_1399, %select_n3A_1392 : vector<16xi1>, vector<16xf32>
      %add3A_1402 = arith.constant 2.300000e+01 : f32
      %add3A_1403 = vector.broadcast %add3A_1402 : f32 to vector<16xf32>
      %add3A_1404 = arith.addf %broadcast_in_dim3A_1197, %add3A_1403 : vector<16xf32>
      %select_n3A_1405 = arith.select %gt3A_1400, %add3A_1404, %select_n3A_1396 : vector<16xi1>, vector<16xf32>
      %broadcast_in_dim3A_1406 = arith.constant 24 : i32
      %broadcast_in_dim3A_1407 = vector.broadcast %broadcast_in_dim3A_1406 : i32 to vector<16xi32>
      %gather3A_1408 = tpu.vector_load_idx %arg4[%add3A_1195, %broadcast_in_dim3A_1407] : memref<512x155xf32, #tpu.memory_space<vmem>>[vector<16xi32>, vector<16xi32>], vector<16xf32>,
      %gt3A_1409 = arith.cmpf ogt, %gather3A_1408, %select_n3A_1401 : vector<16xf32>
      %select_n3A_1410 = arith.select %gt3A_1409, %gather3A_1408, %select_n3A_1401 : vector<16xi1>, vector<16xf32>
      %add3A_1411 = arith.constant 2.400000e+01 : f32
      %add3A_1412 = vector.broadcast %add3A_1411 : f32 to vector<16xf32>
      %add3A_1413 = arith.addf %broadcast_in_dim3A_1197, %add3A_1412 : vector<16xf32>
      %select_n3A_1414 = arith.select %gt3A_1409, %add3A_1413, %select_n3A_1405 : vector<16xi1>, vector<16xf32>
      %broadcast_in_dim3A_1415 = arith.constant 5 : i32
      %broadcast_in_dim3A_1416 = vector.broadcast %broadcast_in_dim3A_1415 : i32 to vector<16xi32>
      tpu.vector_store_idx %arg5[%add3A_1195, %broadcast_in_dim3A_1416], %select_n3A_1414 : memref<512x16xf32, #tpu.memory_space<vmem>>[vector<16xi32>, vector<16xi32>], vector<16xf32>,
      %broadcast_in_dim3A_1417 = arith.constant 25 : i32
      %broadcast_in_dim3A_1418 = vector.broadcast %broadcast_in_dim3A_1417 : i32 to vector<16xi32>
      %gather3A_1419 = tpu.vector_load_idx %arg4[%add3A_1195, %broadcast_in_dim3A_1418] : memref<512x155xf32, #tpu.memory_space<vmem>>[vector<16xi32>, vector<16xi32>], vector<16xf32>,
      %add3A_1420 = arith.constant 2.500000e+01 : f32
      %add3A_1421 = vector.broadcast %add3A_1420 : f32 to vector<16xf32>
      %add3A_1422 = arith.addf %broadcast_in_dim3A_1197, %add3A_1421 : vector<16xf32>
      %broadcast_in_dim3A_1423 = arith.constant 26 : i32
      %broadcast_in_dim3A_1424 = vector.broadcast %broadcast_in_dim3A_1423 : i32 to vector<16xi32>
      %gather3A_1425 = tpu.vector_load_idx %arg4[%add3A_1195, %broadcast_in_dim3A_1424] : memref<512x155xf32, #tpu.memory_space<vmem>>[vector<16xi32>, vector<16xi32>], vector<16xf32>,
      %gt3A_1426 = arith.cmpf ogt, %gather3A_1425, %gather3A_1419 : vector<16xf32>
      %select_n3A_1427 = arith.select %gt3A_1426, %gather3A_1425, %gather3A_1419 : vector<16xi1>, vector<16xf32>
      %add3A_1428 = arith.constant 2.600000e+01 : f32
      %add3A_1429 = vector.broadcast %add3A_1428 : f32 to vector<16xf32>
      %add3A_1430 = arith.addf %broadcast_in_dim3A_1197, %add3A_1429 : vector<16xf32>
      %select_n3A_1431 = arith.select %gt3A_1426, %add3A_1430, %add3A_1422 : vector<16xi1>, vector<16xf32>
      %broadcast_in_dim3A_1432 = arith.constant 6 : i32
      %broadcast_in_dim3A_1433 = vector.broadcast %broadcast_in_dim3A_1432 : i32 to vector<16xi32>
      tpu.vector_store_idx %arg5[%add3A_1195, %broadcast_in_dim3A_1433], %select_n3A_1431 : memref<512x16xf32, #tpu.memory_space<vmem>>[vector<16xi32>, vector<16xi32>], vector<16xf32>,
      %broadcast_in_dim3A_1434 = arith.constant 27 : i32
      %broadcast_in_dim3A_1435 = vector.broadcast %broadcast_in_dim3A_1434 : i32 to vector<16xi32>
      %gather3A_1436 = tpu.vector_load_idx %arg4[%add3A_1195, %broadcast_in_dim3A_1435] : memref<512x155xf32, #tpu.memory_space<vmem>>[vector<16xi32>, vector<16xi32>], vector<16xf32>,
      %add3A_1437 = arith.constant 2.700000e+01 : f32
      %add3A_1438 = vector.broadcast %add3A_1437 : f32 to vector<16xf32>
      %add3A_1439 = arith.addf %broadcast_in_dim3A_1197, %add3A_1438 : vector<16xf32>
      %broadcast_in_dim3A_1440 = arith.constant 28 : i32
      %broadcast_in_dim3A_1441 = vector.broadcast %broadcast_in_dim3A_1440 : i32 to vector<16xi32>
      %gather3A_1442 = tpu.vector_load_idx %arg4[%add3A_1195, %broadcast_in_dim3A_1441] : memref<512x155xf32, #tpu.memory_space<vmem>>[vector<16xi32>, vector<16xi32>], vector<16xf32>,
      %gt3A_1443 = arith.cmpf ogt, %gather3A_1442, %gather3A_1436 : vector<16xf32>
      %select_n3A_1444 = arith.select %gt3A_1443, %gather3A_1442, %gather3A_1436 : vector<16xi1>, vector<16xf32>
      %add3A_1445 = arith.constant 2.800000e+01 : f32
      %add3A_1446 = vector.broadcast %add3A_1445 : f32 to vector<16xf32>
      %add3A_1447 = arith.addf %broadcast_in_dim3A_1197, %add3A_1446 : vector<16xf32>
      %select_n3A_1448 = arith.select %gt3A_1443, %add3A_1447, %add3A_1439 : vector<16xi1>, vector<16xf32>
      %broadcast_in_dim3A_1449 = arith.constant 29 : i32
      %broadcast_in_dim3A_1450 = vector.broadcast %broadcast_in_dim3A_1449 : i32 to vector<16xi32>
      %gather3A_1451 = tpu.vector_load_idx %arg4[%add3A_1195, %broadcast_in_dim3A_1450] : memref<512x155xf32, #tpu.memory_space<vmem>>[vector<16xi32>, vector<16xi32>], vector<16xf32>,
      %gt3A_1452 = arith.cmpf ogt, %gather3A_1451, %select_n3A_1444 : vector<16xf32>
      %select_n3A_1453 = arith.select %gt3A_1452, %gather3A_1451, %select_n3A_1444 : vector<16xi1>, vector<16xf32>
      %add3A_1454 = arith.constant 2.900000e+01 : f32
      %add3A_1455 = vector.broadcast %add3A_1454 : f32 to vector<16xf32>
      %add3A_1456 = arith.addf %broadcast_in_dim3A_1197, %add3A_1455 : vector<16xf32>
      %select_n3A_1457 = arith.select %gt3A_1452, %add3A_1456, %select_n3A_1448 : vector<16xi1>, vector<16xf32>
      %broadcast_in_dim3A_1458 = arith.constant 30 : i32
      %broadcast_in_dim3A_1459 = vector.broadcast %broadcast_in_dim3A_1458 : i32 to vector<16xi32>
      %gather3A_1460 = tpu.vector_load_idx %arg4[%add3A_1195, %broadcast_in_dim3A_1459] : memref<512x155xf32, #tpu.memory_space<vmem>>[vector<16xi32>, vector<16xi32>], vector<16xf32>,
      %gt3A_1461 = arith.cmpf ogt, %gather3A_1460, %select_n3A_1453 : vector<16xf32>
      %select_n3A_1462 = arith.select %gt3A_1461, %gather3A_1460, %select_n3A_1453 : vector<16xi1>, vector<16xf32>
      %add3A_1463 = arith.constant 3.000000e+01 : f32
      %add3A_1464 = vector.broadcast %add3A_1463 : f32 to vector<16xf32>
      %add3A_1465 = arith.addf %broadcast_in_dim3A_1197, %add3A_1464 : vector<16xf32>
      %select_n3A_1466 = arith.select %gt3A_1461, %add3A_1465, %select_n3A_1457 : vector<16xi1>, vector<16xf32>
      %broadcast_in_dim3A_1467 = arith.constant 31 : i32
      %broadcast_in_dim3A_1468 = vector.broadcast %broadcast_in_dim3A_1467 : i32 to vector<16xi32>
      %gather3A_1469 = tpu.vector_load_idx %arg4[%add3A_1195, %broadcast_in_dim3A_1468] : memref<512x155xf32, #tpu.memory_space<vmem>>[vector<16xi32>, vector<16xi32>], vector<16xf32>,
      %gt3A_1470 = arith.cmpf ogt, %gather3A_1469, %select_n3A_1462 : vector<16xf32>
      %select_n3A_1471 = arith.select %gt3A_1470, %gather3A_1469, %select_n3A_1462 : vector<16xi1>, vector<16xf32>
      %add3A_1472 = arith.constant 3.100000e+01 : f32
      %add3A_1473 = vector.broadcast %add3A_1472 : f32 to vector<16xf32>
      %add3A_1474 = arith.addf %broadcast_in_dim3A_1197, %add3A_1473 : vector<16xf32>
      %select_n3A_1475 = arith.select %gt3A_1470, %add3A_1474, %select_n3A_1466 : vector<16xi1>, vector<16xf32>
      %broadcast_in_dim3A_1476 = arith.constant 32 : i32
      %broadcast_in_dim3A_1477 = vector.broadcast %broadcast_in_dim3A_1476 : i32 to vector<16xi32>
      %gather3A_1478 = tpu.vector_load_idx %arg4[%add3A_1195, %broadcast_in_dim3A_1477] : memref<512x155xf32, #tpu.memory_space<vmem>>[vector<16xi32>, vector<16xi32>], vector<16xf32>,
      %gt3A_1479 = arith.cmpf ogt, %gather3A_1478, %select_n3A_1471 : vector<16xf32>
      %select_n3A_1480 = arith.select %gt3A_1479, %gather3A_1478, %select_n3A_1471 : vector<16xi1>, vector<16xf32>
      %add3A_1481 = arith.constant 3.200000e+01 : f32
      %add3A_1482 = vector.broadcast %add3A_1481 : f32 to vector<16xf32>
      %add3A_1483 = arith.addf %broadcast_in_dim3A_1197, %add3A_1482 : vector<16xf32>
      %select_n3A_1484 = arith.select %gt3A_1479, %add3A_1483, %select_n3A_1475 : vector<16xi1>, vector<16xf32>
      %broadcast_in_dim3A_1485 = arith.constant 33 : i32
      %broadcast_in_dim3A_1486 = vector.broadcast %broadcast_in_dim3A_1485 : i32 to vector<16xi32>
      %gather3A_1487 = tpu.vector_load_idx %arg4[%add3A_1195, %broadcast_in_dim3A_1486] : memref<512x155xf32, #tpu.memory_space<vmem>>[vector<16xi32>, vector<16xi32>], vector<16xf32>,
      %gt3A_1488 = arith.cmpf ogt, %gather3A_1487, %select_n3A_1480 : vector<16xf32>
      %select_n3A_1489 = arith.select %gt3A_1488, %gather3A_1487, %select_n3A_1480 : vector<16xi1>, vector<16xf32>
      %add3A_1490 = arith.constant 3.300000e+01 : f32
      %add3A_1491 = vector.broadcast %add3A_1490 : f32 to vector<16xf32>
      %add3A_1492 = arith.addf %broadcast_in_dim3A_1197, %add3A_1491 : vector<16xf32>
      %select_n3A_1493 = arith.select %gt3A_1488, %add3A_1492, %select_n3A_1484 : vector<16xi1>, vector<16xf32>
      %broadcast_in_dim3A_1494 = arith.constant 34 : i32
      %broadcast_in_dim3A_1495 = vector.broadcast %broadcast_in_dim3A_1494 : i32 to vector<16xi32>
      %gather3A_1496 = tpu.vector_load_idx %arg4[%add3A_1195, %broadcast_in_dim3A_1495] : memref<512x155xf32, #tpu.memory_space<vmem>>[vector<16xi32>, vector<16xi32>], vector<16xf32>,
      %gt3A_1497 = arith.cmpf ogt, %gather3A_1496, %select_n3A_1489 : vector<16xf32>
      %select_n3A_1498 = arith.select %gt3A_1497, %gather3A_1496, %select_n3A_1489 : vector<16xi1>, vector<16xf32>
      %add3A_1499 = arith.constant 3.400000e+01 : f32
      %add3A_1500 = vector.broadcast %add3A_1499 : f32 to vector<16xf32>
      %add3A_1501 = arith.addf %broadcast_in_dim3A_1197, %add3A_1500 : vector<16xf32>
      %select_n3A_1502 = arith.select %gt3A_1497, %add3A_1501, %select_n3A_1493 : vector<16xi1>, vector<16xf32>
      %broadcast_in_dim3A_1503 = arith.constant 35 : i32
      %broadcast_in_dim3A_1504 = vector.broadcast %broadcast_in_dim3A_1503 : i32 to vector<16xi32>
      %gather3A_1505 = tpu.vector_load_idx %arg4[%add3A_1195, %broadcast_in_dim3A_1504] : memref<512x155xf32, #tpu.memory_space<vmem>>[vector<16xi32>, vector<16xi32>], vector<16xf32>,
      %gt3A_1506 = arith.cmpf ogt, %gather3A_1505, %select_n3A_1498 : vector<16xf32>
      %select_n3A_1507 = arith.select %gt3A_1506, %gather3A_1505, %select_n3A_1498 : vector<16xi1>, vector<16xf32>
      %add3A_1508 = arith.constant 3.500000e+01 : f32
      %add3A_1509 = vector.broadcast %add3A_1508 : f32 to vector<16xf32>
      %add3A_1510 = arith.addf %broadcast_in_dim3A_1197, %add3A_1509 : vector<16xf32>
      %select_n3A_1511 = arith.select %gt3A_1506, %add3A_1510, %select_n3A_1502 : vector<16xi1>, vector<16xf32>
      %broadcast_in_dim3A_1512 = arith.constant 36 : i32
      %broadcast_in_dim3A_1513 = vector.broadcast %broadcast_in_dim3A_1512 : i32 to vector<16xi32>
      %gather3A_1514 = tpu.vector_load_idx %arg4[%add3A_1195, %broadcast_in_dim3A_1513] : memref<512x155xf32, #tpu.memory_space<vmem>>[vector<16xi32>, vector<16xi32>], vector<16xf32>,
      %gt3A_1515 = arith.cmpf ogt, %gather3A_1514, %select_n3A_1507 : vector<16xf32>
      %select_n3A_1516 = arith.select %gt3A_1515, %gather3A_1514, %select_n3A_1507 : vector<16xi1>, vector<16xf32>
      %add3A_1517 = arith.constant 3.600000e+01 : f32
      %add3A_1518 = vector.broadcast %add3A_1517 : f32 to vector<16xf32>
      %add3A_1519 = arith.addf %broadcast_in_dim3A_1197, %add3A_1518 : vector<16xf32>
      %select_n3A_1520 = arith.select %gt3A_1515, %add3A_1519, %select_n3A_1511 : vector<16xi1>, vector<16xf32>
      %broadcast_in_dim3A_1521 = arith.constant 37 : i32
      %broadcast_in_dim3A_1522 = vector.broadcast %broadcast_in_dim3A_1521 : i32 to vector<16xi32>
      %gather3A_1523 = tpu.vector_load_idx %arg4[%add3A_1195, %broadcast_in_dim3A_1522] : memref<512x155xf32, #tpu.memory_space<vmem>>[vector<16xi32>, vector<16xi32>], vector<16xf32>,
      %gt3A_1524 = arith.cmpf ogt, %gather3A_1523, %select_n3A_1516 : vector<16xf32>
      %select_n3A_1525 = arith.select %gt3A_1524, %gather3A_1523, %select_n3A_1516 : vector<16xi1>, vector<16xf32>
      %add3A_1526 = arith.constant 3.700000e+01 : f32
      %add3A_1527 = vector.broadcast %add3A_1526 : f32 to vector<16xf32>
      %add3A_1528 = arith.addf %broadcast_in_dim3A_1197, %add3A_1527 : vector<16xf32>
      %select_n3A_1529 = arith.select %gt3A_1524, %add3A_1528, %select_n3A_1520 : vector<16xi1>, vector<16xf32>
      %broadcast_in_dim3A_1530 = arith.constant 38 : i32
      %broadcast_in_dim3A_1531 = vector.broadcast %broadcast_in_dim3A_1530 : i32 to vector<16xi32>
      %gather3A_1532 = tpu.vector_load_idx %arg4[%add3A_1195, %broadcast_in_dim3A_1531] : memref<512x155xf32, #tpu.memory_space<vmem>>[vector<16xi32>, vector<16xi32>], vector<16xf32>,
      %gt3A_1533 = arith.cmpf ogt, %gather3A_1532, %select_n3A_1525 : vector<16xf32>
      %select_n3A_1534 = arith.select %gt3A_1533, %gather3A_1532, %select_n3A_1525 : vector<16xi1>, vector<16xf32>
      %add3A_1535 = arith.constant 3.800000e+01 : f32
      %add3A_1536 = vector.broadcast %add3A_1535 : f32 to vector<16xf32>
      %add3A_1537 = arith.addf %broadcast_in_dim3A_1197, %add3A_1536 : vector<16xf32>
      %select_n3A_1538 = arith.select %gt3A_1533, %add3A_1537, %select_n3A_1529 : vector<16xi1>, vector<16xf32>
      %broadcast_in_dim3A_1539 = arith.constant 39 : i32
      %broadcast_in_dim3A_1540 = vector.broadcast %broadcast_in_dim3A_1539 : i32 to vector<16xi32>
      %gather3A_1541 = tpu.vector_load_idx %arg4[%add3A_1195, %broadcast_in_dim3A_1540] : memref<512x155xf32, #tpu.memory_space<vmem>>[vector<16xi32>, vector<16xi32>], vector<16xf32>,
      %gt3A_1542 = arith.cmpf ogt, %gather3A_1541, %select_n3A_1534 : vector<16xf32>
      %select_n3A_1543 = arith.select %gt3A_1542, %gather3A_1541, %select_n3A_1534 : vector<16xi1>, vector<16xf32>
      %add3A_1544 = arith.constant 3.900000e+01 : f32
      %add3A_1545 = vector.broadcast %add3A_1544 : f32 to vector<16xf32>
      %add3A_1546 = arith.addf %broadcast_in_dim3A_1197, %add3A_1545 : vector<16xf32>
      %select_n3A_1547 = arith.select %gt3A_1542, %add3A_1546, %select_n3A_1538 : vector<16xi1>, vector<16xf32>
      %broadcast_in_dim3A_1548 = arith.constant 40 : i32
      %broadcast_in_dim3A_1549 = vector.broadcast %broadcast_in_dim3A_1548 : i32 to vector<16xi32>
      %gather3A_1550 = tpu.vector_load_idx %arg4[%add3A_1195, %broadcast_in_dim3A_1549] : memref<512x155xf32, #tpu.memory_space<vmem>>[vector<16xi32>, vector<16xi32>], vector<16xf32>,
      %gt3A_1551 = arith.cmpf ogt, %gather3A_1550, %select_n3A_1543 : vector<16xf32>
      %select_n3A_1552 = arith.select %gt3A_1551, %gather3A_1550, %select_n3A_1543 : vector<16xi1>, vector<16xf32>
      %add3A_1553 = arith.constant 4.000000e+01 : f32
      %add3A_1554 = vector.broadcast %add3A_1553 : f32 to vector<16xf32>
      %add3A_1555 = arith.addf %broadcast_in_dim3A_1197, %add3A_1554 : vector<16xf32>
      %select_n3A_1556 = arith.select %gt3A_1551, %add3A_1555, %select_n3A_1547 : vector<16xi1>, vector<16xf32>
      %broadcast_in_dim3A_1557 = arith.constant 41 : i32
      %broadcast_in_dim3A_1558 = vector.broadcast %broadcast_in_dim3A_1557 : i32 to vector<16xi32>
      %gather3A_1559 = tpu.vector_load_idx %arg4[%add3A_1195, %broadcast_in_dim3A_1558] : memref<512x155xf32, #tpu.memory_space<vmem>>[vector<16xi32>, vector<16xi32>], vector<16xf32>,
      %gt3A_1560 = arith.cmpf ogt, %gather3A_1559, %select_n3A_1552 : vector<16xf32>
      %select_n3A_1561 = arith.select %gt3A_1560, %gather3A_1559, %select_n3A_1552 : vector<16xi1>, vector<16xf32>
      %add3A_1562 = arith.constant 4.100000e+01 : f32
      %add3A_1563 = vector.broadcast %add3A_1562 : f32 to vector<16xf32>
      %add3A_1564 = arith.addf %broadcast_in_dim3A_1197, %add3A_1563 : vector<16xf32>
      %select_n3A_1565 = arith.select %gt3A_1560, %add3A_1564, %select_n3A_1556 : vector<16xi1>, vector<16xf32>
      %broadcast_in_dim3A_1566 = arith.constant 42 : i32
      %broadcast_in_dim3A_1567 = vector.broadcast %broadcast_in_dim3A_1566 : i32 to vector<16xi32>
      %gather3A_1568 = tpu.vector_load_idx %arg4[%add3A_1195, %broadcast_in_dim3A_1567] : memref<512x155xf32, #tpu.memory_space<vmem>>[vector<16xi32>, vector<16xi32>], vector<16xf32>,
      %gt3A_1569 = arith.cmpf ogt, %gather3A_1568, %select_n3A_1561 : vector<16xf32>
      %select_n3A_1570 = arith.select %gt3A_1569, %gather3A_1568, %select_n3A_1561 : vector<16xi1>, vector<16xf32>
      %add3A_1571 = arith.constant 4.200000e+01 : f32
      %add3A_1572 = vector.broadcast %add3A_1571 : f32 to vector<16xf32>
      %add3A_1573 = arith.addf %broadcast_in_dim3A_1197, %add3A_1572 : vector<16xf32>
      %select_n3A_1574 = arith.select %gt3A_1569, %add3A_1573, %select_n3A_1565 : vector<16xi1>, vector<16xf32>
      %broadcast_in_dim3A_1575 = arith.constant 43 : i32
      %broadcast_in_dim3A_1576 = vector.broadcast %broadcast_in_dim3A_1575 : i32 to vector<16xi32>
      %gather3A_1577 = tpu.vector_load_idx %arg4[%add3A_1195, %broadcast_in_dim3A_1576] : memref<512x155xf32, #tpu.memory_space<vmem>>[vector<16xi32>, vector<16xi32>], vector<16xf32>,
      %gt3A_1578 = arith.cmpf ogt, %gather3A_1577, %select_n3A_1570 : vector<16xf32>
      %select_n3A_1579 = arith.select %gt3A_1578, %gather3A_1577, %select_n3A_1570 : vector<16xi1>, vector<16xf32>
      %add3A_1580 = arith.constant 4.300000e+01 : f32
      %add3A_1581 = vector.broadcast %add3A_1580 : f32 to vector<16xf32>
      %add3A_1582 = arith.addf %broadcast_in_dim3A_1197, %add3A_1581 : vector<16xf32>
      %select_n3A_1583 = arith.select %gt3A_1578, %add3A_1582, %select_n3A_1574 : vector<16xi1>, vector<16xf32>
      %broadcast_in_dim3A_1584 = arith.constant 44 : i32
      %broadcast_in_dim3A_1585 = vector.broadcast %broadcast_in_dim3A_1584 : i32 to vector<16xi32>
      %gather3A_1586 = tpu.vector_load_idx %arg4[%add3A_1195, %broadcast_in_dim3A_1585] : memref<512x155xf32, #tpu.memory_space<vmem>>[vector<16xi32>, vector<16xi32>], vector<16xf32>,
      %gt3A_1587 = arith.cmpf ogt, %gather3A_1586, %select_n3A_1579 : vector<16xf32>
      %select_n3A_1588 = arith.select %gt3A_1587, %gather3A_1586, %select_n3A_1579 : vector<16xi1>, vector<16xf32>
      %add3A_1589 = arith.constant 4.400000e+01 : f32
      %add3A_1590 = vector.broadcast %add3A_1589 : f32 to vector<16xf32>
      %add3A_1591 = arith.addf %broadcast_in_dim3A_1197, %add3A_1590 : vector<16xf32>
      %select_n3A_1592 = arith.select %gt3A_1587, %add3A_1591, %select_n3A_1583 : vector<16xi1>, vector<16xf32>
      %broadcast_in_dim3A_1593 = arith.constant 45 : i32
      %broadcast_in_dim3A_1594 = vector.broadcast %broadcast_in_dim3A_1593 : i32 to vector<16xi32>
      %gather3A_1595 = tpu.vector_load_idx %arg4[%add3A_1195, %broadcast_in_dim3A_1594] : memref<512x155xf32, #tpu.memory_space<vmem>>[vector<16xi32>, vector<16xi32>], vector<16xf32>,
      %gt3A_1596 = arith.cmpf ogt, %gather3A_1595, %select_n3A_1588 : vector<16xf32>
      %select_n3A_1597 = arith.select %gt3A_1596, %gather3A_1595, %select_n3A_1588 : vector<16xi1>, vector<16xf32>
      %add3A_1598 = arith.constant 4.500000e+01 : f32
      %add3A_1599 = vector.broadcast %add3A_1598 : f32 to vector<16xf32>
      %add3A_1600 = arith.addf %broadcast_in_dim3A_1197, %add3A_1599 : vector<16xf32>
      %select_n3A_1601 = arith.select %gt3A_1596, %add3A_1600, %select_n3A_1592 : vector<16xi1>, vector<16xf32>
      %broadcast_in_dim3A_1602 = arith.constant 46 : i32
      %broadcast_in_dim3A_1603 = vector.broadcast %broadcast_in_dim3A_1602 : i32 to vector<16xi32>
      %gather3A_1604 = tpu.vector_load_idx %arg4[%add3A_1195, %broadcast_in_dim3A_1603] : memref<512x155xf32, #tpu.memory_space<vmem>>[vector<16xi32>, vector<16xi32>], vector<16xf32>,
      %gt3A_1605 = arith.cmpf ogt, %gather3A_1604, %select_n3A_1597 : vector<16xf32>
      %select_n3A_1606 = arith.select %gt3A_1605, %gather3A_1604, %select_n3A_1597 : vector<16xi1>, vector<16xf32>
      %add3A_1607 = arith.constant 4.600000e+01 : f32
      %add3A_1608 = vector.broadcast %add3A_1607 : f32 to vector<16xf32>
      %add3A_1609 = arith.addf %broadcast_in_dim3A_1197, %add3A_1608 : vector<16xf32>
      %select_n3A_1610 = arith.select %gt3A_1605, %add3A_1609, %select_n3A_1601 : vector<16xi1>, vector<16xf32>
      %broadcast_in_dim3A_1611 = arith.constant 47 : i32
      %broadcast_in_dim3A_1612 = vector.broadcast %broadcast_in_dim3A_1611 : i32 to vector<16xi32>
      %gather3A_1613 = tpu.vector_load_idx %arg4[%add3A_1195, %broadcast_in_dim3A_1612] : memref<512x155xf32, #tpu.memory_space<vmem>>[vector<16xi32>, vector<16xi32>], vector<16xf32>,
      %gt3A_1614 = arith.cmpf ogt, %gather3A_1613, %select_n3A_1606 : vector<16xf32>
      %select_n3A_1615 = arith.select %gt3A_1614, %gather3A_1613, %select_n3A_1606 : vector<16xi1>, vector<16xf32>
      %add3A_1616 = arith.constant 4.700000e+01 : f32
      %add3A_1617 = vector.broadcast %add3A_1616 : f32 to vector<16xf32>
      %add3A_1618 = arith.addf %broadcast_in_dim3A_1197, %add3A_1617 : vector<16xf32>
      %select_n3A_1619 = arith.select %gt3A_1614, %add3A_1618, %select_n3A_1610 : vector<16xi1>, vector<16xf32>
      %broadcast_in_dim3A_1620 = arith.constant 48 : i32
      %broadcast_in_dim3A_1621 = vector.broadcast %broadcast_in_dim3A_1620 : i32 to vector<16xi32>
      %gather3A_1622 = tpu.vector_load_idx %arg4[%add3A_1195, %broadcast_in_dim3A_1621] : memref<512x155xf32, #tpu.memory_space<vmem>>[vector<16xi32>, vector<16xi32>], vector<16xf32>,
      %gt3A_1623 = arith.cmpf ogt, %gather3A_1622, %select_n3A_1615 : vector<16xf32>
      %select_n3A_1624 = arith.select %gt3A_1623, %gather3A_1622, %select_n3A_1615 : vector<16xi1>, vector<16xf32>
      %add3A_1625 = arith.constant 4.800000e+01 : f32
      %add3A_1626 = vector.broadcast %add3A_1625 : f32 to vector<16xf32>
      %add3A_1627 = arith.addf %broadcast_in_dim3A_1197, %add3A_1626 : vector<16xf32>
      %select_n3A_1628 = arith.select %gt3A_1623, %add3A_1627, %select_n3A_1619 : vector<16xi1>, vector<16xf32>
      %broadcast_in_dim3A_1629 = arith.constant 49 : i32
      %broadcast_in_dim3A_1630 = vector.broadcast %broadcast_in_dim3A_1629 : i32 to vector<16xi32>
      %gather3A_1631 = tpu.vector_load_idx %arg4[%add3A_1195, %broadcast_in_dim3A_1630] : memref<512x155xf32, #tpu.memory_space<vmem>>[vector<16xi32>, vector<16xi32>], vector<16xf32>,
      %gt3A_1632 = arith.cmpf ogt, %gather3A_1631, %select_n3A_1624 : vector<16xf32>
      %select_n3A_1633 = arith.select %gt3A_1632, %gather3A_1631, %select_n3A_1624 : vector<16xi1>, vector<16xf32>
      %add3A_1634 = arith.constant 4.900000e+01 : f32
      %add3A_1635 = vector.broadcast %add3A_1634 : f32 to vector<16xf32>
      %add3A_1636 = arith.addf %broadcast_in_dim3A_1197, %add3A_1635 : vector<16xf32>
      %select_n3A_1637 = arith.select %gt3A_1632, %add3A_1636, %select_n3A_1628 : vector<16xi1>, vector<16xf32>
      %broadcast_in_dim3A_1638 = arith.constant 50 : i32
      %broadcast_in_dim3A_1639 = vector.broadcast %broadcast_in_dim3A_1638 : i32 to vector<16xi32>
      %gather3A_1640 = tpu.vector_load_idx %arg4[%add3A_1195, %broadcast_in_dim3A_1639] : memref<512x155xf32, #tpu.memory_space<vmem>>[vector<16xi32>, vector<16xi32>], vector<16xf32>,
      %gt3A_1641 = arith.cmpf ogt, %gather3A_1640, %select_n3A_1633 : vector<16xf32>
      %select_n3A_1642 = arith.select %gt3A_1641, %gather3A_1640, %select_n3A_1633 : vector<16xi1>, vector<16xf32>
      %add3A_1643 = arith.constant 5.000000e+01 : f32
      %add3A_1644 = vector.broadcast %add3A_1643 : f32 to vector<16xf32>
      %add3A_1645 = arith.addf %broadcast_in_dim3A_1197, %add3A_1644 : vector<16xf32>
      %select_n3A_1646 = arith.select %gt3A_1641, %add3A_1645, %select_n3A_1637 : vector<16xi1>, vector<16xf32>
      %broadcast_in_dim3A_1647 = arith.constant 51 : i32
      %broadcast_in_dim3A_1648 = vector.broadcast %broadcast_in_dim3A_1647 : i32 to vector<16xi32>
      %gather3A_1649 = tpu.vector_load_idx %arg4[%add3A_1195, %broadcast_in_dim3A_1648] : memref<512x155xf32, #tpu.memory_space<vmem>>[vector<16xi32>, vector<16xi32>], vector<16xf32>,
      %gt3A_1650 = arith.cmpf ogt, %gather3A_1649, %select_n3A_1642 : vector<16xf32>
      %select_n3A_1651 = arith.select %gt3A_1650, %gather3A_1649, %select_n3A_1642 : vector<16xi1>, vector<16xf32>
      %add3A_1652 = arith.constant 5.100000e+01 : f32
      %add3A_1653 = vector.broadcast %add3A_1652 : f32 to vector<16xf32>
      %add3A_1654 = arith.addf %broadcast_in_dim3A_1197, %add3A_1653 : vector<16xf32>
      %select_n3A_1655 = arith.select %gt3A_1650, %add3A_1654, %select_n3A_1646 : vector<16xi1>, vector<16xf32>
      %broadcast_in_dim3A_1656 = arith.constant 52 : i32
      %broadcast_in_dim3A_1657 = vector.broadcast %broadcast_in_dim3A_1656 : i32 to vector<16xi32>
      %gather3A_1658 = tpu.vector_load_idx %arg4[%add3A_1195, %broadcast_in_dim3A_1657] : memref<512x155xf32, #tpu.memory_space<vmem>>[vector<16xi32>, vector<16xi32>], vector<16xf32>,
      %gt3A_1659 = arith.cmpf ogt, %gather3A_1658, %select_n3A_1651 : vector<16xf32>
      %select_n3A_1660 = arith.select %gt3A_1659, %gather3A_1658, %select_n3A_1651 : vector<16xi1>, vector<16xf32>
      %add3A_1661 = arith.constant 5.200000e+01 : f32
      %add3A_1662 = vector.broadcast %add3A_1661 : f32 to vector<16xf32>
      %add3A_1663 = arith.addf %broadcast_in_dim3A_1197, %add3A_1662 : vector<16xf32>
      %select_n3A_1664 = arith.select %gt3A_1659, %add3A_1663, %select_n3A_1655 : vector<16xi1>, vector<16xf32>
      %broadcast_in_dim3A_1665 = arith.constant 53 : i32
      %broadcast_in_dim3A_1666 = vector.broadcast %broadcast_in_dim3A_1665 : i32 to vector<16xi32>
      %gather3A_1667 = tpu.vector_load_idx %arg4[%add3A_1195, %broadcast_in_dim3A_1666] : memref<512x155xf32, #tpu.memory_space<vmem>>[vector<16xi32>, vector<16xi32>], vector<16xf32>,
      %gt3A_1668 = arith.cmpf ogt, %gather3A_1667, %select_n3A_1660 : vector<16xf32>
      %select_n3A_1669 = arith.select %gt3A_1668, %gather3A_1667, %select_n3A_1660 : vector<16xi1>, vector<16xf32>
      %add3A_1670 = arith.constant 5.300000e+01 : f32
      %add3A_1671 = vector.broadcast %add3A_1670 : f32 to vector<16xf32>
      %add3A_1672 = arith.addf %broadcast_in_dim3A_1197, %add3A_1671 : vector<16xf32>
      %select_n3A_1673 = arith.select %gt3A_1668, %add3A_1672, %select_n3A_1664 : vector<16xi1>, vector<16xf32>
      %broadcast_in_dim3A_1674 = arith.constant 54 : i32
      %broadcast_in_dim3A_1675 = vector.broadcast %broadcast_in_dim3A_1674 : i32 to vector<16xi32>
      %gather3A_1676 = tpu.vector_load_idx %arg4[%add3A_1195, %broadcast_in_dim3A_1675] : memref<512x155xf32, #tpu.memory_space<vmem>>[vector<16xi32>, vector<16xi32>], vector<16xf32>,
      %gt3A_1677 = arith.cmpf ogt, %gather3A_1676, %select_n3A_1669 : vector<16xf32>
      %select_n3A_1678 = arith.select %gt3A_1677, %gather3A_1676, %select_n3A_1669 : vector<16xi1>, vector<16xf32>
      %add3A_1679 = arith.constant 5.400000e+01 : f32
      %add3A_1680 = vector.broadcast %add3A_1679 : f32 to vector<16xf32>
      %add3A_1681 = arith.addf %broadcast_in_dim3A_1197, %add3A_1680 : vector<16xf32>
      %select_n3A_1682 = arith.select %gt3A_1677, %add3A_1681, %select_n3A_1673 : vector<16xi1>, vector<16xf32>
      %broadcast_in_dim3A_1683 = arith.constant 55 : i32
      %broadcast_in_dim3A_1684 = vector.broadcast %broadcast_in_dim3A_1683 : i32 to vector<16xi32>
      %gather3A_1685 = tpu.vector_load_idx %arg4[%add3A_1195, %broadcast_in_dim3A_1684] : memref<512x155xf32, #tpu.memory_space<vmem>>[vector<16xi32>, vector<16xi32>], vector<16xf32>,
      %gt3A_1686 = arith.cmpf ogt, %gather3A_1685, %select_n3A_1678 : vector<16xf32>
      %select_n3A_1687 = arith.select %gt3A_1686, %gather3A_1685, %select_n3A_1678 : vector<16xi1>, vector<16xf32>
      %add3A_1688 = arith.constant 5.500000e+01 : f32
      %add3A_1689 = vector.broadcast %add3A_1688 : f32 to vector<16xf32>
      %add3A_1690 = arith.addf %broadcast_in_dim3A_1197, %add3A_1689 : vector<16xf32>
      %select_n3A_1691 = arith.select %gt3A_1686, %add3A_1690, %select_n3A_1682 : vector<16xi1>, vector<16xf32>
      %broadcast_in_dim3A_1692 = arith.constant 56 : i32
      %broadcast_in_dim3A_1693 = vector.broadcast %broadcast_in_dim3A_1692 : i32 to vector<16xi32>
      %gather3A_1694 = tpu.vector_load_idx %arg4[%add3A_1195, %broadcast_in_dim3A_1693] : memref<512x155xf32, #tpu.memory_space<vmem>>[vector<16xi32>, vector<16xi32>], vector<16xf32>,
      %gt3A_1695 = arith.cmpf ogt, %gather3A_1694, %select_n3A_1687 : vector<16xf32>
      %select_n3A_1696 = arith.select %gt3A_1695, %gather3A_1694, %select_n3A_1687 : vector<16xi1>, vector<16xf32>
      %add3A_1697 = arith.constant 5.600000e+01 : f32
      %add3A_1698 = vector.broadcast %add3A_1697 : f32 to vector<16xf32>
      %add3A_1699 = arith.addf %broadcast_in_dim3A_1197, %add3A_1698 : vector<16xf32>
      %select_n3A_1700 = arith.select %gt3A_1695, %add3A_1699, %select_n3A_1691 : vector<16xi1>, vector<16xf32>
      %broadcast_in_dim3A_1701 = arith.constant 57 : i32
      %broadcast_in_dim3A_1702 = vector.broadcast %broadcast_in_dim3A_1701 : i32 to vector<16xi32>
      %gather3A_1703 = tpu.vector_load_idx %arg4[%add3A_1195, %broadcast_in_dim3A_1702] : memref<512x155xf32, #tpu.memory_space<vmem>>[vector<16xi32>, vector<16xi32>], vector<16xf32>,
      %gt3A_1704 = arith.cmpf ogt, %gather3A_1703, %select_n3A_1696 : vector<16xf32>
      %select_n3A_1705 = arith.select %gt3A_1704, %gather3A_1703, %select_n3A_1696 : vector<16xi1>, vector<16xf32>
      %add3A_1706 = arith.constant 5.700000e+01 : f32
      %add3A_1707 = vector.broadcast %add3A_1706 : f32 to vector<16xf32>
      %add3A_1708 = arith.addf %broadcast_in_dim3A_1197, %add3A_1707 : vector<16xf32>
      %select_n3A_1709 = arith.select %gt3A_1704, %add3A_1708, %select_n3A_1700 : vector<16xi1>, vector<16xf32>
      %broadcast_in_dim3A_1710 = arith.constant 58 : i32
      %broadcast_in_dim3A_1711 = vector.broadcast %broadcast_in_dim3A_1710 : i32 to vector<16xi32>
      %gather3A_1712 = tpu.vector_load_idx %arg4[%add3A_1195, %broadcast_in_dim3A_1711] : memref<512x155xf32, #tpu.memory_space<vmem>>[vector<16xi32>, vector<16xi32>], vector<16xf32>,
      %gt3A_1713 = arith.cmpf ogt, %gather3A_1712, %select_n3A_1705 : vector<16xf32>
      %select_n3A_1714 = arith.select %gt3A_1713, %gather3A_1712, %select_n3A_1705 : vector<16xi1>, vector<16xf32>
      %add3A_1715 = arith.constant 5.800000e+01 : f32
      %add3A_1716 = vector.broadcast %add3A_1715 : f32 to vector<16xf32>
      %add3A_1717 = arith.addf %broadcast_in_dim3A_1197, %add3A_1716 : vector<16xf32>
      %select_n3A_1718 = arith.select %gt3A_1713, %add3A_1717, %select_n3A_1709 : vector<16xi1>, vector<16xf32>
      %broadcast_in_dim3A_1719 = arith.constant 7 : i32
      %broadcast_in_dim3A_1720 = vector.broadcast %broadcast_in_dim3A_1719 : i32 to vector<16xi32>
      tpu.vector_store_idx %arg5[%add3A_1195, %broadcast_in_dim3A_1720], %select_n3A_1718 : memref<512x16xf32, #tpu.memory_space<vmem>>[vector<16xi32>, vector<16xi32>], vector<16xf32>,
      %broadcast_in_dim3A_1721 = arith.constant 59 : i32
      %broadcast_in_dim3A_1722 = vector.broadcast %broadcast_in_dim3A_1721 : i32 to vector<16xi32>
      %gather3A_1723 = tpu.vector_load_idx %arg4[%add3A_1195, %broadcast_in_dim3A_1722] : memref<512x155xf32, #tpu.memory_space<vmem>>[vector<16xi32>, vector<16xi32>], vector<16xf32>,
      %add3A_1724 = arith.constant 5.900000e+01 : f32
      %add3A_1725 = vector.broadcast %add3A_1724 : f32 to vector<16xf32>
      %add3A_1726 = arith.addf %broadcast_in_dim3A_1197, %add3A_1725 : vector<16xf32>
      %broadcast_in_dim3A_1727 = arith.constant 60 : i32
      %broadcast_in_dim3A_1728 = vector.broadcast %broadcast_in_dim3A_1727 : i32 to vector<16xi32>
      %gather3A_1729 = tpu.vector_load_idx %arg4[%add3A_1195, %broadcast_in_dim3A_1728] : memref<512x155xf32, #tpu.memory_space<vmem>>[vector<16xi32>, vector<16xi32>], vector<16xf32>,
      %gt3A_1730 = arith.cmpf ogt, %gather3A_1729, %gather3A_1723 : vector<16xf32>
      %select_n3A_1731 = arith.select %gt3A_1730, %gather3A_1729, %gather3A_1723 : vector<16xi1>, vector<16xf32>
      %add3A_1732 = arith.constant 6.000000e+01 : f32
      %add3A_1733 = vector.broadcast %add3A_1732 : f32 to vector<16xf32>
      %add3A_1734 = arith.addf %broadcast_in_dim3A_1197, %add3A_1733 : vector<16xf32>
      %select_n3A_1735 = arith.select %gt3A_1730, %add3A_1734, %add3A_1726 : vector<16xi1>, vector<16xf32>
      %broadcast_in_dim3A_1736 = arith.constant 61 : i32
      %broadcast_in_dim3A_1737 = vector.broadcast %broadcast_in_dim3A_1736 : i32 to vector<16xi32>
      %gather3A_1738 = tpu.vector_load_idx %arg4[%add3A_1195, %broadcast_in_dim3A_1737] : memref<512x155xf32, #tpu.memory_space<vmem>>[vector<16xi32>, vector<16xi32>], vector<16xf32>,
      %gt3A_1739 = arith.cmpf ogt, %gather3A_1738, %select_n3A_1731 : vector<16xf32>
      %select_n3A_1740 = arith.select %gt3A_1739, %gather3A_1738, %select_n3A_1731 : vector<16xi1>, vector<16xf32>
      %add3A_1741 = arith.constant 6.100000e+01 : f32
      %add3A_1742 = vector.broadcast %add3A_1741 : f32 to vector<16xf32>
      %add3A_1743 = arith.addf %broadcast_in_dim3A_1197, %add3A_1742 : vector<16xf32>
      %select_n3A_1744 = arith.select %gt3A_1739, %add3A_1743, %select_n3A_1735 : vector<16xi1>, vector<16xf32>
      %broadcast_in_dim3A_1745 = arith.constant 62 : i32
      %broadcast_in_dim3A_1746 = vector.broadcast %broadcast_in_dim3A_1745 : i32 to vector<16xi32>
      %gather3A_1747 = tpu.vector_load_idx %arg4[%add3A_1195, %broadcast_in_dim3A_1746] : memref<512x155xf32, #tpu.memory_space<vmem>>[vector<16xi32>, vector<16xi32>], vector<16xf32>,
      %gt3A_1748 = arith.cmpf ogt, %gather3A_1747, %select_n3A_1740 : vector<16xf32>
      %select_n3A_1749 = arith.select %gt3A_1748, %gather3A_1747, %select_n3A_1740 : vector<16xi1>, vector<16xf32>
      %add3A_1750 = arith.constant 6.200000e+01 : f32
      %add3A_1751 = vector.broadcast %add3A_1750 : f32 to vector<16xf32>
      %add3A_1752 = arith.addf %broadcast_in_dim3A_1197, %add3A_1751 : vector<16xf32>
      %select_n3A_1753 = arith.select %gt3A_1748, %add3A_1752, %select_n3A_1744 : vector<16xi1>, vector<16xf32>
      %broadcast_in_dim3A_1754 = arith.constant 63 : i32
      %broadcast_in_dim3A_1755 = vector.broadcast %broadcast_in_dim3A_1754 : i32 to vector<16xi32>
      %gather3A_1756 = tpu.vector_load_idx %arg4[%add3A_1195, %broadcast_in_dim3A_1755] : memref<512x155xf32, #tpu.memory_space<vmem>>[vector<16xi32>, vector<16xi32>], vector<16xf32>,
      %gt3A_1757 = arith.cmpf ogt, %gather3A_1756, %select_n3A_1749 : vector<16xf32>
      %select_n3A_1758 = arith.select %gt3A_1757, %gather3A_1756, %select_n3A_1749 : vector<16xi1>, vector<16xf32>
      %add3A_1759 = arith.constant 6.300000e+01 : f32
      %add3A_1760 = vector.broadcast %add3A_1759 : f32 to vector<16xf32>
      %add3A_1761 = arith.addf %broadcast_in_dim3A_1197, %add3A_1760 : vector<16xf32>
      %select_n3A_1762 = arith.select %gt3A_1757, %add3A_1761, %select_n3A_1753 : vector<16xi1>, vector<16xf32>
      %broadcast_in_dim3A_1763 = arith.constant 64 : i32
      %broadcast_in_dim3A_1764 = vector.broadcast %broadcast_in_dim3A_1763 : i32 to vector<16xi32>
      %gather3A_1765 = tpu.vector_load_idx %arg4[%add3A_1195, %broadcast_in_dim3A_1764] : memref<512x155xf32, #tpu.memory_space<vmem>>[vector<16xi32>, vector<16xi32>], vector<16xf32>,
      %gt3A_1766 = arith.cmpf ogt, %gather3A_1765, %select_n3A_1758 : vector<16xf32>
      %select_n3A_1767 = arith.select %gt3A_1766, %gather3A_1765, %select_n3A_1758 : vector<16xi1>, vector<16xf32>
      %add3A_1768 = arith.constant 6.400000e+01 : f32
      %add3A_1769 = vector.broadcast %add3A_1768 : f32 to vector<16xf32>
      %add3A_1770 = arith.addf %broadcast_in_dim3A_1197, %add3A_1769 : vector<16xf32>
      %select_n3A_1771 = arith.select %gt3A_1766, %add3A_1770, %select_n3A_1762 : vector<16xi1>, vector<16xf32>
      %broadcast_in_dim3A_1772 = arith.constant 65 : i32
      %broadcast_in_dim3A_1773 = vector.broadcast %broadcast_in_dim3A_1772 : i32 to vector<16xi32>
      %gather3A_1774 = tpu.vector_load_idx %arg4[%add3A_1195, %broadcast_in_dim3A_1773] : memref<512x155xf32, #tpu.memory_space<vmem>>[vector<16xi32>, vector<16xi32>], vector<16xf32>,
      %gt3A_1775 = arith.cmpf ogt, %gather3A_1774, %select_n3A_1767 : vector<16xf32>
      %select_n3A_1776 = arith.select %gt3A_1775, %gather3A_1774, %select_n3A_1767 : vector<16xi1>, vector<16xf32>
      %add3A_1777 = arith.constant 6.500000e+01 : f32
      %add3A_1778 = vector.broadcast %add3A_1777 : f32 to vector<16xf32>
      %add3A_1779 = arith.addf %broadcast_in_dim3A_1197, %add3A_1778 : vector<16xf32>
      %select_n3A_1780 = arith.select %gt3A_1775, %add3A_1779, %select_n3A_1771 : vector<16xi1>, vector<16xf32>
      %broadcast_in_dim3A_1781 = arith.constant 66 : i32
      %broadcast_in_dim3A_1782 = vector.broadcast %broadcast_in_dim3A_1781 : i32 to vector<16xi32>
      %gather3A_1783 = tpu.vector_load_idx %arg4[%add3A_1195, %broadcast_in_dim3A_1782] : memref<512x155xf32, #tpu.memory_space<vmem>>[vector<16xi32>, vector<16xi32>], vector<16xf32>,
      %gt3A_1784 = arith.cmpf ogt, %gather3A_1783, %select_n3A_1776 : vector<16xf32>
      %select_n3A_1785 = arith.select %gt3A_1784, %gather3A_1783, %select_n3A_1776 : vector<16xi1>, vector<16xf32>
      %add3A_1786 = arith.constant 6.600000e+01 : f32
      %add3A_1787 = vector.broadcast %add3A_1786 : f32 to vector<16xf32>
      %add3A_1788 = arith.addf %broadcast_in_dim3A_1197, %add3A_1787 : vector<16xf32>
      %select_n3A_1789 = arith.select %gt3A_1784, %add3A_1788, %select_n3A_1780 : vector<16xi1>, vector<16xf32>
      %broadcast_in_dim3A_1790 = arith.constant 67 : i32
      %broadcast_in_dim3A_1791 = vector.broadcast %broadcast_in_dim3A_1790 : i32 to vector<16xi32>
      %gather3A_1792 = tpu.vector_load_idx %arg4[%add3A_1195, %broadcast_in_dim3A_1791] : memref<512x155xf32, #tpu.memory_space<vmem>>[vector<16xi32>, vector<16xi32>], vector<16xf32>,
      %gt3A_1793 = arith.cmpf ogt, %gather3A_1792, %select_n3A_1785 : vector<16xf32>
      %select_n3A_1794 = arith.select %gt3A_1793, %gather3A_1792, %select_n3A_1785 : vector<16xi1>, vector<16xf32>
      %add3A_1795 = arith.constant 6.700000e+01 : f32
      %add3A_1796 = vector.broadcast %add3A_1795 : f32 to vector<16xf32>
      %add3A_1797 = arith.addf %broadcast_in_dim3A_1197, %add3A_1796 : vector<16xf32>
      %select_n3A_1798 = arith.select %gt3A_1793, %add3A_1797, %select_n3A_1789 : vector<16xi1>, vector<16xf32>
      %broadcast_in_dim3A_1799 = arith.constant 68 : i32
      %broadcast_in_dim3A_1800 = vector.broadcast %broadcast_in_dim3A_1799 : i32 to vector<16xi32>
      %gather3A_1801 = tpu.vector_load_idx %arg4[%add3A_1195, %broadcast_in_dim3A_1800] : memref<512x155xf32, #tpu.memory_space<vmem>>[vector<16xi32>, vector<16xi32>], vector<16xf32>,
      %gt3A_1802 = arith.cmpf ogt, %gather3A_1801, %select_n3A_1794 : vector<16xf32>
      %select_n3A_1803 = arith.select %gt3A_1802, %gather3A_1801, %select_n3A_1794 : vector<16xi1>, vector<16xf32>
      %add3A_1804 = arith.constant 6.800000e+01 : f32
      %add3A_1805 = vector.broadcast %add3A_1804 : f32 to vector<16xf32>
      %add3A_1806 = arith.addf %broadcast_in_dim3A_1197, %add3A_1805 : vector<16xf32>
      %select_n3A_1807 = arith.select %gt3A_1802, %add3A_1806, %select_n3A_1798 : vector<16xi1>, vector<16xf32>
      %broadcast_in_dim3A_1808 = arith.constant 69 : i32
      %broadcast_in_dim3A_1809 = vector.broadcast %broadcast_in_dim3A_1808 : i32 to vector<16xi32>
      %gather3A_1810 = tpu.vector_load_idx %arg4[%add3A_1195, %broadcast_in_dim3A_1809] : memref<512x155xf32, #tpu.memory_space<vmem>>[vector<16xi32>, vector<16xi32>], vector<16xf32>,
      %gt3A_1811 = arith.cmpf ogt, %gather3A_1810, %select_n3A_1803 : vector<16xf32>
      %select_n3A_1812 = arith.select %gt3A_1811, %gather3A_1810, %select_n3A_1803 : vector<16xi1>, vector<16xf32>
      %add3A_1813 = arith.constant 6.900000e+01 : f32
      %add3A_1814 = vector.broadcast %add3A_1813 : f32 to vector<16xf32>
      %add3A_1815 = arith.addf %broadcast_in_dim3A_1197, %add3A_1814 : vector<16xf32>
      %select_n3A_1816 = arith.select %gt3A_1811, %add3A_1815, %select_n3A_1807 : vector<16xi1>, vector<16xf32>
      %broadcast_in_dim3A_1817 = arith.constant 70 : i32
      %broadcast_in_dim3A_1818 = vector.broadcast %broadcast_in_dim3A_1817 : i32 to vector<16xi32>
      %gather3A_1819 = tpu.vector_load_idx %arg4[%add3A_1195, %broadcast_in_dim3A_1818] : memref<512x155xf32, #tpu.memory_space<vmem>>[vector<16xi32>, vector<16xi32>], vector<16xf32>,
      %gt3A_1820 = arith.cmpf ogt, %gather3A_1819, %select_n3A_1812 : vector<16xf32>
      %select_n3A_1821 = arith.select %gt3A_1820, %gather3A_1819, %select_n3A_1812 : vector<16xi1>, vector<16xf32>
      %add3A_1822 = arith.constant 7.000000e+01 : f32
      %add3A_1823 = vector.broadcast %add3A_1822 : f32 to vector<16xf32>
      %add3A_1824 = arith.addf %broadcast_in_dim3A_1197, %add3A_1823 : vector<16xf32>
      %select_n3A_1825 = arith.select %gt3A_1820, %add3A_1824, %select_n3A_1816 : vector<16xi1>, vector<16xf32>
      %broadcast_in_dim3A_1826 = arith.constant 71 : i32
      %broadcast_in_dim3A_1827 = vector.broadcast %broadcast_in_dim3A_1826 : i32 to vector<16xi32>
      %gather3A_1828 = tpu.vector_load_idx %arg4[%add3A_1195, %broadcast_in_dim3A_1827] : memref<512x155xf32, #tpu.memory_space<vmem>>[vector<16xi32>, vector<16xi32>], vector<16xf32>,
      %gt3A_1829 = arith.cmpf ogt, %gather3A_1828, %select_n3A_1821 : vector<16xf32>
      %select_n3A_1830 = arith.select %gt3A_1829, %gather3A_1828, %select_n3A_1821 : vector<16xi1>, vector<16xf32>
      %add3A_1831 = arith.constant 7.100000e+01 : f32
      %add3A_1832 = vector.broadcast %add3A_1831 : f32 to vector<16xf32>
      %add3A_1833 = arith.addf %broadcast_in_dim3A_1197, %add3A_1832 : vector<16xf32>
      %select_n3A_1834 = arith.select %gt3A_1829, %add3A_1833, %select_n3A_1825 : vector<16xi1>, vector<16xf32>
      %broadcast_in_dim3A_1835 = arith.constant 72 : i32
      %broadcast_in_dim3A_1836 = vector.broadcast %broadcast_in_dim3A_1835 : i32 to vector<16xi32>
      %gather3A_1837 = tpu.vector_load_idx %arg4[%add3A_1195, %broadcast_in_dim3A_1836] : memref<512x155xf32, #tpu.memory_space<vmem>>[vector<16xi32>, vector<16xi32>], vector<16xf32>,
      %gt3A_1838 = arith.cmpf ogt, %gather3A_1837, %select_n3A_1830 : vector<16xf32>
      %select_n3A_1839 = arith.select %gt3A_1838, %gather3A_1837, %select_n3A_1830 : vector<16xi1>, vector<16xf32>
      %add3A_1840 = arith.constant 7.200000e+01 : f32
      %add3A_1841 = vector.broadcast %add3A_1840 : f32 to vector<16xf32>
      %add3A_1842 = arith.addf %broadcast_in_dim3A_1197, %add3A_1841 : vector<16xf32>
      %select_n3A_1843 = arith.select %gt3A_1838, %add3A_1842, %select_n3A_1834 : vector<16xi1>, vector<16xf32>
      %broadcast_in_dim3A_1844 = arith.constant 73 : i32
      %broadcast_in_dim3A_1845 = vector.broadcast %broadcast_in_dim3A_1844 : i32 to vector<16xi32>
      %gather3A_1846 = tpu.vector_load_idx %arg4[%add3A_1195, %broadcast_in_dim3A_1845] : memref<512x155xf32, #tpu.memory_space<vmem>>[vector<16xi32>, vector<16xi32>], vector<16xf32>,
      %gt3A_1847 = arith.cmpf ogt, %gather3A_1846, %select_n3A_1839 : vector<16xf32>
      %select_n3A_1848 = arith.select %gt3A_1847, %gather3A_1846, %select_n3A_1839 : vector<16xi1>, vector<16xf32>
      %add3A_1849 = arith.constant 7.300000e+01 : f32
      %add3A_1850 = vector.broadcast %add3A_1849 : f32 to vector<16xf32>
      %add3A_1851 = arith.addf %broadcast_in_dim3A_1197, %add3A_1850 : vector<16xf32>
      %select_n3A_1852 = arith.select %gt3A_1847, %add3A_1851, %select_n3A_1843 : vector<16xi1>, vector<16xf32>
      %broadcast_in_dim3A_1853 = arith.constant 74 : i32
      %broadcast_in_dim3A_1854 = vector.broadcast %broadcast_in_dim3A_1853 : i32 to vector<16xi32>
      %gather3A_1855 = tpu.vector_load_idx %arg4[%add3A_1195, %broadcast_in_dim3A_1854] : memref<512x155xf32, #tpu.memory_space<vmem>>[vector<16xi32>, vector<16xi32>], vector<16xf32>,
      %gt3A_1856 = arith.cmpf ogt, %gather3A_1855, %select_n3A_1848 : vector<16xf32>
      %select_n3A_1857 = arith.select %gt3A_1856, %gather3A_1855, %select_n3A_1848 : vector<16xi1>, vector<16xf32>
      %add3A_1858 = arith.constant 7.400000e+01 : f32
      %add3A_1859 = vector.broadcast %add3A_1858 : f32 to vector<16xf32>
      %add3A_1860 = arith.addf %broadcast_in_dim3A_1197, %add3A_1859 : vector<16xf32>
      %select_n3A_1861 = arith.select %gt3A_1856, %add3A_1860, %select_n3A_1852 : vector<16xi1>, vector<16xf32>
      %broadcast_in_dim3A_1862 = arith.constant 75 : i32
      %broadcast_in_dim3A_1863 = vector.broadcast %broadcast_in_dim3A_1862 : i32 to vector<16xi32>
      %gather3A_1864 = tpu.vector_load_idx %arg4[%add3A_1195, %broadcast_in_dim3A_1863] : memref<512x155xf32, #tpu.memory_space<vmem>>[vector<16xi32>, vector<16xi32>], vector<16xf32>,
      %gt3A_1865 = arith.cmpf ogt, %gather3A_1864, %select_n3A_1857 : vector<16xf32>
      %select_n3A_1866 = arith.select %gt3A_1865, %gather3A_1864, %select_n3A_1857 : vector<16xi1>, vector<16xf32>
      %add3A_1867 = arith.constant 7.500000e+01 : f32
      %add3A_1868 = vector.broadcast %add3A_1867 : f32 to vector<16xf32>
      %add3A_1869 = arith.addf %broadcast_in_dim3A_1197, %add3A_1868 : vector<16xf32>
      %select_n3A_1870 = arith.select %gt3A_1865, %add3A_1869, %select_n3A_1861 : vector<16xi1>, vector<16xf32>
      %broadcast_in_dim3A_1871 = arith.constant 76 : i32
      %broadcast_in_dim3A_1872 = vector.broadcast %broadcast_in_dim3A_1871 : i32 to vector<16xi32>
      %gather3A_1873 = tpu.vector_load_idx %arg4[%add3A_1195, %broadcast_in_dim3A_1872] : memref<512x155xf32, #tpu.memory_space<vmem>>[vector<16xi32>, vector<16xi32>], vector<16xf32>,
      %gt3A_1874 = arith.cmpf ogt, %gather3A_1873, %select_n3A_1866 : vector<16xf32>
      %select_n3A_1875 = arith.select %gt3A_1874, %gather3A_1873, %select_n3A_1866 : vector<16xi1>, vector<16xf32>
      %add3A_1876 = arith.constant 7.600000e+01 : f32
      %add3A_1877 = vector.broadcast %add3A_1876 : f32 to vector<16xf32>
      %add3A_1878 = arith.addf %broadcast_in_dim3A_1197, %add3A_1877 : vector<16xf32>
      %select_n3A_1879 = arith.select %gt3A_1874, %add3A_1878, %select_n3A_1870 : vector<16xi1>, vector<16xf32>
      %broadcast_in_dim3A_1880 = arith.constant 77 : i32
      %broadcast_in_dim3A_1881 = vector.broadcast %broadcast_in_dim3A_1880 : i32 to vector<16xi32>
      %gather3A_1882 = tpu.vector_load_idx %arg4[%add3A_1195, %broadcast_in_dim3A_1881] : memref<512x155xf32, #tpu.memory_space<vmem>>[vector<16xi32>, vector<16xi32>], vector<16xf32>,
      %gt3A_1883 = arith.cmpf ogt, %gather3A_1882, %select_n3A_1875 : vector<16xf32>
      %select_n3A_1884 = arith.select %gt3A_1883, %gather3A_1882, %select_n3A_1875 : vector<16xi1>, vector<16xf32>
      %add3A_1885 = arith.constant 7.700000e+01 : f32
      %add3A_1886 = vector.broadcast %add3A_1885 : f32 to vector<16xf32>
      %add3A_1887 = arith.addf %broadcast_in_dim3A_1197, %add3A_1886 : vector<16xf32>
      %select_n3A_1888 = arith.select %gt3A_1883, %add3A_1887, %select_n3A_1879 : vector<16xi1>, vector<16xf32>
      %broadcast_in_dim3A_1889 = arith.constant 78 : i32
      %broadcast_in_dim3A_1890 = vector.broadcast %broadcast_in_dim3A_1889 : i32 to vector<16xi32>
      %gather3A_1891 = tpu.vector_load_idx %arg4[%add3A_1195, %broadcast_in_dim3A_1890] : memref<512x155xf32, #tpu.memory_space<vmem>>[vector<16xi32>, vector<16xi32>], vector<16xf32>,
      %gt3A_1892 = arith.cmpf ogt, %gather3A_1891, %select_n3A_1884 : vector<16xf32>
      %select_n3A_1893 = arith.select %gt3A_1892, %gather3A_1891, %select_n3A_1884 : vector<16xi1>, vector<16xf32>
      %add3A_1894 = arith.constant 7.800000e+01 : f32
      %add3A_1895 = vector.broadcast %add3A_1894 : f32 to vector<16xf32>
      %add3A_1896 = arith.addf %broadcast_in_dim3A_1197, %add3A_1895 : vector<16xf32>
      %select_n3A_1897 = arith.select %gt3A_1892, %add3A_1896, %select_n3A_1888 : vector<16xi1>, vector<16xf32>
      %broadcast_in_dim3A_1898 = arith.constant 79 : i32
      %broadcast_in_dim3A_1899 = vector.broadcast %broadcast_in_dim3A_1898 : i32 to vector<16xi32>
      %gather3A_1900 = tpu.vector_load_idx %arg4[%add3A_1195, %broadcast_in_dim3A_1899] : memref<512x155xf32, #tpu.memory_space<vmem>>[vector<16xi32>, vector<16xi32>], vector<16xf32>,
      %gt3A_1901 = arith.cmpf ogt, %gather3A_1900, %select_n3A_1893 : vector<16xf32>
      %select_n3A_1902 = arith.select %gt3A_1901, %gather3A_1900, %select_n3A_1893 : vector<16xi1>, vector<16xf32>
      %add3A_1903 = arith.constant 7.900000e+01 : f32
      %add3A_1904 = vector.broadcast %add3A_1903 : f32 to vector<16xf32>
      %add3A_1905 = arith.addf %broadcast_in_dim3A_1197, %add3A_1904 : vector<16xf32>
      %select_n3A_1906 = arith.select %gt3A_1901, %add3A_1905, %select_n3A_1897 : vector<16xi1>, vector<16xf32>
      %broadcast_in_dim3A_1907 = arith.constant 80 : i32
      %broadcast_in_dim3A_1908 = vector.broadcast %broadcast_in_dim3A_1907 : i32 to vector<16xi32>
      %gather3A_1909 = tpu.vector_load_idx %arg4[%add3A_1195, %broadcast_in_dim3A_1908] : memref<512x155xf32, #tpu.memory_space<vmem>>[vector<16xi32>, vector<16xi32>], vector<16xf32>,
      %gt3A_1910 = arith.cmpf ogt, %gather3A_1909, %select_n3A_1902 : vector<16xf32>
      %select_n3A_1911 = arith.select %gt3A_1910, %gather3A_1909, %select_n3A_1902 : vector<16xi1>, vector<16xf32>
      %add3A_1912 = arith.constant 8.000000e+01 : f32
      %add3A_1913 = vector.broadcast %add3A_1912 : f32 to vector<16xf32>
      %add3A_1914 = arith.addf %broadcast_in_dim3A_1197, %add3A_1913 : vector<16xf32>
      %select_n3A_1915 = arith.select %gt3A_1910, %add3A_1914, %select_n3A_1906 : vector<16xi1>, vector<16xf32>
      %broadcast_in_dim3A_1916 = arith.constant 81 : i32
      %broadcast_in_dim3A_1917 = vector.broadcast %broadcast_in_dim3A_1916 : i32 to vector<16xi32>
      %gather3A_1918 = tpu.vector_load_idx %arg4[%add3A_1195, %broadcast_in_dim3A_1917] : memref<512x155xf32, #tpu.memory_space<vmem>>[vector<16xi32>, vector<16xi32>], vector<16xf32>,
      %gt3A_1919 = arith.cmpf ogt, %gather3A_1918, %select_n3A_1911 : vector<16xf32>
      %select_n3A_1920 = arith.select %gt3A_1919, %gather3A_1918, %select_n3A_1911 : vector<16xi1>, vector<16xf32>
      %add3A_1921 = arith.constant 8.100000e+01 : f32
      %add3A_1922 = vector.broadcast %add3A_1921 : f32 to vector<16xf32>
      %add3A_1923 = arith.addf %broadcast_in_dim3A_1197, %add3A_1922 : vector<16xf32>
      %select_n3A_1924 = arith.select %gt3A_1919, %add3A_1923, %select_n3A_1915 : vector<16xi1>, vector<16xf32>
      %broadcast_in_dim3A_1925 = arith.constant 82 : i32
      %broadcast_in_dim3A_1926 = vector.broadcast %broadcast_in_dim3A_1925 : i32 to vector<16xi32>
      %gather3A_1927 = tpu.vector_load_idx %arg4[%add3A_1195, %broadcast_in_dim3A_1926] : memref<512x155xf32, #tpu.memory_space<vmem>>[vector<16xi32>, vector<16xi32>], vector<16xf32>,
      %gt3A_1928 = arith.cmpf ogt, %gather3A_1927, %select_n3A_1920 : vector<16xf32>
      %select_n3A_1929 = arith.select %gt3A_1928, %gather3A_1927, %select_n3A_1920 : vector<16xi1>, vector<16xf32>
      %add3A_1930 = arith.constant 8.200000e+01 : f32
      %add3A_1931 = vector.broadcast %add3A_1930 : f32 to vector<16xf32>
      %add3A_1932 = arith.addf %broadcast_in_dim3A_1197, %add3A_1931 : vector<16xf32>
      %select_n3A_1933 = arith.select %gt3A_1928, %add3A_1932, %select_n3A_1924 : vector<16xi1>, vector<16xf32>
      %broadcast_in_dim3A_1934 = arith.constant 83 : i32
      %broadcast_in_dim3A_1935 = vector.broadcast %broadcast_in_dim3A_1934 : i32 to vector<16xi32>
      %gather3A_1936 = tpu.vector_load_idx %arg4[%add3A_1195, %broadcast_in_dim3A_1935] : memref<512x155xf32, #tpu.memory_space<vmem>>[vector<16xi32>, vector<16xi32>], vector<16xf32>,
      %gt3A_1937 = arith.cmpf ogt, %gather3A_1936, %select_n3A_1929 : vector<16xf32>
      %select_n3A_1938 = arith.select %gt3A_1937, %gather3A_1936, %select_n3A_1929 : vector<16xi1>, vector<16xf32>
      %add3A_1939 = arith.constant 8.300000e+01 : f32
      %add3A_1940 = vector.broadcast %add3A_1939 : f32 to vector<16xf32>
      %add3A_1941 = arith.addf %broadcast_in_dim3A_1197, %add3A_1940 : vector<16xf32>
      %select_n3A_1942 = arith.select %gt3A_1937, %add3A_1941, %select_n3A_1933 : vector<16xi1>, vector<16xf32>
      %broadcast_in_dim3A_1943 = arith.constant 84 : i32
      %broadcast_in_dim3A_1944 = vector.broadcast %broadcast_in_dim3A_1943 : i32 to vector<16xi32>
      %gather3A_1945 = tpu.vector_load_idx %arg4[%add3A_1195, %broadcast_in_dim3A_1944] : memref<512x155xf32, #tpu.memory_space<vmem>>[vector<16xi32>, vector<16xi32>], vector<16xf32>,
      %gt3A_1946 = arith.cmpf ogt, %gather3A_1945, %select_n3A_1938 : vector<16xf32>
      %select_n3A_1947 = arith.select %gt3A_1946, %gather3A_1945, %select_n3A_1938 : vector<16xi1>, vector<16xf32>
      %add3A_1948 = arith.constant 8.400000e+01 : f32
      %add3A_1949 = vector.broadcast %add3A_1948 : f32 to vector<16xf32>
      %add3A_1950 = arith.addf %broadcast_in_dim3A_1197, %add3A_1949 : vector<16xf32>
      %select_n3A_1951 = arith.select %gt3A_1946, %add3A_1950, %select_n3A_1942 : vector<16xi1>, vector<16xf32>
      %broadcast_in_dim3A_1952 = arith.constant 85 : i32
      %broadcast_in_dim3A_1953 = vector.broadcast %broadcast_in_dim3A_1952 : i32 to vector<16xi32>
      %gather3A_1954 = tpu.vector_load_idx %arg4[%add3A_1195, %broadcast_in_dim3A_1953] : memref<512x155xf32, #tpu.memory_space<vmem>>[vector<16xi32>, vector<16xi32>], vector<16xf32>,
      %gt3A_1955 = arith.cmpf ogt, %gather3A_1954, %select_n3A_1947 : vector<16xf32>
      %select_n3A_1956 = arith.select %gt3A_1955, %gather3A_1954, %select_n3A_1947 : vector<16xi1>, vector<16xf32>
      %add3A_1957 = arith.constant 8.500000e+01 : f32
      %add3A_1958 = vector.broadcast %add3A_1957 : f32 to vector<16xf32>
      %add3A_1959 = arith.addf %broadcast_in_dim3A_1197, %add3A_1958 : vector<16xf32>
      %select_n3A_1960 = arith.select %gt3A_1955, %add3A_1959, %select_n3A_1951 : vector<16xi1>, vector<16xf32>
      %broadcast_in_dim3A_1961 = arith.constant 86 : i32
      %broadcast_in_dim3A_1962 = vector.broadcast %broadcast_in_dim3A_1961 : i32 to vector<16xi32>
      %gather3A_1963 = tpu.vector_load_idx %arg4[%add3A_1195, %broadcast_in_dim3A_1962] : memref<512x155xf32, #tpu.memory_space<vmem>>[vector<16xi32>, vector<16xi32>], vector<16xf32>,
      %gt3A_1964 = arith.cmpf ogt, %gather3A_1963, %select_n3A_1956 : vector<16xf32>
      %select_n3A_1965 = arith.select %gt3A_1964, %gather3A_1963, %select_n3A_1956 : vector<16xi1>, vector<16xf32>
      %add3A_1966 = arith.constant 8.600000e+01 : f32
      %add3A_1967 = vector.broadcast %add3A_1966 : f32 to vector<16xf32>
      %add3A_1968 = arith.addf %broadcast_in_dim3A_1197, %add3A_1967 : vector<16xf32>
      %select_n3A_1969 = arith.select %gt3A_1964, %add3A_1968, %select_n3A_1960 : vector<16xi1>, vector<16xf32>
      %broadcast_in_dim3A_1970 = arith.constant 87 : i32
      %broadcast_in_dim3A_1971 = vector.broadcast %broadcast_in_dim3A_1970 : i32 to vector<16xi32>
      %gather3A_1972 = tpu.vector_load_idx %arg4[%add3A_1195, %broadcast_in_dim3A_1971] : memref<512x155xf32, #tpu.memory_space<vmem>>[vector<16xi32>, vector<16xi32>], vector<16xf32>,
      %gt3A_1973 = arith.cmpf ogt, %gather3A_1972, %select_n3A_1965 : vector<16xf32>
      %select_n3A_1974 = arith.select %gt3A_1973, %gather3A_1972, %select_n3A_1965 : vector<16xi1>, vector<16xf32>
      %add3A_1975 = arith.constant 8.700000e+01 : f32
      %add3A_1976 = vector.broadcast %add3A_1975 : f32 to vector<16xf32>
      %add3A_1977 = arith.addf %broadcast_in_dim3A_1197, %add3A_1976 : vector<16xf32>
      %select_n3A_1978 = arith.select %gt3A_1973, %add3A_1977, %select_n3A_1969 : vector<16xi1>, vector<16xf32>
      %broadcast_in_dim3A_1979 = arith.constant 88 : i32
      %broadcast_in_dim3A_1980 = vector.broadcast %broadcast_in_dim3A_1979 : i32 to vector<16xi32>
      %gather3A_1981 = tpu.vector_load_idx %arg4[%add3A_1195, %broadcast_in_dim3A_1980] : memref<512x155xf32, #tpu.memory_space<vmem>>[vector<16xi32>, vector<16xi32>], vector<16xf32>,
      %gt3A_1982 = arith.cmpf ogt, %gather3A_1981, %select_n3A_1974 : vector<16xf32>
      %select_n3A_1983 = arith.select %gt3A_1982, %gather3A_1981, %select_n3A_1974 : vector<16xi1>, vector<16xf32>
      %add3A_1984 = arith.constant 8.800000e+01 : f32
      %add3A_1985 = vector.broadcast %add3A_1984 : f32 to vector<16xf32>
      %add3A_1986 = arith.addf %broadcast_in_dim3A_1197, %add3A_1985 : vector<16xf32>
      %select_n3A_1987 = arith.select %gt3A_1982, %add3A_1986, %select_n3A_1978 : vector<16xi1>, vector<16xf32>
      %broadcast_in_dim3A_1988 = arith.constant 89 : i32
      %broadcast_in_dim3A_1989 = vector.broadcast %broadcast_in_dim3A_1988 : i32 to vector<16xi32>
      %gather3A_1990 = tpu.vector_load_idx %arg4[%add3A_1195, %broadcast_in_dim3A_1989] : memref<512x155xf32, #tpu.memory_space<vmem>>[vector<16xi32>, vector<16xi32>], vector<16xf32>,
      %gt3A_1991 = arith.cmpf ogt, %gather3A_1990, %select_n3A_1983 : vector<16xf32>
      %select_n3A_1992 = arith.select %gt3A_1991, %gather3A_1990, %select_n3A_1983 : vector<16xi1>, vector<16xf32>
      %add3A_1993 = arith.constant 8.900000e+01 : f32
      %add3A_1994 = vector.broadcast %add3A_1993 : f32 to vector<16xf32>
      %add3A_1995 = arith.addf %broadcast_in_dim3A_1197, %add3A_1994 : vector<16xf32>
      %select_n3A_1996 = arith.select %gt3A_1991, %add3A_1995, %select_n3A_1987 : vector<16xi1>, vector<16xf32>
      %broadcast_in_dim3A_1997 = arith.constant 90 : i32
      %broadcast_in_dim3A_1998 = vector.broadcast %broadcast_in_dim3A_1997 : i32 to vector<16xi32>
      %gather3A_1999 = tpu.vector_load_idx %arg4[%add3A_1195, %broadcast_in_dim3A_1998] : memref<512x155xf32, #tpu.memory_space<vmem>>[vector<16xi32>, vector<16xi32>], vector<16xf32>,
      %gt3A_2000 = arith.cmpf ogt, %gather3A_1999, %select_n3A_1992 : vector<16xf32>
      %select_n3A_2001 = arith.select %gt3A_2000, %gather3A_1999, %select_n3A_1992 : vector<16xi1>, vector<16xf32>
      %add3A_2002 = arith.constant 9.000000e+01 : f32
      %add3A_2003 = vector.broadcast %add3A_2002 : f32 to vector<16xf32>
      %add3A_2004 = arith.addf %broadcast_in_dim3A_1197, %add3A_2003 : vector<16xf32>
      %select_n3A_2005 = arith.select %gt3A_2000, %add3A_2004, %select_n3A_1996 : vector<16xi1>, vector<16xf32>
      %broadcast_in_dim3A_2006 = arith.constant 91 : i32
      %broadcast_in_dim3A_2007 = vector.broadcast %broadcast_in_dim3A_2006 : i32 to vector<16xi32>
      %gather3A_2008 = tpu.vector_load_idx %arg4[%add3A_1195, %broadcast_in_dim3A_2007] : memref<512x155xf32, #tpu.memory_space<vmem>>[vector<16xi32>, vector<16xi32>], vector<16xf32>,
      %gt3A_2009 = arith.cmpf ogt, %gather3A_2008, %select_n3A_2001 : vector<16xf32>
      %select_n3A_2010 = arith.select %gt3A_2009, %gather3A_2008, %select_n3A_2001 : vector<16xi1>, vector<16xf32>
      %add3A_2011 = arith.constant 9.100000e+01 : f32
      %add3A_2012 = vector.broadcast %add3A_2011 : f32 to vector<16xf32>
      %add3A_2013 = arith.addf %broadcast_in_dim3A_1197, %add3A_2012 : vector<16xf32>
      %select_n3A_2014 = arith.select %gt3A_2009, %add3A_2013, %select_n3A_2005 : vector<16xi1>, vector<16xf32>
      %broadcast_in_dim3A_2015 = arith.constant 92 : i32
      %broadcast_in_dim3A_2016 = vector.broadcast %broadcast_in_dim3A_2015 : i32 to vector<16xi32>
      %gather3A_2017 = tpu.vector_load_idx %arg4[%add3A_1195, %broadcast_in_dim3A_2016] : memref<512x155xf32, #tpu.memory_space<vmem>>[vector<16xi32>, vector<16xi32>], vector<16xf32>,
      %gt3A_2018 = arith.cmpf ogt, %gather3A_2017, %select_n3A_2010 : vector<16xf32>
      %select_n3A_2019 = arith.select %gt3A_2018, %gather3A_2017, %select_n3A_2010 : vector<16xi1>, vector<16xf32>
      %add3A_2020 = arith.constant 9.200000e+01 : f32
      %add3A_2021 = vector.broadcast %add3A_2020 : f32 to vector<16xf32>
      %add3A_2022 = arith.addf %broadcast_in_dim3A_1197, %add3A_2021 : vector<16xf32>
      %select_n3A_2023 = arith.select %gt3A_2018, %add3A_2022, %select_n3A_2014 : vector<16xi1>, vector<16xf32>
      %broadcast_in_dim3A_2024 = arith.constant 93 : i32
      %broadcast_in_dim3A_2025 = vector.broadcast %broadcast_in_dim3A_2024 : i32 to vector<16xi32>
      %gather3A_2026 = tpu.vector_load_idx %arg4[%add3A_1195, %broadcast_in_dim3A_2025] : memref<512x155xf32, #tpu.memory_space<vmem>>[vector<16xi32>, vector<16xi32>], vector<16xf32>,
      %gt3A_2027 = arith.cmpf ogt, %gather3A_2026, %select_n3A_2019 : vector<16xf32>
      %select_n3A_2028 = arith.select %gt3A_2027, %gather3A_2026, %select_n3A_2019 : vector<16xi1>, vector<16xf32>
      %add3A_2029 = arith.constant 9.300000e+01 : f32
      %add3A_2030 = vector.broadcast %add3A_2029 : f32 to vector<16xf32>
      %add3A_2031 = arith.addf %broadcast_in_dim3A_1197, %add3A_2030 : vector<16xf32>
      %select_n3A_2032 = arith.select %gt3A_2027, %add3A_2031, %select_n3A_2023 : vector<16xi1>, vector<16xf32>
      %broadcast_in_dim3A_2033 = arith.constant 8 : i32
      %broadcast_in_dim3A_2034 = vector.broadcast %broadcast_in_dim3A_2033 : i32 to vector<16xi32>
      tpu.vector_store_idx %arg5[%add3A_1195, %broadcast_in_dim3A_2034], %select_n3A_2032 : memref<512x16xf32, #tpu.memory_space<vmem>>[vector<16xi32>, vector<16xi32>], vector<16xf32>,
      %broadcast_in_dim3A_2035 = arith.constant 94 : i32
      %broadcast_in_dim3A_2036 = vector.broadcast %broadcast_in_dim3A_2035 : i32 to vector<16xi32>
      %gather3A_2037 = tpu.vector_load_idx %arg4[%add3A_1195, %broadcast_in_dim3A_2036] : memref<512x155xf32, #tpu.memory_space<vmem>>[vector<16xi32>, vector<16xi32>], vector<16xf32>,
      %add3A_2038 = arith.constant 9.400000e+01 : f32
      %add3A_2039 = vector.broadcast %add3A_2038 : f32 to vector<16xf32>
      %add3A_2040 = arith.addf %broadcast_in_dim3A_1197, %add3A_2039 : vector<16xf32>
      %broadcast_in_dim3A_2041 = arith.constant 95 : i32
      %broadcast_in_dim3A_2042 = vector.broadcast %broadcast_in_dim3A_2041 : i32 to vector<16xi32>
      %gather3A_2043 = tpu.vector_load_idx %arg4[%add3A_1195, %broadcast_in_dim3A_2042] : memref<512x155xf32, #tpu.memory_space<vmem>>[vector<16xi32>, vector<16xi32>], vector<16xf32>,
      %gt3A_2044 = arith.cmpf ogt, %gather3A_2043, %gather3A_2037 : vector<16xf32>
      %select_n3A_2045 = arith.select %gt3A_2044, %gather3A_2043, %gather3A_2037 : vector<16xi1>, vector<16xf32>
      %add3A_2046 = arith.constant 9.500000e+01 : f32
      %add3A_2047 = vector.broadcast %add3A_2046 : f32 to vector<16xf32>
      %add3A_2048 = arith.addf %broadcast_in_dim3A_1197, %add3A_2047 : vector<16xf32>
      %select_n3A_2049 = arith.select %gt3A_2044, %add3A_2048, %add3A_2040 : vector<16xi1>, vector<16xf32>
      %broadcast_in_dim3A_2050 = arith.constant 96 : i32
      %broadcast_in_dim3A_2051 = vector.broadcast %broadcast_in_dim3A_2050 : i32 to vector<16xi32>
      %gather3A_2052 = tpu.vector_load_idx %arg4[%add3A_1195, %broadcast_in_dim3A_2051] : memref<512x155xf32, #tpu.memory_space<vmem>>[vector<16xi32>, vector<16xi32>], vector<16xf32>,
      %gt3A_2053 = arith.cmpf ogt, %gather3A_2052, %select_n3A_2045 : vector<16xf32>
      %select_n3A_2054 = arith.select %gt3A_2053, %gather3A_2052, %select_n3A_2045 : vector<16xi1>, vector<16xf32>
      %add3A_2055 = arith.constant 9.600000e+01 : f32
      %add3A_2056 = vector.broadcast %add3A_2055 : f32 to vector<16xf32>
      %add3A_2057 = arith.addf %broadcast_in_dim3A_1197, %add3A_2056 : vector<16xf32>
      %select_n3A_2058 = arith.select %gt3A_2053, %add3A_2057, %select_n3A_2049 : vector<16xi1>, vector<16xf32>
      %broadcast_in_dim3A_2059 = arith.constant 97 : i32
      %broadcast_in_dim3A_2060 = vector.broadcast %broadcast_in_dim3A_2059 : i32 to vector<16xi32>
      %gather3A_2061 = tpu.vector_load_idx %arg4[%add3A_1195, %broadcast_in_dim3A_2060] : memref<512x155xf32, #tpu.memory_space<vmem>>[vector<16xi32>, vector<16xi32>], vector<16xf32>,
      %gt3A_2062 = arith.cmpf ogt, %gather3A_2061, %select_n3A_2054 : vector<16xf32>
      %select_n3A_2063 = arith.select %gt3A_2062, %gather3A_2061, %select_n3A_2054 : vector<16xi1>, vector<16xf32>
      %add3A_2064 = arith.constant 9.700000e+01 : f32
      %add3A_2065 = vector.broadcast %add3A_2064 : f32 to vector<16xf32>
      %add3A_2066 = arith.addf %broadcast_in_dim3A_1197, %add3A_2065 : vector<16xf32>
      %select_n3A_2067 = arith.select %gt3A_2062, %add3A_2066, %select_n3A_2058 : vector<16xi1>, vector<16xf32>
      %broadcast_in_dim3A_2068 = arith.constant 98 : i32
      %broadcast_in_dim3A_2069 = vector.broadcast %broadcast_in_dim3A_2068 : i32 to vector<16xi32>
      %gather3A_2070 = tpu.vector_load_idx %arg4[%add3A_1195, %broadcast_in_dim3A_2069] : memref<512x155xf32, #tpu.memory_space<vmem>>[vector<16xi32>, vector<16xi32>], vector<16xf32>,
      %gt3A_2071 = arith.cmpf ogt, %gather3A_2070, %select_n3A_2063 : vector<16xf32>
      %select_n3A_2072 = arith.select %gt3A_2071, %gather3A_2070, %select_n3A_2063 : vector<16xi1>, vector<16xf32>
      %add3A_2073 = arith.constant 9.800000e+01 : f32
      %add3A_2074 = vector.broadcast %add3A_2073 : f32 to vector<16xf32>
      %add3A_2075 = arith.addf %broadcast_in_dim3A_1197, %add3A_2074 : vector<16xf32>
      %select_n3A_2076 = arith.select %gt3A_2071, %add3A_2075, %select_n3A_2067 : vector<16xi1>, vector<16xf32>
      %broadcast_in_dim3A_2077 = arith.constant 99 : i32
      %broadcast_in_dim3A_2078 = vector.broadcast %broadcast_in_dim3A_2077 : i32 to vector<16xi32>
      %gather3A_2079 = tpu.vector_load_idx %arg4[%add3A_1195, %broadcast_in_dim3A_2078] : memref<512x155xf32, #tpu.memory_space<vmem>>[vector<16xi32>, vector<16xi32>], vector<16xf32>,
      %gt3A_2080 = arith.cmpf ogt, %gather3A_2079, %select_n3A_2072 : vector<16xf32>
      %select_n3A_2081 = arith.select %gt3A_2080, %gather3A_2079, %select_n3A_2072 : vector<16xi1>, vector<16xf32>
      %add3A_2082 = arith.constant 9.900000e+01 : f32
      %add3A_2083 = vector.broadcast %add3A_2082 : f32 to vector<16xf32>
      %add3A_2084 = arith.addf %broadcast_in_dim3A_1197, %add3A_2083 : vector<16xf32>
      %select_n3A_2085 = arith.select %gt3A_2080, %add3A_2084, %select_n3A_2076 : vector<16xi1>, vector<16xf32>
      %broadcast_in_dim3A_2086 = arith.constant 100 : i32
      %broadcast_in_dim3A_2087 = vector.broadcast %broadcast_in_dim3A_2086 : i32 to vector<16xi32>
      %gather3A_2088 = tpu.vector_load_idx %arg4[%add3A_1195, %broadcast_in_dim3A_2087] : memref<512x155xf32, #tpu.memory_space<vmem>>[vector<16xi32>, vector<16xi32>], vector<16xf32>,
      %gt3A_2089 = arith.cmpf ogt, %gather3A_2088, %select_n3A_2081 : vector<16xf32>
      %select_n3A_2090 = arith.select %gt3A_2089, %gather3A_2088, %select_n3A_2081 : vector<16xi1>, vector<16xf32>
      %add3A_2091 = arith.constant 1.000000e+02 : f32
      %add3A_2092 = vector.broadcast %add3A_2091 : f32 to vector<16xf32>
      %add3A_2093 = arith.addf %broadcast_in_dim3A_1197, %add3A_2092 : vector<16xf32>
      %select_n3A_2094 = arith.select %gt3A_2089, %add3A_2093, %select_n3A_2085 : vector<16xi1>, vector<16xf32>
      %broadcast_in_dim3A_2095 = arith.constant 9 : i32
      %broadcast_in_dim3A_2096 = vector.broadcast %broadcast_in_dim3A_2095 : i32 to vector<16xi32>
      tpu.vector_store_idx %arg5[%add3A_1195, %broadcast_in_dim3A_2096], %select_n3A_2094 : memref<512x16xf32, #tpu.memory_space<vmem>>[vector<16xi32>, vector<16xi32>], vector<16xf32>,
      %broadcast_in_dim3A_2097 = arith.constant 101 : i32
      %broadcast_in_dim3A_2098 = vector.broadcast %broadcast_in_dim3A_2097 : i32 to vector<16xi32>
      %gather3A_2099 = tpu.vector_load_idx %arg4[%add3A_1195, %broadcast_in_dim3A_2098] : memref<512x155xf32, #tpu.memory_space<vmem>>[vector<16xi32>, vector<16xi32>], vector<16xf32>,
      %add3A_2100 = arith.constant 1.010000e+02 : f32
      %add3A_2101 = vector.broadcast %add3A_2100 : f32 to vector<16xf32>
      %add3A_2102 = arith.addf %broadcast_in_dim3A_1197, %add3A_2101 : vector<16xf32>
      %broadcast_in_dim3A_2103 = arith.constant 102 : i32
      %broadcast_in_dim3A_2104 = vector.broadcast %broadcast_in_dim3A_2103 : i32 to vector<16xi32>
      %gather3A_2105 = tpu.vector_load_idx %arg4[%add3A_1195, %broadcast_in_dim3A_2104] : memref<512x155xf32, #tpu.memory_space<vmem>>[vector<16xi32>, vector<16xi32>], vector<16xf32>,
      %gt3A_2106 = arith.cmpf ogt, %gather3A_2105, %gather3A_2099 : vector<16xf32>
      %select_n3A_2107 = arith.select %gt3A_2106, %gather3A_2105, %gather3A_2099 : vector<16xi1>, vector<16xf32>
      %add3A_2108 = arith.constant 1.020000e+02 : f32
      %add3A_2109 = vector.broadcast %add3A_2108 : f32 to vector<16xf32>
      %add3A_2110 = arith.addf %broadcast_in_dim3A_1197, %add3A_2109 : vector<16xf32>
      %select_n3A_2111 = arith.select %gt3A_2106, %add3A_2110, %add3A_2102 : vector<16xi1>, vector<16xf32>
      %broadcast_in_dim3A_2112 = arith.constant 10 : i32
      %broadcast_in_dim3A_2113 = vector.broadcast %broadcast_in_dim3A_2112 : i32 to vector<16xi32>
      tpu.vector_store_idx %arg5[%add3A_1195, %broadcast_in_dim3A_2113], %select_n3A_2111 : memref<512x16xf32, #tpu.memory_space<vmem>>[vector<16xi32>, vector<16xi32>], vector<16xf32>,
      %broadcast_in_dim3A_2114 = arith.constant 103 : i32
      %broadcast_in_dim3A_2115 = vector.broadcast %broadcast_in_dim3A_2114 : i32 to vector<16xi32>
      %gather3A_2116 = tpu.vector_load_idx %arg4[%add3A_1195, %broadcast_in_dim3A_2115] : memref<512x155xf32, #tpu.memory_space<vmem>>[vector<16xi32>, vector<16xi32>], vector<16xf32>,
      %add3A_2117 = arith.constant 1.030000e+02 : f32
      %add3A_2118 = vector.broadcast %add3A_2117 : f32 to vector<16xf32>
      %add3A_2119 = arith.addf %broadcast_in_dim3A_1197, %add3A_2118 : vector<16xf32>
      %broadcast_in_dim3A_2120 = arith.constant 104 : i32
      %broadcast_in_dim3A_2121 = vector.broadcast %broadcast_in_dim3A_2120 : i32 to vector<16xi32>
      %gather3A_2122 = tpu.vector_load_idx %arg4[%add3A_1195, %broadcast_in_dim3A_2121] : memref<512x155xf32, #tpu.memory_space<vmem>>[vector<16xi32>, vector<16xi32>], vector<16xf32>,
      %gt3A_2123 = arith.cmpf ogt, %gather3A_2122, %gather3A_2116 : vector<16xf32>
      %select_n3A_2124 = arith.select %gt3A_2123, %gather3A_2122, %gather3A_2116 : vector<16xi1>, vector<16xf32>
      %add3A_2125 = arith.constant 1.040000e+02 : f32
      %add3A_2126 = vector.broadcast %add3A_2125 : f32 to vector<16xf32>
      %add3A_2127 = arith.addf %broadcast_in_dim3A_1197, %add3A_2126 : vector<16xf32>
      %select_n3A_2128 = arith.select %gt3A_2123, %add3A_2127, %add3A_2119 : vector<16xi1>, vector<16xf32>
      %broadcast_in_dim3A_2129 = arith.constant 105 : i32
      %broadcast_in_dim3A_2130 = vector.broadcast %broadcast_in_dim3A_2129 : i32 to vector<16xi32>
      %gather3A_2131 = tpu.vector_load_idx %arg4[%add3A_1195, %broadcast_in_dim3A_2130] : memref<512x155xf32, #tpu.memory_space<vmem>>[vector<16xi32>, vector<16xi32>], vector<16xf32>,
      %gt3A_2132 = arith.cmpf ogt, %gather3A_2131, %select_n3A_2124 : vector<16xf32>
      %select_n3A_2133 = arith.select %gt3A_2132, %gather3A_2131, %select_n3A_2124 : vector<16xi1>, vector<16xf32>
      %add3A_2134 = arith.constant 1.050000e+02 : f32
      %add3A_2135 = vector.broadcast %add3A_2134 : f32 to vector<16xf32>
      %add3A_2136 = arith.addf %broadcast_in_dim3A_1197, %add3A_2135 : vector<16xf32>
      %select_n3A_2137 = arith.select %gt3A_2132, %add3A_2136, %select_n3A_2128 : vector<16xi1>, vector<16xf32>
      %broadcast_in_dim3A_2138 = arith.constant 106 : i32
      %broadcast_in_dim3A_2139 = vector.broadcast %broadcast_in_dim3A_2138 : i32 to vector<16xi32>
      %gather3A_2140 = tpu.vector_load_idx %arg4[%add3A_1195, %broadcast_in_dim3A_2139] : memref<512x155xf32, #tpu.memory_space<vmem>>[vector<16xi32>, vector<16xi32>], vector<16xf32>,
      %gt3A_2141 = arith.cmpf ogt, %gather3A_2140, %select_n3A_2133 : vector<16xf32>
      %select_n3A_2142 = arith.select %gt3A_2141, %gather3A_2140, %select_n3A_2133 : vector<16xi1>, vector<16xf32>
      %add3A_2143 = arith.constant 1.060000e+02 : f32
      %add3A_2144 = vector.broadcast %add3A_2143 : f32 to vector<16xf32>
      %add3A_2145 = arith.addf %broadcast_in_dim3A_1197, %add3A_2144 : vector<16xf32>
      %select_n3A_2146 = arith.select %gt3A_2141, %add3A_2145, %select_n3A_2137 : vector<16xi1>, vector<16xf32>
      %broadcast_in_dim3A_2147 = arith.constant 107 : i32
      %broadcast_in_dim3A_2148 = vector.broadcast %broadcast_in_dim3A_2147 : i32 to vector<16xi32>
      %gather3A_2149 = tpu.vector_load_idx %arg4[%add3A_1195, %broadcast_in_dim3A_2148] : memref<512x155xf32, #tpu.memory_space<vmem>>[vector<16xi32>, vector<16xi32>], vector<16xf32>,
      %gt3A_2150 = arith.cmpf ogt, %gather3A_2149, %select_n3A_2142 : vector<16xf32>
      %select_n3A_2151 = arith.select %gt3A_2150, %gather3A_2149, %select_n3A_2142 : vector<16xi1>, vector<16xf32>
      %add3A_2152 = arith.constant 1.070000e+02 : f32
      %add3A_2153 = vector.broadcast %add3A_2152 : f32 to vector<16xf32>
      %add3A_2154 = arith.addf %broadcast_in_dim3A_1197, %add3A_2153 : vector<16xf32>
      %select_n3A_2155 = arith.select %gt3A_2150, %add3A_2154, %select_n3A_2146 : vector<16xi1>, vector<16xf32>
      %broadcast_in_dim3A_2156 = arith.constant 108 : i32
      %broadcast_in_dim3A_2157 = vector.broadcast %broadcast_in_dim3A_2156 : i32 to vector<16xi32>
      %gather3A_2158 = tpu.vector_load_idx %arg4[%add3A_1195, %broadcast_in_dim3A_2157] : memref<512x155xf32, #tpu.memory_space<vmem>>[vector<16xi32>, vector<16xi32>], vector<16xf32>,
      %gt3A_2159 = arith.cmpf ogt, %gather3A_2158, %select_n3A_2151 : vector<16xf32>
      %select_n3A_2160 = arith.select %gt3A_2159, %gather3A_2158, %select_n3A_2151 : vector<16xi1>, vector<16xf32>
      %add3A_2161 = arith.constant 1.080000e+02 : f32
      %add3A_2162 = vector.broadcast %add3A_2161 : f32 to vector<16xf32>
      %add3A_2163 = arith.addf %broadcast_in_dim3A_1197, %add3A_2162 : vector<16xf32>
      %select_n3A_2164 = arith.select %gt3A_2159, %add3A_2163, %select_n3A_2155 : vector<16xi1>, vector<16xf32>
      %broadcast_in_dim3A_2165 = arith.constant 109 : i32
      %broadcast_in_dim3A_2166 = vector.broadcast %broadcast_in_dim3A_2165 : i32 to vector<16xi32>
      %gather3A_2167 = tpu.vector_load_idx %arg4[%add3A_1195, %broadcast_in_dim3A_2166] : memref<512x155xf32, #tpu.memory_space<vmem>>[vector<16xi32>, vector<16xi32>], vector<16xf32>,
      %gt3A_2168 = arith.cmpf ogt, %gather3A_2167, %select_n3A_2160 : vector<16xf32>
      %select_n3A_2169 = arith.select %gt3A_2168, %gather3A_2167, %select_n3A_2160 : vector<16xi1>, vector<16xf32>
      %add3A_2170 = arith.constant 1.090000e+02 : f32
      %add3A_2171 = vector.broadcast %add3A_2170 : f32 to vector<16xf32>
      %add3A_2172 = arith.addf %broadcast_in_dim3A_1197, %add3A_2171 : vector<16xf32>
      %select_n3A_2173 = arith.select %gt3A_2168, %add3A_2172, %select_n3A_2164 : vector<16xi1>, vector<16xf32>
      %broadcast_in_dim3A_2174 = arith.constant 110 : i32
      %broadcast_in_dim3A_2175 = vector.broadcast %broadcast_in_dim3A_2174 : i32 to vector<16xi32>
      %gather3A_2176 = tpu.vector_load_idx %arg4[%add3A_1195, %broadcast_in_dim3A_2175] : memref<512x155xf32, #tpu.memory_space<vmem>>[vector<16xi32>, vector<16xi32>], vector<16xf32>,
      %gt3A_2177 = arith.cmpf ogt, %gather3A_2176, %select_n3A_2169 : vector<16xf32>
      %select_n3A_2178 = arith.select %gt3A_2177, %gather3A_2176, %select_n3A_2169 : vector<16xi1>, vector<16xf32>
      %add3A_2179 = arith.constant 1.100000e+02 : f32
      %add3A_2180 = vector.broadcast %add3A_2179 : f32 to vector<16xf32>
      %add3A_2181 = arith.addf %broadcast_in_dim3A_1197, %add3A_2180 : vector<16xf32>
      %select_n3A_2182 = arith.select %gt3A_2177, %add3A_2181, %select_n3A_2173 : vector<16xi1>, vector<16xf32>
      %broadcast_in_dim3A_2183 = arith.constant 111 : i32
      %broadcast_in_dim3A_2184 = vector.broadcast %broadcast_in_dim3A_2183 : i32 to vector<16xi32>
      %gather3A_2185 = tpu.vector_load_idx %arg4[%add3A_1195, %broadcast_in_dim3A_2184] : memref<512x155xf32, #tpu.memory_space<vmem>>[vector<16xi32>, vector<16xi32>], vector<16xf32>,
      %gt3A_2186 = arith.cmpf ogt, %gather3A_2185, %select_n3A_2178 : vector<16xf32>
      %select_n3A_2187 = arith.select %gt3A_2186, %gather3A_2185, %select_n3A_2178 : vector<16xi1>, vector<16xf32>
      %add3A_2188 = arith.constant 1.110000e+02 : f32
      %add3A_2189 = vector.broadcast %add3A_2188 : f32 to vector<16xf32>
      %add3A_2190 = arith.addf %broadcast_in_dim3A_1197, %add3A_2189 : vector<16xf32>
      %select_n3A_2191 = arith.select %gt3A_2186, %add3A_2190, %select_n3A_2182 : vector<16xi1>, vector<16xf32>
      %broadcast_in_dim3A_2192 = arith.constant 112 : i32
      %broadcast_in_dim3A_2193 = vector.broadcast %broadcast_in_dim3A_2192 : i32 to vector<16xi32>
      %gather3A_2194 = tpu.vector_load_idx %arg4[%add3A_1195, %broadcast_in_dim3A_2193] : memref<512x155xf32, #tpu.memory_space<vmem>>[vector<16xi32>, vector<16xi32>], vector<16xf32>,
      %gt3A_2195 = arith.cmpf ogt, %gather3A_2194, %select_n3A_2187 : vector<16xf32>
      %select_n3A_2196 = arith.select %gt3A_2195, %gather3A_2194, %select_n3A_2187 : vector<16xi1>, vector<16xf32>
      %add3A_2197 = arith.constant 1.120000e+02 : f32
      %add3A_2198 = vector.broadcast %add3A_2197 : f32 to vector<16xf32>
      %add3A_2199 = arith.addf %broadcast_in_dim3A_1197, %add3A_2198 : vector<16xf32>
      %select_n3A_2200 = arith.select %gt3A_2195, %add3A_2199, %select_n3A_2191 : vector<16xi1>, vector<16xf32>
      %broadcast_in_dim3A_2201 = arith.constant 113 : i32
      %broadcast_in_dim3A_2202 = vector.broadcast %broadcast_in_dim3A_2201 : i32 to vector<16xi32>
      %gather3A_2203 = tpu.vector_load_idx %arg4[%add3A_1195, %broadcast_in_dim3A_2202] : memref<512x155xf32, #tpu.memory_space<vmem>>[vector<16xi32>, vector<16xi32>], vector<16xf32>,
      %gt3A_2204 = arith.cmpf ogt, %gather3A_2203, %select_n3A_2196 : vector<16xf32>
      %select_n3A_2205 = arith.select %gt3A_2204, %gather3A_2203, %select_n3A_2196 : vector<16xi1>, vector<16xf32>
      %add3A_2206 = arith.constant 1.130000e+02 : f32
      %add3A_2207 = vector.broadcast %add3A_2206 : f32 to vector<16xf32>
      %add3A_2208 = arith.addf %broadcast_in_dim3A_1197, %add3A_2207 : vector<16xf32>
      %select_n3A_2209 = arith.select %gt3A_2204, %add3A_2208, %select_n3A_2200 : vector<16xi1>, vector<16xf32>
      %broadcast_in_dim3A_2210 = arith.constant 114 : i32
      %broadcast_in_dim3A_2211 = vector.broadcast %broadcast_in_dim3A_2210 : i32 to vector<16xi32>
      %gather3A_2212 = tpu.vector_load_idx %arg4[%add3A_1195, %broadcast_in_dim3A_2211] : memref<512x155xf32, #tpu.memory_space<vmem>>[vector<16xi32>, vector<16xi32>], vector<16xf32>,
      %gt3A_2213 = arith.cmpf ogt, %gather3A_2212, %select_n3A_2205 : vector<16xf32>
      %select_n3A_2214 = arith.select %gt3A_2213, %gather3A_2212, %select_n3A_2205 : vector<16xi1>, vector<16xf32>
      %add3A_2215 = arith.constant 1.140000e+02 : f32
      %add3A_2216 = vector.broadcast %add3A_2215 : f32 to vector<16xf32>
      %add3A_2217 = arith.addf %broadcast_in_dim3A_1197, %add3A_2216 : vector<16xf32>
      %select_n3A_2218 = arith.select %gt3A_2213, %add3A_2217, %select_n3A_2209 : vector<16xi1>, vector<16xf32>
      %broadcast_in_dim3A_2219 = arith.constant 115 : i32
      %broadcast_in_dim3A_2220 = vector.broadcast %broadcast_in_dim3A_2219 : i32 to vector<16xi32>
      %gather3A_2221 = tpu.vector_load_idx %arg4[%add3A_1195, %broadcast_in_dim3A_2220] : memref<512x155xf32, #tpu.memory_space<vmem>>[vector<16xi32>, vector<16xi32>], vector<16xf32>,
      %gt3A_2222 = arith.cmpf ogt, %gather3A_2221, %select_n3A_2214 : vector<16xf32>
      %select_n3A_2223 = arith.select %gt3A_2222, %gather3A_2221, %select_n3A_2214 : vector<16xi1>, vector<16xf32>
      %add3A_2224 = arith.constant 1.150000e+02 : f32
      %add3A_2225 = vector.broadcast %add3A_2224 : f32 to vector<16xf32>
      %add3A_2226 = arith.addf %broadcast_in_dim3A_1197, %add3A_2225 : vector<16xf32>
      %select_n3A_2227 = arith.select %gt3A_2222, %add3A_2226, %select_n3A_2218 : vector<16xi1>, vector<16xf32>
      %broadcast_in_dim3A_2228 = arith.constant 116 : i32
      %broadcast_in_dim3A_2229 = vector.broadcast %broadcast_in_dim3A_2228 : i32 to vector<16xi32>
      %gather3A_2230 = tpu.vector_load_idx %arg4[%add3A_1195, %broadcast_in_dim3A_2229] : memref<512x155xf32, #tpu.memory_space<vmem>>[vector<16xi32>, vector<16xi32>], vector<16xf32>,
      %gt3A_2231 = arith.cmpf ogt, %gather3A_2230, %select_n3A_2223 : vector<16xf32>
      %select_n3A_2232 = arith.select %gt3A_2231, %gather3A_2230, %select_n3A_2223 : vector<16xi1>, vector<16xf32>
      %add3A_2233 = arith.constant 1.160000e+02 : f32
      %add3A_2234 = vector.broadcast %add3A_2233 : f32 to vector<16xf32>
      %add3A_2235 = arith.addf %broadcast_in_dim3A_1197, %add3A_2234 : vector<16xf32>
      %select_n3A_2236 = arith.select %gt3A_2231, %add3A_2235, %select_n3A_2227 : vector<16xi1>, vector<16xf32>
      %broadcast_in_dim3A_2237 = arith.constant 117 : i32
      %broadcast_in_dim3A_2238 = vector.broadcast %broadcast_in_dim3A_2237 : i32 to vector<16xi32>
      %gather3A_2239 = tpu.vector_load_idx %arg4[%add3A_1195, %broadcast_in_dim3A_2238] : memref<512x155xf32, #tpu.memory_space<vmem>>[vector<16xi32>, vector<16xi32>], vector<16xf32>,
      %gt3A_2240 = arith.cmpf ogt, %gather3A_2239, %select_n3A_2232 : vector<16xf32>
      %select_n3A_2241 = arith.select %gt3A_2240, %gather3A_2239, %select_n3A_2232 : vector<16xi1>, vector<16xf32>
      %add3A_2242 = arith.constant 1.170000e+02 : f32
      %add3A_2243 = vector.broadcast %add3A_2242 : f32 to vector<16xf32>
      %add3A_2244 = arith.addf %broadcast_in_dim3A_1197, %add3A_2243 : vector<16xf32>
      %select_n3A_2245 = arith.select %gt3A_2240, %add3A_2244, %select_n3A_2236 : vector<16xi1>, vector<16xf32>
      %broadcast_in_dim3A_2246 = arith.constant 118 : i32
      %broadcast_in_dim3A_2247 = vector.broadcast %broadcast_in_dim3A_2246 : i32 to vector<16xi32>
      %gather3A_2248 = tpu.vector_load_idx %arg4[%add3A_1195, %broadcast_in_dim3A_2247] : memref<512x155xf32, #tpu.memory_space<vmem>>[vector<16xi32>, vector<16xi32>], vector<16xf32>,
      %gt3A_2249 = arith.cmpf ogt, %gather3A_2248, %select_n3A_2241 : vector<16xf32>
      %select_n3A_2250 = arith.select %gt3A_2249, %gather3A_2248, %select_n3A_2241 : vector<16xi1>, vector<16xf32>
      %add3A_2251 = arith.constant 1.180000e+02 : f32
      %add3A_2252 = vector.broadcast %add3A_2251 : f32 to vector<16xf32>
      %add3A_2253 = arith.addf %broadcast_in_dim3A_1197, %add3A_2252 : vector<16xf32>
      %select_n3A_2254 = arith.select %gt3A_2249, %add3A_2253, %select_n3A_2245 : vector<16xi1>, vector<16xf32>
      %broadcast_in_dim3A_2255 = arith.constant 119 : i32
      %broadcast_in_dim3A_2256 = vector.broadcast %broadcast_in_dim3A_2255 : i32 to vector<16xi32>
      %gather3A_2257 = tpu.vector_load_idx %arg4[%add3A_1195, %broadcast_in_dim3A_2256] : memref<512x155xf32, #tpu.memory_space<vmem>>[vector<16xi32>, vector<16xi32>], vector<16xf32>,
      %gt3A_2258 = arith.cmpf ogt, %gather3A_2257, %select_n3A_2250 : vector<16xf32>
      %select_n3A_2259 = arith.select %gt3A_2258, %gather3A_2257, %select_n3A_2250 : vector<16xi1>, vector<16xf32>
      %add3A_2260 = arith.constant 1.190000e+02 : f32
      %add3A_2261 = vector.broadcast %add3A_2260 : f32 to vector<16xf32>
      %add3A_2262 = arith.addf %broadcast_in_dim3A_1197, %add3A_2261 : vector<16xf32>
      %select_n3A_2263 = arith.select %gt3A_2258, %add3A_2262, %select_n3A_2254 : vector<16xi1>, vector<16xf32>
      %broadcast_in_dim3A_2264 = arith.constant 120 : i32
      %broadcast_in_dim3A_2265 = vector.broadcast %broadcast_in_dim3A_2264 : i32 to vector<16xi32>
      %gather3A_2266 = tpu.vector_load_idx %arg4[%add3A_1195, %broadcast_in_dim3A_2265] : memref<512x155xf32, #tpu.memory_space<vmem>>[vector<16xi32>, vector<16xi32>], vector<16xf32>,
      %gt3A_2267 = arith.cmpf ogt, %gather3A_2266, %select_n3A_2259 : vector<16xf32>
      %select_n3A_2268 = arith.select %gt3A_2267, %gather3A_2266, %select_n3A_2259 : vector<16xi1>, vector<16xf32>
      %add3A_2269 = arith.constant 1.200000e+02 : f32
      %add3A_2270 = vector.broadcast %add3A_2269 : f32 to vector<16xf32>
      %add3A_2271 = arith.addf %broadcast_in_dim3A_1197, %add3A_2270 : vector<16xf32>
      %select_n3A_2272 = arith.select %gt3A_2267, %add3A_2271, %select_n3A_2263 : vector<16xi1>, vector<16xf32>
      %broadcast_in_dim3A_2273 = arith.constant 121 : i32
      %broadcast_in_dim3A_2274 = vector.broadcast %broadcast_in_dim3A_2273 : i32 to vector<16xi32>
      %gather3A_2275 = tpu.vector_load_idx %arg4[%add3A_1195, %broadcast_in_dim3A_2274] : memref<512x155xf32, #tpu.memory_space<vmem>>[vector<16xi32>, vector<16xi32>], vector<16xf32>,
      %gt3A_2276 = arith.cmpf ogt, %gather3A_2275, %select_n3A_2268 : vector<16xf32>
      %select_n3A_2277 = arith.select %gt3A_2276, %gather3A_2275, %select_n3A_2268 : vector<16xi1>, vector<16xf32>
      %add3A_2278 = arith.constant 1.210000e+02 : f32
      %add3A_2279 = vector.broadcast %add3A_2278 : f32 to vector<16xf32>
      %add3A_2280 = arith.addf %broadcast_in_dim3A_1197, %add3A_2279 : vector<16xf32>
      %select_n3A_2281 = arith.select %gt3A_2276, %add3A_2280, %select_n3A_2272 : vector<16xi1>, vector<16xf32>
      %broadcast_in_dim3A_2282 = arith.constant 122 : i32
      %broadcast_in_dim3A_2283 = vector.broadcast %broadcast_in_dim3A_2282 : i32 to vector<16xi32>
      %gather3A_2284 = tpu.vector_load_idx %arg4[%add3A_1195, %broadcast_in_dim3A_2283] : memref<512x155xf32, #tpu.memory_space<vmem>>[vector<16xi32>, vector<16xi32>], vector<16xf32>,
      %gt3A_2285 = arith.cmpf ogt, %gather3A_2284, %select_n3A_2277 : vector<16xf32>
      %select_n3A_2286 = arith.select %gt3A_2285, %gather3A_2284, %select_n3A_2277 : vector<16xi1>, vector<16xf32>
      %add3A_2287 = arith.constant 1.220000e+02 : f32
      %add3A_2288 = vector.broadcast %add3A_2287 : f32 to vector<16xf32>
      %add3A_2289 = arith.addf %broadcast_in_dim3A_1197, %add3A_2288 : vector<16xf32>
      %select_n3A_2290 = arith.select %gt3A_2285, %add3A_2289, %select_n3A_2281 : vector<16xi1>, vector<16xf32>
      %broadcast_in_dim3A_2291 = arith.constant 123 : i32
      %broadcast_in_dim3A_2292 = vector.broadcast %broadcast_in_dim3A_2291 : i32 to vector<16xi32>
      %gather3A_2293 = tpu.vector_load_idx %arg4[%add3A_1195, %broadcast_in_dim3A_2292] : memref<512x155xf32, #tpu.memory_space<vmem>>[vector<16xi32>, vector<16xi32>], vector<16xf32>,
      %gt3A_2294 = arith.cmpf ogt, %gather3A_2293, %select_n3A_2286 : vector<16xf32>
      %select_n3A_2295 = arith.select %gt3A_2294, %gather3A_2293, %select_n3A_2286 : vector<16xi1>, vector<16xf32>
      %add3A_2296 = arith.constant 1.230000e+02 : f32
      %add3A_2297 = vector.broadcast %add3A_2296 : f32 to vector<16xf32>
      %add3A_2298 = arith.addf %broadcast_in_dim3A_1197, %add3A_2297 : vector<16xf32>
      %select_n3A_2299 = arith.select %gt3A_2294, %add3A_2298, %select_n3A_2290 : vector<16xi1>, vector<16xf32>
      %broadcast_in_dim3A_2300 = arith.constant 11 : i32
      %broadcast_in_dim3A_2301 = vector.broadcast %broadcast_in_dim3A_2300 : i32 to vector<16xi32>
      tpu.vector_store_idx %arg5[%add3A_1195, %broadcast_in_dim3A_2301], %select_n3A_2299 : memref<512x16xf32, #tpu.memory_space<vmem>>[vector<16xi32>, vector<16xi32>], vector<16xf32>,
      %broadcast_in_dim3A_2302 = arith.constant 124 : i32
      %broadcast_in_dim3A_2303 = vector.broadcast %broadcast_in_dim3A_2302 : i32 to vector<16xi32>
      %gather3A_2304 = tpu.vector_load_idx %arg4[%add3A_1195, %broadcast_in_dim3A_2303] : memref<512x155xf32, #tpu.memory_space<vmem>>[vector<16xi32>, vector<16xi32>], vector<16xf32>,
      %add3A_2305 = arith.constant 1.240000e+02 : f32
      %add3A_2306 = vector.broadcast %add3A_2305 : f32 to vector<16xf32>
      %add3A_2307 = arith.addf %broadcast_in_dim3A_1197, %add3A_2306 : vector<16xf32>
      %broadcast_in_dim3A_2308 = arith.constant 125 : i32
      %broadcast_in_dim3A_2309 = vector.broadcast %broadcast_in_dim3A_2308 : i32 to vector<16xi32>
      %gather3A_2310 = tpu.vector_load_idx %arg4[%add3A_1195, %broadcast_in_dim3A_2309] : memref<512x155xf32, #tpu.memory_space<vmem>>[vector<16xi32>, vector<16xi32>], vector<16xf32>,
      %gt3A_2311 = arith.cmpf ogt, %gather3A_2310, %gather3A_2304 : vector<16xf32>
      %select_n3A_2312 = arith.select %gt3A_2311, %gather3A_2310, %gather3A_2304 : vector<16xi1>, vector<16xf32>
      %add3A_2313 = arith.constant 1.250000e+02 : f32
      %add3A_2314 = vector.broadcast %add3A_2313 : f32 to vector<16xf32>
      %add3A_2315 = arith.addf %broadcast_in_dim3A_1197, %add3A_2314 : vector<16xf32>
      %select_n3A_2316 = arith.select %gt3A_2311, %add3A_2315, %add3A_2307 : vector<16xi1>, vector<16xf32>
      %broadcast_in_dim3A_2317 = arith.constant 12 : i32
      %broadcast_in_dim3A_2318 = vector.broadcast %broadcast_in_dim3A_2317 : i32 to vector<16xi32>
      tpu.vector_store_idx %arg5[%add3A_1195, %broadcast_in_dim3A_2318], %select_n3A_2316 : memref<512x16xf32, #tpu.memory_space<vmem>>[vector<16xi32>, vector<16xi32>], vector<16xf32>,
      %broadcast_in_dim3A_2319 = arith.constant 126 : i32
      %broadcast_in_dim3A_2320 = vector.broadcast %broadcast_in_dim3A_2319 : i32 to vector<16xi32>
      %gather3A_2321 = tpu.vector_load_idx %arg4[%add3A_1195, %broadcast_in_dim3A_2320] : memref<512x155xf32, #tpu.memory_space<vmem>>[vector<16xi32>, vector<16xi32>], vector<16xf32>,
      %add3A_2322 = arith.constant 1.260000e+02 : f32
      %add3A_2323 = vector.broadcast %add3A_2322 : f32 to vector<16xf32>
      %add3A_2324 = arith.addf %broadcast_in_dim3A_1197, %add3A_2323 : vector<16xf32>
      %broadcast_in_dim3A_2325 = arith.constant 127 : i32
      %broadcast_in_dim3A_2326 = vector.broadcast %broadcast_in_dim3A_2325 : i32 to vector<16xi32>
      %gather3A_2327 = tpu.vector_load_idx %arg4[%add3A_1195, %broadcast_in_dim3A_2326] : memref<512x155xf32, #tpu.memory_space<vmem>>[vector<16xi32>, vector<16xi32>], vector<16xf32>,
      %gt3A_2328 = arith.cmpf ogt, %gather3A_2327, %gather3A_2321 : vector<16xf32>
      %select_n3A_2329 = arith.select %gt3A_2328, %gather3A_2327, %gather3A_2321 : vector<16xi1>, vector<16xf32>
      %add3A_2330 = arith.constant 1.270000e+02 : f32
      %add3A_2331 = vector.broadcast %add3A_2330 : f32 to vector<16xf32>
      %add3A_2332 = arith.addf %broadcast_in_dim3A_1197, %add3A_2331 : vector<16xf32>
      %select_n3A_2333 = arith.select %gt3A_2328, %add3A_2332, %add3A_2324 : vector<16xi1>, vector<16xf32>
      %broadcast_in_dim3A_2334 = arith.constant 128 : i32
      %broadcast_in_dim3A_2335 = vector.broadcast %broadcast_in_dim3A_2334 : i32 to vector<16xi32>
      %gather3A_2336 = tpu.vector_load_idx %arg4[%add3A_1195, %broadcast_in_dim3A_2335] : memref<512x155xf32, #tpu.memory_space<vmem>>[vector<16xi32>, vector<16xi32>], vector<16xf32>,
      %gt3A_2337 = arith.cmpf ogt, %gather3A_2336, %select_n3A_2329 : vector<16xf32>
      %select_n3A_2338 = arith.select %gt3A_2337, %gather3A_2336, %select_n3A_2329 : vector<16xi1>, vector<16xf32>
      %add3A_2339 = arith.constant 1.280000e+02 : f32
      %add3A_2340 = vector.broadcast %add3A_2339 : f32 to vector<16xf32>
      %add3A_2341 = arith.addf %broadcast_in_dim3A_1197, %add3A_2340 : vector<16xf32>
      %select_n3A_2342 = arith.select %gt3A_2337, %add3A_2341, %select_n3A_2333 : vector<16xi1>, vector<16xf32>
      %broadcast_in_dim3A_2343 = arith.constant 13 : i32
      %broadcast_in_dim3A_2344 = vector.broadcast %broadcast_in_dim3A_2343 : i32 to vector<16xi32>
      tpu.vector_store_idx %arg5[%add3A_1195, %broadcast_in_dim3A_2344], %select_n3A_2342 : memref<512x16xf32, #tpu.memory_space<vmem>>[vector<16xi32>, vector<16xi32>], vector<16xf32>,
      %broadcast_in_dim3A_2345 = arith.constant 129 : i32
      %broadcast_in_dim3A_2346 = vector.broadcast %broadcast_in_dim3A_2345 : i32 to vector<16xi32>
      %gather3A_2347 = tpu.vector_load_idx %arg4[%add3A_1195, %broadcast_in_dim3A_2346] : memref<512x155xf32, #tpu.memory_space<vmem>>[vector<16xi32>, vector<16xi32>], vector<16xf32>,
      %add3A_2348 = arith.constant 1.290000e+02 : f32
      %add3A_2349 = vector.broadcast %add3A_2348 : f32 to vector<16xf32>
      %add3A_2350 = arith.addf %broadcast_in_dim3A_1197, %add3A_2349 : vector<16xf32>
      %broadcast_in_dim3A_2351 = arith.constant 130 : i32
      %broadcast_in_dim3A_2352 = vector.broadcast %broadcast_in_dim3A_2351 : i32 to vector<16xi32>
      %gather3A_2353 = tpu.vector_load_idx %arg4[%add3A_1195, %broadcast_in_dim3A_2352] : memref<512x155xf32, #tpu.memory_space<vmem>>[vector<16xi32>, vector<16xi32>], vector<16xf32>,
      %gt3A_2354 = arith.cmpf ogt, %gather3A_2353, %gather3A_2347 : vector<16xf32>
      %select_n3A_2355 = arith.select %gt3A_2354, %gather3A_2353, %gather3A_2347 : vector<16xi1>, vector<16xf32>
      %add3A_2356 = arith.constant 1.300000e+02 : f32
      %add3A_2357 = vector.broadcast %add3A_2356 : f32 to vector<16xf32>
      %add3A_2358 = arith.addf %broadcast_in_dim3A_1197, %add3A_2357 : vector<16xf32>
      %select_n3A_2359 = arith.select %gt3A_2354, %add3A_2358, %add3A_2350 : vector<16xi1>, vector<16xf32>
      %broadcast_in_dim3A_2360 = arith.constant 131 : i32
      %broadcast_in_dim3A_2361 = vector.broadcast %broadcast_in_dim3A_2360 : i32 to vector<16xi32>
      %gather3A_2362 = tpu.vector_load_idx %arg4[%add3A_1195, %broadcast_in_dim3A_2361] : memref<512x155xf32, #tpu.memory_space<vmem>>[vector<16xi32>, vector<16xi32>], vector<16xf32>,
      %gt3A_2363 = arith.cmpf ogt, %gather3A_2362, %select_n3A_2355 : vector<16xf32>
      %select_n3A_2364 = arith.select %gt3A_2363, %gather3A_2362, %select_n3A_2355 : vector<16xi1>, vector<16xf32>
      %add3A_2365 = arith.constant 1.310000e+02 : f32
      %add3A_2366 = vector.broadcast %add3A_2365 : f32 to vector<16xf32>
      %add3A_2367 = arith.addf %broadcast_in_dim3A_1197, %add3A_2366 : vector<16xf32>
      %select_n3A_2368 = arith.select %gt3A_2363, %add3A_2367, %select_n3A_2359 : vector<16xi1>, vector<16xf32>
      %broadcast_in_dim3A_2369 = arith.constant 14 : i32
      %broadcast_in_dim3A_2370 = vector.broadcast %broadcast_in_dim3A_2369 : i32 to vector<16xi32>
      tpu.vector_store_idx %arg5[%add3A_1195, %broadcast_in_dim3A_2370], %select_n3A_2368 : memref<512x16xf32, #tpu.memory_space<vmem>>[vector<16xi32>, vector<16xi32>], vector<16xf32>,
      %broadcast_in_dim3A_2371 = arith.constant 15 : i32
      %broadcast_in_dim3A_2372 = vector.broadcast %broadcast_in_dim3A_2371 : i32 to vector<16xi32>
      tpu.vector_store_idx %arg5[%add3A_1195, %broadcast_in_dim3A_2372], %broadcast_in_dim3A_1197 : memref<512x16xf32, #tpu.memory_space<vmem>>[vector<16xi32>, vector<16xi32>], vector<16xf32>,
    }
    %scan3A_7 = arith.constant 16 : i32
    "tpu.region"() ({
      %run_scoped3A = tpu.sem_alloc : memref<!tpu.dma_semaphore, #tpu.memory_space<semaphore_mem>>
      %dma_start3A = arith.constant 0 : i32
      %dma_start3A_8 = tpu.memref_slice %arg3[%mul3A_2, %dma_start3A] : memref<16384x16xf32, #tpu.memory_space<hbm>> -> memref<512x16xf32, #tpu.memory_space<hbm>>
      %dma_start3A_9 = arith.constant 0 : i32
      %dma_start3A_10 = tpu.memref_slice %arg3[%mul3A_2, %dma_start3A_9] : memref<16384x16xf32, #tpu.memory_space<hbm>> -> memref<512x16xf32, #tpu.memory_space<hbm>>
      tpu.enqueue_dma source(%arg5 : memref<512x16xf32, #tpu.memory_space<vmem>>) target(%dma_start3A_10 : memref<512x16xf32, #tpu.memory_space<hbm>>) target_semaphore(%run_scoped3A : memref<!tpu.dma_semaphore, #tpu.memory_space<semaphore_mem>>)
      %dma_wait3A = arith.constant 0 : i32
      %dma_wait3A_11 = tpu.memref_slice %arg3[%mul3A_2, %dma_wait3A] : memref<16384x16xf32, #tpu.memory_space<hbm>> -> memref<512x16xf32, #tpu.memory_space<hbm>>
      %dma_wait3A_12 = arith.constant 0 : i32
      %dma_wait3A_13 = tpu.memref_slice %arg3[%mul3A_2, %dma_wait3A_12] : memref<16384x16xf32, #tpu.memory_space<hbm>> -> memref<512x16xf32, #tpu.memory_space<hbm>>
      tpu.wait_dma2 semaphore(%run_scoped3A : memref<!tpu.dma_semaphore, #tpu.memory_space<semaphore_mem>>) src(%arg5 : memref<512x16xf32, #tpu.memory_space<vmem>>) dst(%dma_wait3A_13 : memref<512x16xf32, #tpu.memory_space<hbm>>)
      tpu.yield
    }) : () -> ()
    return
  }
}

module attributes {stable_mosaic.version = 14 : i64} {
  func.func @_policy_kernel(%arg0: i32, %arg1: memref<2048x161xf32, #tpu.memory_space<vmem>>, %arg2: memref<2048x23xf32, #tpu.memory_space<vmem>>, %arg3: memref<2048x6xf32, #tpu.memory_space<vmem>>, %arg4: memref<2048x16xf32, #tpu.memory_space<vmem>>, %arg5: memref<161x256xbf16, #tpu.memory_space<vmem>>, %arg6: memref<1x256xf32, #tpu.memory_space<vmem>>, %arg7: memref<256x132xbf16, #tpu.memory_space<vmem>>, %arg8: memref<1x132xf32, #tpu.memory_space<vmem>>, %arg9: memref<256x23xf32, #tpu.memory_space<vmem>>, %arg10: memref<1x23xf32, #tpu.memory_space<vmem>>, %arg11: memref<256x23xf32, #tpu.memory_space<vmem>>, %arg12: memref<1x23xf32, #tpu.memory_space<vmem>>, %arg13: memref<161x128xbf16, #tpu.memory_space<vmem>>, %arg14: memref<1x128xf32, #tpu.memory_space<vmem>>, %arg15: memref<128x6xf32, #tpu.memory_space<vmem>>, %arg16: memref<1x6xf32, #tpu.memory_space<vmem>>, %arg17: memref<128x6xf32, #tpu.memory_space<vmem>>, %arg18: memref<1x6xf32, #tpu.memory_space<vmem>>, %arg19: memref<132x15xf32, #tpu.memory_space<vmem>>, %arg20: memref<16x132xf32, #tpu.memory_space<vmem>>, %arg21: memref<2048x44xf32, #tpu.memory_space<vmem>>) attributes {dimension_semantics = [#tpu.dimension_semantics<parallel>], iteration_bounds = array<i64: 8>, scalar_prefetch = 0 : i64, scratch_operands = 0 : i64, tpu.core_type = #tpu.core_type<tc>, window_params = [{transform_indices = @transform_0, window_bounds = array<i64: 2048, 161>}, {transform_indices = @transform_1, window_bounds = array<i64: 2048, 23>}, {transform_indices = @transform_2, window_bounds = array<i64: 2048, 6>}, {transform_indices = @transform_3, window_bounds = array<i64: 2048, 16>}, {pipeline_mode = #tpu.pipeline_mode<synchronous>, transform_indices = @transform_4, window_bounds = array<i64: 161, 256>}, {pipeline_mode = #tpu.pipeline_mode<synchronous>, transform_indices = @transform_5, window_bounds = array<i64: 1, 256>}, {pipeline_mode = #tpu.pipeline_mode<synchronous>, transform_indices = @transform_6, window_bounds = array<i64: 256, 132>}, {pipeline_mode = #tpu.pipeline_mode<synchronous>, transform_indices = @transform_7, window_bounds = array<i64: 1, 132>}, {pipeline_mode = #tpu.pipeline_mode<synchronous>, transform_indices = @transform_8, window_bounds = array<i64: 256, 23>}, {pipeline_mode = #tpu.pipeline_mode<synchronous>, transform_indices = @transform_9, window_bounds = array<i64: 1, 23>}, {pipeline_mode = #tpu.pipeline_mode<synchronous>, transform_indices = @transform_10, window_bounds = array<i64: 256, 23>}, {pipeline_mode = #tpu.pipeline_mode<synchronous>, transform_indices = @transform_11, window_bounds = array<i64: 1, 23>}, {pipeline_mode = #tpu.pipeline_mode<synchronous>, transform_indices = @transform_12, window_bounds = array<i64: 161, 128>}, {pipeline_mode = #tpu.pipeline_mode<synchronous>, transform_indices = @transform_13, window_bounds = array<i64: 1, 128>}, {pipeline_mode = #tpu.pipeline_mode<synchronous>, transform_indices = @transform_14, window_bounds = array<i64: 128, 6>}, {pipeline_mode = #tpu.pipeline_mode<synchronous>, transform_indices = @transform_15, window_bounds = array<i64: 1, 6>}, {pipeline_mode = #tpu.pipeline_mode<synchronous>, transform_indices = @transform_16, window_bounds = array<i64: 128, 6>}, {pipeline_mode = #tpu.pipeline_mode<synchronous>, transform_indices = @transform_17, window_bounds = array<i64: 1, 6>}, {pipeline_mode = #tpu.pipeline_mode<synchronous>, transform_indices = @transform_18, window_bounds = array<i64: 132, 15>}, {pipeline_mode = #tpu.pipeline_mode<synchronous>, transform_indices = @transform_19, window_bounds = array<i64: 16, 132>}, {transform_indices = @transform_20, window_bounds = array<i64: 2048, 44>}]} {
    %get3A = arith.constant 0 : index
    %get3A_0 = arith.constant 0 : index
    %get3A_1 = vector.load %arg1[%get3A, %get3A_0] : memref<2048x161xf32, #tpu.memory_space<vmem>>, vector<2048x161xf32>
    %convert_element_type3A = arith.truncf %get3A_1 : vector<2048x161xf32> to vector<2048x161xbf16>
    %get3A_2 = arith.constant 0 : index
    %get3A_3 = arith.constant 0 : index
    %get3A_4 = vector.load %arg4[%get3A_2, %get3A_3] : memref<2048x16xf32, #tpu.memory_space<vmem>>, vector<2048x16xf32>
    %get3A_5 = arith.constant 0 : index
    %get3A_6 = arith.constant 0 : index
    %get3A_7 = vector.load %arg20[%get3A_5, %get3A_6] : memref<16x132xf32, #tpu.memory_space<vmem>>, vector<16x132xf32>
    %dot_general3A = arith.constant dense<0.000000e+00> : vector<2048x132xf32>
    %dot_general3A_8 = tpu.matmul %get3A_4, %get3A_7, %dot_general3A {dimension_numbers = #tpu.dot_dimension_numbers<[1], [0], [0], [1], [0, 0, 1, 1], [], []>, transpose_lhs_hint = false} : vector<2048x16xf32>, vector<16x132xf32>, vector<2048x132xf32> -> vector<2048x132xf32>
    %iota3A = tpu.iota {dimensions = array<i32: 1>} : vector<2048x132xi32>
    %convert_element_type3A_9 = arith.fptosi %dot_general3A_8 : vector<2048x132xf32> to vector<2048x132xi32>
    %eq3A = arith.cmpi eq, %iota3A, %convert_element_type3A_9 : vector<2048x132xi32>
    %convert_element_type3A_10 = arith.extui %eq3A : vector<2048x132xi1> to vector<2048x132xi32>
    %convert_element_type3A_11 = arith.sitofp %convert_element_type3A_10 : vector<2048x132xi32> to vector<2048x132xf32>
    %get3A_12 = arith.constant 0 : index
    %get3A_13 = arith.constant 0 : index
    %get3A_14 = vector.load %arg5[%get3A_12, %get3A_13] : memref<161x256xbf16, #tpu.memory_space<vmem>>, vector<161x256xbf16>
    %dot_general3A_15 = arith.constant dense<0.000000e+00> : vector<2048x256xf32>
    %dot_general3A_16 = tpu.matmul %convert_element_type3A, %get3A_14, %dot_general3A_15 {dimension_numbers = #tpu.dot_dimension_numbers<[1], [0], [0], [1], [0, 0, 1, 1], [], []>, transpose_lhs_hint = false} : vector<2048x161xbf16>, vector<161x256xbf16>, vector<2048x256xf32> -> vector<2048x256xf32>
    %get3A_17 = arith.constant 0 : index
    %get3A_18 = arith.constant 0 : index
    %get3A_19 = vector.load %arg6[%get3A_17, %get3A_18] : memref<1x256xf32, #tpu.memory_space<vmem>>, vector<1x256xf32>
    %add3A = vector.broadcast %get3A_19 : vector<1x256xf32> to vector<2048x256xf32>
    %add3A_20 = arith.addf %dot_general3A_16, %add3A : vector<2048x256xf32>
    %ge3A = arith.constant 0.000000e+00 : f32
    %ge3A_21 = vector.broadcast %ge3A : f32 to vector<2048x256xf32>
    %ge3A_22 = arith.cmpf oge, %add3A_20, %ge3A_21 : vector<2048x256xf32>
    %mul3A = arith.constant 0.00999999977 : f32
    %mul3A_23 = vector.broadcast %mul3A : f32 to vector<2048x256xf32>
    %mul3A_24 = arith.mulf %mul3A_23, %add3A_20 : vector<2048x256xf32>
    %select_n3A = arith.select %ge3A_22, %add3A_20, %mul3A_24 : vector<2048x256xi1>, vector<2048x256xf32>
    %convert_element_type3A_25 = arith.truncf %select_n3A : vector<2048x256xf32> to vector<2048x256xbf16>
    %get3A_26 = arith.constant 0 : index
    %get3A_27 = arith.constant 0 : index
    %get3A_28 = vector.load %arg7[%get3A_26, %get3A_27] : memref<256x132xbf16, #tpu.memory_space<vmem>>, vector<256x132xbf16>
    %dot_general3A_29 = arith.constant dense<0.000000e+00> : vector<2048x132xf32>
    %dot_general3A_30 = tpu.matmul %convert_element_type3A_25, %get3A_28, %dot_general3A_29 {dimension_numbers = #tpu.dot_dimension_numbers<[1], [0], [0], [1], [0, 0, 1, 1], [], []>, transpose_lhs_hint = false} : vector<2048x256xbf16>, vector<256x132xbf16>, vector<2048x132xf32> -> vector<2048x132xf32>
    %get3A_31 = arith.constant 0 : index
    %get3A_32 = arith.constant 0 : index
    %get3A_33 = vector.load %arg8[%get3A_31, %get3A_32] : memref<1x132xf32, #tpu.memory_space<vmem>>, vector<1x132xf32>
    %add3A_34 = vector.broadcast %get3A_33 : vector<1x132xf32> to vector<2048x132xf32>
    %add3A_35 = arith.addf %dot_general3A_30, %add3A_34 : vector<2048x132xf32>
    %get3A_36 = arith.constant 0 : index
    %get3A_37 = arith.constant 0 : index
    %get3A_38 = vector.load %arg9[%get3A_36, %get3A_37] : memref<256x23xf32, #tpu.memory_space<vmem>>, vector<256x23xf32>
    %dot_general3A_39 = arith.constant dense<0.000000e+00> : vector<2048x23xf32>
    %dot_general3A_40 = tpu.matmul %select_n3A, %get3A_38, %dot_general3A_39 {dimension_numbers = #tpu.dot_dimension_numbers<[1], [0], [0], [1], [0, 0, 1, 1], [], []>, transpose_lhs_hint = false} : vector<2048x256xf32>, vector<256x23xf32>, vector<2048x23xf32> -> vector<2048x23xf32>
    %get3A_41 = arith.constant 0 : index
    %get3A_42 = arith.constant 0 : index
    %get3A_43 = vector.load %arg10[%get3A_41, %get3A_42] : memref<1x23xf32, #tpu.memory_space<vmem>>, vector<1x23xf32>
    %add3A_44 = vector.broadcast %get3A_43 : vector<1x23xf32> to vector<2048x23xf32>
    %add3A_45 = arith.addf %dot_general3A_40, %add3A_44 : vector<2048x23xf32>
    %jit3A = arith.constant -1.000000e+00 : f32
    %jit3A_46 = arith.constant 1.000000e+00 : f32
    %max3A = vector.broadcast %jit3A : f32 to vector<2048x23xf32>
    %max3A_47 = arith.maximumf %max3A, %add3A_45 : vector<2048x23xf32>
    %min3A = vector.broadcast %jit3A_46 : f32 to vector<2048x23xf32>
    %min3A_48 = arith.minimumf %min3A, %max3A_47 : vector<2048x23xf32>
    %get3A_49 = arith.constant 0 : index
    %get3A_50 = arith.constant 0 : index
    %get3A_51 = vector.load %arg11[%get3A_49, %get3A_50] : memref<256x23xf32, #tpu.memory_space<vmem>>, vector<256x23xf32>
    %dot_general3A_52 = arith.constant dense<0.000000e+00> : vector<2048x23xf32>
    %dot_general3A_53 = tpu.matmul %select_n3A, %get3A_51, %dot_general3A_52 {dimension_numbers = #tpu.dot_dimension_numbers<[1], [0], [0], [1], [0, 0, 1, 1], [], []>, transpose_lhs_hint = false} : vector<2048x256xf32>, vector<256x23xf32>, vector<2048x23xf32> -> vector<2048x23xf32>
    %get3A_54 = arith.constant 0 : index
    %get3A_55 = arith.constant 0 : index
    %get3A_56 = vector.load %arg12[%get3A_54, %get3A_55] : memref<1x23xf32, #tpu.memory_space<vmem>>, vector<1x23xf32>
    %add3A_57 = vector.broadcast %get3A_56 : vector<1x23xf32> to vector<2048x23xf32>
    %add3A_58 = arith.addf %dot_general3A_53, %add3A_57 : vector<2048x23xf32>
    %jit3A_59 = arith.constant 0.000000e+00 : f32
    %jit3A_60 = arith.constant 1.000000e+00 : f32
    %max3A_61 = vector.broadcast %jit3A_59 : f32 to vector<2048x23xf32>
    %max3A_62 = arith.maximumf %max3A_61, %add3A_58 : vector<2048x23xf32>
    %min3A_63 = vector.broadcast %jit3A_60 : f32 to vector<2048x23xf32>
    %min3A_64 = arith.minimumf %min3A_63, %max3A_62 : vector<2048x23xf32>
    %get3A_65 = arith.constant 0 : index
    %get3A_66 = arith.constant 0 : index
    %get3A_67 = vector.load %arg2[%get3A_65, %get3A_66] : memref<2048x23xf32, #tpu.memory_space<vmem>>, vector<2048x23xf32>
    %reduce_max3A = arith.constant dense<0xFF800000> : vector<2048xf32>
    %reduce_max3A_68 = vector.multi_reduction <maximumf>, %add3A_35, %reduce_max3A [1] : vector<2048x132xf32> to vector<2048xf32>
    %broadcast_in_dim3A = vector.shape_cast %reduce_max3A_68 : vector<2048xf32> to vector<2048x1xf32>
    %sub3A = vector.broadcast %broadcast_in_dim3A : vector<2048x1xf32> to vector<2048x132xf32>
    %sub3A_69 = arith.subf %add3A_35, %sub3A : vector<2048x132xf32>
    %exp3A = math.exp %sub3A_69 : vector<2048x132xf32>
    %get3A_70 = arith.constant 0 : index
    %get3A_71 = arith.constant 0 : index
    %get3A_72 = vector.load %arg19[%get3A_70, %get3A_71] : memref<132x15xf32, #tpu.memory_space<vmem>>, vector<132x15xf32>
    %dot_general3A_73 = arith.constant dense<0.000000e+00> : vector<2048x15xf32>
    %dot_general3A_74 = tpu.matmul %exp3A, %get3A_72, %dot_general3A_73 {dimension_numbers = #tpu.dot_dimension_numbers<[1], [0], [0], [1], [0, 0, 1, 1], [], []>, transpose_lhs_hint = false} : vector<2048x132xf32>, vector<132x15xf32>, vector<2048x15xf32> -> vector<2048x15xf32>
    %log3A = math.log %dot_general3A_74 : vector<2048x15xf32>
    %add3A_75 = vector.broadcast %broadcast_in_dim3A : vector<2048x1xf32> to vector<2048x15xf32>
    %add3A_76 = arith.addf %log3A, %add3A_75 : vector<2048x15xf32>
    %mul3A_77 = arith.mulf %add3A_35, %convert_element_type3A_11 : vector<2048x132xf32>
    %get3A_78 = arith.constant 0 : index
    %get3A_79 = arith.constant 0 : index
    %get3A_80 = vector.load %arg19[%get3A_78, %get3A_79] : memref<132x15xf32, #tpu.memory_space<vmem>>, vector<132x15xf32>
    %dot_general3A_81 = arith.constant dense<0.000000e+00> : vector<2048x15xf32>
    %dot_general3A_82 = tpu.matmul %mul3A_77, %get3A_80, %dot_general3A_81 {dimension_numbers = #tpu.dot_dimension_numbers<[1], [0], [0], [1], [0, 0, 1, 1], [], []>, transpose_lhs_hint = false} : vector<2048x132xf32>, vector<132x15xf32>, vector<2048x15xf32> -> vector<2048x15xf32>
    %sub3A_83 = arith.subf %dot_general3A_82, %add3A_76 : vector<2048x15xf32>
    %sub3A_84 = arith.subf %get3A_67, %min3A_48 : vector<2048x23xf32>
    %integer_pow3A = arith.mulf %sub3A_84, %sub3A_84 : vector<2048x23xf32>
    %neg3A = arith.constant 0.000000e+00 : f32
    %neg3A_85 = vector.broadcast %neg3A : f32 to vector<2048x23xf32>
    %neg3A_86 = arith.subf %neg3A_85, %integer_pow3A : vector<2048x23xf32>
    %mul3A_87 = arith.constant -2.000000e+00 : f32
    %mul3A_88 = vector.broadcast %mul3A_87 : f32 to vector<2048x23xf32>
    %mul3A_89 = arith.mulf %mul3A_88, %min3A_64 : vector<2048x23xf32>
    %exp3A_90 = math.exp %mul3A_89 : vector<2048x23xf32>
    %mul3A_91 = arith.constant 5.000000e-01 : f32
    %mul3A_92 = vector.broadcast %mul3A_91 : f32 to vector<2048x23xf32>
    %mul3A_93 = arith.mulf %mul3A_92, %exp3A_90 : vector<2048x23xf32>
    %mul3A_94 = arith.mulf %neg3A_86, %mul3A_93 : vector<2048x23xf32>
    %sub3A_95 = arith.subf %mul3A_94, %min3A_64 : vector<2048x23xf32>
    %sub3A_96 = arith.constant 0.918938517 : f32
    %sub3A_97 = vector.broadcast %sub3A_96 : f32 to vector<2048x23xf32>
    %sub3A_98 = arith.subf %sub3A_95, %sub3A_97 : vector<2048x23xf32>
    %get3A_99 = arith.constant 0 : index
    %get3A_100 = arith.constant 0 : index
    %get3A_101 = vector.load %arg13[%get3A_99, %get3A_100] : memref<161x128xbf16, #tpu.memory_space<vmem>>, vector<161x128xbf16>
    %dot_general3A_102 = arith.constant dense<0.000000e+00> : vector<2048x128xf32>
    %dot_general3A_103 = tpu.matmul %convert_element_type3A, %get3A_101, %dot_general3A_102 {dimension_numbers = #tpu.dot_dimension_numbers<[1], [0], [0], [1], [0, 0, 1, 1], [], []>, transpose_lhs_hint = false} : vector<2048x161xbf16>, vector<161x128xbf16>, vector<2048x128xf32> -> vector<2048x128xf32>
    %get3A_104 = arith.constant 0 : index
    %get3A_105 = arith.constant 0 : index
    %get3A_106 = vector.load %arg14[%get3A_104, %get3A_105] : memref<1x128xf32, #tpu.memory_space<vmem>>, vector<1x128xf32>
    %add3A_107 = vector.broadcast %get3A_106 : vector<1x128xf32> to vector<2048x128xf32>
    %add3A_108 = arith.addf %dot_general3A_103, %add3A_107 : vector<2048x128xf32>
    %ge3A_109 = arith.constant 0.000000e+00 : f32
    %ge3A_110 = vector.broadcast %ge3A_109 : f32 to vector<2048x128xf32>
    %ge3A_111 = arith.cmpf oge, %add3A_108, %ge3A_110 : vector<2048x128xf32>
    %mul3A_112 = arith.constant 0.00999999977 : f32
    %mul3A_113 = vector.broadcast %mul3A_112 : f32 to vector<2048x128xf32>
    %mul3A_114 = arith.mulf %mul3A_113, %add3A_108 : vector<2048x128xf32>
    %select_n3A_115 = arith.select %ge3A_111, %add3A_108, %mul3A_114 : vector<2048x128xi1>, vector<2048x128xf32>
    %get3A_116 = arith.constant 0 : index
    %get3A_117 = arith.constant 0 : index
    %get3A_118 = vector.load %arg15[%get3A_116, %get3A_117] : memref<128x6xf32, #tpu.memory_space<vmem>>, vector<128x6xf32>
    %dot_general3A_119 = arith.constant dense<0.000000e+00> : vector<2048x6xf32>
    %dot_general3A_120 = tpu.matmul %select_n3A_115, %get3A_118, %dot_general3A_119 {dimension_numbers = #tpu.dot_dimension_numbers<[1], [0], [0], [1], [0, 0, 1, 1], [], []>, transpose_lhs_hint = false} : vector<2048x128xf32>, vector<128x6xf32>, vector<2048x6xf32> -> vector<2048x6xf32>
    %get3A_121 = arith.constant 0 : index
    %get3A_122 = arith.constant 0 : index
    %get3A_123 = vector.load %arg16[%get3A_121, %get3A_122] : memref<1x6xf32, #tpu.memory_space<vmem>>, vector<1x6xf32>
    %add3A_124 = vector.broadcast %get3A_123 : vector<1x6xf32> to vector<2048x6xf32>
    %add3A_125 = arith.addf %dot_general3A_120, %add3A_124 : vector<2048x6xf32>
    %jit3A_126 = arith.constant -1.000000e+00 : f32
    %jit3A_127 = arith.constant 1.000000e+00 : f32
    %max3A_128 = vector.broadcast %jit3A_126 : f32 to vector<2048x6xf32>
    %max3A_129 = arith.maximumf %max3A_128, %add3A_125 : vector<2048x6xf32>
    %min3A_130 = vector.broadcast %jit3A_127 : f32 to vector<2048x6xf32>
    %min3A_131 = arith.minimumf %min3A_130, %max3A_129 : vector<2048x6xf32>
    %get3A_132 = arith.constant 0 : index
    %get3A_133 = arith.constant 0 : index
    %get3A_134 = vector.load %arg17[%get3A_132, %get3A_133] : memref<128x6xf32, #tpu.memory_space<vmem>>, vector<128x6xf32>
    %dot_general3A_135 = arith.constant dense<0.000000e+00> : vector<2048x6xf32>
    %dot_general3A_136 = tpu.matmul %select_n3A_115, %get3A_134, %dot_general3A_135 {dimension_numbers = #tpu.dot_dimension_numbers<[1], [0], [0], [1], [0, 0, 1, 1], [], []>, transpose_lhs_hint = false} : vector<2048x128xf32>, vector<128x6xf32>, vector<2048x6xf32> -> vector<2048x6xf32>
    %get3A_137 = arith.constant 0 : index
    %get3A_138 = arith.constant 0 : index
    %get3A_139 = vector.load %arg18[%get3A_137, %get3A_138] : memref<1x6xf32, #tpu.memory_space<vmem>>, vector<1x6xf32>
    %add3A_140 = vector.broadcast %get3A_139 : vector<1x6xf32> to vector<2048x6xf32>
    %add3A_141 = arith.addf %dot_general3A_136, %add3A_140 : vector<2048x6xf32>
    %jit3A_142 = arith.constant 0.000000e+00 : f32
    %jit3A_143 = arith.constant 1.000000e+00 : f32
    %max3A_144 = vector.broadcast %jit3A_142 : f32 to vector<2048x6xf32>
    %max3A_145 = arith.maximumf %max3A_144, %add3A_141 : vector<2048x6xf32>
    %min3A_146 = vector.broadcast %jit3A_143 : f32 to vector<2048x6xf32>
    %min3A_147 = arith.minimumf %min3A_146, %max3A_145 : vector<2048x6xf32>
    %get3A_148 = arith.constant 0 : index
    %get3A_149 = arith.constant 0 : index
    %get3A_150 = vector.load %arg3[%get3A_148, %get3A_149] : memref<2048x6xf32, #tpu.memory_space<vmem>>, vector<2048x6xf32>
    %sub3A_151 = arith.subf %get3A_150, %min3A_131 : vector<2048x6xf32>
    %integer_pow3A_152 = arith.mulf %sub3A_151, %sub3A_151 : vector<2048x6xf32>
    %neg3A_153 = arith.constant 0.000000e+00 : f32
    %neg3A_154 = vector.broadcast %neg3A_153 : f32 to vector<2048x6xf32>
    %neg3A_155 = arith.subf %neg3A_154, %integer_pow3A_152 : vector<2048x6xf32>
    %mul3A_156 = arith.constant -2.000000e+00 : f32
    %mul3A_157 = vector.broadcast %mul3A_156 : f32 to vector<2048x6xf32>
    %mul3A_158 = arith.mulf %mul3A_157, %min3A_147 : vector<2048x6xf32>
    %exp3A_159 = math.exp %mul3A_158 : vector<2048x6xf32>
    %mul3A_160 = arith.constant 5.000000e-01 : f32
    %mul3A_161 = vector.broadcast %mul3A_160 : f32 to vector<2048x6xf32>
    %mul3A_162 = arith.mulf %mul3A_161, %exp3A_159 : vector<2048x6xf32>
    %mul3A_163 = arith.mulf %neg3A_155, %mul3A_162 : vector<2048x6xf32>
    %sub3A_164 = arith.subf %mul3A_163, %min3A_147 : vector<2048x6xf32>
    %sub3A_165 = arith.constant 0.918938517 : f32
    %sub3A_166 = vector.broadcast %sub3A_165 : f32 to vector<2048x6xf32>
    %sub3A_167 = arith.subf %sub3A_164, %sub3A_166 : vector<2048x6xf32>
    %concatenate3A = tpu.concatenate %sub3A_83, %sub3A_98, %sub3A_167 in 1 : vector<2048x15xf32>, vector<2048x23xf32>, vector<2048x6xf32> -> vector<2048x44xf32>
    %swap3A = arith.constant 0 : index
    %swap3A_168 = arith.constant 0 : index
    %swap3A_169 = vector.load %arg21[%swap3A, %swap3A_168] : memref<2048x44xf32, #tpu.memory_space<vmem>>, vector<2048x44xf32>
    tpu.vector_store %arg21[%swap3A, %swap3A_168], %concatenate3A {strides = array<i32>} : memref<2048x44xf32, #tpu.memory_space<vmem>>, vector<2048x44xf32>,
    return
  }
  func.func @transform_0(%arg0: i32) -> (i32, i32) {
    %c0_i32 = arith.constant 0 : i32
    %c0_i32_0 = arith.constant 0 : i32
    return %arg0, %c0_i32 : i32, i32
  }
  func.func @transform_1(%arg0: i32) -> (i32, i32) {
    %c0_i32 = arith.constant 0 : i32
    %c0_i32_0 = arith.constant 0 : i32
    return %arg0, %c0_i32 : i32, i32
  }
  func.func @transform_2(%arg0: i32) -> (i32, i32) {
    %c0_i32 = arith.constant 0 : i32
    %c0_i32_0 = arith.constant 0 : i32
    return %arg0, %c0_i32 : i32, i32
  }
  func.func @transform_3(%arg0: i32) -> (i32, i32) {
    %c0_i32 = arith.constant 0 : i32
    %c0_i32_0 = arith.constant 0 : i32
    return %arg0, %c0_i32 : i32, i32
  }
  func.func @transform_4(%arg0: i32) -> (i32, i32) {
    %c0_i32 = arith.constant 0 : i32
    %c0_i32_0 = arith.constant 0 : i32
    %c0_i32_1 = arith.constant 0 : i32
    return %c0_i32, %c0_i32_0 : i32, i32
  }
  func.func @transform_5(%arg0: i32) -> (i32, i32) {
    %c0_i32 = arith.constant 0 : i32
    %c0_i32_0 = arith.constant 0 : i32
    %c0_i32_1 = arith.constant 0 : i32
    return %c0_i32, %c0_i32_0 : i32, i32
  }
  func.func @transform_6(%arg0: i32) -> (i32, i32) {
    %c0_i32 = arith.constant 0 : i32
    %c0_i32_0 = arith.constant 0 : i32
    %c0_i32_1 = arith.constant 0 : i32
    return %c0_i32, %c0_i32_0 : i32, i32
  }
  func.func @transform_7(%arg0: i32) -> (i32, i32) {
    %c0_i32 = arith.constant 0 : i32
    %c0_i32_0 = arith.constant 0 : i32
    %c0_i32_1 = arith.constant 0 : i32
    return %c0_i32, %c0_i32_0 : i32, i32
  }
  func.func @transform_8(%arg0: i32) -> (i32, i32) {
    %c0_i32 = arith.constant 0 : i32
    %c0_i32_0 = arith.constant 0 : i32
    %c0_i32_1 = arith.constant 0 : i32
    return %c0_i32, %c0_i32_0 : i32, i32
  }
  func.func @transform_9(%arg0: i32) -> (i32, i32) {
    %c0_i32 = arith.constant 0 : i32
    %c0_i32_0 = arith.constant 0 : i32
    %c0_i32_1 = arith.constant 0 : i32
    return %c0_i32, %c0_i32_0 : i32, i32
  }
  func.func @transform_10(%arg0: i32) -> (i32, i32) {
    %c0_i32 = arith.constant 0 : i32
    %c0_i32_0 = arith.constant 0 : i32
    %c0_i32_1 = arith.constant 0 : i32
    return %c0_i32, %c0_i32_0 : i32, i32
  }
  func.func @transform_11(%arg0: i32) -> (i32, i32) {
    %c0_i32 = arith.constant 0 : i32
    %c0_i32_0 = arith.constant 0 : i32
    %c0_i32_1 = arith.constant 0 : i32
    return %c0_i32, %c0_i32_0 : i32, i32
  }
  func.func @transform_12(%arg0: i32) -> (i32, i32) {
    %c0_i32 = arith.constant 0 : i32
    %c0_i32_0 = arith.constant 0 : i32
    %c0_i32_1 = arith.constant 0 : i32
    return %c0_i32, %c0_i32_0 : i32, i32
  }
  func.func @transform_13(%arg0: i32) -> (i32, i32) {
    %c0_i32 = arith.constant 0 : i32
    %c0_i32_0 = arith.constant 0 : i32
    %c0_i32_1 = arith.constant 0 : i32
    return %c0_i32, %c0_i32_0 : i32, i32
  }
  func.func @transform_14(%arg0: i32) -> (i32, i32) {
    %c0_i32 = arith.constant 0 : i32
    %c0_i32_0 = arith.constant 0 : i32
    %c0_i32_1 = arith.constant 0 : i32
    return %c0_i32, %c0_i32_0 : i32, i32
  }
  func.func @transform_15(%arg0: i32) -> (i32, i32) {
    %c0_i32 = arith.constant 0 : i32
    %c0_i32_0 = arith.constant 0 : i32
    %c0_i32_1 = arith.constant 0 : i32
    return %c0_i32, %c0_i32_0 : i32, i32
  }
  func.func @transform_16(%arg0: i32) -> (i32, i32) {
    %c0_i32 = arith.constant 0 : i32
    %c0_i32_0 = arith.constant 0 : i32
    %c0_i32_1 = arith.constant 0 : i32
    return %c0_i32, %c0_i32_0 : i32, i32
  }
  func.func @transform_17(%arg0: i32) -> (i32, i32) {
    %c0_i32 = arith.constant 0 : i32
    %c0_i32_0 = arith.constant 0 : i32
    %c0_i32_1 = arith.constant 0 : i32
    return %c0_i32, %c0_i32_0 : i32, i32
  }
  func.func @transform_18(%arg0: i32) -> (i32, i32) {
    %c0_i32 = arith.constant 0 : i32
    %c0_i32_0 = arith.constant 0 : i32
    %c0_i32_1 = arith.constant 0 : i32
    return %c0_i32, %c0_i32_0 : i32, i32
  }
  func.func @transform_19(%arg0: i32) -> (i32, i32) {
    %c0_i32 = arith.constant 0 : i32
    %c0_i32_0 = arith.constant 0 : i32
    %c0_i32_1 = arith.constant 0 : i32
    return %c0_i32, %c0_i32_0 : i32, i32
  }
  func.func @transform_20(%arg0: i32) -> (i32, i32) {
    %c0_i32 = arith.constant 0 : i32
    %c0_i32_0 = arith.constant 0 : i32
    return %arg0, %c0_i32 : i32, i32
  }
}

</mosaic_0001>

<sc_bundles>
// kernel: _run.4.cloned.1.call-start
scs
__scs_entry_jumppad:
0x0: {  	(pc) =	sbr.rel $0x88, $3  }
0x1: {  	(tag) =	ssettag $0x0;
	lr =	simm.s32 $0x1  }
0x2: {  	[smem:$0x3F95] =	sst lr;
	_ =	strace $0xD0000000  }
0x3: {  	_ = 	snop  }
0x4: {  	_ = 	snop  }
0x5: {  	_ = 	snop  }
0x6: {  	_ = 	snop  }
0x7: {  	_ = 	snop  }
__scs_overlays_trampoline_lowered:
0x8: {  	[smem:$0x3FA4] =	sst s0  }
0x9: {  	[smem:$0x3FA5] =	sst s1  }
0xa: {  	[smem:$0x3FA6] =	sst s2  }
0xb: {  	[smem:$0x3FA7] =	sst s3  }
0xc: {  	[smem:$0x3FA8] =	sst s4  }
0xd: {  	[smem:$0x3FA9] =	sst s5  }
0xe: {  	[smem:$0x3FAA] =	sst s6  }
0xf: {  	[smem:$0x3FAB] =	sst s7  }
0x10: {  	[smem:$0x3FAC] =	sst s8  }
0x11: {  	[smem:$0x3FAD] =	sst s9;
	s0 =	simm.s32 @!p0 $0x0  }
0x12: {  	s1 =	sld [smem:$0x3F93];
	s0 =	simm.s32 @p0 $0x1  }
0x13: {  	[smem:$0x3FAE] =	sst s0;
	s0 =	simm.s32 @!p1 $0x0  }
0x14: {  	s2 =	sld [smem:$0x3F92];
	s0 =	simm.s32 @p1 $0x1  }
0x15: {  	[smem:$0x3FAF] =	sst s0;
	s0 =	simm.s32 @!p2 $0x0  }
0x16: {  	s3 =	sld [smem:$0x3FDB];
	s0 =	simm.s32 @p2 $0x1  }
0x17: {  	s4 =	simm.s32 $0x1BF5;
	[smem:$0x3FB1] =	sst s0  }
0x18: {  	s0 =	sld [smem:$0x3F94];
	_ =	swait.ge [sflag:s4], $0x0  }
0x19: {  	s7 =	sld [smem:$0x3F95]  }
0x1a: {  	s8 =	sadd.s32 $0xFFFFE003, lr  }
0x1b: {  	s9 =	sadd.s32 $0xFFFFFEF7, lr;
	s5 =	simm.s32 $0xFFFFFFFF;
	p2 =	slt.u32 s8, $0xFFFFF086  }
0x1c: {  	p1 =	slt.u32 s9, $0xF7A;
	s5 =	simm.s32 @!p2 $0x0  }
0x1d: {  	s5 =	simm.s32 @p1 $0x1;
	p0 =	seq.s32 s7, s2  }
0x1e: {  	s7 =	smul.u32 @!p0 $0xF7A, s2;
	p2 =	seq.s32 @!p0 s5, $0x0  }
0x1f: {  	s9 =	smul.u32 $0xF7A, s1;
	s8 =	simm.s32 @!p0 $0x1BF5;
	p2 =	por !p2, p0  }
0x20: {  	[sflag:s8] =	ssyncset.s32 @!p0 $0xFFFFF086;
	s6 =	sadd.s32 @!p0 s3, s7;
	s7 =	simm.s32 @!p0 $0x108  }
0x21: {  	s3 =	sadd.s32 s3, s9;
	s6 =	sadd.s32 @!p0 $0x88, s6;
	s7 =	simm.s32 @p2 $0x1082  }
0x22: {  	[simem:s7], [sflag:s8] =	dma.local @!p0 [hbm:s6], $0xF7A  }
0x23: {  	s9 =	sor.u32 $0xD0000000, s2;
	s6 =	simm.s32 $0x108;
	_ =	swait.ge @!p0 [sflag:s8], $0x0  }
0x24: {  	s3 =	sadd.s32 $0x88, s3;
	s6 =	simm.s32 @!p1 $0x1082;
	[sflag:s4] =	ssyncset.s32 $0xFFFFF086  }
0x25: {  	[simem:s6], [sflag:s4] =	dma.local [hbm:s3], $0xF7A  }
0x26: {  	[smem:$0x3F95] =	sst s1;
	(tag) =	ssettag s2;
	_ =	strace s9  }
0x27: {  	s1 =	sld [smem:$0x3FA5]  }
0x28: {  	s2 =	sld [smem:$0x3FA6]  }
0x29: {  	s4 =	sld [smem:$0x3FA8]  }
0x2a: {  	p0 =	seq.s32 s5, $0x0;
	s5 =	sld [smem:$0x3FA9]  }
0x2b: {  	s6 =	sld [smem:$0x3FAA]  }
0x2c: {  	s7 =	sld [smem:$0x3FAB]  }
0x2d: {  	s3 =	simm.s32 $0x108;
	s8 =	sld [smem:$0x3FAC]  }
0x2e: {  	s3 =	simm.s32 @!p0 $0x1082;
	s9 =	sld [smem:$0x3FAD]  }
0x2f: {  	lr =	sadd.s32 s0, s3;
	s0 =	sld [smem:$0x3FA4]  }
0x30: {  	s3 =	sld [smem:$0x3FA7]  }
0x31: {  	[smem:$0x3FB0] =	sst s10  }
0x32: {  	s10 =	sld [smem:$0x3FAE];
	_ =	sdelay $0x3  }
0x33: {  	p0 =	seq.s32 s10, $0x1;
	s10 =	sld [smem:$0x3FB0];
	_ =	sdelay $0x3  }
0x34: {  	[smem:$0x3FB0] =	sst s10  }
0x35: {  	s10 =	sld [smem:$0x3FAF];
	_ =	sdelay $0x3  }
0x36: {  	p1 =	seq.s32 s10, $0x1;
	s10 =	sld [smem:$0x3FB0];
	_ =	sdelay $0x3  }
0x37: {  	[smem:$0x3FB0] =	sst s10  }
0x38: {  	s10 =	sld [smem:$0x3FB1]  }
0x39: {  	_ = 	snop;
	(pc) =	sbr.ind lr, $3  }
0x3a: {  	_ = 	snop  }
0x3b: {  	_ = 	snop  }
0x3c: {  	p2 =	seq.s32 s10, $0x1;
	s10 =	sld [smem:$0x3FB0]  }
0x3d: {  	_ =	shalt  }
0x3e: {  	_ =	shalt  }
0x3f: {  	_ =	shalt  }
0x40: {  	_ =	shalt  }
0x41: {  	_ =	shalt  }
0x42: {  	_ =	shalt  }
0x43: {  	_ =	shalt  }
0x44: {  	_ =	shalt  }
0x45: {  	_ =	shalt  }
0x46: {  	_ =	shalt  }
0x47: {  	_ =	shalt  }
0x48: {  	_ =	shalt  }
0x49: {  	_ =	shalt  }
0x4a: {  	_ =	shalt  }
0x4b: {  	_ =	shalt  }
0x4c: {  	_ =	shalt  }
0x4d: {  	_ =	shalt  }
0x4e: {  	_ =	shalt  }
0x4f: {  	_ =	shalt  }
0x50: {  	_ =	shalt  }
0x51: {  	_ =	shalt  }
0x52: {  	_ =	shalt  }
0x53: {  	_ =	shalt  }
0x54: {  	_ =	shalt  }
0x55: {  	_ =	shalt  }
0x56: {  	_ =	shalt  }
0x57: {  	_ =	shalt  }
0x58: {  	_ =	shalt  }
0x59: {  	_ =	shalt  }
0x5a: {  	_ =	shalt  }
0x5b: {  	_ =	shalt  }
0x5c: {  	_ =	shalt  }
0x5d: {  	_ =	shalt  }
0x5e: {  	_ =	shalt  }
0x5f: {  	_ =	shalt  }
0x60: {  	_ =	shalt  }
0x61: {  	_ =	shalt  }
0x62: {  	_ =	shalt  }
0x63: {  	_ =	shalt  }
0x64: {  	_ =	shalt  }
0x65: {  	_ =	shalt  }
0x66: {  	_ =	shalt  }
0x67: {  	_ =	shalt  }
0x68: {  	_ =	shalt  }
0x69: {  	_ =	shalt  }
0x6a: {  	_ =	shalt  }
0x6b: {  	_ =	shalt  }
0x6c: {  	_ =	shalt  }
0x6d: {  	_ =	shalt  }
0x6e: {  	_ =	shalt  }
0x6f: {  	_ =	shalt  }
0x70: {  	_ =	shalt  }
0x71: {  	_ =	shalt  }
0x72: {  	_ =	shalt  }
0x73: {  	_ =	shalt  }
0x74: {  	_ =	shalt  }
0x75: {  	_ =	shalt  }
0x76: {  	_ =	shalt  }
0x77: {  	_ =	shalt  }
0x78: {  	_ =	shalt  }
0x79: {  	_ =	shalt  }
0x7a: {  	_ =	shalt  }
0x7b: {  	_ =	shalt  }
0x7c: {  	_ =	shalt  }
0x7d: {  	_ =	shalt  }
0x7e: {  	_ =	shalt  }
0x7f: {  	_ =	shalt  }
0x80: {  	_ =	shalt  }
0x81: {  	_ =	shalt  }
0x82: {  	_ =	shalt  }
0x83: {  	_ =	shalt  }
0x84: {  	_ =	shalt  }
0x85: {  	_ =	shalt  }
0x86: {  	_ =	shalt  }
0x87: {  	_ =	shalt  }
.Lfunc_end0:
.L_simem_size_0:
called_computation_lowered:
.L_overlay_start_0:
0x88: {  	s2 =	sld [smem:$0x3FD9]  }
0x89: {  	s3 =	sld [smem:$0x3FFE];
	_ =	sdelay $0x1  }
0x8a: {  	s1 =	srdreg.scid  }
0x8b: {  	s0 =	sand.u32 $0x1, s1  }
0x8c: {  	s17 =	sshll.u32 s0, $0xA;
	s2 =	sadd.s32 s3, s2  }
0x8d: {  	s2 =	sadd.s32 s2, s17  }
0x8e: {  	[smem:$0x3FBC] =	sst s2  }
0x8f: {  	_ = 	snop  }
0x90: {  	s2 =	sld [smem:$0x3FD0];
	(tm) =	ssettm $0x1  }
0x91: {  	s18 =	sld [smem:$0x3FFB];
	_ =	sdelay $0x3  }
0x92: {  	_ =	strace s18  }
0x93: {  	s3 =	sld [smem:$0x3FFC];
	_ =	sdelay $0x3  }
0x94: {  	_ =	strace s3  }
0x95: {  	s3 =	sld [smem:$0x3FFD];
	_ =	sdelay $0x3  }
0x96: {  	_ =	strace s3  }
0x97: {  	_ =	strace $0x8FFFFFFF  }
0x98: {  	s19 =	sld [smem:$0x3FDB];
	_ =	sdelay $0x1  }
0x99: {  	s4 =	simm.s32 $_scs_section_size  }
0x9a: {  	s5 =	simm.s32 $_size__tile_overlayer_lowered;
	s6 =	simm.s32 $_tile_overlayer_lowered  }
0x9b: {  	s22 =	simm.s32 $0x1BFF;
	s21 =	sshll.u32 s6, $0x1;
	s3 =	sadd.s32 s4, s19  }
0x9c: {  	s7 =	simm.s32 $0x0;
	s20 =	sshll.u32 s5, $0x1;
	s5 =	sadd.s32 s21, s3  }
0x9d: {  	[timem:s7], [sflag:s22] =	dma.local [hbm:s5], s20  }
0x9e: {  	_ =	swait.ge [sflag:s22], s20  }
0x9f: {  	s4 =	ssub.s32 $0x0, s20;
	[sflag:s22] =	ssyncset.done $0x0  }
0xa0: {  	[sflag:s22] =	ssyncadd.s32 s4;
	_ =	sdelay $0x1  }
0xa1: {  	s23 =	simm.s32 $0x1B8B  }
0xa2: {  	_ =	swait.ge [sflag:s23], $0x1  }
0xa3: {  	[sflag:s23] =	ssyncset.done $0x0  }
0xa4: {  	s25 =	simm.s32 $0x1B8E;
	s24 =	sld [smem:$0x3FFE];
	[sflag:s23] =	ssyncadd.s32 $0xFFFFFFFF  }
0xa5: {  	s26 =	simm.s32 $execute0_lowered;
	[smem:$0x3FD2] =	sst s25  }
0xa6: {  	s5 =	sshll.u32 s26, $0x1;
	_ =	strace $0x80000046;
	[dreg:$0x1] =	wrdreg $0xFFFFFFFF  }
0xa7: {  	s28 =	simm.s32 $_size_execute0_lowered;
	s3 =	sadd.s32 s3, s5;
	[dreg:$0x0] =	wrdreg $0x0  }
0xa8: {  	s5 =	sshll.u32 s28, $0x1;
	[dreg:$0x2] =	wrdreg s3  }
0xa9: {  	[dreg:$0x3] =	wrdreg s5  }
0xaa: {  	[dreg:$0x4] =	wrdreg $0xC0  }
0xab: {  	_ =	task [dreg:s7], $0x5FFFF  }
0xac: {  	[dreg:$0x1] =	wrdreg $0xFFFFFFFF  }
0xad: {  	[dreg:$0x0] =	wrdreg $0x60  }
0xae: {  	[dreg:$0x2] =	wrdreg s24  }
0xaf: {  	[dreg:$0x3] =	wrdreg s2  }
0xb0: {  	[dreg:$0x4] =	wrdreg $0x9  }
0xb1: {  	_ =	task.clear_ibuf [dreg:s7], $0x5FFFF;
	_ =	strace $0x90000046  }
0xb2: {  	s29 =	simm.s32 $0x9;
	_ =	strace $0x80000048  }
0xb3: {  	_ =	swait.ge [sflag:s29], $0x1  }
0xb4: {  	[sflag:s29] =	ssyncadd.s32 $0xFFFFFFFF  }
0xb5: {  	_ =	strace $0x90000048  }
0xb6: {  	_ =	sfence  }
0xb7: {  	s30 =	sld [smem:$0x0];
	_ =	sdelay $0x2  }
0xb8: {  	s31 =	sshll.u32 s1, $0xD;
	s1 =	sshrl.u32 s1, $0x2  }
0xb9: {  	s3 =	sand.u32 $0x4000, s31;
	s1 =	sadd.s32 s1, s30  }
0xba: {  	s0 =	sor.u32 s3, s0;
	s1 =	sshll.u32 s1, $0x11  }
0xbb: {  	s0 =	sor.u32 s1, s0  }
0xbc: {  	s0 =	sadd.s32 $0x8F2B, s0  }
0xbd: {  	[sflag:s0] =	ssyncadd.remote.s32 $0x1  }
0xbe: {  	_ =	sfence.sel $0xFFFF  }
0xbf: {  	[dreg:$0x0] =	wrdreg $0xFFFFFFFF;
	(pc) =	sbr.abs _section_cstart, $3  }
0xc0: {  	[dreg:$0x1] =	wrdreg $0xFFFFFFFF  }
0xc1: {  	_ =	task.clear_ibuf [dreg:s7], $0x2FFFF;
	_ =	strace $0x9FFFFFFF  }
0xc2: {  	(tm) =	ssettm $0x7FFFFFFF  }
0xc3: {  	_ =	shalt  }
tec
execute0_lowered:
.L_overlay_start_1:
0x0: {  	(tag) =	ssettag $0x1  }
0x1: {  	s1 =	srdreg.scid  }
0x2: {  	s3 =	rddreg [dreg:$0x0];
	s0 =	stileid.u32  }
0x3: {  	s5 =	rddreg [dreg:$0x1];
	s2 =	simm.s32 $0x0;
	s4 =	sand.u32 $0x1, s1  }
0x4: {  	v0 =	vlaneseq.u32;
	s6 =	sshll.u32 s0, $0xA;
	s1 =	rddreg [dreg:$0x2];
	s7 =	sshll.u32 s4, $0x9  }
0x5: {  	v1 =	vimm.f32 $0.0e+00;
	v2 =	vimm.f32 $5.000000000e+00;
	v3 =	vimm.f32 $7.000000000e+00;
	[smem:$0x7FF] =	sst s2;
	s4 =	ssub.s32 $0x2, s4;
	s6 =	sor.u32 s7, s6  }
0x6: {  	v4 =	vimm.f32 $1.100000000e+01;
	v5 =	vimm.f32 $1.400000000e+01;
	v6 =	vimm.f32 $1.600000000e+01;
	_ =	strace $0x80000047;
	s8 =	sshrl.u32 s4, $0x1;
	s7 =	smul.u32 $0x14, s6  }
0x7: {  	v7 =	vimm.f32 $2.500000000e+01;
	v8 =	vimm.f32 $2.700000000e+01;
	v9 =	vimm.f32 $5.900000000e+01;
	s30 =	ssub.s32 s4, s8;
	s31 =	sshll.u32 s6, $0x1;
	s6 =	simm.s32 $0x1  }
0x8: {  	v10 =	vimm.f32 $9.400000000e+01;
	v11 =	vimm.f32 $1.010000000e+02;
	v12 =	vimm.f32 $1.030000000e+02;
	s8 =	simm.s32 $0x0;
	s4 =	sadd.s32 s5, s31;
	s3 =	sadd.s32 s7, s3  }
0x9: {  	v13 =	vimm.f32 $1.240000000e+02;
	v14 =	vimm.f32 $1.260000000e+02;
	v15 =	vimm.f32 $1.290000000e+02;
	s5 =	smax.u32 s30, $0x1;
	s7 =	simm.s32 $0x14000;
	s3 =	sadd.s32 $0x82600, s3  }
.LBB2_1:
0xa: {  	[tilespmem:s2], [sflag:$0x1] =	stream.linear.gather [hbm4b:s3+s2], $0x14000, $0x38;
	[tilespmem:$0x16000] =	vst v63  }
0xb: {  	_ =	swait.ge [sflag:s6], $0x14000  }
0xc: {  	[sflag:s6] =	ssyncset.done $0x0  }
0xd: {  	s9 =	simm.s32 $0x0;
	[sflag:s6] =	ssyncadd.s32 $0xFFFEC000  }
.LBB2_2:
0xe: {  	v17 =	vor.u32 s9, v0  }
0xf: {  	v16 =	vmul.u32 $0xA0, v17;
	_ =	sdelay $0x1  }
0x10: {  	v18 =	vor.u32 $0x1, v16;
	_ =	sdelay $0x1  }
0x11: {  	v19 =	vor.u32 $0x2, v16;
	_ =	sdelay $0x1  }
0x12: {  	v21 =	vor.u32 $0x3, v16;
	v20 =	vld.idx.msk [tilespmem:v16+s2+$0x0], $0xffff  }
0x13: {  	v18 =	vld.idx.msk [tilespmem:v18+s2+$0x0], $0xffff  }
0x14: {  	v22 =	vor.u32 $0x4, v16  }
0x15: {  	v19 =	vld.idx.msk [tilespmem:v19+s2+$0x0], $0xffff;
	_ =	sdelay $0x1  }
0x16: {  	v21 =	vld.idx.msk [tilespmem:v21+s2+$0x0], $0xffff  }
0x17: {  	vm0 =	vgt.f32 v18, v20  }
0x18: {  	v44 =	vld.idx.msk [tilespmem:v22+s2+$0x0], $0xffff;
	v18 =	vsel vm0, v18, v20  }
0x19: {  	vm1 =	vgt.f32 v19, v18  }
0x1a: {  	v17 =	vshll.u32 v17, $0x4;
	v18 =	vsel vm1, v19, v18  }
0x1b: {  	v46 =	vor.u32 $0x5, v16;
	v45 =	vsel vm0, $0x3F800000, v1;
	vm5 =	vgt.f32 v21, v18  }
0x1c: {  	v47 =	vor.u32 $0x6, v16;
	v19 =	vsel vm1, $0x40000000, v45;
	v18 =	vsel vm5, v21, v18  }
0x1d: {  	v19 =	vsel vm5, $0x40400000, v19;
	vm6 =	vgt.f32 v44, v18  }
0x1e: {  	v18 =	vsel vm6, $0x40800000, v19  }
0x1f: {  	[tilespmem:v17+s7+$0x0] =	vst.idx.msk $0xffff, v18  }
0x20: {  	v18 =	vld.idx.msk [tilespmem:v46+s2+$0x0], $0xffff  }
0x21: {  	v48 =	vld.idx.msk [tilespmem:v47+s2+$0x0], $0xffff;
	_ =	sdelay $0x1  }
0x22: {  	v49 =	vor.u32 $0x1, v17  }
0x23: {  	v50 =	vor.u32 $0x7, v16  }
0x24: {  	v51 =	vor.u32 $0x8, v16  }
0x25: {  	vm7 =	vgt.f32 v48, v18  }
0x26: {  	v52 =	vor.u32 $0x9, v16;
	v18 =	vsel vm7, $0x40C00000, v2  }
0x27: {  	[tilespmem:v49+s7+$0x0] =	vst.idx.msk $0xffff, v18  }
0x28: {  	v53 =	vor.u32 $0xA, v16;
	v18 =	vld.idx.msk [tilespmem:v50+s2+$0x0], $0xffff  }
0x29: {  	v54 =	vld.idx.msk [tilespmem:v51+s2+$0x0], $0xffff;
	_ =	sdelay $0x1  }
0x2a: {  	v19 =	vld.idx.msk [tilespmem:v52+s2+$0x0], $0xffff;
	_ =	sdelay $0x1  }
0x2b: {  	v20 =	vld.idx.msk [tilespmem:v53+s2+$0x0], $0xffff  }
0x2c: {  	vm8 =	vgt.f32 v54, v18  }
0x2d: {  	v55 =	vor.u32 $0x2, v17;
	v18 =	vsel vm8, v54, v18  }
0x2e: {  	v56 =	vor.u32 $0xB, v16;
	vm9 =	vgt.f32 v19, v18  }
0x2f: {  	v57 =	vor.u32 $0xC, v16;
	v23 =	vsel vm8, $0x41000000, v3;
	v18 =	vsel vm9, v19, v18  }
0x30: {  	v23 =	vsel vm9, $0x41100000, v23;
	vm10 =	vgt.f32 v20, v18  }
0x31: {  	v58 =	vor.u32 $0xD, v16;
	v18 =	vsel vm10, $0x41200000, v23  }
0x32: {  	[tilespmem:v55+s7+$0x0] =	vst.idx.msk $0xffff, v18  }
0x33: {  	v18 =	vld.idx.msk [tilespmem:v56+s2+$0x0], $0xffff  }
0x34: {  	v19 =	vld.idx.msk [tilespmem:v57+s2+$0x0], $0xffff;
	_ =	sdelay $0x1  }
0x35: {  	v20 =	vld.idx.msk [tilespmem:v58+s2+$0x0], $0xffff;
	_ =	sdelay $0x1  }
0x36: {  	v59 =	vor.u32 $0x3, v17  }
0x37: {  	v60 =	vor.u32 $0xE, v16;
	vm11 =	vgt.f32 v19, v18  }
0x38: {  	v61 =	vor.u32 $0xF, v16;
	v18 =	vsel vm11, v19, v18  }
0x39: {  	v62 =	vsel vm11, $0x41400000, v4;
	vm12 =	vgt.f32 v20, v18  }
0x3a: {  	v18 =	vsel vm12, $0x41500000, v62  }
0x3b: {  	[tilespmem:v59+s7+$0x0] =	vst.idx.msk $0xffff, v18  }
0x3c: {  	v18 =	vld.idx.msk [tilespmem:v60+s2+$0x0], $0xffff  }
0x3d: {  	v19 =	vld.idx.msk [tilespmem:v61+s2+$0x0], $0xffff;
	_ =	sdelay $0x1  }
0x3e: {  	v63 =	vor.u32 $0x4, v17  }
0x3f: {  	v24 =	vor.u32 $0x10, v16  }
0x40: {  	v25 =	vor.u32 $0x11, v16  }
0x41: {  	vm13 =	vgt.f32 v19, v18  }
0x42: {  	v26 =	vor.u32 $0x12, v16;
	v18 =	vsel vm13, $0x41700000, v5  }
0x43: {  	[tilespmem:v63+s7+$0x0] =	vst.idx.msk $0xffff, v18  }
0x44: {  	v27 =	vor.u32 $0x13, v16;
	v18 =	vld.idx.msk [tilespmem:v24+s2+$0x0], $0xffff  }
0x45: {  	v28 =	vld.idx.msk [tilespmem:v25+s2+$0x0], $0xffff  }
0x46: {  	v29 =	vor.u32 $0x14, v16  }
0x47: {  	v19 =	vld.idx.msk [tilespmem:v26+s2+$0x0], $0xffff  }
0x48: {  	v30 =	vor.u32 $0x15, v16  }
0x49: {  	v20 =	vld.idx.msk [tilespmem:v27+s2+$0x0], $0xffff  }
0x4a: {  	v24 =	vor.u32 $0x16, v16;
	vm14 =	vgt.f32 v28, v18  }
0x4b: {  	v31 =	vld.idx.msk [tilespmem:v29+s2+$0x0], $0xffff;
	v18 =	vsel vm14, v28, v18  }
0x4c: {  	v32 =	vor.u32 $0x17, v16;
	vm15 =	vgt.f32 v19, v18  }
0x4d: {  	v33 =	vld.idx.msk [tilespmem:v30+s2+$0x0], $0xffff;
	v18 =	vsel vm15, v19, v18  }
0x4e: {  	v34 =	vor.u32 $0x18, v16;
	vm2 =	vgt.f32 v20, v18  }
0x4f: {  	v35 =	vld.idx.msk [tilespmem:v24+s2+$0x0], $0xffff;
	v18 =	vsel vm2, v20, v18  }
0x50: {  	vm3 =	vgt.f32 v31, v18  }
0x51: {  	v36 =	vld.idx.msk [tilespmem:v32+s2+$0x0], $0xffff;
	v18 =	vsel vm3, v31, v18  }
0x52: {  	v37 =	vsel vm14, $0x41880000, v6;
	vm4 =	vgt.f32 v33, v18  }
0x53: {  	v38 =	vld.idx.msk [tilespmem:v34+s2+$0x0], $0xffff;
	v22 =	vsel vm15, $0x41900000, v37;
	v18 =	vsel vm4, v33, v18  }
0x54: {  	v22 =	vsel vm2, $0x41980000, v22;
	vm5 =	vgt.f32 v35, v18  }
0x55: {  	v39 =	vor.u32 $0x5, v17;
	v22 =	vsel vm3, $0x41A00000, v22;
	v18 =	vsel vm5, v35, v18  }
0x56: {  	v40 =	vor.u32 $0x19, v16;
	v22 =	vsel vm4, $0x41A80000, v22;
	vm6 =	vgt.f32 v36, v18  }
0x57: {  	v41 =	vor.u32 $0x1A, v16;
	v22 =	vsel vm5, $0x41B00000, v22;
	v18 =	vsel vm6, v36, v18  }
0x58: {  	v22 =	vsel vm6, $0x41B80000, v22;
	vm7 =	vgt.f32 v38, v18  }
0x59: {  	v18 =	vsel vm7, $0x41C00000, v22  }
0x5a: {  	[tilespmem:v39+s7+$0x0] =	vst.idx.msk $0xffff, v18  }
0x5b: {  	v18 =	vld.idx.msk [tilespmem:v40+s2+$0x0], $0xffff  }
0x5c: {  	v42 =	vld.idx.msk [tilespmem:v41+s2+$0x0], $0xffff;
	_ =	sdelay $0x1  }
0x5d: {  	v43 =	vor.u32 $0x6, v17  }
0x5e: {  	v44 =	vor.u32 $0x1B, v16  }
0x5f: {  	v45 =	vor.u32 $0x1C, v16  }
0x60: {  	vm8 =	vgt.f32 v42, v18  }
0x61: {  	v46 =	vor.u32 $0x1D, v16;
	v18 =	vsel vm8, $0x41D00000, v7  }
0x62: {  	[tilespmem:v43+s7+$0x0] =	vst.idx.msk $0xffff, v18  }
0x63: {  	v47 =	vor.u32 $0x1E, v16;
	v18 =	vld.idx.msk [tilespmem:v44+s2+$0x0], $0xffff  }
0x64: {  	v48 =	vld.idx.msk [tilespmem:v45+s2+$0x0], $0xffff  }
0x65: {  	v49 =	vor.u32 $0x1F, v16  }
0x66: {  	v19 =	vld.idx.msk [tilespmem:v46+s2+$0x0], $0xffff  }
0x67: {  	v50 =	vadd.s32 $0x20, v16  }
0x68: {  	v20 =	vld.idx.msk [tilespmem:v47+s2+$0x0], $0xffff  }
0x69: {  	v51 =	vadd.s32 $0x21, v16;
	vm0 =	vgt.f32 v48, v18  }
0x6a: {  	v52 =	vld.idx.msk [tilespmem:v49+s2+$0x0], $0xffff;
	v18 =	vsel vm0, v48, v18  }
0x6b: {  	v53 =	vadd.s32 $0x22, v16;
	vm1 =	vgt.f32 v19, v18  }
0x6c: {  	v54 =	vld.idx.msk [tilespmem:v50+s2+$0x0], $0xffff;
	v18 =	vsel vm1, v19, v18  }
0x6d: {  	v55 =	vadd.s32 $0x23, v16;
	vm2 =	vgt.f32 v20, v18  }
0x6e: {  	v56 =	vld.idx.msk [tilespmem:v51+s2+$0x0], $0xffff;
	v18 =	vsel vm2, v20, v18  }
0x6f: {  	v57 =	vadd.s32 $0x24, v16;
	vm3 =	vgt.f32 v52, v18  }
0x70: {  	v58 =	vld.idx.msk [tilespmem:v53+s2+$0x0], $0xffff;
	v18 =	vsel vm3, v52, v18  }
0x71: {  	v59 =	vadd.s32 $0x25, v16;
	vm4 =	vgt.f32 v54, v18  }
0x72: {  	v60 =	vld.idx.msk [tilespmem:v55+s2+$0x0], $0xffff;
	v18 =	vsel vm4, v54, v18  }
0x73: {  	v61 =	vadd.s32 $0x26, v16;
	vm5 =	vgt.f32 v56, v18  }
0x74: {  	v62 =	vld.idx.msk [tilespmem:v57+s2+$0x0], $0xffff;
	v18 =	vsel vm5, v56, v18  }
0x75: {  	v63 =	vadd.s32 $0x27, v16;
	vm6 =	vgt.f32 v58, v18  }
0x76: {  	v28 =	vld.idx.msk [tilespmem:v59+s2+$0x0], $0xffff;
	v18 =	vsel vm6, v58, v18  }
0x77: {  	v29 =	vadd.s32 $0x28, v16;
	vm7 =	vgt.f32 v60, v18  }
0x78: {  	v30 =	vld.idx.msk [tilespmem:v61+s2+$0x0], $0xffff;
	v18 =	vsel vm7, v60, v18  }
0x79: {  	v31 =	vadd.s32 $0x29, v16;
	vm8 =	vgt.f32 v62, v18  }
0x7a: {  	v32 =	vld.idx.msk [tilespmem:v63+s2+$0x0], $0xffff;
	v18 =	vsel vm8, v62, v18  }
0x7b: {  	v33 =	vadd.s32 $0x2A, v16;
	vm9 =	vgt.f32 v28, v18  }
0x7c: {  	v34 =	vld.idx.msk [tilespmem:v29+s2+$0x0], $0xffff;
	v18 =	vsel vm9, v28, v18  }
0x7d: {  	v35 =	vadd.s32 $0x2B, v16;
	vm10 =	vgt.f32 v30, v18  }
0x7e: {  	v36 =	vld.idx.msk [tilespmem:v31+s2+$0x0], $0xffff;
	v18 =	vsel vm10, v30, v18  }
0x7f: {  	v37 =	vadd.s32 $0x2C, v16;
	vm11 =	vgt.f32 v32, v18  }
0x80: {  	v38 =	vld.idx.msk [tilespmem:v33+s2+$0x0], $0xffff;
	v18 =	vsel vm11, v32, v18  }
0x81: {  	v39 =	vadd.s32 $0x2D, v16;
	vm12 =	vgt.f32 v34, v18  }
0x82: {  	v40 =	vld.idx.msk [tilespmem:v35+s2+$0x0], $0xffff;
	v18 =	vsel vm12, v34, v18  }
0x83: {  	v41 =	vadd.s32 $0x2E, v16;
	vm13 =	vgt.f32 v36, v18  }
0x84: {  	v42 =	vld.idx.msk [tilespmem:v37+s2+$0x0], $0xffff;
	v18 =	vsel vm13, v36, v18  }
0x85: {  	v43 =	vadd.s32 $0x2F, v16;
	vm14 =	vgt.f32 v38, v18  }
0x86: {  	v44 =	vld.idx.msk [tilespmem:v39+s2+$0x0], $0xffff;
	v18 =	vsel vm14, v38, v18  }
0x87: {  	v45 =	vadd.s32 $0x30, v16;
	vm15 =	vgt.f32 v40, v18  }
0x88: {  	v46 =	vld.idx.msk [tilespmem:v41+s2+$0x0], $0xffff;
	v25 =	vsel vm0, $0x41E00000, v8;
	v18 =	vsel vm15, v40, v18  }
0x89: {  	v48 =	vadd.s32 $0x31, v16;
	v47 =	vsel vm1, $0x41E80000, v25;
	vm0 =	vgt.f32 v42, v18  }
0x8a: {  	v49 =	vld.idx.msk [tilespmem:v43+s2+$0x0], $0xffff;
	v22 =	vsel vm2, $0x41F00000, v47;
	v18 =	vsel vm0, v42, v18  }
0x8b: {  	v50 =	vadd.s32 $0x32, v16;
	v22 =	vsel vm3, $0x41F80000, v22;
	vm1 =	vgt.f32 v44, v18  }
0x8c: {  	v51 =	vld.idx.msk [tilespmem:v45+s2+$0x0], $0xffff;
	v22 =	vsel vm4, $0x42000000, v22;
	v18 =	vsel vm1, v44, v18  }
0x8d: {  	v52 =	vadd.s32 $0x33, v16;
	v22 =	vsel vm5, $0x42040000, v22;
	vm2 =	vgt.f32 v46, v18  }
0x8e: {  	v53 =	vld.idx.msk [tilespmem:v48+s2+$0x0], $0xffff;
	v22 =	vsel vm6, $0x42080000, v22;
	v18 =	vsel vm2, v46, v18  }
0x8f: {  	v54 =	vadd.s32 $0x34, v16;
	v22 =	vsel vm7, $0x420C0000, v22;
	vm3 =	vgt.f32 v49, v18  }
0x90: {  	v55 =	vld.idx.msk [tilespmem:v50+s2+$0x0], $0xffff;
	v22 =	vsel vm8, $0x42100000, v22;
	v18 =	vsel vm3, v49, v18  }
0x91: {  	v56 =	vadd.s32 $0x35, v16;
	v22 =	vsel vm9, $0x42140000, v22;
	vm9 =	vgt.f32 v51, v18  }
0x92: {  	v57 =	vld.idx.msk [tilespmem:v52+s2+$0x0], $0xffff;
	v22 =	vsel vm10, $0x42180000, v22;
	v18 =	vsel vm9, v51, v18  }
0x93: {  	v58 =	vadd.s32 $0x36, v16;
	v22 =	vsel vm11, $0x421C0000, v22;
	vm11 =	vgt.f32 v53, v18  }
0x94: {  	v59 =	vld.idx.msk [tilespmem:v54+s2+$0x0], $0xffff;
	v22 =	vsel vm12, $0x42200000, v22;
	v18 =	vsel vm11, v53, v18  }
0x95: {  	v60 =	vadd.s32 $0x37, v16;
	v22 =	vsel vm13, $0x42240000, v22;
	vm12 =	vgt.f32 v55, v18  }
0x96: {  	v61 =	vld.idx.msk [tilespmem:v56+s2+$0x0], $0xffff;
	v22 =	vsel vm14, $0x42280000, v22;
	v18 =	vsel vm12, v55, v18  }
0x97: {  	v62 =	vadd.s32 $0x38, v16;
	v22 =	vsel vm15, $0x422C0000, v22;
	vm13 =	vgt.f32 v57, v18  }
0x98: {  	v63 =	vld.idx.msk [tilespmem:v58+s2+$0x0], $0xffff;
	v22 =	vsel vm0, $0x42300000, v22;
	v18 =	vsel vm13, v57, v18  }
0x99: {  	v28 =	vadd.s32 $0x39, v16;
	v22 =	vsel vm1, $0x42340000, v22;
	vm14 =	vgt.f32 v59, v18  }
0x9a: {  	v29 =	vld.idx.msk [tilespmem:v60+s2+$0x0], $0xffff;
	v22 =	vsel vm2, $0x42380000, v22;
	v18 =	vsel vm14, v59, v18  }
0x9b: {  	v30 =	vadd.s32 $0x3A, v16;
	v22 =	vsel vm3, $0x423C0000, v22;
	vm15 =	vgt.f32 v61, v18  }
0x9c: {  	v31 =	vld.idx.msk [tilespmem:v62+s2+$0x0], $0xffff;
	v22 =	vsel vm9, $0x42400000, v22;
	v18 =	vsel vm15, v61, v18  }
0x9d: {  	v22 =	vsel vm11, $0x42440000, v22;
	vm8 =	vgt.f32 v63, v18  }
0x9e: {  	v32 =	vld.idx.msk [tilespmem:v28+s2+$0x0], $0xffff;
	v22 =	vsel vm12, $0x42480000, v22;
	v18 =	vsel vm8, v63, v18  }
0x9f: {  	v22 =	vsel vm13, $0x424C0000, v22;
	vm9 =	vgt.f32 v29, v18  }
0xa0: {  	v33 =	vld.idx.msk [tilespmem:v30+s2+$0x0], $0xffff;
	v22 =	vsel vm14, $0x42500000, v22;
	v18 =	vsel vm9, v29, v18  }
0xa1: {  	v22 =	vsel vm15, $0x42540000, v22;
	vm10 =	vgt.f32 v31, v18  }
0xa2: {  	v34 =	vor.u32 $0x7, v17;
	v22 =	vsel vm8, $0x42580000, v22;
	v18 =	vsel vm10, v31, v18  }
0xa3: {  	v35 =	vadd.s32 $0x3B, v16;
	v22 =	vsel vm9, $0x425C0000, v22;
	vm11 =	vgt.f32 v32, v18  }
0xa4: {  	v36 =	vadd.s32 $0x3C, v16;
	v22 =	vsel vm10, $0x42600000, v22;
	v18 =	vsel vm11, v32, v18  }
0xa5: {  	v22 =	vsel vm11, $0x42640000, v22;
	vm12 =	vgt.f32 v33, v18  }
0xa6: {  	v37 =	vadd.s32 $0x3D, v16;
	v18 =	vsel vm12, $0x42680000, v22  }
0xa7: {  	[tilespmem:v34+s7+$0x0] =	vst.idx.msk $0xffff, v18  }
0xa8: {  	v38 =	vadd.s32 $0x3E, v16;
	v18 =	vld.idx.msk [tilespmem:v35+s2+$0x0], $0xffff  }
0xa9: {  	v20 =	vld.idx.msk [tilespmem:v36+s2+$0x0], $0xffff  }
0xaa: {  	v39 =	vadd.s32 $0x3F, v16  }
0xab: {  	v21 =	vld.idx.msk [tilespmem:v37+s2+$0x0], $0xffff  }
0xac: {  	v40 =	vadd.s32 $0x40, v16  }
0xad: {  	v19 =	vld.idx.msk [tilespmem:v38+s2+$0x0], $0xffff  }
0xae: {  	v41 =	vadd.s32 $0x41, v16;
	vm0 =	vgt.f32 v20, v18  }
0xaf: {  	v42 =	vld.idx.msk [tilespmem:v39+s2+$0x0], $0xffff;
	v18 =	vsel vm0, v20, v18  }
0xb0: {  	v44 =	vadd.s32 $0x42, v16;
	vm13 =	vgt.f32 v21, v18  }
0xb1: {  	v45 =	vld.idx.msk [tilespmem:v40+s2+$0x0], $0xffff;
	v18 =	vsel vm13, v21, v18  }
0xb2: {  	v47 =	vadd.s32 $0x43, v16;
	vm1 =	vgt.f32 v19, v18  }
0xb3: {  	v48 =	vld.idx.msk [tilespmem:v41+s2+$0x0], $0xffff;
	v18 =	vsel vm1, v19, v18  }
0xb4: {  	v49 =	vadd.s32 $0x44, v16;
	vm3 =	vgt.f32 v42, v18  }
0xb5: {  	v50 =	vld.idx.msk [tilespmem:v44+s2+$0x0], $0xffff;
	v18 =	vsel vm3, v42, v18  }
0xb6: {  	v51 =	vadd.s32 $0x45, v16;
	vm4 =	vgt.f32 v45, v18  }
0xb7: {  	v52 =	vld.idx.msk [tilespmem:v47+s2+$0x0], $0xffff;
	v18 =	vsel vm4, v45, v18  }
0xb8: {  	v53 =	vadd.s32 $0x46, v16;
	vm5 =	vgt.f32 v48, v18  }
0xb9: {  	v54 =	vld.idx.msk [tilespmem:v49+s2+$0x0], $0xffff;
	v18 =	vsel vm5, v48, v18  }
0xba: {  	v55 =	vadd.s32 $0x47, v16;
	vm6 =	vgt.f32 v50, v18  }
0xbb: {  	v56 =	vld.idx.msk [tilespmem:v51+s2+$0x0], $0xffff;
	v18 =	vsel vm6, v50, v18  }
0xbc: {  	v57 =	vadd.s32 $0x48, v16;
	vm7 =	vgt.f32 v52, v18  }
0xbd: {  	v58 =	vld.idx.msk [tilespmem:v53+s2+$0x0], $0xffff;
	v18 =	vsel vm7, v52, v18  }
0xbe: {  	v59 =	vadd.s32 $0x49, v16;
	vm8 =	vgt.f32 v54, v18  }
0xbf: {  	v60 =	vld.idx.msk [tilespmem:v55+s2+$0x0], $0xffff;
	v18 =	vsel vm8, v54, v18  }
0xc0: {  	v61 =	vadd.s32 $0x4A, v16;
	vm9 =	vgt.f32 v56, v18  }
0xc1: {  	v62 =	vld.idx.msk [tilespmem:v57+s2+$0x0], $0xffff;
	v18 =	vsel vm9, v56, v18  }
0xc2: {  	v63 =	vadd.s32 $0x4B, v16;
	vm10 =	vgt.f32 v58, v18  }
0xc3: {  	v28 =	vld.idx.msk [tilespmem:v59+s2+$0x0], $0xffff;
	v18 =	vsel vm10, v58, v18  }
0xc4: {  	v29 =	vadd.s32 $0x4C, v16;
	vm11 =	vgt.f32 v60, v18  }
0xc5: {  	v31 =	vadd.s32 $0x4D, v16;
	v30 =	vld.idx.msk [tilespmem:v61+s2+$0x0], $0xffff;
	v18 =	vsel vm11, v60, v18  }
0xc6: {  	vm12 =	vgt.f32 v62, v18  }
0xc7: {  	v43 =	vimm.s32 $0x0;
	v32 =	vld.idx.msk [tilespmem:v63+s2+$0x0], $0xffff;
	v18 =	vsel vm12, v62, v18  }
0xc8: {  	v33 =	vadd.s32 $0x4E, v16;
	v22 =	vsel vm13, $0xFFFFFFFF, v43;
	vm13 =	vgt.f32 v28, v18  }
0xc9: {  	v46 =	vimm.s32 $0x0;
	v34 =	vld.idx.msk [tilespmem:v29+s2+$0x0], $0xffff;
	v18 =	vsel vm13, v28, v18  }
0xca: {  	v35 =	vadd.s32 $0x4F, v16;
	v36 =	vld.idx.msk [tilespmem:v31+s2+$0x0], $0xffff;
	[tilespmem:$0x1FFC0] =	vst v22;
	v23 =	vsel vm1, $0xFFFFFFFF, v46;
	vm14 =	vgt.f32 v30, v18  }
0xcb: {  	v26 =	vld [tilespmem:$0x1FFC0];
	[tilespmem:$0x1FFD0] =	vst v23;
	v18 =	vsel vm14, v30, v18  }
0xcc: {  	v37 =	vadd.s32 $0x50, v16;
	v44 =	vld [tilespmem:$0x1FFD0];
	vm15 =	vgt.f32 v32, v18  }
0xcd: {  	v38 =	vld.idx.msk [tilespmem:v33+s2+$0x0], $0xffff;
	v18 =	vsel vm15, v32, v18  }
0xce: {  	v39 =	vadd.s32 $0x51, v16;
	vm1 =	vgt.f32 v34, v18  }
0xcf: {  	v40 =	vld.idx.msk [tilespmem:v35+s2+$0x0], $0xffff;
	v41 =	vsel vm0, $0x42700000, v9;
	v18 =	vsel vm1, v34, v18  }
0xd0: {  	v42 =	vadd.s32 $0x52, v16;
	vm2 =	vnez.u8 v26;
	vm0 =	vgt.f32 v36, v18  }
0xd1: {  	v43 =	vld.idx.msk [tilespmem:v37+s2+$0x0], $0xffff;
	v23 =	vsel vm2, $0x42740000, v41;
	vm2 =	vnez.u8 v44;
	v18 =	vsel vm0, v36, v18  }
0xd2: {  	v45 =	vadd.s32 $0x53, v16;
	v23 =	vsel vm2, $0x42780000, v23;
	vm2 =	vgt.f32 v38, v18  }
0xd3: {  	v46 =	vld.idx.msk [tilespmem:v39+s2+$0x0], $0xffff;
	v23 =	vsel vm3, $0x427C0000, v23;
	v18 =	vsel vm2, v38, v18  }
0xd4: {  	v48 =	vadd.s32 $0x54, v16;
	v47 =	vsel vm4, $0x42800000, v23;
	vm3 =	vgt.f32 v40, v18  }
0xd5: {  	v49 =	vld.idx.msk [tilespmem:v42+s2+$0x0], $0xffff;
	v22 =	vsel vm5, $0x42820000, v47;
	v18 =	vsel vm3, v40, v18  }
0xd6: {  	v50 =	vadd.s32 $0x55, v16;
	v22 =	vsel vm6, $0x42840000, v22;
	vm4 =	vgt.f32 v43, v18  }
0xd7: {  	v51 =	vld.idx.msk [tilespmem:v45+s2+$0x0], $0xffff;
	v22 =	vsel vm7, $0x42860000, v22;
	v18 =	vsel vm4, v43, v18  }
0xd8: {  	v52 =	vadd.s32 $0x56, v16;
	v22 =	vsel vm8, $0x42880000, v22;
	vm5 =	vgt.f32 v46, v18  }
0xd9: {  	v53 =	vld.idx.msk [tilespmem:v48+s2+$0x0], $0xffff;
	v22 =	vsel vm9, $0x428A0000, v22;
	v18 =	vsel vm5, v46, v18  }
0xda: {  	v54 =	vadd.s32 $0x57, v16;
	v22 =	vsel vm10, $0x428C0000, v22;
	vm6 =	vgt.f32 v49, v18  }
0xdb: {  	v55 =	vld.idx.msk [tilespmem:v50+s2+$0x0], $0xffff;
	v22 =	vsel vm11, $0x428E0000, v22;
	v18 =	vsel vm6, v49, v18  }
0xdc: {  	v56 =	vadd.s32 $0x58, v16;
	v22 =	vsel vm12, $0x42900000, v22;
	vm7 =	vgt.f32 v51, v18  }
0xdd: {  	v57 =	vld.idx.msk [tilespmem:v52+s2+$0x0], $0xffff;
	v22 =	vsel vm13, $0x42920000, v22;
	v18 =	vsel vm7, v51, v18  }
0xde: {  	v58 =	vadd.s32 $0x59, v16;
	v22 =	vsel vm14, $0x42940000, v22;
	vm14 =	vgt.f32 v53, v18  }
0xdf: {  	v59 =	vld.idx.msk [tilespmem:v54+s2+$0x0], $0xffff;
	v22 =	vsel vm15, $0x42960000, v22;
	v18 =	vsel vm14, v53, v18  }
0xe0: {  	v60 =	vadd.s32 $0x5A, v16;
	v22 =	vsel vm1, $0x42980000, v22;
	vm10 =	vgt.f32 v55, v18  }
0xe1: {  	v61 =	vld.idx.msk [tilespmem:v56+s2+$0x0], $0xffff;
	v22 =	vsel vm0, $0x429A0000, v22;
	v18 =	vsel vm10, v55, v18  }
0xe2: {  	v62 =	vadd.s32 $0x5B, v16;
	v22 =	vsel vm2, $0x429C0000, v22;
	vm11 =	vgt.f32 v57, v18  }
0xe3: {  	v63 =	vld.idx.msk [tilespmem:v58+s2+$0x0], $0xffff;
	v22 =	vsel vm3, $0x429E0000, v22;
	v18 =	vsel vm11, v57, v18  }
0xe4: {  	v28 =	vadd.s32 $0x5C, v16;
	v22 =	vsel vm4, $0x42A00000, v22;
	vm12 =	vgt.f32 v59, v18  }
0xe5: {  	v29 =	vld.idx.msk [tilespmem:v60+s2+$0x0], $0xffff;
	v22 =	vsel vm5, $0x42A20000, v22;
	v18 =	vsel vm12, v59, v18  }
0xe6: {  	v30 =	vadd.s32 $0x5D, v16;
	v22 =	vsel vm6, $0x42A40000, v22;
	vm13 =	vgt.f32 v61, v18  }
0xe7: {  	v31 =	vld.idx.msk [tilespmem:v62+s2+$0x0], $0xffff;
	v22 =	vsel vm7, $0x42A60000, v22;
	v18 =	vsel vm13, v61, v18  }
0xe8: {  	v22 =	vsel vm14, $0x42A80000, v22;
	vm14 =	vgt.f32 v63, v18  }
0xe9: {  	v32 =	vld.idx.msk [tilespmem:v28+s2+$0x0], $0xffff;
	v22 =	vsel vm10, $0x42AA0000, v22;
	v18 =	vsel vm14, v63, v18  }
0xea: {  	v22 =	vsel vm11, $0x42AC0000, v22;
	vm15 =	vgt.f32 v29, v18  }
0xeb: {  	v33 =	vld.idx.msk [tilespmem:v30+s2+$0x0], $0xffff;
	v22 =	vsel vm12, $0x42AE0000, v22;
	v18 =	vsel vm15, v29, v18  }
0xec: {  	v22 =	vsel vm13, $0x42B00000, v22;
	vm5 =	vgt.f32 v31, v18  }
0xed: {  	v34 =	vor.u32 $0x8, v17;
	v22 =	vsel vm14, $0x42B20000, v22;
	v18 =	vsel vm5, v31, v18  }
0xee: {  	v35 =	vadd.s32 $0x5E, v16;
	v22 =	vsel vm15, $0x42B40000, v22;
	vm6 =	vgt.f32 v32, v18  }
0xef: {  	v36 =	vadd.s32 $0x5F, v16;
	v22 =	vsel vm5, $0x42B60000, v22;
	v18 =	vsel vm6, v32, v18  }
0xf0: {  	v22 =	vsel vm6, $0x42B80000, v22;
	vm7 =	vgt.f32 v33, v18  }
0xf1: {  	v37 =	vadd.s32 $0x60, v16;
	v18 =	vsel vm7, $0x42BA0000, v22  }
0xf2: {  	[tilespmem:v34+s7+$0x0] =	vst.idx.msk $0xffff, v18  }
0xf3: {  	v38 =	vadd.s32 $0x61, v16;
	v18 =	vld.idx.msk [tilespmem:v35+s2+$0x0], $0xffff  }
0xf4: {  	v19 =	vld.idx.msk [tilespmem:v36+s2+$0x0], $0xffff  }
0xf5: {  	v39 =	vadd.s32 $0x62, v16  }
0xf6: {  	v20 =	vld.idx.msk [tilespmem:v37+s2+$0x0], $0xffff  }
0xf7: {  	v40 =	vadd.s32 $0x63, v16  }
0xf8: {  	v21 =	vld.idx.msk [tilespmem:v38+s2+$0x0], $0xffff  }
0xf9: {  	v41 =	vadd.s32 $0x64, v16;
	vm8 =	vgt.f32 v19, v18  }
0xfa: {  	v42 =	vld.idx.msk [tilespmem:v39+s2+$0x0], $0xffff;
	v18 =	vsel vm8, v19, v18  }
0xfb: {  	vm9 =	vgt.f32 v20, v18  }
0xfc: {  	v43 =	vld.idx.msk [tilespmem:v40+s2+$0x0], $0xffff;
	v18 =	vsel vm9, v20, v18  }
0xfd: {  	vm10 =	vgt.f32 v21, v18  }
0xfe: {  	v44 =	vld.idx.msk [tilespmem:v41+s2+$0x0], $0xffff;
	v18 =	vsel vm10, v21, v18  }
0xff: {  	v45 =	vsel vm8, $0x42BE0000, v10;
	vm11 =	vgt.f32 v42, v18  }
0x100: {  	v46 =	vor.u32 $0x9, v17;
	v22 =	vsel vm9, $0x42C00000, v45;
	v18 =	vsel vm11, v42, v18  }
0x101: {  	v47 =	vadd.s32 $0x65, v16;
	v22 =	vsel vm10, $0x42C20000, v22;
	vm12 =	vgt.f32 v43, v18  }
0x102: {  	v48 =	vadd.s32 $0x66, v16;
	v22 =	vsel vm11, $0x42C40000, v22;
	v18 =	vsel vm12, v43, v18  }
0x103: {  	v22 =	vsel vm12, $0x42C60000, v22;
	vm13 =	vgt.f32 v44, v18  }
0x104: {  	v18 =	vsel vm13, $0x42C80000, v22  }
0x105: {  	[tilespmem:v46+s7+$0x0] =	vst.idx.msk $0xffff, v18  }
0x106: {  	v18 =	vld.idx.msk [tilespmem:v47+s2+$0x0], $0xffff  }
0x107: {  	v19 =	vld.idx.msk [tilespmem:v48+s2+$0x0], $0xffff;
	_ =	sdelay $0x1  }
0x108: {  	v49 =	vor.u32 $0xA, v17  }
0x109: {  	v50 =	vadd.s32 $0x67, v16  }
0x10a: {  	v51 =	vadd.s32 $0x68, v16  }
0x10b: {  	vm14 =	vgt.f32 v19, v18  }
0x10c: {  	v52 =	vadd.s32 $0x69, v16;
	v18 =	vsel vm14, $0x42CC0000, v11  }
0x10d: {  	[tilespmem:v49+s7+$0x0] =	vst.idx.msk $0xffff, v18  }
0x10e: {  	v53 =	vadd.s32 $0x6A, v16;
	v18 =	vld.idx.msk [tilespmem:v50+s2+$0x0], $0xffff  }
0x10f: {  	v54 =	vld.idx.msk [tilespmem:v51+s2+$0x0], $0xffff  }
0x110: {  	v55 =	vadd.s32 $0x6B, v16  }
0x111: {  	v19 =	vld.idx.msk [tilespmem:v52+s2+$0x0], $0xffff  }
0x112: {  	v56 =	vadd.s32 $0x6C, v16  }
0x113: {  	v20 =	vld.idx.msk [tilespmem:v53+s2+$0x0], $0xffff  }
0x114: {  	v57 =	vadd.s32 $0x6D, v16;
	vm15 =	vgt.f32 v54, v18  }
0x115: {  	v58 =	vld.idx.msk [tilespmem:v55+s2+$0x0], $0xffff;
	v18 =	vsel vm15, v54, v18  }
0x116: {  	v59 =	vadd.s32 $0x6E, v16;
	vm1 =	vgt.f32 v19, v18  }
0x117: {  	v60 =	vld.idx.msk [tilespmem:v56+s2+$0x0], $0xffff;
	v18 =	vsel vm1, v19, v18  }
0x118: {  	v61 =	vadd.s32 $0x6F, v16;
	vm2 =	vgt.f32 v20, v18  }
0x119: {  	v62 =	vld.idx.msk [tilespmem:v57+s2+$0x0], $0xffff;
	v18 =	vsel vm2, v20, v18  }
0x11a: {  	v63 =	vadd.s32 $0x70, v16;
	vm3 =	vgt.f32 v58, v18  }
0x11b: {  	v28 =	vld.idx.msk [tilespmem:v59+s2+$0x0], $0xffff;
	v18 =	vsel vm3, v58, v18  }
0x11c: {  	v29 =	vadd.s32 $0x71, v16;
	vm4 =	vgt.f32 v60, v18  }
0x11d: {  	v30 =	vld.idx.msk [tilespmem:v61+s2+$0x0], $0xffff;
	v18 =	vsel vm4, v60, v18  }
0x11e: {  	v31 =	vadd.s32 $0x72, v16;
	vm5 =	vgt.f32 v62, v18  }
0x11f: {  	v32 =	vld.idx.msk [tilespmem:v63+s2+$0x0], $0xffff;
	v18 =	vsel vm5, v62, v18  }
0x120: {  	v33 =	vadd.s32 $0x73, v16;
	vm12 =	vgt.f32 v28, v18  }
0x121: {  	v34 =	vld.idx.msk [tilespmem:v29+s2+$0x0], $0xffff;
	v18 =	vsel vm12, v28, v18  }
0x122: {  	v35 =	vadd.s32 $0x74, v16;
	vm7 =	vgt.f32 v30, v18  }
0x123: {  	v36 =	vld.idx.msk [tilespmem:v31+s2+$0x0], $0xffff;
	v18 =	vsel vm7, v30, v18  }
0x124: {  	v37 =	vadd.s32 $0x75, v16;
	vm13 =	vgt.f32 v32, v18  }
0x125: {  	v38 =	vld.idx.msk [tilespmem:v33+s2+$0x0], $0xffff;
	v18 =	vsel vm13, v32, v18  }
0x126: {  	v39 =	vadd.s32 $0x76, v16;
	vm14 =	vgt.f32 v34, v18  }
0x127: {  	v40 =	vld.idx.msk [tilespmem:v35+s2+$0x0], $0xffff;
	v18 =	vsel vm14, v34, v18  }
0x128: {  	v42 =	vadd.s32 $0x77, v16;
	v41 =	vsel vm15, $0x42D00000, v12;
	vm15 =	vgt.f32 v36, v18  }
0x129: {  	v43 =	vld.idx.msk [tilespmem:v37+s2+$0x0], $0xffff;
	v22 =	vsel vm1, $0x42D20000, v41;
	v18 =	vsel vm15, v36, v18  }
0x12a: {  	v44 =	vadd.s32 $0x78, v16;
	v22 =	vsel vm2, $0x42D40000, v22;
	vm10 =	vgt.f32 v38, v18  }
0x12b: {  	v45 =	vld.idx.msk [tilespmem:v39+s2+$0x0], $0xffff;
	v22 =	vsel vm3, $0x42D60000, v22;
	v18 =	vsel vm10, v38, v18  }
0x12c: {  	v46 =	vadd.s32 $0x79, v16;
	v22 =	vsel vm4, $0x42D80000, v22;
	vm11 =	vgt.f32 v40, v18  }
0x12d: {  	v47 =	vld.idx.msk [tilespmem:v42+s2+$0x0], $0xffff;
	v22 =	vsel vm5, $0x42DA0000, v22;
	v18 =	vsel vm11, v40, v18  }
0x12e: {  	v48 =	vadd.s32 $0x7A, v16;
	v22 =	vsel vm12, $0x42DC0000, v22;
	vm12 =	vgt.f32 v43, v18  }
0x12f: {  	v49 =	vld.idx.msk [tilespmem:v44+s2+$0x0], $0xffff;
	v22 =	vsel vm7, $0x42DE0000, v22;
	v18 =	vsel vm12, v43, v18  }
0x130: {  	v50 =	vadd.s32 $0x7B, v16;
	v22 =	vsel vm13, $0x42E00000, v22;
	vm13 =	vgt.f32 v45, v18  }
0x131: {  	v51 =	vld.idx.msk [tilespmem:v46+s2+$0x0], $0xffff;
	v22 =	vsel vm14, $0x42E20000, v22;
	v18 =	vsel vm13, v45, v18  }
0x132: {  	v22 =	vsel vm15, $0x42E40000, v22;
	vm14 =	vgt.f32 v47, v18  }
0x133: {  	v52 =	vld.idx.msk [tilespmem:v48+s2+$0x0], $0xffff;
	v22 =	vsel vm10, $0x42E60000, v22;
	v18 =	vsel vm14, v47, v18  }
0x134: {  	v22 =	vsel vm11, $0x42E80000, v22;
	vm15 =	vgt.f32 v49, v18  }
0x135: {  	v53 =	vld.idx.msk [tilespmem:v50+s2+$0x0], $0xffff;
	v22 =	vsel vm12, $0x42EA0000, v22;
	v18 =	vsel vm15, v49, v18  }
0x136: {  	v22 =	vsel vm13, $0x42EC0000, v22;
	vm5 =	vgt.f32 v51, v18  }
0x137: {  	v54 =	vor.u32 $0xB, v17;
	v22 =	vsel vm14, $0x42EE0000, v22;
	v18 =	vsel vm5, v51, v18  }
0x138: {  	v55 =	vadd.s32 $0x7C, v16;
	v22 =	vsel vm15, $0x42F00000, v22;
	vm6 =	vgt.f32 v52, v18  }
0x139: {  	v56 =	vadd.s32 $0x7D, v16;
	v22 =	vsel vm5, $0x42F20000, v22;
	v18 =	vsel vm6, v52, v18  }
0x13a: {  	v22 =	vsel vm6, $0x42F40000, v22;
	vm7 =	vgt.f32 v53, v18  }
0x13b: {  	v18 =	vsel vm7, $0x42F60000, v22  }
0x13c: {  	[tilespmem:v54+s7+$0x0] =	vst.idx.msk $0xffff, v18  }
0x13d: {  	v18 =	vld.idx.msk [tilespmem:v55+s2+$0x0], $0xffff  }
0x13e: {  	v57 =	vld.idx.msk [tilespmem:v56+s2+$0x0], $0xffff;
	_ =	sdelay $0x1  }
0x13f: {  	v58 =	vor.u32 $0xC, v17  }
0x140: {  	v59 =	vadd.s32 $0x7E, v16  }
0x141: {  	v60 =	vadd.s32 $0x7F, v16  }
0x142: {  	vm8 =	vgt.f32 v57, v18  }
0x143: {  	v61 =	vadd.s32 $0x80, v16;
	v18 =	vsel vm8, $0x42FA0000, v13  }
0x144: {  	[tilespmem:v58+s7+$0x0] =	vst.idx.msk $0xffff, v18  }
0x145: {  	v18 =	vld.idx.msk [tilespmem:v59+s2+$0x0], $0xffff  }
0x146: {  	v20 =	vld.idx.msk [tilespmem:v60+s2+$0x0], $0xffff;
	_ =	sdelay $0x1  }
0x147: {  	v19 =	vld.idx.msk [tilespmem:v61+s2+$0x0], $0xffff;
	_ =	sdelay $0x1  }
0x148: {  	v62 =	vor.u32 $0xD, v17  }
0x149: {  	v63 =	vadd.s32 $0x81, v16;
	vm9 =	vgt.f32 v20, v18  }
0x14a: {  	v24 =	vadd.s32 $0x82, v16;
	v18 =	vsel vm9, v20, v18  }
0x14b: {  	v25 =	vsel vm9, $0x42FE0000, v14;
	vm10 =	vgt.f32 v19, v18  }
0x14c: {  	v16 =	vadd.s32 $0x83, v16;
	v18 =	vsel vm10, $0x43000000, v25  }
0x14d: {  	[tilespmem:v62+s7+$0x0] =	vst.idx.msk $0xffff, v18  }
0x14e: {  	v18 =	vld.idx.msk [tilespmem:v63+s2+$0x0], $0xffff  }
0x14f: {  	v26 =	vld.idx.msk [tilespmem:v24+s2+$0x0], $0xffff;
	_ =	sdelay $0x1  }
0x150: {  	v27 =	vld.idx.msk [tilespmem:v16+s2+$0x0], $0xffff  }
0x151: {  	s10 =	sadd.s32 $0x10, s9  }
0x152: {  	v29 =	vor.u32 s10, v0;
	v28 =	vor.u32 $0xE, v17  }
0x153: {  	v17 =	vor.u32 $0xF, v17;
	v16 =	vmul.u32 $0xA0, v29;
	vm11 =	vgt.f32 v26, v18  }
0x154: {  	v18 =	vsel vm11, v26, v18  }
0x155: {  	v31 =	vor.u32 $0x1, v16;
	v30 =	vsel vm11, $0x43020000, v15;
	vm12 =	vgt.f32 v27, v18  }
0x156: {  	v19 =	vsel vm12, $0x43030000, v30  }
0x157: {  	v32 =	vor.u32 $0x2, v16;
	[tilespmem:v28+s7+$0x0] =	vst.idx.msk $0xffff, v19  }
0x158: {  	[tilespmem:v17+s7+$0x0] =	vst.idx.msk $0xffff, v1  }
0x159: {  	v33 =	vor.u32 $0x3, v16;
	v17 =	vld.idx.msk [tilespmem:v16+s2+$0x0], $0xffff  }
0x15a: {  	v18 =	vld.idx.msk [tilespmem:v31+s2+$0x0], $0xffff  }
0x15b: {  	v34 =	vor.u32 $0x4, v16  }
0x15c: {  	v19 =	vld.idx.msk [tilespmem:v32+s2+$0x0], $0xffff;
	_ =	sdelay $0x1  }
0x15d: {  	v20 =	vld.idx.msk [tilespmem:v33+s2+$0x0], $0xffff  }
0x15e: {  	vm13 =	vgt.f32 v18, v17  }
0x15f: {  	v35 =	vld.idx.msk [tilespmem:v34+s2+$0x0], $0xffff;
	v17 =	vsel vm13, v18, v17  }
0x160: {  	vm14 =	vgt.f32 v19, v17  }
0x161: {  	v19 =	vsel vm14, v19, v17;
	v17 =	vshll.u32 v29, $0x4  }
0x162: {  	v37 =	vor.u32 $0x5, v16;
	v36 =	vsel vm13, $0x3F800000, v1;
	vm15 =	vgt.f32 v20, v19  }
0x163: {  	v38 =	vor.u32 $0x6, v16;
	v21 =	vsel vm14, $0x40000000, v36;
	v19 =	vsel vm15, v20, v19  }
0x164: {  	v21 =	vsel vm15, $0x40400000, v21;
	vm4 =	vgt.f32 v35, v19  }
0x165: {  	v18 =	vsel vm4, $0x40800000, v21  }
0x166: {  	[tilespmem:v17+s7+$0x0] =	vst.idx.msk $0xffff, v18  }
0x167: {  	v18 =	vld.idx.msk [tilespmem:v37+s2+$0x0], $0xffff  }
0x168: {  	v39 =	vld.idx.msk [tilespmem:v38+s2+$0x0], $0xffff;
	_ =	sdelay $0x1  }
0x169: {  	v40 =	vor.u32 $0x1, v17  }
0x16a: {  	v41 =	vor.u32 $0x7, v16  }
0x16b: {  	v42 =	vor.u32 $0x8, v16  }
0x16c: {  	vm5 =	vgt.f32 v39, v18  }
0x16d: {  	v43 =	vor.u32 $0x9, v16;
	v18 =	vsel vm5, $0x40C00000, v2  }
0x16e: {  	[tilespmem:v40+s7+$0x0] =	vst.idx.msk $0xffff, v18  }
0x16f: {  	v44 =	vor.u32 $0xA, v16;
	v18 =	vld.idx.msk [tilespmem:v41+s2+$0x0], $0xffff  }
0x170: {  	v45 =	vld.idx.msk [tilespmem:v42+s2+$0x0], $0xffff;
	_ =	sdelay $0x1  }
0x171: {  	v19 =	vld.idx.msk [tilespmem:v43+s2+$0x0], $0xffff;
	_ =	sdelay $0x1  }
0x172: {  	v20 =	vld.idx.msk [tilespmem:v44+s2+$0x0], $0xffff  }
0x173: {  	vm6 =	vgt.f32 v45, v18  }
0x174: {  	v46 =	vor.u32 $0x2, v17;
	v18 =	vsel vm6, v45, v18  }
0x175: {  	v47 =	vor.u32 $0xB, v16;
	vm7 =	vgt.f32 v19, v18  }
0x176: {  	v49 =	vor.u32 $0xC, v16;
	v48 =	vsel vm6, $0x41000000, v3;
	v18 =	vsel vm7, v19, v18  }
0x177: {  	v23 =	vsel vm7, $0x41100000, v48;
	vm8 =	vgt.f32 v20, v18  }
0x178: {  	v50 =	vor.u32 $0xD, v16;
	v18 =	vsel vm8, $0x41200000, v23  }
0x179: {  	[tilespmem:v46+s7+$0x0] =	vst.idx.msk $0xffff, v18  }
0x17a: {  	v18 =	vld.idx.msk [tilespmem:v47+s2+$0x0], $0xffff  }
0x17b: {  	v19 =	vld.idx.msk [tilespmem:v49+s2+$0x0], $0xffff;
	_ =	sdelay $0x1  }
0x17c: {  	v20 =	vld.idx.msk [tilespmem:v50+s2+$0x0], $0xffff;
	_ =	sdelay $0x1  }
0x17d: {  	v51 =	vor.u32 $0x3, v17  }
0x17e: {  	v52 =	vor.u32 $0xE, v16;
	vm9 =	vgt.f32 v19, v18  }
0x17f: {  	v53 =	vor.u32 $0xF, v16;
	v18 =	vsel vm9, v19, v18  }
0x180: {  	v54 =	vsel vm9, $0x41400000, v4;
	vm10 =	vgt.f32 v20, v18  }
0x181: {  	v18 =	vsel vm10, $0x41500000, v54  }
0x182: {  	[tilespmem:v51+s7+$0x0] =	vst.idx.msk $0xffff, v18  }
0x183: {  	v18 =	vld.idx.msk [tilespmem:v52+s2+$0x0], $0xffff  }
0x184: {  	v19 =	vld.idx.msk [tilespmem:v53+s2+$0x0], $0xffff;
	_ =	sdelay $0x1  }
0x185: {  	v55 =	vor.u32 $0x4, v17  }
0x186: {  	v56 =	vor.u32 $0x10, v16  }
0x187: {  	v57 =	vor.u32 $0x11, v16  }
0x188: {  	vm11 =	vgt.f32 v19, v18  }
0x189: {  	v58 =	vor.u32 $0x12, v16;
	v18 =	vsel vm11, $0x41700000, v5  }
0x18a: {  	[tilespmem:v55+s7+$0x0] =	vst.idx.msk $0xffff, v18  }
0x18b: {  	v59 =	vor.u32 $0x13, v16;
	v18 =	vld.idx.msk [tilespmem:v56+s2+$0x0], $0xffff  }
0x18c: {  	v60 =	vld.idx.msk [tilespmem:v57+s2+$0x0], $0xffff  }
0x18d: {  	v61 =	vor.u32 $0x14, v16  }
0x18e: {  	v19 =	vld.idx.msk [tilespmem:v58+s2+$0x0], $0xffff  }
0x18f: {  	v62 =	vor.u32 $0x15, v16  }
0x190: {  	v20 =	vld.idx.msk [tilespmem:v59+s2+$0x0], $0xffff  }
0x191: {  	v63 =	vor.u32 $0x16, v16;
	vm12 =	vgt.f32 v60, v18  }
0x192: {  	v27 =	vld.idx.msk [tilespmem:v61+s2+$0x0], $0xffff;
	v18 =	vsel vm12, v60, v18  }
0x193: {  	v28 =	vor.u32 $0x17, v16;
	vm13 =	vgt.f32 v19, v18  }
0x194: {  	v29 =	vld.idx.msk [tilespmem:v62+s2+$0x0], $0xffff;
	v18 =	vsel vm13, v19, v18  }
0x195: {  	v30 =	vor.u32 $0x18, v16;
	vm14 =	vgt.f32 v20, v18  }
0x196: {  	v31 =	vld.idx.msk [tilespmem:v63+s2+$0x0], $0xffff;
	v18 =	vsel vm14, v20, v18  }
0x197: {  	vm15 =	vgt.f32 v27, v18  }
0x198: {  	v32 =	vld.idx.msk [tilespmem:v28+s2+$0x0], $0xffff;
	v18 =	vsel vm15, v27, v18  }
0x199: {  	v33 =	vsel vm12, $0x41880000, v6;
	vm4 =	vgt.f32 v29, v18  }
0x19a: {  	v34 =	vld.idx.msk [tilespmem:v30+s2+$0x0], $0xffff;
	v22 =	vsel vm13, $0x41900000, v33;
	v18 =	vsel vm4, v29, v18  }
0x19b: {  	v22 =	vsel vm14, $0x41980000, v22;
	vm5 =	vgt.f32 v31, v18  }
0x19c: {  	v35 =	vor.u32 $0x5, v17;
	v22 =	vsel vm15, $0x41A00000, v22;
	v18 =	vsel vm5, v31, v18  }
0x19d: {  	v36 =	vor.u32 $0x19, v16;
	v22 =	vsel vm4, $0x41A80000, v22;
	vm6 =	vgt.f32 v32, v18  }
0x19e: {  	v37 =	vor.u32 $0x1A, v16;
	v22 =	vsel vm5, $0x41B00000, v22;
	v18 =	vsel vm6, v32, v18  }
0x19f: {  	v22 =	vsel vm6, $0x41B80000, v22;
	vm7 =	vgt.f32 v34, v18  }
0x1a0: {  	v18 =	vsel vm7, $0x41C00000, v22  }
0x1a1: {  	[tilespmem:v35+s7+$0x0] =	vst.idx.msk $0xffff, v18  }
0x1a2: {  	v18 =	vld.idx.msk [tilespmem:v36+s2+$0x0], $0xffff  }
0x1a3: {  	v38 =	vld.idx.msk [tilespmem:v37+s2+$0x0], $0xffff;
	_ =	sdelay $0x1  }
0x1a4: {  	v39 =	vor.u32 $0x6, v17  }
0x1a5: {  	v40 =	vor.u32 $0x1B, v16  }
0x1a6: {  	v41 =	vor.u32 $0x1C, v16  }
0x1a7: {  	vm8 =	vgt.f32 v38, v18  }
0x1a8: {  	v42 =	vor.u32 $0x1D, v16;
	v18 =	vsel vm8, $0x41D00000, v7  }
0x1a9: {  	[tilespmem:v39+s7+$0x0] =	vst.idx.msk $0xffff, v18  }
0x1aa: {  	v43 =	vor.u32 $0x1E, v16;
	v18 =	vld.idx.msk [tilespmem:v40+s2+$0x0], $0xffff  }
0x1ab: {  	v44 =	vld.idx.msk [tilespmem:v41+s2+$0x0], $0xffff  }
0x1ac: {  	v45 =	vor.u32 $0x1F, v16  }
0x1ad: {  	v19 =	vld.idx.msk [tilespmem:v42+s2+$0x0], $0xffff  }
0x1ae: {  	v46 =	vadd.s32 $0x20, v16  }
0x1af: {  	v20 =	vld.idx.msk [tilespmem:v43+s2+$0x0], $0xffff  }
0x1b0: {  	v47 =	vadd.s32 $0x21, v16;
	vm0 =	vgt.f32 v44, v18  }
0x1b1: {  	v48 =	vld.idx.msk [tilespmem:v45+s2+$0x0], $0xffff;
	v18 =	vsel vm0, v44, v18  }
0x1b2: {  	v49 =	vadd.s32 $0x22, v16;
	vm1 =	vgt.f32 v19, v18  }
0x1b3: {  	v50 =	vld.idx.msk [tilespmem:v46+s2+$0x0], $0xffff;
	v18 =	vsel vm1, v19, v18  }
0x1b4: {  	v51 =	vadd.s32 $0x23, v16;
	vm2 =	vgt.f32 v20, v18  }
0x1b5: {  	v52 =	vld.idx.msk [tilespmem:v47+s2+$0x0], $0xffff;
	v18 =	vsel vm2, v20, v18  }
0x1b6: {  	v53 =	vadd.s32 $0x24, v16;
	vm3 =	vgt.f32 v48, v18  }
0x1b7: {  	v54 =	vld.idx.msk [tilespmem:v49+s2+$0x0], $0xffff;
	v18 =	vsel vm3, v48, v18  }
0x1b8: {  	v55 =	vadd.s32 $0x25, v16;
	vm4 =	vgt.f32 v50, v18  }
0x1b9: {  	v56 =	vld.idx.msk [tilespmem:v51+s2+$0x0], $0xffff;
	v18 =	vsel vm4, v50, v18  }
0x1ba: {  	v57 =	vadd.s32 $0x26, v16;
	vm5 =	vgt.f32 v52, v18  }
0x1bb: {  	v58 =	vld.idx.msk [tilespmem:v53+s2+$0x0], $0xffff;
	v18 =	vsel vm5, v52, v18  }
0x1bc: {  	v59 =	vadd.s32 $0x27, v16;
	vm6 =	vgt.f32 v54, v18  }
0x1bd: {  	v60 =	vld.idx.msk [tilespmem:v55+s2+$0x0], $0xffff;
	v18 =	vsel vm6, v54, v18  }
0x1be: {  	v61 =	vadd.s32 $0x28, v16;
	vm7 =	vgt.f32 v56, v18  }
0x1bf: {  	v62 =	vld.idx.msk [tilespmem:v57+s2+$0x0], $0xffff;
	v18 =	vsel vm7, v56, v18  }
0x1c0: {  	v63 =	vadd.s32 $0x29, v16;
	vm8 =	vgt.f32 v58, v18  }
0x1c1: {  	v28 =	vld.idx.msk [tilespmem:v59+s2+$0x0], $0xffff;
	v18 =	vsel vm8, v58, v18  }
0x1c2: {  	v29 =	vadd.s32 $0x2A, v16;
	vm9 =	vgt.f32 v60, v18  }
0x1c3: {  	v30 =	vld.idx.msk [tilespmem:v61+s2+$0x0], $0xffff;
	v18 =	vsel vm9, v60, v18  }
0x1c4: {  	v31 =	vadd.s32 $0x2B, v16;
	vm10 =	vgt.f32 v62, v18  }
0x1c5: {  	v32 =	vld.idx.msk [tilespmem:v63+s2+$0x0], $0xffff;
	v18 =	vsel vm10, v62, v18  }
0x1c6: {  	v33 =	vadd.s32 $0x2C, v16;
	vm11 =	vgt.f32 v28, v18  }
0x1c7: {  	v34 =	vld.idx.msk [tilespmem:v29+s2+$0x0], $0xffff;
	v18 =	vsel vm11, v28, v18  }
0x1c8: {  	v35 =	vadd.s32 $0x2D, v16;
	vm12 =	vgt.f32 v30, v18  }
0x1c9: {  	v36 =	vld.idx.msk [tilespmem:v31+s2+$0x0], $0xffff;
	v18 =	vsel vm12, v30, v18  }
0x1ca: {  	v37 =	vadd.s32 $0x2E, v16;
	vm13 =	vgt.f32 v32, v18  }
0x1cb: {  	v38 =	vld.idx.msk [tilespmem:v33+s2+$0x0], $0xffff;
	v18 =	vsel vm13, v32, v18  }
0x1cc: {  	v39 =	vadd.s32 $0x2F, v16;
	vm14 =	vgt.f32 v34, v18  }
0x1cd: {  	v40 =	vld.idx.msk [tilespmem:v35+s2+$0x0], $0xffff;
	v18 =	vsel vm14, v34, v18  }
0x1ce: {  	v41 =	vadd.s32 $0x30, v16;
	vm15 =	vgt.f32 v36, v18  }
0x1cf: {  	v43 =	vld.idx.msk [tilespmem:v37+s2+$0x0], $0xffff;
	v42 =	vsel vm0, $0x41E00000, v8;
	v18 =	vsel vm15, v36, v18  }
0x1d0: {  	v45 =	vadd.s32 $0x31, v16;
	v44 =	vsel vm1, $0x41E80000, v42;
	vm0 =	vgt.f32 v38, v18  }
0x1d1: {  	v46 =	vld.idx.msk [tilespmem:v39+s2+$0x0], $0xffff;
	v22 =	vsel vm2, $0x41F00000, v44;
	v18 =	vsel vm0, v38, v18  }
0x1d2: {  	v47 =	vadd.s32 $0x32, v16;
	v22 =	vsel vm3, $0x41F80000, v22;
	vm1 =	vgt.f32 v40, v18  }
0x1d3: {  	v48 =	vld.idx.msk [tilespmem:v41+s2+$0x0], $0xffff;
	v22 =	vsel vm4, $0x42000000, v22;
	v18 =	vsel vm1, v40, v18  }
0x1d4: {  	v49 =	vadd.s32 $0x33, v16;
	v22 =	vsel vm5, $0x42040000, v22;
	vm2 =	vgt.f32 v43, v18  }
0x1d5: {  	v50 =	vld.idx.msk [tilespmem:v45+s2+$0x0], $0xffff;
	v22 =	vsel vm6, $0x42080000, v22;
	v18 =	vsel vm2, v43, v18  }
0x1d6: {  	v51 =	vadd.s32 $0x34, v16;
	v22 =	vsel vm7, $0x420C0000, v22;
	vm3 =	vgt.f32 v46, v18  }
0x1d7: {  	v52 =	vld.idx.msk [tilespmem:v47+s2+$0x0], $0xffff;
	v22 =	vsel vm8, $0x42100000, v22;
	v18 =	vsel vm3, v46, v18  }
0x1d8: {  	v53 =	vadd.s32 $0x35, v16;
	v22 =	vsel vm9, $0x42140000, v22;
	vm9 =	vgt.f32 v48, v18  }
0x1d9: {  	v54 =	vld.idx.msk [tilespmem:v49+s2+$0x0], $0xffff;
	v22 =	vsel vm10, $0x42180000, v22;
	v18 =	vsel vm9, v48, v18  }
0x1da: {  	v55 =	vadd.s32 $0x36, v16;
	v22 =	vsel vm11, $0x421C0000, v22;
	vm10 =	vgt.f32 v50, v18  }
0x1db: {  	v56 =	vld.idx.msk [tilespmem:v51+s2+$0x0], $0xffff;
	v22 =	vsel vm12, $0x42200000, v22;
	v18 =	vsel vm10, v50, v18  }
0x1dc: {  	v57 =	vadd.s32 $0x37, v16;
	v22 =	vsel vm13, $0x42240000, v22;
	vm11 =	vgt.f32 v52, v18  }
0x1dd: {  	v58 =	vld.idx.msk [tilespmem:v53+s2+$0x0], $0xffff;
	v22 =	vsel vm14, $0x42280000, v22;
	v18 =	vsel vm11, v52, v18  }
0x1de: {  	v59 =	vadd.s32 $0x38, v16;
	v22 =	vsel vm15, $0x422C0000, v22;
	vm12 =	vgt.f32 v54, v18  }
0x1df: {  	v60 =	vld.idx.msk [tilespmem:v55+s2+$0x0], $0xffff;
	v22 =	vsel vm0, $0x42300000, v22;
	v18 =	vsel vm12, v54, v18  }
0x1e0: {  	v61 =	vadd.s32 $0x39, v16;
	v22 =	vsel vm1, $0x42340000, v22;
	vm13 =	vgt.f32 v56, v18  }
0x1e1: {  	v62 =	vld.idx.msk [tilespmem:v57+s2+$0x0], $0xffff;
	v22 =	vsel vm2, $0x42380000, v22;
	v18 =	vsel vm13, v56, v18  }
0x1e2: {  	v63 =	vadd.s32 $0x3A, v16;
	v22 =	vsel vm3, $0x423C0000, v22;
	vm14 =	vgt.f32 v58, v18  }
0x1e3: {  	v27 =	vld.idx.msk [tilespmem:v59+s2+$0x0], $0xffff;
	v22 =	vsel vm9, $0x42400000, v22;
	v18 =	vsel vm14, v58, v18  }
0x1e4: {  	v22 =	vsel vm10, $0x42440000, v22;
	vm15 =	vgt.f32 v60, v18  }
0x1e5: {  	v28 =	vld.idx.msk [tilespmem:v61+s2+$0x0], $0xffff;
	v22 =	vsel vm11, $0x42480000, v22;
	v18 =	vsel vm15, v60, v18  }
0x1e6: {  	v22 =	vsel vm12, $0x424C0000, v22;
	vm7 =	vgt.f32 v62, v18  }
0x1e7: {  	v29 =	vld.idx.msk [tilespmem:v63+s2+$0x0], $0xffff;
	v22 =	vsel vm13, $0x42500000, v22;
	v18 =	vsel vm7, v62, v18  }
0x1e8: {  	v22 =	vsel vm14, $0x42540000, v22;
	vm8 =	vgt.f32 v27, v18  }
0x1e9: {  	v30 =	vor.u32 $0x7, v17;
	v22 =	vsel vm15, $0x42580000, v22;
	v18 =	vsel vm8, v27, v18  }
0x1ea: {  	v31 =	vadd.s32 $0x3B, v16;
	v22 =	vsel vm7, $0x425C0000, v22;
	vm9 =	vgt.f32 v28, v18  }
0x1eb: {  	v32 =	vadd.s32 $0x3C, v16;
	v22 =	vsel vm8, $0x42600000, v22;
	v18 =	vsel vm9, v28, v18  }
0x1ec: {  	v22 =	vsel vm9, $0x42640000, v22;
	vm10 =	vgt.f32 v29, v18  }
0x1ed: {  	v33 =	vadd.s32 $0x3D, v16;
	v18 =	vsel vm10, $0x42680000, v22  }
0x1ee: {  	[tilespmem:v30+s7+$0x0] =	vst.idx.msk $0xffff, v18  }
0x1ef: {  	v34 =	vadd.s32 $0x3E, v16;
	v18 =	vld.idx.msk [tilespmem:v31+s2+$0x0], $0xffff  }
0x1f0: {  	v20 =	vld.idx.msk [tilespmem:v32+s2+$0x0], $0xffff  }
0x1f1: {  	v35 =	vadd.s32 $0x3F, v16  }
0x1f2: {  	v21 =	vld.idx.msk [tilespmem:v33+s2+$0x0], $0xffff  }
0x1f3: {  	v36 =	vadd.s32 $0x40, v16  }
0x1f4: {  	v19 =	vld.idx.msk [tilespmem:v34+s2+$0x0], $0xffff  }
0x1f5: {  	v37 =	vadd.s32 $0x41, v16;
	vm0 =	vgt.f32 v20, v18  }
0x1f6: {  	v38 =	vld.idx.msk [tilespmem:v35+s2+$0x0], $0xffff;
	v18 =	vsel vm0, v20, v18  }
0x1f7: {  	v40 =	vadd.s32 $0x42, v16;
	vm11 =	vgt.f32 v21, v18  }
0x1f8: {  	v41 =	vld.idx.msk [tilespmem:v36+s2+$0x0], $0xffff;
	v18 =	vsel vm11, v21, v18  }
0x1f9: {  	v43 =	vadd.s32 $0x43, v16;
	vm1 =	vgt.f32 v19, v18  }
0x1fa: {  	v44 =	vld.idx.msk [tilespmem:v37+s2+$0x0], $0xffff;
	v18 =	vsel vm1, v19, v18  }
0x1fb: {  	v45 =	vadd.s32 $0x44, v16;
	vm3 =	vgt.f32 v38, v18  }
0x1fc: {  	v46 =	vld.idx.msk [tilespmem:v40+s2+$0x0], $0xffff;
	v18 =	vsel vm3, v38, v18  }
0x1fd: {  	v47 =	vadd.s32 $0x45, v16;
	vm4 =	vgt.f32 v41, v18  }
0x1fe: {  	v48 =	vld.idx.msk [tilespmem:v43+s2+$0x0], $0xffff;
	v18 =	vsel vm4, v41, v18  }
0x1ff: {  	v49 =	vadd.s32 $0x46, v16;
	vm5 =	vgt.f32 v44, v18  }
0x200: {  	v50 =	vld.idx.msk [tilespmem:v45+s2+$0x0], $0xffff;
	v18 =	vsel vm5, v44, v18  }
0x201: {  	v51 =	vadd.s32 $0x47, v16;
	vm6 =	vgt.f32 v46, v18  }
0x202: {  	v52 =	vld.idx.msk [tilespmem:v47+s2+$0x0], $0xffff;
	v18 =	vsel vm6, v46, v18  }
0x203: {  	v53 =	vadd.s32 $0x48, v16;
	vm7 =	vgt.f32 v48, v18  }
0x204: {  	v54 =	vld.idx.msk [tilespmem:v49+s2+$0x0], $0xffff;
	v18 =	vsel vm7, v48, v18  }
0x205: {  	v55 =	vadd.s32 $0x49, v16;
	vm8 =	vgt.f32 v50, v18  }
0x206: {  	v56 =	vld.idx.msk [tilespmem:v51+s2+$0x0], $0xffff;
	v18 =	vsel vm8, v50, v18  }
0x207: {  	v57 =	vadd.s32 $0x4A, v16;
	vm9 =	vgt.f32 v52, v18  }
0x208: {  	v58 =	vld.idx.msk [tilespmem:v53+s2+$0x0], $0xffff;
	v18 =	vsel vm9, v52, v18  }
0x209: {  	v59 =	vadd.s32 $0x4B, v16;
	vm10 =	vgt.f32 v54, v18  }
0x20a: {  	v39 =	vimm.s32 $0x0;
	v60 =	vld.idx.msk [tilespmem:v55+s2+$0x0], $0xffff;
	v18 =	vsel vm10, v54, v18  }
0x20b: {  	v61 =	vadd.s32 $0x4C, v16;
	v22 =	vsel vm11, $0xFFFFFFFF, v39;
	vm11 =	vgt.f32 v56, v18  }
0x20c: {  	v63 =	vadd.s32 $0x4D, v16;
	v62 =	vld.idx.msk [tilespmem:v57+s2+$0x0], $0xffff;
	v18 =	vsel vm11, v56, v18  }
0x20d: {  	vm12 =	vgt.f32 v58, v18  }
0x20e: {  	v28 =	vld.idx.msk [tilespmem:v59+s2+$0x0], $0xffff;
	v18 =	vsel vm12, v58, v18  }
0x20f: {  	v29 =	vadd.s32 $0x4E, v16;
	vm13 =	vgt.f32 v60, v18  }
0x210: {  	v42 =	vimm.s32 $0x0;
	v30 =	vld.idx.msk [tilespmem:v61+s2+$0x0], $0xffff;
	v18 =	vsel vm13, v60, v18  }
0x211: {  	v31 =	vadd.s32 $0x4F, v16;
	v32 =	vld.idx.msk [tilespmem:v63+s2+$0x0], $0xffff;
	[tilespmem:$0x1FFE0] =	vst v22;
	v23 =	vsel vm1, $0xFFFFFFFF, v42;
	vm14 =	vgt.f32 v62, v18  }
0x212: {  	v39 =	vld [tilespmem:$0x1FFE0];
	[tilespmem:$0x1FFF0] =	vst v23;
	v18 =	vsel vm14, v62, v18  }
0x213: {  	v33 =	vadd.s32 $0x50, v16;
	v41 =	vld [tilespmem:$0x1FFF0];
	vm15 =	vgt.f32 v28, v18  }
0x214: {  	v34 =	vld.idx.msk [tilespmem:v29+s2+$0x0], $0xffff;
	v18 =	vsel vm15, v28, v18  }
0x215: {  	v35 =	vadd.s32 $0x51, v16;
	vm1 =	vgt.f32 v30, v18  }
0x216: {  	v36 =	vld.idx.msk [tilespmem:v31+s2+$0x0], $0xffff;
	v37 =	vsel vm0, $0x42700000, v9;
	v18 =	vsel vm1, v30, v18  }
0x217: {  	v38 =	vadd.s32 $0x52, v16;
	vm2 =	vnez.u8 v39;
	vm0 =	vgt.f32 v32, v18  }
0x218: {  	v40 =	vld.idx.msk [tilespmem:v33+s2+$0x0], $0xffff;
	v23 =	vsel vm2, $0x42740000, v37;
	vm2 =	vnez.u8 v41;
	v18 =	vsel vm0, v32, v18  }
0x219: {  	v42 =	vadd.s32 $0x53, v16;
	v23 =	vsel vm2, $0x42780000, v23;
	vm2 =	vgt.f32 v34, v18  }
0x21a: {  	v43 =	vld.idx.msk [tilespmem:v35+s2+$0x0], $0xffff;
	v23 =	vsel vm3, $0x427C0000, v23;
	v18 =	vsel vm2, v34, v18  }
0x21b: {  	v45 =	vadd.s32 $0x54, v16;
	v44 =	vsel vm4, $0x42800000, v23;
	vm3 =	vgt.f32 v36, v18  }
0x21c: {  	v46 =	vld.idx.msk [tilespmem:v38+s2+$0x0], $0xffff;
	v22 =	vsel vm5, $0x42820000, v44;
	v18 =	vsel vm3, v36, v18  }
0x21d: {  	v47 =	vadd.s32 $0x55, v16;
	v22 =	vsel vm6, $0x42840000, v22;
	vm4 =	vgt.f32 v40, v18  }
0x21e: {  	v48 =	vld.idx.msk [tilespmem:v42+s2+$0x0], $0xffff;
	v22 =	vsel vm7, $0x42860000, v22;
	v18 =	vsel vm4, v40, v18  }
0x21f: {  	v49 =	vadd.s32 $0x56, v16;
	v22 =	vsel vm8, $0x42880000, v22;
	vm5 =	vgt.f32 v43, v18  }
0x220: {  	v50 =	vld.idx.msk [tilespmem:v45+s2+$0x0], $0xffff;
	v22 =	vsel vm9, $0x428A0000, v22;
	v18 =	vsel vm5, v43, v18  }
0x221: {  	v51 =	vadd.s32 $0x57, v16;
	v22 =	vsel vm10, $0x428C0000, v22;
	vm6 =	vgt.f32 v46, v18  }
0x222: {  	v52 =	vld.idx.msk [tilespmem:v47+s2+$0x0], $0xffff;
	v22 =	vsel vm11, $0x428E0000, v22;
	v18 =	vsel vm6, v46, v18  }
0x223: {  	v53 =	vadd.s32 $0x58, v16;
	v22 =	vsel vm12, $0x42900000, v22;
	vm12 =	vgt.f32 v48, v18  }
0x224: {  	v54 =	vld.idx.msk [tilespmem:v49+s2+$0x0], $0xffff;
	v22 =	vsel vm13, $0x42920000, v22;
	v18 =	vsel vm12, v48, v18  }
0x225: {  	v55 =	vadd.s32 $0x59, v16;
	v22 =	vsel vm14, $0x42940000, v22;
	vm14 =	vgt.f32 v50, v18  }
0x226: {  	v56 =	vld.idx.msk [tilespmem:v51+s2+$0x0], $0xffff;
	v22 =	vsel vm15, $0x42960000, v22;
	v18 =	vsel vm14, v50, v18  }
0x227: {  	v57 =	vadd.s32 $0x5A, v16;
	v22 =	vsel vm1, $0x42980000, v22;
	vm15 =	vgt.f32 v52, v18  }
0x228: {  	v58 =	vld.idx.msk [tilespmem:v53+s2+$0x0], $0xffff;
	v22 =	vsel vm0, $0x429A0000, v22;
	v18 =	vsel vm15, v52, v18  }
0x229: {  	v59 =	vadd.s32 $0x5B, v16;
	v22 =	vsel vm2, $0x429C0000, v22;
	vm9 =	vgt.f32 v54, v18  }
0x22a: {  	v60 =	vld.idx.msk [tilespmem:v55+s2+$0x0], $0xffff;
	v22 =	vsel vm3, $0x429E0000, v22;
	v18 =	vsel vm9, v54, v18  }
0x22b: {  	v61 =	vadd.s32 $0x5C, v16;
	v22 =	vsel vm4, $0x42A00000, v22;
	vm10 =	vgt.f32 v56, v18  }
0x22c: {  	v62 =	vld.idx.msk [tilespmem:v57+s2+$0x0], $0xffff;
	v22 =	vsel vm5, $0x42A20000, v22;
	v18 =	vsel vm10, v56, v18  }
0x22d: {  	v63 =	vadd.s32 $0x5D, v16;
	v22 =	vsel vm6, $0x42A40000, v22;
	vm11 =	vgt.f32 v58, v18  }
0x22e: {  	v26 =	vld.idx.msk [tilespmem:v59+s2+$0x0], $0xffff;
	v22 =	vsel vm12, $0x42A60000, v22;
	v18 =	vsel vm11, v58, v18  }
0x22f: {  	v22 =	vsel vm14, $0x42A80000, v22;
	vm12 =	vgt.f32 v60, v18  }
0x230: {  	v27 =	vld.idx.msk [tilespmem:v61+s2+$0x0], $0xffff;
	v22 =	vsel vm15, $0x42AA0000, v22;
	v18 =	vsel vm12, v60, v18  }
0x231: {  	v22 =	vsel vm9, $0x42AC0000, v22;
	vm13 =	vgt.f32 v62, v18  }
0x232: {  	v28 =	vld.idx.msk [tilespmem:v63+s2+$0x0], $0xffff;
	v22 =	vsel vm10, $0x42AE0000, v22;
	v18 =	vsel vm13, v62, v18  }
0x233: {  	v22 =	vsel vm11, $0x42B00000, v22;
	vm14 =	vgt.f32 v26, v18  }
0x234: {  	v29 =	vor.u32 $0x8, v17;
	v22 =	vsel vm12, $0x42B20000, v22;
	v18 =	vsel vm14, v26, v18  }
0x235: {  	v30 =	vadd.s32 $0x5E, v16;
	v22 =	vsel vm13, $0x42B40000, v22;
	vm15 =	vgt.f32 v27, v18  }
0x236: {  	v31 =	vadd.s32 $0x5F, v16;
	v22 =	vsel vm14, $0x42B60000, v22;
	v18 =	vsel vm15, v27, v18  }
0x237: {  	v22 =	vsel vm15, $0x42B80000, v22;
	vm4 =	vgt.f32 v28, v18  }
0x238: {  	v32 =	vadd.s32 $0x60, v16;
	v18 =	vsel vm4, $0x42BA0000, v22  }
0x239: {  	[tilespmem:v29+s7+$0x0] =	vst.idx.msk $0xffff, v18  }
0x23a: {  	v33 =	vadd.s32 $0x61, v16;
	v18 =	vld.idx.msk [tilespmem:v30+s2+$0x0], $0xffff  }
0x23b: {  	v19 =	vld.idx.msk [tilespmem:v31+s2+$0x0], $0xffff  }
0x23c: {  	v34 =	vadd.s32 $0x62, v16  }
0x23d: {  	v20 =	vld.idx.msk [tilespmem:v32+s2+$0x0], $0xffff  }
0x23e: {  	v35 =	vadd.s32 $0x63, v16  }
0x23f: {  	v21 =	vld.idx.msk [tilespmem:v33+s2+$0x0], $0xffff  }
0x240: {  	v36 =	vadd.s32 $0x64, v16;
	vm5 =	vgt.f32 v19, v18  }
0x241: {  	v37 =	vld.idx.msk [tilespmem:v34+s2+$0x0], $0xffff;
	v18 =	vsel vm5, v19, v18  }
0x242: {  	vm6 =	vgt.f32 v20, v18  }
0x243: {  	v38 =	vld.idx.msk [tilespmem:v35+s2+$0x0], $0xffff;
	v18 =	vsel vm6, v20, v18  }
0x244: {  	vm7 =	vgt.f32 v21, v18  }
0x245: {  	v39 =	vld.idx.msk [tilespmem:v36+s2+$0x0], $0xffff;
	v18 =	vsel vm7, v21, v18  }
0x246: {  	v40 =	vsel vm5, $0x42BE0000, v10;
	vm8 =	vgt.f32 v37, v18  }
0x247: {  	v41 =	vor.u32 $0x9, v17;
	v22 =	vsel vm6, $0x42C00000, v40;
	v18 =	vsel vm8, v37, v18  }
0x248: {  	v42 =	vadd.s32 $0x65, v16;
	v22 =	vsel vm7, $0x42C20000, v22;
	vm9 =	vgt.f32 v38, v18  }
0x249: {  	v43 =	vadd.s32 $0x66, v16;
	v22 =	vsel vm8, $0x42C40000, v22;
	v18 =	vsel vm9, v38, v18  }
0x24a: {  	v22 =	vsel vm9, $0x42C60000, v22;
	vm10 =	vgt.f32 v39, v18  }
0x24b: {  	v18 =	vsel vm10, $0x42C80000, v22  }
0x24c: {  	[tilespmem:v41+s7+$0x0] =	vst.idx.msk $0xffff, v18  }
0x24d: {  	v18 =	vld.idx.msk [tilespmem:v42+s2+$0x0], $0xffff  }
0x24e: {  	v19 =	vld.idx.msk [tilespmem:v43+s2+$0x0], $0xffff;
	_ =	sdelay $0x1  }
0x24f: {  	v44 =	vor.u32 $0xA, v17  }
0x250: {  	v45 =	vadd.s32 $0x67, v16  }
0x251: {  	v46 =	vadd.s32 $0x68, v16  }
0x252: {  	vm11 =	vgt.f32 v19, v18  }
0x253: {  	v47 =	vadd.s32 $0x69, v16;
	v18 =	vsel vm11, $0x42CC0000, v11  }
0x254: {  	[tilespmem:v44+s7+$0x0] =	vst.idx.msk $0xffff, v18  }
0x255: {  	v48 =	vadd.s32 $0x6A, v16;
	v18 =	vld.idx.msk [tilespmem:v45+s2+$0x0], $0xffff  }
0x256: {  	v49 =	vld.idx.msk [tilespmem:v46+s2+$0x0], $0xffff  }
0x257: {  	v50 =	vadd.s32 $0x6B, v16  }
0x258: {  	v19 =	vld.idx.msk [tilespmem:v47+s2+$0x0], $0xffff  }
0x259: {  	v51 =	vadd.s32 $0x6C, v16  }
0x25a: {  	v20 =	vld.idx.msk [tilespmem:v48+s2+$0x0], $0xffff  }
0x25b: {  	v52 =	vadd.s32 $0x6D, v16;
	vm0 =	vgt.f32 v49, v18  }
0x25c: {  	v53 =	vld.idx.msk [tilespmem:v50+s2+$0x0], $0xffff;
	v18 =	vsel vm0, v49, v18  }
0x25d: {  	v54 =	vadd.s32 $0x6E, v16;
	vm1 =	vgt.f32 v19, v18  }
0x25e: {  	v55 =	vld.idx.msk [tilespmem:v51+s2+$0x0], $0xffff;
	v18 =	vsel vm1, v19, v18  }
0x25f: {  	v56 =	vadd.s32 $0x6F, v16;
	vm12 =	vgt.f32 v20, v18  }
0x260: {  	v57 =	vld.idx.msk [tilespmem:v52+s2+$0x0], $0xffff;
	v18 =	vsel vm12, v20, v18  }
0x261: {  	v58 =	vadd.s32 $0x70, v16;
	vm3 =	vgt.f32 v53, v18  }
0x262: {  	v59 =	vld.idx.msk [tilespmem:v54+s2+$0x0], $0xffff;
	v18 =	vsel vm3, v53, v18  }
0x263: {  	v60 =	vadd.s32 $0x71, v16;
	vm13 =	vgt.f32 v55, v18  }
0x264: {  	v61 =	vld.idx.msk [tilespmem:v56+s2+$0x0], $0xffff;
	v18 =	vsel vm13, v55, v18  }
0x265: {  	v62 =	vadd.s32 $0x72, v16;
	vm5 =	vgt.f32 v57, v18  }
0x266: {  	v63 =	vld.idx.msk [tilespmem:v58+s2+$0x0], $0xffff;
	v18 =	vsel vm5, v57, v18  }
0x267: {  	v28 =	vadd.s32 $0x73, v16;
	vm14 =	vgt.f32 v59, v18  }
0x268: {  	v29 =	vld.idx.msk [tilespmem:v60+s2+$0x0], $0xffff;
	v18 =	vsel vm14, v59, v18  }
0x269: {  	v30 =	vadd.s32 $0x74, v16;
	vm7 =	vgt.f32 v61, v18  }
0x26a: {  	v31 =	vld.idx.msk [tilespmem:v62+s2+$0x0], $0xffff;
	v18 =	vsel vm7, v61, v18  }
0x26b: {  	v32 =	vadd.s32 $0x75, v16;
	vm15 =	vgt.f32 v63, v18  }
0x26c: {  	v33 =	vld.idx.msk [tilespmem:v28+s2+$0x0], $0xffff;
	v18 =	vsel vm15, v63, v18  }
0x26d: {  	v34 =	vadd.s32 $0x76, v16;
	vm9 =	vgt.f32 v29, v18  }
0x26e: {  	v35 =	vld.idx.msk [tilespmem:v30+s2+$0x0], $0xffff;
	v18 =	vsel vm9, v29, v18  }
0x26f: {  	v37 =	vadd.s32 $0x77, v16;
	v36 =	vsel vm0, $0x42D00000, v12;
	vm11 =	vgt.f32 v31, v18  }
0x270: {  	v38 =	vld.idx.msk [tilespmem:v32+s2+$0x0], $0xffff;
	v22 =	vsel vm1, $0x42D20000, v36;
	v18 =	vsel vm11, v31, v18  }
0x271: {  	v39 =	vadd.s32 $0x78, v16;
	v22 =	vsel vm12, $0x42D40000, v22;
	vm12 =	vgt.f32 v33, v18  }
0x272: {  	v40 =	vld.idx.msk [tilespmem:v34+s2+$0x0], $0xffff;
	v22 =	vsel vm3, $0x42D60000, v22;
	v18 =	vsel vm12, v33, v18  }
0x273: {  	v41 =	vadd.s32 $0x79, v16;
	v22 =	vsel vm13, $0x42D80000, v22;
	vm13 =	vgt.f32 v35, v18  }
0x274: {  	v42 =	vld.idx.msk [tilespmem:v37+s2+$0x0], $0xffff;
	v22 =	vsel vm5, $0x42DA0000, v22;
	v18 =	vsel vm13, v35, v18  }
0x275: {  	v43 =	vadd.s32 $0x7A, v16;
	v22 =	vsel vm14, $0x42DC0000, v22;
	vm14 =	vgt.f32 v38, v18  }
0x276: {  	v44 =	vld.idx.msk [tilespmem:v39+s2+$0x0], $0xffff;
	v22 =	vsel vm7, $0x42DE0000, v22;
	v18 =	vsel vm14, v38, v18  }
0x277: {  	v45 =	vadd.s32 $0x7B, v16;
	v22 =	vsel vm15, $0x42E00000, v22;
	vm15 =	vgt.f32 v40, v18  }
0x278: {  	v46 =	vld.idx.msk [tilespmem:v41+s2+$0x0], $0xffff;
	v22 =	vsel vm9, $0x42E20000, v22;
	v18 =	vsel vm15, v40, v18  }
0x279: {  	v22 =	vsel vm11, $0x42E40000, v22;
	vm6 =	vgt.f32 v42, v18  }
0x27a: {  	v47 =	vld.idx.msk [tilespmem:v43+s2+$0x0], $0xffff;
	v22 =	vsel vm12, $0x42E60000, v22;
	v18 =	vsel vm6, v42, v18  }
0x27b: {  	v22 =	vsel vm13, $0x42E80000, v22;
	vm7 =	vgt.f32 v44, v18  }
0x27c: {  	v48 =	vld.idx.msk [tilespmem:v45+s2+$0x0], $0xffff;
	v22 =	vsel vm14, $0x42EA0000, v22;
	v18 =	vsel vm7, v44, v18  }
0x27d: {  	v22 =	vsel vm15, $0x42EC0000, v22;
	vm8 =	vgt.f32 v46, v18  }
0x27e: {  	v49 =	vor.u32 $0xB, v17;
	v22 =	vsel vm6, $0x42EE0000, v22;
	v18 =	vsel vm8, v46, v18  }
0x27f: {  	v50 =	vadd.s32 $0x7C, v16;
	v22 =	vsel vm7, $0x42F00000, v22;
	vm9 =	vgt.f32 v47, v18  }
0x280: {  	v51 =	vadd.s32 $0x7D, v16;
	v22 =	vsel vm8, $0x42F20000, v22;
	v18 =	vsel vm9, v47, v18  }
0x281: {  	v22 =	vsel vm9, $0x42F40000, v22;
	vm10 =	vgt.f32 v48, v18  }
0x282: {  	v18 =	vsel vm10, $0x42F60000, v22  }
0x283: {  	[tilespmem:v49+s7+$0x0] =	vst.idx.msk $0xffff, v18  }
0x284: {  	v18 =	vld.idx.msk [tilespmem:v50+s2+$0x0], $0xffff  }
0x285: {  	v52 =	vld.idx.msk [tilespmem:v51+s2+$0x0], $0xffff;
	_ =	sdelay $0x1  }
0x286: {  	v53 =	vor.u32 $0xC, v17  }
0x287: {  	v54 =	vadd.s32 $0x7E, v16  }
0x288: {  	v55 =	vadd.s32 $0x7F, v16  }
0x289: {  	vm11 =	vgt.f32 v52, v18  }
0x28a: {  	v56 =	vadd.s32 $0x80, v16;
	v18 =	vsel vm11, $0x42FA0000, v13  }
0x28b: {  	[tilespmem:v53+s7+$0x0] =	vst.idx.msk $0xffff, v18  }
0x28c: {  	v18 =	vld.idx.msk [tilespmem:v54+s2+$0x0], $0xffff  }
0x28d: {  	v20 =	vld.idx.msk [tilespmem:v55+s2+$0x0], $0xffff;
	_ =	sdelay $0x1  }
0x28e: {  	v19 =	vld.idx.msk [tilespmem:v56+s2+$0x0], $0xffff;
	_ =	sdelay $0x1  }
0x28f: {  	v57 =	vor.u32 $0xD, v17  }
0x290: {  	v58 =	vadd.s32 $0x81, v16;
	vm12 =	vgt.f32 v20, v18  }
0x291: {  	v59 =	vadd.s32 $0x82, v16;
	v18 =	vsel vm12, v20, v18  }
0x292: {  	v60 =	vsel vm12, $0x42FE0000, v14;
	vm13 =	vgt.f32 v19, v18  }
0x293: {  	v16 =	vadd.s32 $0x83, v16;
	v18 =	vsel vm13, $0x43000000, v60  }
0x294: {  	[tilespmem:v57+s7+$0x0] =	vst.idx.msk $0xffff, v18  }
0x295: {  	v18 =	vld.idx.msk [tilespmem:v58+s2+$0x0], $0xffff  }
0x296: {  	v61 =	vld.idx.msk [tilespmem:v59+s2+$0x0], $0xffff;
	_ =	sdelay $0x1  }
0x297: {  	v16 =	vld.idx.msk [tilespmem:v16+s2+$0x0], $0xffff;
	_ =	sdelay $0x1  }
0x298: {  	v62 =	vor.u32 $0xE, v17  }
0x299: {  	p0 =	sne.s32 s9, $0x1E0;
	v17 =	vor.u32 $0xF, v17;
	vm14 =	vgt.f32 v61, v18  }
.Ltmp0:
0x29a: {  	v18 =	vsel vm14, v61, v18;
	(pc) =	sbr.rel @p0 .LBB2_2-.Ltmp0, $4  }
0x29b: {  	v63 =	vsel vm14, $0x43020000, v15;
	vm15 =	vgt.f32 v16, v18  }
0x29c: {  	v16 =	vsel vm15, $0x43030000, v63  }
0x29d: {  	[tilespmem:v62+s7+$0x0] =	vst.idx.msk $0xffff, v16  }
0x29e: {  	s9 =	sadd.s32 $0x20, s9;
	[tilespmem:v17+s7+$0x0] =	vst.idx.msk $0xffff, v1  }
0x29f: {  	s8 =	sadd.s32 $0x1, s8  }
0x2a0: {  	p0 =	sne.s32 s8, s5  }
.Ltmp1:
0x2a1: {  	_ = 	snop;
	(pc) =	sbr.rel @p0 .LBB2_1-.Ltmp1, $4  }
0x2a2: {  	[hbm4b:s4+s2] =	stream.linear.scatter [tilespmem:s7], [sflag:$0x1], $0x2000, $0x38;
	[tilespmem:$0x16000] =	vst v63  }
0x2a3: {  	_ =	swait.ge [sflag:s6], $0x2000  }
0x2a4: {  	[sflag:s6] =	ssyncset.done $0x0  }
0x2a5: {  	[sflag:s6] =	ssyncadd.s32 $0xFFFFE000  }
0x2a6: {  	_ =	sfence.sel $0x180000  }
0x2a7: {  	[bflag:$0x0] =	sbarrier.arrive $0xFFFF  }
0x2a8: {  	p0 =	sne.s32 s0, $0x0;
	_ =	strace $0x90000047  }
0x2a9: {  	s0 =	sadd.s32 @!p0 $0x100000, s1;
	[bflag:$0x2] =	sbarrier.arrive $0xFFFF  }
0x2aa: {  	[sflag:s0] =	ssyncadd.tile.s32 @!p0 $0x1;
	_ =	shalt  }
.Lfunc_end2:
_tile_overlayer_lowered:
.L_overlay_start_2:
0x2ab: {  	(tag) =	ssettag $0x2  }
0x2ac: {  	s0 =	rddreg [dreg:$0x0];
	s2 =	stileid.u32  }
0x2ad: {  	s1 =	rddreg [dreg:$0x1];
	p0 =	sne.s32 s2, $0x0  }
0x2ae: {  	s3 =	rddreg [dreg:$0x2];
	[bflag:$0x3] =	sbarrier.arrive $0xFFFF;
	s2 =	simm.s32 @!p0 $0x1C01  }
0x2af: {  	[timem:s3], [sflag:s2] =	dma.local @!p0 [hbm:s0], s1  }
0x2b0: {  	s0 =	simm.s32 @!p0 $0x1  }
0x2b1: {  	_ =	swait.ge @!p0 [sflag:s0], s1  }
0x2b2: {  	s1 =	ssub.s32 @!p0 $0x0, s1;
	[sflag:s0] =	ssyncset.done @!p0 $0x0  }
0x2b3: {  	[sflag:s0] =	ssyncadd.s32 @!p0 s1  }
0x2b4: {  	[bflag:$0x3] =	sbarrier.arrive $0xFFFF  }
0x2b5: {  	_ =	shalt  }

</sc_bundles>
